<compile_context>
chip_gen: v7x
topology: tpu7x:2x2x1
jax: 0.10.2.dev20260603
libtpu: 0.0.44.dev20260713+nightly
codegen_flags: <defaults>
</compile_context>

<pallas_src>
import functools

import jax
import jax.numpy as jnp
from jax import lax
from jax.experimental import pallas as pl
from jax.experimental.pallas import tpu as pltpu
from jax.experimental.pallas import tpu_sc as plsc

NC = 2
NS = 16
CH = 128


@functools.lru_cache(maxsize=None)
def _make_agg(N, E, Hd):
    NW = NC * NS
    TOT = E // CH
    K = TOT // NW
    LEFT = TOT - K * NW
    NP = ((N + 8 * NS - 1) // (8 * NS)) * (8 * NS)
    RPT = NP // NS
    mesh = plsc.VectorSubcoreMesh(core_axis_name="c", subcore_axis_name="s")

    @functools.partial(
        pl.kernel,
        out_type=jax.ShapeDtypeStruct((NC, NP, Hd), jnp.float32),
        mesh=mesh,
        scratch_types=[
            pltpu.VMEM_SHARED((NP, Hd), jnp.float32),
            [pltpu.VMEM((1, 1, CH), jnp.int32) for _ in range(4)],
            [pltpu.VMEM((1, 1, CH), jnp.int32) for _ in range(4)],
            [pltpu.VMEM((CH, Hd), jnp.float32) for _ in range(2)],
            [pltpu.SemaphoreType.DMA for _ in range(4)],
            [pltpu.SemaphoreType.DMA for _ in range(2)],
            [pltpu.SemaphoreType.DMA for _ in range(2)],
        ],
    )
    def agg(h_hbm, eidx_hbm, zero_hbm, out_hbm, acc, sb, db, rows, si, sg, ss):
        c = lax.axis_index("c")
        s = lax.axis_index("s")
        w = s * NC + c
        pltpu.sync_copy(zero_hbm.at[pl.ds(s * RPT, RPT), :],
                        acc.at[pl.ds(s * RPT, RPT), :])

        def iload(g, q):
            base = pl.multiple_of(g * CH, CH)
            pltpu.async_copy(eidx_hbm.at[pl.ds(base, CH)], sb[q].at[0, 0], si[q])
            pltpu.async_copy(eidx_hbm.at[pl.ds(E + base, CH)], db[q].at[0, 0], si[q])

        def iwait(q):
            pltpu.make_async_copy(
                eidx_hbm.at[pl.ds(0, CH)], sb[q].at[0, 0], si[q]).wait()
            pltpu.make_async_copy(
                eidx_hbm.at[pl.ds(0, CH)], db[q].at[0, 0], si[q]).wait()

        def gather(q, b):
            pltpu.async_copy(h_hbm.at[sb[q].at[0, 0]], rows[b], sg[b])

        def gwait(b):
            pltpu.make_async_copy(h_hbm.at[sb[0].at[0, 0]], rows[b], sg[b]).wait()

        def scat(q, b):
            pltpu.async_copy(rows[b], acc.at[db[q].at[0, 0]], ss[b], add=True)

        def swait(q, b):
            pltpu.make_async_copy(rows[b], acc.at[db[q].at[0, 0]], ss[b]).wait()

        lo = w * K
        iload(lo, 0)
        plsc.subcore_barrier()
        iwait(0)
        gather(0, 0)
        iload(lo + 1, 1)
        iload(lo + 2, 2)

        def step(j, u):
            b, bn = u % 2, (u + 1) % 2
            q, qn, ql = u % 4, (u + 1) % 4, (u + 3) % 4

            @pl.when(j + 1 < K)
            def _():
                iwait(qn)

                @pl.when(j >= 1)
                def _():
                    swait(qn, bn)

                gather(qn, bn)

            gwait(b)
            scat(q, b)

            @pl.when(j + 3 < K)
            def _():
                iload(lo + j + 3, ql)

        def body(t, carry):
            for u in range(4):
                step(4 * t + u, u)
            return carry

        lax.fori_loop(0, K // 4, body, 0)
        for r in range(K % 4):
            step((K // 4) * 4 + r, r % 4)
        swait((K - 2) % 4, (K - 2) % 2)
        swait((K - 1) % 4, (K - 1) % 2)

        if LEFT:
            @pl.when(w < LEFT)
            def _():
                iload(NW * K + w, 0)
                iwait(0)
                gather(0, 0)
                gwait(0)
                scat(0, 0)
                swait(0, 0)

        plsc.subcore_barrier()
        pltpu.sync_copy(acc.at[pl.ds(s * RPT, RPT), :],
                        out_hbm.at[c, pl.ds(s * RPT, RPT), :])

    return agg


def _layer(h, p, wa, ba, wb, bb):
    N, Hd = h.shape

    def body(h_ref, p_ref, wa_ref, ba_ref, wb_ref, bb_ref, o_ref):
        hp = h_ref[...] + p_ref[0, :N] + p_ref[1, :N]
        m = jnp.dot(hp, wa_ref[...], preferred_element_type=jnp.float32)
        m = jnp.maximum(m + ba_ref[...], 0.0)
        o = jnp.dot(m, wb_ref[...], preferred_element_type=jnp.float32)
        o_ref[...] = jnp.maximum(o + bb_ref[...], 0.0)

    return pl.pallas_call(
        body,
        out_shape=jax.ShapeDtypeStruct((N, Hd), jnp.float32),
    )(h, p, wa, ba, wb, bb)


def _local_head(h1, h2, p3, oh, wa, ba, wb, bb, w1, b1, w2, b2, w3, b3, ws, bs,
                gw1, gb1, gw2, gb2, gw3, gb3, gws, gbs, cw, cb, cluster, G):
    N, Hd = h1.shape
    BLK = 2000
    NBLK = N // BLK
    CE = cw.shape[1]

    def body(h1_ref, h2_ref, p3_ref, oh_ref, wa_ref, ba_ref, wb_ref, bb_ref,
             w1_ref, b1_ref, w2_ref, b2_ref, w3_ref, b3_ref, ws_ref, bs_ref,
             gw1_ref, gb1_ref, gw2_ref, gb2_ref, gw3_ref, gb3_ref,
             gws_ref, gbs_ref, cw_ref, cb_ref, cl_ref,
             l_ref, y_ref, g_ref, z_ref, q_ref):
        step = pl.program_id(0)
        hp = h2_ref[...] + p3_ref[0] + p3_ref[1]
        m = jnp.dot(hp, wa_ref[...], preferred_element_type=jnp.float32)
        m = jnp.maximum(m + ba_ref[...], 0.0)
        h3 = jnp.dot(m, wb_ref[...], preferred_element_type=jnp.float32)
        h3 = jnp.maximum(h3 + bb_ref[...], 0.0)
        M = jnp.concatenate([h1_ref[...], h2_ref[...], h3], axis=1)
        Mb = M.astype(jnp.bfloat16)

        def ff(x, w_ref, b_ref):
            return jnp.dot(x, w_ref[...].astype(jnp.bfloat16),
                           preferred_element_type=jnp.float32) + b_ref[...]

        t = jnp.maximum(ff(Mb, w1_ref, b1_ref), 0.0)
        t = jnp.maximum(ff(t.astype(jnp.bfloat16), w2_ref, b2_ref), 0.0)
        t = jnp.maximum(ff(t.astype(jnp.bfloat16), w3_ref, b3_ref), 0.0)
        l_ref[...] = t + ff(Mb, ws_ref, bs_ref)
        yblk = lax.dot_general(oh_ref[...].astype(jnp.float32), M,
                               (((0,), (0,)), ((), ())),
                               preferred_element_type=jnp.float32)

        @pl.when(step == 0)
        def _():
            y_ref[...] = yblk

        @pl.when(step != 0)
        def _():
            y_ref[...] += yblk

        @pl.when(step == NBLK - 1)
        def _():
            yv = y_ref[...]
            u = jnp.maximum(jnp.dot(yv, gw1_ref[...], preferred_element_type=jnp.float32) + gb1_ref[...], 0.0)
            u = jnp.maximum(jnp.dot(u, gw2_ref[...], preferred_element_type=jnp.float32) + gb2_ref[...], 0.0)
            u = jnp.maximum(jnp.dot(u, gw3_ref[...], preferred_element_type=jnp.float32) + gb3_ref[...], 0.0)
            g = u + jnp.dot(yv, gws_ref[...], preferred_element_type=jnp.float32) + gbs_ref[...]
            g_ref[...] = g[:G]
            z = jnp.dot(yv, cw_ref[...], preferred_element_type=jnp.float32) + cb_ref[...]
            z_ref[...] = z[:G]
            d = jnp.sum((z[:, None, :] - cl_ref[...][None, :, :]) ** 2, axis=2)
            qq = 1.0 / (1.0 + d)
            qq = qq / jnp.sum(qq, axis=1, keepdims=True)
            q_ref[...] = qq[:G]

    EMB = 3 * Hd
    wspec = pl.BlockSpec((EMB, EMB), lambda i: (0, 0))
    bspec = pl.BlockSpec((EMB,), lambda i: (0,))
    gspec = pl.BlockSpec((Hd, Hd), lambda i: (0, 0))
    gbspec = pl.BlockSpec((Hd,), lambda i: (0,))
    cspec = pl.BlockSpec((CE, CE), lambda i: (0, 0))
    return pl.pallas_call(
        body,
        grid=(NBLK,),
        in_specs=[
            pl.BlockSpec((BLK, Hd), lambda i: (i, 0)),
            pl.BlockSpec((BLK, Hd), lambda i: (i, 0)),
            pl.BlockSpec((2, BLK, Hd), lambda i: (0, i, 0)),
            pl.BlockSpec((BLK, 128), lambda i: (i, 0)),
            gspec, gbspec, gspec, gbspec,
            wspec, bspec, wspec, bspec, wspec, bspec, wspec, bspec,
            wspec, bspec, wspec, bspec, wspec, bspec, wspec, bspec,
            pl.BlockSpec((EMB, CE), lambda i: (0, 0)),
            pl.BlockSpec((CE,), lambda i: (0,)),
            cspec,
        ],
        out_specs=[
            pl.BlockSpec((BLK, EMB), lambda i: (i, 0)),
            pl.BlockSpec((128, EMB), lambda i: (0, 0)),
            pl.BlockSpec((G, EMB), lambda i: (0, 0)),
            pl.BlockSpec((G, CE), lambda i: (0, 0)),
            pl.BlockSpec((G, CE), lambda i: (0, 0)),
        ],
        out_shape=[
            jax.ShapeDtypeStruct((N, EMB), jnp.float32),
            jax.ShapeDtypeStruct((128, EMB), jnp.float32),
            jax.ShapeDtypeStruct((G, EMB), jnp.float32),
            jax.ShapeDtypeStruct((G, CE), jnp.float32),
            jax.ShapeDtypeStruct((G, CE), jnp.float32),
        ],
    )(h1, h2, p3, oh,
      wa, ba, wb, bb,
      w1, b1, w2, b2,
      w3, b3, ws, bs,
      gw1, gb1, gw2, gb2,
      gw3, gb3, gws, gbs,
      cw, cb, cluster)


def kernel(x, edge_index, batch, num_graphs, prompt, is_p, gw0a, gb0a, gw0b, gb0b, gw1a, gb1a, gw1b, gb1b, gw2a, gb2a, gw2b, gb2b, ld_w1, ld_b1, ld_w2, ld_b2, ld_w3, ld_b3, ld_ws, ld_bs, gd_w1, gd_b1, gd_w2, gd_b2, gd_w3, gd_b3, gd_ws, gd_bs, cw, cb, cluster):
    N, D = x.shape
    E = edge_index.shape[1]
    G = 100

    h = jnp.where(is_p != 0, x + prompt, x)

    eidx = edge_index.astype(jnp.int32).reshape(2 * E)
    NP = ((N + 8 * NS - 1) // (8 * NS)) * (8 * NS)
    zeros = jnp.zeros((NP, D), jnp.float32)
    oh = (batch.astype(jnp.int32)[:, None]
          == jnp.arange(128, dtype=jnp.int32)[None, :]).astype(jnp.int8)

    agg = _make_agg(N, E, D)
    h1 = _layer(h, agg(h, eidx, zeros), gw0a, gb0a, gw0b, gb0b)
    h2 = _layer(h1, agg(h1, eidx, zeros), gw1a, gb1a, gw1b, gb1b)
    p3 = agg(h2, eidx, zeros)
    l_enc, y, g_enc, z, q = _local_head(
        h1, h2, p3, oh, gw2a, gb2a, gw2b, gb2b,
        ld_w1, ld_b1, ld_w2, ld_b2, ld_w3, ld_b3, ld_ws, ld_bs,
        gd_w1, gd_b1, gd_w2, gd_b2, gd_w3, gd_b3, gd_ws, gd_bs,
        cw, cb, cluster, G)
    return (z, q, g_enc, l_enc)

# --- scband reference (transcript-rebuilt; emitter-appended) ---
"""Pipeline reference for scband-gpc-52278341927200 (READ-ONLY COPY).

The authoritative reference and input builder live on the scoring server;
editing this copy changes nothing except your own understanding.
"""

import jax, jax.numpy as jnp
import numpy as np

N = 10000
E = 320000
D = 128
H = 128
L = 3
EMB = 384
CE = 32
G = 100

def _lin(k, i, o):
    return jax.random.normal(k, (i, o), dtype=jnp.float32) * (1.0 / np.sqrt(i))

def _ff(x, w1, b1, w2, b2, w3, b3, ws, bs):
    h = jax.nn.relu(x @ w1 + b1)
    h = jax.nn.relu(h @ w2 + b2)
    h = jax.nn.relu(h @ w3 + b3)
    return h + x @ ws + bs

def setup_inputs():
    key = jax.random.PRNGKey(0)
    ks = [jax.random.fold_in(key, i) for i in range(64)]
    inp = {}
    inp["x"] = jax.random.normal(ks[0], (N, D), dtype=jnp.float32)
    inp["edge_index"] = jax.random.randint(ks[1], (2, E), 0, N)
    inp["batch"] = jnp.sort(jax.random.randint(ks[2], (N,), 0, G))
    inp["num_graphs"] = G
    inp["prompt"] = jax.random.normal(ks[3], (1, D), dtype=jnp.float32)
    inp["is_p"] = 1
    for i in range(L):
        din = D if i == 0 else H
        inp["gw%da" % i] = _lin(ks[4 + 4 * i], din, H)
        inp["gb%da" % i] = jnp.zeros((H,), jnp.float32)
        inp["gw%db" % i] = _lin(ks[5 + 4 * i], H, H)
        inp["gb%db" % i] = jnp.zeros((H,), jnp.float32)
    for pfx, base in (("ld", 20), ("gd", 30)):
        for j in (1, 2, 3):
            inp["%s_w%d" % (pfx, j)] = _lin(ks[base + j], EMB, EMB)
            inp["%s_b%d" % (pfx, j)] = jnp.zeros((EMB,), jnp.float32)
        inp["%s_ws" % pfx] = _lin(ks[base + 4], EMB, EMB)
        inp["%s_bs" % pfx] = jnp.zeros((EMB,), jnp.float32)
    inp["cw"] = _lin(ks[40], EMB, CE)
    inp["cb"] = jnp.zeros((CE,), jnp.float32)
    inp["cluster"] = _lin(ks[41], CE, CE)
    return inp

def _forward(x, prompt, gw0a, gb0a, gw0b, gb0b, gw1a, gb1a, gw1b, gb1b, gw2a, gb2a, gw2b, gb2b, ld_w1, ld_b1, ld_w2, ld_b2, ld_w3, ld_b3, ld_ws, ld_bs, gd_w1, gd_b1, gd_w2, gd_b2, gd_w3, gd_b3, gd_ws, gd_bs, cw, cb, cluster, edge_index, batch, num_graphs, is_p):
    x = jnp.where(is_p != 0, x + prompt, x)
    src = edge_index[0]
    dst = edge_index[1]
    h = x
    hs = []
    for wa, ba, wb, bb in ((gw0a, gb0a, gw0b, gb0b), (gw1a, gb1a, gw1b, gb1b), (gw2a, gb2a, gw2b, gb2b)):
        agg = jnp.zeros_like(h).at[dst].add(h[src])
        m = (h + agg) @ wa + ba
        m = jax.nn.relu(m)
        m = m @ wb + bb
        h = jax.nn.relu(m)
        hs.append(h)
    M = jnp.concatenate(hs, axis=1)
    seg = batch + (num_graphs - num_graphs)
    y = jnp.concatenate([jax.ops.segment_sum(t, seg, num_segments=G) for t in hs], axis=1)
    g_enc = _ff(y, gd_w1, gd_b1, gd_w2, gd_b2, gd_w3, gd_b3, gd_ws, gd_bs)
    l_enc = _ff(M, ld_w1, ld_b1, ld_w2, ld_b2, ld_w3, ld_b3, ld_ws, ld_bs)
    z = y @ cw + cb
    alpha = 1.0
    q = 1.0 / (1.0 + jnp.sum((z[:, None, :] - cluster[None, :, :]) ** 2, axis=2) / alpha)
    q = q ** ((alpha + 1.0) / 2.0)
    q = q / jnp.sum(q, axis=1, keepdims=True)
    return (z, q, g_enc, l_enc)

def reference(x, edge_index, batch, num_graphs, prompt, is_p, gw0a, gb0a, gw0b, gb0b, gw1a, gb1a, gw1b, gb1b, gw2a, gb2a, gw2b, gb2b, ld_w1, ld_b1, ld_w2, ld_b2, ld_w3, ld_b3, ld_ws, ld_bs, gd_w1, gd_b1, gd_w2, gd_b2, gd_w3, gd_b3, gd_ws, gd_bs, cw, cb, cluster):
    return _forward(x, prompt, gw0a, gb0a, gw0b, gb0b, gw1a, gb1a, gw1b, gb1b, gw2a, gb2a, gw2b, gb2b, ld_w1, ld_b1, ld_w2, ld_b2, ld_w3, ld_b3, ld_ws, ld_bs, gd_w1, gd_b1, gd_w2, gd_b2, gd_w3, gd_b3, gd_ws, gd_bs, cw, cb, cluster, edge_index, batch, num_graphs, is_p)

if __name__ == "__main__":
    import jax
    _d = setup_inputs()
    print(jax.jit(kernel)(*tuple(_d.values())))

</pallas_src>

<mosaic_0001>
#map = affine_map<(d0, d1) -> (0, 0)>
#map1 = affine_map<(d0, d1) -> (0)>
#map2 = affine_map<(d0, d1) -> (0, 0, 0)>
module attributes {stable_mosaic.version = 14 : i64} {
  func.func @agg(%arg0: i32, %arg1: i32, %arg2: memref<10000x128xf32, #tpu.memory_space<hbm>>, %arg3: memref<640000xi32, #tpu.memory_space<hbm>>, %arg4: memref<10112x128xf32, #tpu.memory_space<hbm>>, %arg5: memref<2x10112x128xf32, #tpu.memory_space<hbm>>, %arg6: memref<10112x128xf32, #tpu.memory_space<vmem_shared>>, %arg7: memref<1x1x128xi32, #tpu.memory_space<vmem>>, %arg8: memref<1x1x128xi32, #tpu.memory_space<vmem>>, %arg9: memref<1x1x128xi32, #tpu.memory_space<vmem>>, %arg10: memref<1x1x128xi32, #tpu.memory_space<vmem>>, %arg11: memref<1x1x128xi32, #tpu.memory_space<vmem>>, %arg12: memref<1x1x128xi32, #tpu.memory_space<vmem>>, %arg13: memref<1x1x128xi32, #tpu.memory_space<vmem>>, %arg14: memref<1x1x128xi32, #tpu.memory_space<vmem>>, %arg15: memref<128x128xf32, #tpu.memory_space<vmem>>, %arg16: memref<128x128xf32, #tpu.memory_space<vmem>>, %arg17: memref<!tpu.dma_semaphore, #tpu.memory_space<semaphore_mem>>, %arg18: memref<!tpu.dma_semaphore, #tpu.memory_space<semaphore_mem>>, %arg19: memref<!tpu.dma_semaphore, #tpu.memory_space<semaphore_mem>>, %arg20: memref<!tpu.dma_semaphore, #tpu.memory_space<semaphore_mem>>, %arg21: memref<!tpu.dma_semaphore, #tpu.memory_space<semaphore_mem>>, %arg22: memref<!tpu.dma_semaphore, #tpu.memory_space<semaphore_mem>>, %arg23: memref<!tpu.dma_semaphore, #tpu.memory_space<semaphore_mem>>, %arg24: memref<!tpu.dma_semaphore, #tpu.memory_space<semaphore_mem>>) attributes {dimension_semantics = [#tpu.dimension_semantics<core_parallel>, #tpu.dimension_semantics<subcore_parallel>], iteration_bounds = array<i64: 2, 16>, scalar_prefetch = 0 : i64, scratch_operands = 19 : i64, tpu.core_type = #tpu.core_type<sc_vector_subcore>, window_params = [{transform_indices = #map}, {transform_indices = #map1}, {transform_indices = #map}, {transform_indices = #map2}]} {
    %mul3A = arith.constant 2 : i32
    %mul3A_0 = arith.muli %arg1, %mul3A : i32
    %add3A = arith.addi %mul3A_0, %arg0 : i32
    %mul3A_1 = arith.constant 632 : i32
    %mul3A_2 = arith.muli %arg1, %mul3A_1 : i32
    %mul3A_3 = arith.constant 632 : i32
    %mul3A_4 = arith.muli %arg1, %mul3A_3 : i32
    "tpu.region"() ({
      %run_scoped3A = tpu.sem_alloc : memref<!tpu.dma_semaphore, #tpu.memory_space<semaphore_mem>>
      %dma_start3A_215 = arith.constant 0 : i32
      %dma_start3A_216 = tpu.memref_slice %arg6[%mul3A_4, %dma_start3A_215] : memref<10112x128xf32, #tpu.memory_space<vmem_shared>> -> memref<632x128xf32, #tpu.memory_space<vmem_shared>>
      %dma_start3A_217 = arith.constant 0 : i32
      %dma_start3A_218 = tpu.memref_slice %arg4[%mul3A_2, %dma_start3A_217] : memref<10112x128xf32, #tpu.memory_space<hbm>> -> memref<632x128xf32, #tpu.memory_space<hbm>>
      tpu.enqueue_dma source(%dma_start3A_218 : memref<632x128xf32, #tpu.memory_space<hbm>>) target(%dma_start3A_216 : memref<632x128xf32, #tpu.memory_space<vmem_shared>>) target_semaphore(%run_scoped3A : memref<!tpu.dma_semaphore, #tpu.memory_space<semaphore_mem>>)
      %dma_wait3A_219 = arith.constant 0 : i32
      %dma_wait3A_220 = tpu.memref_slice %arg6[%mul3A_4, %dma_wait3A_219] : memref<10112x128xf32, #tpu.memory_space<vmem_shared>> -> memref<632x128xf32, #tpu.memory_space<vmem_shared>>
      %dma_wait3A_221 = arith.constant 0 : i32
      %dma_wait3A_222 = tpu.memref_slice %arg4[%mul3A_2, %dma_wait3A_221] : memref<10112x128xf32, #tpu.memory_space<hbm>> -> memref<632x128xf32, #tpu.memory_space<hbm>>
      tpu.wait_dma2 semaphore(%run_scoped3A : memref<!tpu.dma_semaphore, #tpu.memory_space<semaphore_mem>>) src(%dma_wait3A_222 : memref<632x128xf32, #tpu.memory_space<hbm>>) dst(%dma_wait3A_220 : memref<632x128xf32, #tpu.memory_space<vmem_shared>>)
      tpu.yield
    }) : () -> ()
    %mul3A_5 = arith.constant 78 : i32
    %mul3A_6 = arith.muli %add3A, %mul3A_5 : i32
    %mul3A_7 = arith.constant 128 : i32
    %mul3A_8 = arith.muli %mul3A_6, %mul3A_7 : i32
    %multiple_of3A = tpu.assume_multiple %mul3A_8, 128 : i32
    %dma_start3A = arith.constant 0 : i32
    %dma_start3A_9 = arith.constant 0 : i32
    %dma_start3A_10 = arith.constant 0 : i32
    %dma_start3A_11 = tpu.memref_slice %arg7[%dma_start3A, %dma_start3A_9, %dma_start3A_10] : memref<1x1x128xi32, #tpu.memory_space<vmem>> -> memref<1x1x128xi32, #tpu.memory_space<vmem>>
    %dma_start3A_12 = tpu.memref_squeeze %dma_start3A_11 : memref<1x1x128xi32, #tpu.memory_space<vmem>> -> memref<128xi32, #tpu.memory_space<vmem>>
    %dma_start3A_13 = tpu.memref_slice %arg3[%multiple_of3A] : memref<640000xi32, #tpu.memory_space<hbm>> -> memref<128xi32, #tpu.memory_space<hbm>>
    %dma_start3A_14 = arith.constant 0 : i32
    %dma_start3A_15 = tpu.memref_slice %arg7[%dma_start3A, %dma_start3A_9, %dma_start3A_14] : memref<1x1x128xi32, #tpu.memory_space<vmem>> -> memref<1x1x128xi32, #tpu.memory_space<vmem>>
    %dma_start3A_16 = tpu.memref_squeeze %dma_start3A_15 : memref<1x1x128xi32, #tpu.memory_space<vmem>> -> memref<128xi32, #tpu.memory_space<vmem>>
    %dma_start3A_17 = tpu.memref_slice %arg3[%multiple_of3A] : memref<640000xi32, #tpu.memory_space<hbm>> -> memref<128xi32, #tpu.memory_space<hbm>>
    tpu.enqueue_dma source(%dma_start3A_17 : memref<128xi32, #tpu.memory_space<hbm>>) target(%dma_start3A_16 : memref<128xi32, #tpu.memory_space<vmem>>) target_semaphore(%arg17 : memref<!tpu.dma_semaphore, #tpu.memory_space<semaphore_mem>>)
    %add3A_18 = arith.constant 320000 : i32
    %add3A_19 = arith.addi %add3A_18, %multiple_of3A : i32
    %dma_start3A_20 = arith.constant 0 : i32
    %dma_start3A_21 = arith.constant 0 : i32
    %dma_start3A_22 = arith.constant 0 : i32
    %dma_start3A_23 = tpu.memref_slice %arg11[%dma_start3A_20, %dma_start3A_21, %dma_start3A_22] : memref<1x1x128xi32, #tpu.memory_space<vmem>> -> memref<1x1x128xi32, #tpu.memory_space<vmem>>
    %dma_start3A_24 = tpu.memref_squeeze %dma_start3A_23 : memref<1x1x128xi32, #tpu.memory_space<vmem>> -> memref<128xi32, #tpu.memory_space<vmem>>
    %dma_start3A_25 = tpu.memref_slice %arg3[%add3A_19] : memref<640000xi32, #tpu.memory_space<hbm>> -> memref<128xi32, #tpu.memory_space<hbm>>
    %dma_start3A_26 = arith.constant 0 : i32
    %dma_start3A_27 = tpu.memref_slice %arg11[%dma_start3A_20, %dma_start3A_21, %dma_start3A_26] : memref<1x1x128xi32, #tpu.memory_space<vmem>> -> memref<1x1x128xi32, #tpu.memory_space<vmem>>
    %dma_start3A_28 = tpu.memref_squeeze %dma_start3A_27 : memref<1x1x128xi32, #tpu.memory_space<vmem>> -> memref<128xi32, #tpu.memory_space<vmem>>
    %dma_start3A_29 = tpu.memref_slice %arg3[%add3A_19] : memref<640000xi32, #tpu.memory_space<hbm>> -> memref<128xi32, #tpu.memory_space<hbm>>
    tpu.enqueue_dma source(%dma_start3A_29 : memref<128xi32, #tpu.memory_space<hbm>>) target(%dma_start3A_28 : memref<128xi32, #tpu.memory_space<vmem>>) target_semaphore(%arg17 : memref<!tpu.dma_semaphore, #tpu.memory_space<semaphore_mem>>)
    %barrier3A = arith.constant 0 : index
    tpu.barrier barrier_id(%barrier3A)
    %dma_wait3A = arith.constant 0 : i32
    %dma_wait3A_30 = arith.constant 0 : i32
    %dma_wait3A_31 = arith.constant 0 : i32
    %dma_wait3A_32 = tpu.memref_slice %arg7[%dma_wait3A, %dma_wait3A_30, %dma_wait3A_31] : memref<1x1x128xi32, #tpu.memory_space<vmem>> -> memref<1x1x128xi32, #tpu.memory_space<vmem>>
    %dma_wait3A_33 = tpu.memref_squeeze %dma_wait3A_32 : memref<1x1x128xi32, #tpu.memory_space<vmem>> -> memref<128xi32, #tpu.memory_space<vmem>>
    %dma_wait3A_34 = arith.constant 0 : i32
    %dma_wait3A_35 = tpu.memref_slice %arg3[%dma_wait3A_34] : memref<640000xi32, #tpu.memory_space<hbm>> -> memref<128xi32, #tpu.memory_space<hbm>>
    %dma_wait3A_36 = arith.constant 0 : i32
    %dma_wait3A_37 = tpu.memref_slice %arg7[%dma_wait3A, %dma_wait3A_30, %dma_wait3A_36] : memref<1x1x128xi32, #tpu.memory_space<vmem>> -> memref<1x1x128xi32, #tpu.memory_space<vmem>>
    %dma_wait3A_38 = tpu.memref_squeeze %dma_wait3A_37 : memref<1x1x128xi32, #tpu.memory_space<vmem>> -> memref<128xi32, #tpu.memory_space<vmem>>
    %dma_wait3A_39 = arith.constant 0 : i32
    %dma_wait3A_40 = tpu.memref_slice %arg3[%dma_wait3A_39] : memref<640000xi32, #tpu.memory_space<hbm>> -> memref<128xi32, #tpu.memory_space<hbm>>
    tpu.wait_dma2 semaphore(%arg17 : memref<!tpu.dma_semaphore, #tpu.memory_space<semaphore_mem>>) src(%dma_wait3A_40 : memref<128xi32, #tpu.memory_space<hbm>>) dst(%dma_wait3A_38 : memref<128xi32, #tpu.memory_space<vmem>>)
    %dma_wait3A_41 = arith.constant 0 : i32
    %dma_wait3A_42 = arith.constant 0 : i32
    %dma_wait3A_43 = arith.constant 0 : i32
    %dma_wait3A_44 = tpu.memref_slice %arg11[%dma_wait3A_41, %dma_wait3A_42, %dma_wait3A_43] : memref<1x1x128xi32, #tpu.memory_space<vmem>> -> memref<1x1x128xi32, #tpu.memory_space<vmem>>
    %dma_wait3A_45 = tpu.memref_squeeze %dma_wait3A_44 : memref<1x1x128xi32, #tpu.memory_space<vmem>> -> memref<128xi32, #tpu.memory_space<vmem>>
    %dma_wait3A_46 = arith.constant 0 : i32
    %dma_wait3A_47 = tpu.memref_slice %arg3[%dma_wait3A_46] : memref<640000xi32, #tpu.memory_space<hbm>> -> memref<128xi32, #tpu.memory_space<hbm>>
    %dma_wait3A_48 = arith.constant 0 : i32
    %dma_wait3A_49 = tpu.memref_slice %arg11[%dma_wait3A_41, %dma_wait3A_42, %dma_wait3A_48] : memref<1x1x128xi32, #tpu.memory_space<vmem>> -> memref<1x1x128xi32, #tpu.memory_space<vmem>>
    %dma_wait3A_50 = tpu.memref_squeeze %dma_wait3A_49 : memref<1x1x128xi32, #tpu.memory_space<vmem>> -> memref<128xi32, #tpu.memory_space<vmem>>
    %dma_wait3A_51 = arith.constant 0 : i32
    %dma_wait3A_52 = tpu.memref_slice %arg3[%dma_wait3A_51] : memref<640000xi32, #tpu.memory_space<hbm>> -> memref<128xi32, #tpu.memory_space<hbm>>
    tpu.wait_dma2 semaphore(%arg17 : memref<!tpu.dma_semaphore, #tpu.memory_space<semaphore_mem>>) src(%dma_wait3A_52 : memref<128xi32, #tpu.memory_space<hbm>>) dst(%dma_wait3A_50 : memref<128xi32, #tpu.memory_space<vmem>>)
    %dma_start3A_53 = arith.constant 0 : i32
    %dma_start3A_54 = arith.constant 0 : i32
    %dma_start3A_55 = arith.constant 0 : i32
    %dma_start3A_56 = tpu.memref_slice %arg7[%dma_start3A_53, %dma_start3A_54, %dma_start3A_55] : memref<1x1x128xi32, #tpu.memory_space<vmem>> -> memref<1x1x128xi32, #tpu.memory_space<vmem>>
    %dma_start3A_57 = tpu.memref_squeeze %dma_start3A_56 : memref<1x1x128xi32, #tpu.memory_space<vmem>> -> memref<128xi32, #tpu.memory_space<vmem>>
    %dma_start3A_58 = arith.constant 0 : i32
    %dma_start3A_59 = arith.constant 0 : i32
    %dma_start3A_60 = tpu.memref_slice %arg2[%dma_start3A_58, %dma_start3A_59] : memref<10000x128xf32, #tpu.memory_space<hbm>> -> memref<10000x128xf32, #tpu.memory_space<hbm>>
    tpu.enqueue_indirect_dma source(%dma_start3A_60 : memref<10000x128xf32, #tpu.memory_space<hbm>>) target(%arg15 : memref<128x128xf32, #tpu.memory_space<vmem>>) offsets(%dma_start3A_57 : memref<128xi32, #tpu.memory_space<vmem>>) semaphore(%arg21 : memref<!tpu.dma_semaphore, #tpu.memory_space<semaphore_mem>>)
    %add3A_61 = arith.constant 1 : i32
    %add3A_62 = arith.addi %mul3A_6, %add3A_61 : i32
    %mul3A_63 = arith.constant 128 : i32
    %mul3A_64 = arith.muli %add3A_62, %mul3A_63 : i32
    %multiple_of3A_65 = tpu.assume_multiple %mul3A_64, 128 : i32
    %dma_start3A_66 = arith.constant 0 : i32
    %dma_start3A_67 = arith.constant 0 : i32
    %dma_start3A_68 = arith.constant 0 : i32
    %dma_start3A_69 = tpu.memref_slice %arg8[%dma_start3A_66, %dma_start3A_67, %dma_start3A_68] : memref<1x1x128xi32, #tpu.memory_space<vmem>> -> memref<1x1x128xi32, #tpu.memory_space<vmem>>
    %dma_start3A_70 = tpu.memref_squeeze %dma_start3A_69 : memref<1x1x128xi32, #tpu.memory_space<vmem>> -> memref<128xi32, #tpu.memory_space<vmem>>
    %dma_start3A_71 = tpu.memref_slice %arg3[%multiple_of3A_65] : memref<640000xi32, #tpu.memory_space<hbm>> -> memref<128xi32, #tpu.memory_space<hbm>>
    %dma_start3A_72 = arith.constant 0 : i32
    %dma_start3A_73 = tpu.memref_slice %arg8[%dma_start3A_66, %dma_start3A_67, %dma_start3A_72] : memref<1x1x128xi32, #tpu.memory_space<vmem>> -> memref<1x1x128xi32, #tpu.memory_space<vmem>>
    %dma_start3A_74 = tpu.memref_squeeze %dma_start3A_73 : memref<1x1x128xi32, #tpu.memory_space<vmem>> -> memref<128xi32, #tpu.memory_space<vmem>>
    %dma_start3A_75 = tpu.memref_slice %arg3[%multiple_of3A_65] : memref<640000xi32, #tpu.memory_space<hbm>> -> memref<128xi32, #tpu.memory_space<hbm>>
    tpu.enqueue_dma source(%dma_start3A_75 : memref<128xi32, #tpu.memory_space<hbm>>) target(%dma_start3A_74 : memref<128xi32, #tpu.memory_space<vmem>>) target_semaphore(%arg18 : memref<!tpu.dma_semaphore, #tpu.memory_space<semaphore_mem>>)
    %add3A_76 = arith.constant 320000 : i32
    %add3A_77 = arith.addi %add3A_76, %multiple_of3A_65 : i32
    %dma_start3A_78 = arith.constant 0 : i32
    %dma_start3A_79 = arith.constant 0 : i32
    %dma_start3A_80 = arith.constant 0 : i32
    %dma_start3A_81 = tpu.memref_slice %arg12[%dma_start3A_78, %dma_start3A_79, %dma_start3A_80] : memref<1x1x128xi32, #tpu.memory_space<vmem>> -> memref<1x1x128xi32, #tpu.memory_space<vmem>>
    %dma_start3A_82 = tpu.memref_squeeze %dma_start3A_81 : memref<1x1x128xi32, #tpu.memory_space<vmem>> -> memref<128xi32, #tpu.memory_space<vmem>>
    %dma_start3A_83 = tpu.memref_slice %arg3[%add3A_77] : memref<640000xi32, #tpu.memory_space<hbm>> -> memref<128xi32, #tpu.memory_space<hbm>>
    %dma_start3A_84 = arith.constant 0 : i32
    %dma_start3A_85 = tpu.memref_slice %arg12[%dma_start3A_78, %dma_start3A_79, %dma_start3A_84] : memref<1x1x128xi32, #tpu.memory_space<vmem>> -> memref<1x1x128xi32, #tpu.memory_space<vmem>>
    %dma_start3A_86 = tpu.memref_squeeze %dma_start3A_85 : memref<1x1x128xi32, #tpu.memory_space<vmem>> -> memref<128xi32, #tpu.memory_space<vmem>>
    %dma_start3A_87 = tpu.memref_slice %arg3[%add3A_77] : memref<640000xi32, #tpu.memory_space<hbm>> -> memref<128xi32, #tpu.memory_space<hbm>>
    tpu.enqueue_dma source(%dma_start3A_87 : memref<128xi32, #tpu.memory_space<hbm>>) target(%dma_start3A_86 : memref<128xi32, #tpu.memory_space<vmem>>) target_semaphore(%arg18 : memref<!tpu.dma_semaphore, #tpu.memory_space<semaphore_mem>>)
    %add3A_88 = arith.constant 2 : i32
    %add3A_89 = arith.addi %mul3A_6, %add3A_88 : i32
    %mul3A_90 = arith.constant 128 : i32
    %mul3A_91 = arith.muli %add3A_89, %mul3A_90 : i32
    %multiple_of3A_92 = tpu.assume_multiple %mul3A_91, 128 : i32
    %dma_start3A_93 = arith.constant 0 : i32
    %dma_start3A_94 = arith.constant 0 : i32
    %dma_start3A_95 = arith.constant 0 : i32
    %dma_start3A_96 = tpu.memref_slice %arg9[%dma_start3A_93, %dma_start3A_94, %dma_start3A_95] : memref<1x1x128xi32, #tpu.memory_space<vmem>> -> memref<1x1x128xi32, #tpu.memory_space<vmem>>
    %dma_start3A_97 = tpu.memref_squeeze %dma_start3A_96 : memref<1x1x128xi32, #tpu.memory_space<vmem>> -> memref<128xi32, #tpu.memory_space<vmem>>
    %dma_start3A_98 = tpu.memref_slice %arg3[%multiple_of3A_92] : memref<640000xi32, #tpu.memory_space<hbm>> -> memref<128xi32, #tpu.memory_space<hbm>>
    %dma_start3A_99 = arith.constant 0 : i32
    %dma_start3A_100 = tpu.memref_slice %arg9[%dma_start3A_93, %dma_start3A_94, %dma_start3A_99] : memref<1x1x128xi32, #tpu.memory_space<vmem>> -> memref<1x1x128xi32, #tpu.memory_space<vmem>>
    %dma_start3A_101 = tpu.memref_squeeze %dma_start3A_100 : memref<1x1x128xi32, #tpu.memory_space<vmem>> -> memref<128xi32, #tpu.memory_space<vmem>>
    %dma_start3A_102 = tpu.memref_slice %arg3[%multiple_of3A_92] : memref<640000xi32, #tpu.memory_space<hbm>> -> memref<128xi32, #tpu.memory_space<hbm>>
    tpu.enqueue_dma source(%dma_start3A_102 : memref<128xi32, #tpu.memory_space<hbm>>) target(%dma_start3A_101 : memref<128xi32, #tpu.memory_space<vmem>>) target_semaphore(%arg19 : memref<!tpu.dma_semaphore, #tpu.memory_space<semaphore_mem>>)
    %add3A_103 = arith.constant 320000 : i32
    %add3A_104 = arith.addi %add3A_103, %multiple_of3A_92 : i32
    %dma_start3A_105 = arith.constant 0 : i32
    %dma_start3A_106 = arith.constant 0 : i32
    %dma_start3A_107 = arith.constant 0 : i32
    %dma_start3A_108 = tpu.memref_slice %arg13[%dma_start3A_105, %dma_start3A_106, %dma_start3A_107] : memref<1x1x128xi32, #tpu.memory_space<vmem>> -> memref<1x1x128xi32, #tpu.memory_space<vmem>>
    %dma_start3A_109 = tpu.memref_squeeze %dma_start3A_108 : memref<1x1x128xi32, #tpu.memory_space<vmem>> -> memref<128xi32, #tpu.memory_space<vmem>>
    %dma_start3A_110 = tpu.memref_slice %arg3[%add3A_104] : memref<640000xi32, #tpu.memory_space<hbm>> -> memref<128xi32, #tpu.memory_space<hbm>>
    %dma_start3A_111 = arith.constant 0 : i32
    %dma_start3A_112 = tpu.memref_slice %arg13[%dma_start3A_105, %dma_start3A_106, %dma_start3A_111] : memref<1x1x128xi32, #tpu.memory_space<vmem>> -> memref<1x1x128xi32, #tpu.memory_space<vmem>>
    %dma_start3A_113 = tpu.memref_squeeze %dma_start3A_112 : memref<1x1x128xi32, #tpu.memory_space<vmem>> -> memref<128xi32, #tpu.memory_space<vmem>>
    %dma_start3A_114 = tpu.memref_slice %arg3[%add3A_104] : memref<640000xi32, #tpu.memory_space<hbm>> -> memref<128xi32, #tpu.memory_space<hbm>>
    tpu.enqueue_dma source(%dma_start3A_114 : memref<128xi32, #tpu.memory_space<hbm>>) target(%dma_start3A_113 : memref<128xi32, #tpu.memory_space<vmem>>) target_semaphore(%arg19 : memref<!tpu.dma_semaphore, #tpu.memory_space<semaphore_mem>>)
    %scan3A = arith.constant 0 : i32
    %scan3A_115 = arith.constant 0 : i32
    %scan3A_116 = arith.constant 19 : i32
    %scan3A_117 = arith.addi %scan3A_115, %scan3A_116 : i32
    %scan3A_118 = arith.constant 1 : i32
    scf.for %scan3A_215 = %scan3A_115 to %scan3A_117 step %scan3A_118  : i32 {
      %mul3A_216 = arith.constant 4 : i32
      %mul3A_217 = arith.muli %mul3A_216, %scan3A_215 : i32
      %add3A_218 = arith.constant 0 : i32
      %add3A_219 = arith.addi %mul3A_217, %add3A_218 : i32
      %add3A_220 = arith.constant 1 : i32
      %add3A_221 = arith.addi %add3A_219, %add3A_220 : i32
      %lt3A_222 = arith.constant 78 : i32
      %lt3A_223 = arith.cmpi slt, %add3A_221, %lt3A_222 : i32
      %convert_element_type3A_224 = arith.extui %lt3A_223 : i1 to i32
      %cond3A_225 = arith.constant 0 : i32
      %cond3A_226 = arith.cmpi ne, %convert_element_type3A_224, %cond3A_225 : i32
      scf.if %cond3A_226 {
        %dma_wait3A_352 = arith.constant 0 : i32
        %dma_wait3A_353 = arith.constant 0 : i32
        %dma_wait3A_354 = arith.constant 0 : i32
        %dma_wait3A_355 = tpu.memref_slice %arg8[%dma_wait3A_352, %dma_wait3A_353, %dma_wait3A_354] : memref<1x1x128xi32, #tpu.memory_space<vmem>> -> memref<1x1x128xi32, #tpu.memory_space<vmem>>
        %dma_wait3A_356 = tpu.memref_squeeze %dma_wait3A_355 : memref<1x1x128xi32, #tpu.memory_space<vmem>> -> memref<128xi32, #tpu.memory_space<vmem>>
        %dma_wait3A_357 = arith.constant 0 : i32
        %dma_wait3A_358 = tpu.memref_slice %arg3[%dma_wait3A_357] : memref<640000xi32, #tpu.memory_space<hbm>> -> memref<128xi32, #tpu.memory_space<hbm>>
        %dma_wait3A_359 = arith.constant 0 : i32
        %dma_wait3A_360 = tpu.memref_slice %arg8[%dma_wait3A_352, %dma_wait3A_353, %dma_wait3A_359] : memref<1x1x128xi32, #tpu.memory_space<vmem>> -> memref<1x1x128xi32, #tpu.memory_space<vmem>>
        %dma_wait3A_361 = tpu.memref_squeeze %dma_wait3A_360 : memref<1x1x128xi32, #tpu.memory_space<vmem>> -> memref<128xi32, #tpu.memory_space<vmem>>
        %dma_wait3A_362 = arith.constant 0 : i32
        %dma_wait3A_363 = tpu.memref_slice %arg3[%dma_wait3A_362] : memref<640000xi32, #tpu.memory_space<hbm>> -> memref<128xi32, #tpu.memory_space<hbm>>
        tpu.wait_dma2 semaphore(%arg18 : memref<!tpu.dma_semaphore, #tpu.memory_space<semaphore_mem>>) src(%dma_wait3A_363 : memref<128xi32, #tpu.memory_space<hbm>>) dst(%dma_wait3A_361 : memref<128xi32, #tpu.memory_space<vmem>>)
        %dma_wait3A_364 = arith.constant 0 : i32
        %dma_wait3A_365 = arith.constant 0 : i32
        %dma_wait3A_366 = arith.constant 0 : i32
        %dma_wait3A_367 = tpu.memref_slice %arg12[%dma_wait3A_364, %dma_wait3A_365, %dma_wait3A_366] : memref<1x1x128xi32, #tpu.memory_space<vmem>> -> memref<1x1x128xi32, #tpu.memory_space<vmem>>
        %dma_wait3A_368 = tpu.memref_squeeze %dma_wait3A_367 : memref<1x1x128xi32, #tpu.memory_space<vmem>> -> memref<128xi32, #tpu.memory_space<vmem>>
        %dma_wait3A_369 = arith.constant 0 : i32
        %dma_wait3A_370 = tpu.memref_slice %arg3[%dma_wait3A_369] : memref<640000xi32, #tpu.memory_space<hbm>> -> memref<128xi32, #tpu.memory_space<hbm>>
        %dma_wait3A_371 = arith.constant 0 : i32
        %dma_wait3A_372 = tpu.memref_slice %arg12[%dma_wait3A_364, %dma_wait3A_365, %dma_wait3A_371] : memref<1x1x128xi32, #tpu.memory_space<vmem>> -> memref<1x1x128xi32, #tpu.memory_space<vmem>>
        %dma_wait3A_373 = tpu.memref_squeeze %dma_wait3A_372 : memref<1x1x128xi32, #tpu.memory_space<vmem>> -> memref<128xi32, #tpu.memory_space<vmem>>
        %dma_wait3A_374 = arith.constant 0 : i32
        %dma_wait3A_375 = tpu.memref_slice %arg3[%dma_wait3A_374] : memref<640000xi32, #tpu.memory_space<hbm>> -> memref<128xi32, #tpu.memory_space<hbm>>
        tpu.wait_dma2 semaphore(%arg18 : memref<!tpu.dma_semaphore, #tpu.memory_space<semaphore_mem>>) src(%dma_wait3A_375 : memref<128xi32, #tpu.memory_space<hbm>>) dst(%dma_wait3A_373 : memref<128xi32, #tpu.memory_space<vmem>>)
        %ge3A = arith.constant 1 : i32
        %ge3A_376 = arith.cmpi sge, %add3A_219, %ge3A : i32
        %convert_element_type3A_377 = arith.extui %ge3A_376 : i1 to i32
        %cond3A_378 = arith.constant 0 : i32
        %cond3A_379 = arith.cmpi ne, %convert_element_type3A_377, %cond3A_378 : i32
        scf.if %cond3A_379 {
          %dma_wait3A_388 = arith.constant 0 : i32
          %dma_wait3A_389 = arith.constant 0 : i32
          %dma_wait3A_390 = arith.constant 0 : i32
          %dma_wait3A_391 = tpu.memref_slice %arg12[%dma_wait3A_388, %dma_wait3A_389, %dma_wait3A_390] : memref<1x1x128xi32, #tpu.memory_space<vmem>> -> memref<1x1x128xi32, #tpu.memory_space<vmem>>
          %dma_wait3A_392 = tpu.memref_squeeze %dma_wait3A_391 : memref<1x1x128xi32, #tpu.memory_space<vmem>> -> memref<128xi32, #tpu.memory_space<vmem>>
          %dma_wait3A_393 = arith.constant 0 : i32
          %dma_wait3A_394 = arith.constant 0 : i32
          %dma_wait3A_395 = tpu.memref_slice %arg6[%dma_wait3A_393, %dma_wait3A_394] : memref<10112x128xf32, #tpu.memory_space<vmem_shared>> -> memref<10112x128xf32, #tpu.memory_space<vmem_shared>>
          tpu.wait_indirect_dma semaphore(%arg24 : memref<!tpu.dma_semaphore, #tpu.memory_space<semaphore_mem>>) src(%arg16 : memref<128x128xf32, #tpu.memory_space<vmem>>) dst(%dma_wait3A_395 : memref<10112x128xf32, #tpu.memory_space<vmem_shared>>)
        } else {
        }
        %dma_start3A_380 = arith.constant 0 : i32
        %dma_start3A_381 = arith.constant 0 : i32
        %dma_start3A_382 = arith.constant 0 : i32
        %dma_start3A_383 = tpu.memref_slice %arg8[%dma_start3A_380, %dma_start3A_381, %dma_start3A_382] : memref<1x1x128xi32, #tpu.memory_space<vmem>> -> memref<1x1x128xi32, #tpu.memory_space<vmem>>
        %dma_start3A_384 = tpu.memref_squeeze %dma_start3A_383 : memref<1x1x128xi32, #tpu.memory_space<vmem>> -> memref<128xi32, #tpu.memory_space<vmem>>
        %dma_start3A_385 = arith.constant 0 : i32
        %dma_start3A_386 = arith.constant 0 : i32
        %dma_start3A_387 = tpu.memref_slice %arg2[%dma_start3A_385, %dma_start3A_386] : memref<10000x128xf32, #tpu.memory_space<hbm>> -> memref<10000x128xf32, #tpu.memory_space<hbm>>
        tpu.enqueue_indirect_dma source(%dma_start3A_387 : memref<10000x128xf32, #tpu.memory_space<hbm>>) target(%arg16 : memref<128x128xf32, #tpu.memory_space<vmem>>) offsets(%dma_start3A_384 : memref<128xi32, #tpu.memory_space<vmem>>) semaphore(%arg22 : memref<!tpu.dma_semaphore, #tpu.memory_space<semaphore_mem>>)
      } else {
      }
      %dma_wait3A_227 = arith.constant 0 : i32
      %dma_wait3A_228 = arith.constant 0 : i32
      %dma_wait3A_229 = arith.constant 0 : i32
      %dma_wait3A_230 = tpu.memref_slice %arg7[%dma_wait3A_227, %dma_wait3A_228, %dma_wait3A_229] : memref<1x1x128xi32, #tpu.memory_space<vmem>> -> memref<1x1x128xi32, #tpu.memory_space<vmem>>
      %dma_wait3A_231 = tpu.memref_squeeze %dma_wait3A_230 : memref<1x1x128xi32, #tpu.memory_space<vmem>> -> memref<128xi32, #tpu.memory_space<vmem>>
      %dma_wait3A_232 = arith.constant 0 : i32
      %dma_wait3A_233 = arith.constant 0 : i32
      %dma_wait3A_234 = tpu.memref_slice %arg2[%dma_wait3A_232, %dma_wait3A_233] : memref<10000x128xf32, #tpu.memory_space<hbm>> -> memref<10000x128xf32, #tpu.memory_space<hbm>>
      tpu.wait_indirect_dma semaphore(%arg21 : memref<!tpu.dma_semaphore, #tpu.memory_space<semaphore_mem>>) src(%dma_wait3A_234 : memref<10000x128xf32, #tpu.memory_space<hbm>>) dst(%arg15 : memref<128x128xf32, #tpu.memory_space<vmem>>)
      %dma_start3A_235 = arith.constant 0 : i32
      %dma_start3A_236 = arith.constant 0 : i32
      %dma_start3A_237 = arith.constant 0 : i32
      %dma_start3A_238 = tpu.memref_slice %arg11[%dma_start3A_235, %dma_start3A_236, %dma_start3A_237] : memref<1x1x128xi32, #tpu.memory_space<vmem>> -> memref<1x1x128xi32, #tpu.memory_space<vmem>>
      %dma_start3A_239 = tpu.memref_squeeze %dma_start3A_238 : memref<1x1x128xi32, #tpu.memory_space<vmem>> -> memref<128xi32, #tpu.memory_space<vmem>>
      %dma_start3A_240 = arith.constant 0 : i32
      %dma_start3A_241 = arith.constant 0 : i32
      %dma_start3A_242 = tpu.memref_slice %arg6[%dma_start3A_240, %dma_start3A_241] : memref<10112x128xf32, #tpu.memory_space<vmem_shared>> -> memref<10112x128xf32, #tpu.memory_space<vmem_shared>>
      tpu.enqueue_indirect_dma source(%arg15 : memref<128x128xf32, #tpu.memory_space<vmem>>) target(%dma_start3A_242 : memref<10112x128xf32, #tpu.memory_space<vmem_shared>>) offsets(%dma_start3A_239 : memref<128xi32, #tpu.memory_space<vmem>>) semaphore(%arg23 : memref<!tpu.dma_semaphore, #tpu.memory_space<semaphore_mem>>) {add = true}
      %add3A_243 = arith.constant 3 : i32
      %add3A_244 = arith.addi %add3A_219, %add3A_243 : i32
      %lt3A_245 = arith.constant 78 : i32
      %lt3A_246 = arith.cmpi slt, %add3A_244, %lt3A_245 : i32
      %convert_element_type3A_247 = arith.extui %lt3A_246 : i1 to i32
      %cond3A_248 = arith.constant 0 : i32
      %cond3A_249 = arith.cmpi ne, %convert_element_type3A_247, %cond3A_248 : i32
      scf.if %cond3A_249 {
        %add3A_352 = arith.addi %mul3A_6, %add3A_219 : i32
        %add3A_353 = arith.constant 3 : i32
        %add3A_354 = arith.addi %add3A_352, %add3A_353 : i32
        %mul3A_355 = arith.constant 128 : i32
        %mul3A_356 = arith.muli %add3A_354, %mul3A_355 : i32
        %multiple_of3A_357 = tpu.assume_multiple %mul3A_356, 128 : i32
        %dma_start3A_358 = arith.constant 0 : i32
        %dma_start3A_359 = arith.constant 0 : i32
        %dma_start3A_360 = arith.constant 0 : i32
        %dma_start3A_361 = tpu.memref_slice %arg10[%dma_start3A_358, %dma_start3A_359, %dma_start3A_360] : memref<1x1x128xi32, #tpu.memory_space<vmem>> -> memref<1x1x128xi32, #tpu.memory_space<vmem>>
        %dma_start3A_362 = tpu.memref_squeeze %dma_start3A_361 : memref<1x1x128xi32, #tpu.memory_space<vmem>> -> memref<128xi32, #tpu.memory_space<vmem>>
        %dma_start3A_363 = tpu.memref_slice %arg3[%multiple_of3A_357] : memref<640000xi32, #tpu.memory_space<hbm>> -> memref<128xi32, #tpu.memory_space<hbm>>
        %dma_start3A_364 = arith.constant 0 : i32
        %dma_start3A_365 = tpu.memref_slice %arg10[%dma_start3A_358, %dma_start3A_359, %dma_start3A_364] : memref<1x1x128xi32, #tpu.memory_space<vmem>> -> memref<1x1x128xi32, #tpu.memory_space<vmem>>
        %dma_start3A_366 = tpu.memref_squeeze %dma_start3A_365 : memref<1x1x128xi32, #tpu.memory_space<vmem>> -> memref<128xi32, #tpu.memory_space<vmem>>
        %dma_start3A_367 = tpu.memref_slice %arg3[%multiple_of3A_357] : memref<640000xi32, #tpu.memory_space<hbm>> -> memref<128xi32, #tpu.memory_space<hbm>>
        tpu.enqueue_dma source(%dma_start3A_367 : memref<128xi32, #tpu.memory_space<hbm>>) target(%dma_start3A_366 : memref<128xi32, #tpu.memory_space<vmem>>) target_semaphore(%arg20 : memref<!tpu.dma_semaphore, #tpu.memory_space<semaphore_mem>>)
        %add3A_368 = arith.constant 320000 : i32
        %add3A_369 = arith.addi %add3A_368, %multiple_of3A_357 : i32
        %dma_start3A_370 = arith.constant 0 : i32
        %dma_start3A_371 = arith.constant 0 : i32
        %dma_start3A_372 = arith.constant 0 : i32
        %dma_start3A_373 = tpu.memref_slice %arg14[%dma_start3A_370, %dma_start3A_371, %dma_start3A_372] : memref<1x1x128xi32, #tpu.memory_space<vmem>> -> memref<1x1x128xi32, #tpu.memory_space<vmem>>
        %dma_start3A_374 = tpu.memref_squeeze %dma_start3A_373 : memref<1x1x128xi32, #tpu.memory_space<vmem>> -> memref<128xi32, #tpu.memory_space<vmem>>
        %dma_start3A_375 = tpu.memref_slice %arg3[%add3A_369] : memref<640000xi32, #tpu.memory_space<hbm>> -> memref<128xi32, #tpu.memory_space<hbm>>
        %dma_start3A_376 = arith.constant 0 : i32
        %dma_start3A_377 = tpu.memref_slice %arg14[%dma_start3A_370, %dma_start3A_371, %dma_start3A_376] : memref<1x1x128xi32, #tpu.memory_space<vmem>> -> memref<1x1x128xi32, #tpu.memory_space<vmem>>
        %dma_start3A_378 = tpu.memref_squeeze %dma_start3A_377 : memref<1x1x128xi32, #tpu.memory_space<vmem>> -> memref<128xi32, #tpu.memory_space<vmem>>
        %dma_start3A_379 = tpu.memref_slice %arg3[%add3A_369] : memref<640000xi32, #tpu.memory_space<hbm>> -> memref<128xi32, #tpu.memory_space<hbm>>
        tpu.enqueue_dma source(%dma_start3A_379 : memref<128xi32, #tpu.memory_space<hbm>>) target(%dma_start3A_378 : memref<128xi32, #tpu.memory_space<vmem>>) target_semaphore(%arg20 : memref<!tpu.dma_semaphore, #tpu.memory_space<semaphore_mem>>)
      } else {
      }
      %mul3A_250 = arith.constant 4 : i32
      %mul3A_251 = arith.muli %mul3A_250, %scan3A_215 : i32
      %add3A_252 = arith.constant 1 : i32
      %add3A_253 = arith.addi %mul3A_251, %add3A_252 : i32
      %add3A_254 = arith.constant 1 : i32
      %add3A_255 = arith.addi %add3A_253, %add3A_254 : i32
      %lt3A_256 = arith.constant 78 : i32
      %lt3A_257 = arith.cmpi slt, %add3A_255, %lt3A_256 : i32
      %convert_element_type3A_258 = arith.extui %lt3A_257 : i1 to i32
      %cond3A_259 = arith.constant 0 : i32
      %cond3A_260 = arith.cmpi ne, %convert_element_type3A_258, %cond3A_259 : i32
      scf.if %cond3A_260 {
        %dma_wait3A_352 = arith.constant 0 : i32
        %dma_wait3A_353 = arith.constant 0 : i32
        %dma_wait3A_354 = arith.constant 0 : i32
        %dma_wait3A_355 = tpu.memref_slice %arg9[%dma_wait3A_352, %dma_wait3A_353, %dma_wait3A_354] : memref<1x1x128xi32, #tpu.memory_space<vmem>> -> memref<1x1x128xi32, #tpu.memory_space<vmem>>
        %dma_wait3A_356 = tpu.memref_squeeze %dma_wait3A_355 : memref<1x1x128xi32, #tpu.memory_space<vmem>> -> memref<128xi32, #tpu.memory_space<vmem>>
        %dma_wait3A_357 = arith.constant 0 : i32
        %dma_wait3A_358 = tpu.memref_slice %arg3[%dma_wait3A_357] : memref<640000xi32, #tpu.memory_space<hbm>> -> memref<128xi32, #tpu.memory_space<hbm>>
        %dma_wait3A_359 = arith.constant 0 : i32
        %dma_wait3A_360 = tpu.memref_slice %arg9[%dma_wait3A_352, %dma_wait3A_353, %dma_wait3A_359] : memref<1x1x128xi32, #tpu.memory_space<vmem>> -> memref<1x1x128xi32, #tpu.memory_space<vmem>>
        %dma_wait3A_361 = tpu.memref_squeeze %dma_wait3A_360 : memref<1x1x128xi32, #tpu.memory_space<vmem>> -> memref<128xi32, #tpu.memory_space<vmem>>
        %dma_wait3A_362 = arith.constant 0 : i32
        %dma_wait3A_363 = tpu.memref_slice %arg3[%dma_wait3A_362] : memref<640000xi32, #tpu.memory_space<hbm>> -> memref<128xi32, #tpu.memory_space<hbm>>
        tpu.wait_dma2 semaphore(%arg19 : memref<!tpu.dma_semaphore, #tpu.memory_space<semaphore_mem>>) src(%dma_wait3A_363 : memref<128xi32, #tpu.memory_space<hbm>>) dst(%dma_wait3A_361 : memref<128xi32, #tpu.memory_space<vmem>>)
        %dma_wait3A_364 = arith.constant 0 : i32
        %dma_wait3A_365 = arith.constant 0 : i32
        %dma_wait3A_366 = arith.constant 0 : i32
        %dma_wait3A_367 = tpu.memref_slice %arg13[%dma_wait3A_364, %dma_wait3A_365, %dma_wait3A_366] : memref<1x1x128xi32, #tpu.memory_space<vmem>> -> memref<1x1x128xi32, #tpu.memory_space<vmem>>
        %dma_wait3A_368 = tpu.memref_squeeze %dma_wait3A_367 : memref<1x1x128xi32, #tpu.memory_space<vmem>> -> memref<128xi32, #tpu.memory_space<vmem>>
        %dma_wait3A_369 = arith.constant 0 : i32
        %dma_wait3A_370 = tpu.memref_slice %arg3[%dma_wait3A_369] : memref<640000xi32, #tpu.memory_space<hbm>> -> memref<128xi32, #tpu.memory_space<hbm>>
        %dma_wait3A_371 = arith.constant 0 : i32
        %dma_wait3A_372 = tpu.memref_slice %arg13[%dma_wait3A_364, %dma_wait3A_365, %dma_wait3A_371] : memref<1x1x128xi32, #tpu.memory_space<vmem>> -> memref<1x1x128xi32, #tpu.memory_space<vmem>>
        %dma_wait3A_373 = tpu.memref_squeeze %dma_wait3A_372 : memref<1x1x128xi32, #tpu.memory_space<vmem>> -> memref<128xi32, #tpu.memory_space<vmem>>
        %dma_wait3A_374 = arith.constant 0 : i32
        %dma_wait3A_375 = tpu.memref_slice %arg3[%dma_wait3A_374] : memref<640000xi32, #tpu.memory_space<hbm>> -> memref<128xi32, #tpu.memory_space<hbm>>
        tpu.wait_dma2 semaphore(%arg19 : memref<!tpu.dma_semaphore, #tpu.memory_space<semaphore_mem>>) src(%dma_wait3A_375 : memref<128xi32, #tpu.memory_space<hbm>>) dst(%dma_wait3A_373 : memref<128xi32, #tpu.memory_space<vmem>>)
        %ge3A = arith.constant 1 : i32
        %ge3A_376 = arith.cmpi sge, %add3A_253, %ge3A : i32
        %convert_element_type3A_377 = arith.extui %ge3A_376 : i1 to i32
        %cond3A_378 = arith.constant 0 : i32
        %cond3A_379 = arith.cmpi ne, %convert_element_type3A_377, %cond3A_378 : i32
        scf.if %cond3A_379 {
          %dma_wait3A_388 = arith.constant 0 : i32
          %dma_wait3A_389 = arith.constant 0 : i32
          %dma_wait3A_390 = arith.constant 0 : i32
          %dma_wait3A_391 = tpu.memref_slice %arg13[%dma_wait3A_388, %dma_wait3A_389, %dma_wait3A_390] : memref<1x1x128xi32, #tpu.memory_space<vmem>> -> memref<1x1x128xi32, #tpu.memory_space<vmem>>
          %dma_wait3A_392 = tpu.memref_squeeze %dma_wait3A_391 : memref<1x1x128xi32, #tpu.memory_space<vmem>> -> memref<128xi32, #tpu.memory_space<vmem>>
          %dma_wait3A_393 = arith.constant 0 : i32
          %dma_wait3A_394 = arith.constant 0 : i32
          %dma_wait3A_395 = tpu.memref_slice %arg6[%dma_wait3A_393, %dma_wait3A_394] : memref<10112x128xf32, #tpu.memory_space<vmem_shared>> -> memref<10112x128xf32, #tpu.memory_space<vmem_shared>>
          tpu.wait_indirect_dma semaphore(%arg23 : memref<!tpu.dma_semaphore, #tpu.memory_space<semaphore_mem>>) src(%arg15 : memref<128x128xf32, #tpu.memory_space<vmem>>) dst(%dma_wait3A_395 : memref<10112x128xf32, #tpu.memory_space<vmem_shared>>)
        } else {
        }
        %dma_start3A_380 = arith.constant 0 : i32
        %dma_start3A_381 = arith.constant 0 : i32
        %dma_start3A_382 = arith.constant 0 : i32
        %dma_start3A_383 = tpu.memref_slice %arg9[%dma_start3A_380, %dma_start3A_381, %dma_start3A_382] : memref<1x1x128xi32, #tpu.memory_space<vmem>> -> memref<1x1x128xi32, #tpu.memory_space<vmem>>
        %dma_start3A_384 = tpu.memref_squeeze %dma_start3A_383 : memref<1x1x128xi32, #tpu.memory_space<vmem>> -> memref<128xi32, #tpu.memory_space<vmem>>
        %dma_start3A_385 = arith.constant 0 : i32
        %dma_start3A_386 = arith.constant 0 : i32
        %dma_start3A_387 = tpu.memref_slice %arg2[%dma_start3A_385, %dma_start3A_386] : memref<10000x128xf32, #tpu.memory_space<hbm>> -> memref<10000x128xf32, #tpu.memory_space<hbm>>
        tpu.enqueue_indirect_dma source(%dma_start3A_387 : memref<10000x128xf32, #tpu.memory_space<hbm>>) target(%arg15 : memref<128x128xf32, #tpu.memory_space<vmem>>) offsets(%dma_start3A_384 : memref<128xi32, #tpu.memory_space<vmem>>) semaphore(%arg21 : memref<!tpu.dma_semaphore, #tpu.memory_space<semaphore_mem>>)
      } else {
      }
      %dma_wait3A_261 = arith.constant 0 : i32
      %dma_wait3A_262 = arith.constant 0 : i32
      %dma_wait3A_263 = arith.constant 0 : i32
      %dma_wait3A_264 = tpu.memref_slice %arg7[%dma_wait3A_261, %dma_wait3A_262, %dma_wait3A_263] : memref<1x1x128xi32, #tpu.memory_space<vmem>> -> memref<1x1x128xi32, #tpu.memory_space<vmem>>
      %dma_wait3A_265 = tpu.memref_squeeze %dma_wait3A_264 : memref<1x1x128xi32, #tpu.memory_space<vmem>> -> memref<128xi32, #tpu.memory_space<vmem>>
      %dma_wait3A_266 = arith.constant 0 : i32
      %dma_wait3A_267 = arith.constant 0 : i32
      %dma_wait3A_268 = tpu.memref_slice %arg2[%dma_wait3A_266, %dma_wait3A_267] : memref<10000x128xf32, #tpu.memory_space<hbm>> -> memref<10000x128xf32, #tpu.memory_space<hbm>>
      tpu.wait_indirect_dma semaphore(%arg22 : memref<!tpu.dma_semaphore, #tpu.memory_space<semaphore_mem>>) src(%dma_wait3A_268 : memref<10000x128xf32, #tpu.memory_space<hbm>>) dst(%arg16 : memref<128x128xf32, #tpu.memory_space<vmem>>)
      %dma_start3A_269 = arith.constant 0 : i32
      %dma_start3A_270 = arith.constant 0 : i32
      %dma_start3A_271 = arith.constant 0 : i32
      %dma_start3A_272 = tpu.memref_slice %arg12[%dma_start3A_269, %dma_start3A_270, %dma_start3A_271] : memref<1x1x128xi32, #tpu.memory_space<vmem>> -> memref<1x1x128xi32, #tpu.memory_space<vmem>>
      %dma_start3A_273 = tpu.memref_squeeze %dma_start3A_272 : memref<1x1x128xi32, #tpu.memory_space<vmem>> -> memref<128xi32, #tpu.memory_space<vmem>>
      %dma_start3A_274 = arith.constant 0 : i32
      %dma_start3A_275 = arith.constant 0 : i32
      %dma_start3A_276 = tpu.memref_slice %arg6[%dma_start3A_274, %dma_start3A_275] : memref<10112x128xf32, #tpu.memory_space<vmem_shared>> -> memref<10112x128xf32, #tpu.memory_space<vmem_shared>>
      tpu.enqueue_indirect_dma source(%arg16 : memref<128x128xf32, #tpu.memory_space<vmem>>) target(%dma_start3A_276 : memref<10112x128xf32, #tpu.memory_space<vmem_shared>>) offsets(%dma_start3A_273 : memref<128xi32, #tpu.memory_space<vmem>>) semaphore(%arg24 : memref<!tpu.dma_semaphore, #tpu.memory_space<semaphore_mem>>) {add = true}
      %add3A_277 = arith.constant 3 : i32
      %add3A_278 = arith.addi %add3A_253, %add3A_277 : i32
      %lt3A_279 = arith.constant 78 : i32
      %lt3A_280 = arith.cmpi slt, %add3A_278, %lt3A_279 : i32
      %convert_element_type3A_281 = arith.extui %lt3A_280 : i1 to i32
      %cond3A_282 = arith.constant 0 : i32
      %cond3A_283 = arith.cmpi ne, %convert_element_type3A_281, %cond3A_282 : i32
      scf.if %cond3A_283 {
        %add3A_352 = arith.addi %mul3A_6, %add3A_253 : i32
        %add3A_353 = arith.constant 3 : i32
        %add3A_354 = arith.addi %add3A_352, %add3A_353 : i32
        %mul3A_355 = arith.constant 128 : i32
        %mul3A_356 = arith.muli %add3A_354, %mul3A_355 : i32
        %multiple_of3A_357 = tpu.assume_multiple %mul3A_356, 128 : i32
        %dma_start3A_358 = arith.constant 0 : i32
        %dma_start3A_359 = arith.constant 0 : i32
        %dma_start3A_360 = arith.constant 0 : i32
        %dma_start3A_361 = tpu.memref_slice %arg7[%dma_start3A_358, %dma_start3A_359, %dma_start3A_360] : memref<1x1x128xi32, #tpu.memory_space<vmem>> -> memref<1x1x128xi32, #tpu.memory_space<vmem>>
        %dma_start3A_362 = tpu.memref_squeeze %dma_start3A_361 : memref<1x1x128xi32, #tpu.memory_space<vmem>> -> memref<128xi32, #tpu.memory_space<vmem>>
        %dma_start3A_363 = tpu.memref_slice %arg3[%multiple_of3A_357] : memref<640000xi32, #tpu.memory_space<hbm>> -> memref<128xi32, #tpu.memory_space<hbm>>
        %dma_start3A_364 = arith.constant 0 : i32
        %dma_start3A_365 = tpu.memref_slice %arg7[%dma_start3A_358, %dma_start3A_359, %dma_start3A_364] : memref<1x1x128xi32, #tpu.memory_space<vmem>> -> memref<1x1x128xi32, #tpu.memory_space<vmem>>
        %dma_start3A_366 = tpu.memref_squeeze %dma_start3A_365 : memref<1x1x128xi32, #tpu.memory_space<vmem>> -> memref<128xi32, #tpu.memory_space<vmem>>
        %dma_start3A_367 = tpu.memref_slice %arg3[%multiple_of3A_357] : memref<640000xi32, #tpu.memory_space<hbm>> -> memref<128xi32, #tpu.memory_space<hbm>>
        tpu.enqueue_dma source(%dma_start3A_367 : memref<128xi32, #tpu.memory_space<hbm>>) target(%dma_start3A_366 : memref<128xi32, #tpu.memory_space<vmem>>) target_semaphore(%arg17 : memref<!tpu.dma_semaphore, #tpu.memory_space<semaphore_mem>>)
        %add3A_368 = arith.constant 320000 : i32
        %add3A_369 = arith.addi %add3A_368, %multiple_of3A_357 : i32
        %dma_start3A_370 = arith.constant 0 : i32
        %dma_start3A_371 = arith.constant 0 : i32
        %dma_start3A_372 = arith.constant 0 : i32
        %dma_start3A_373 = tpu.memref_slice %arg11[%dma_start3A_370, %dma_start3A_371, %dma_start3A_372] : memref<1x1x128xi32, #tpu.memory_space<vmem>> -> memref<1x1x128xi32, #tpu.memory_space<vmem>>
        %dma_start3A_374 = tpu.memref_squeeze %dma_start3A_373 : memref<1x1x128xi32, #tpu.memory_space<vmem>> -> memref<128xi32, #tpu.memory_space<vmem>>
        %dma_start3A_375 = tpu.memref_slice %arg3[%add3A_369] : memref<640000xi32, #tpu.memory_space<hbm>> -> memref<128xi32, #tpu.memory_space<hbm>>
        %dma_start3A_376 = arith.constant 0 : i32
        %dma_start3A_377 = tpu.memref_slice %arg11[%dma_start3A_370, %dma_start3A_371, %dma_start3A_376] : memref<1x1x128xi32, #tpu.memory_space<vmem>> -> memref<1x1x128xi32, #tpu.memory_space<vmem>>
        %dma_start3A_378 = tpu.memref_squeeze %dma_start3A_377 : memref<1x1x128xi32, #tpu.memory_space<vmem>> -> memref<128xi32, #tpu.memory_space<vmem>>
        %dma_start3A_379 = tpu.memref_slice %arg3[%add3A_369] : memref<640000xi32, #tpu.memory_space<hbm>> -> memref<128xi32, #tpu.memory_space<hbm>>
        tpu.enqueue_dma source(%dma_start3A_379 : memref<128xi32, #tpu.memory_space<hbm>>) target(%dma_start3A_378 : memref<128xi32, #tpu.memory_space<vmem>>) target_semaphore(%arg17 : memref<!tpu.dma_semaphore, #tpu.memory_space<semaphore_mem>>)
      } else {
      }
      %mul3A_284 = arith.constant 4 : i32
      %mul3A_285 = arith.muli %mul3A_284, %scan3A_215 : i32
      %add3A_286 = arith.constant 2 : i32
      %add3A_287 = arith.addi %mul3A_285, %add3A_286 : i32
      %add3A_288 = arith.constant 1 : i32
      %add3A_289 = arith.addi %add3A_287, %add3A_288 : i32
      %lt3A_290 = arith.constant 78 : i32
      %lt3A_291 = arith.cmpi slt, %add3A_289, %lt3A_290 : i32
      %convert_element_type3A_292 = arith.extui %lt3A_291 : i1 to i32
      %cond3A_293 = arith.constant 0 : i32
      %cond3A_294 = arith.cmpi ne, %convert_element_type3A_292, %cond3A_293 : i32
      scf.if %cond3A_294 {
        %dma_wait3A_352 = arith.constant 0 : i32
        %dma_wait3A_353 = arith.constant 0 : i32
        %dma_wait3A_354 = arith.constant 0 : i32
        %dma_wait3A_355 = tpu.memref_slice %arg10[%dma_wait3A_352, %dma_wait3A_353, %dma_wait3A_354] : memref<1x1x128xi32, #tpu.memory_space<vmem>> -> memref<1x1x128xi32, #tpu.memory_space<vmem>>
        %dma_wait3A_356 = tpu.memref_squeeze %dma_wait3A_355 : memref<1x1x128xi32, #tpu.memory_space<vmem>> -> memref<128xi32, #tpu.memory_space<vmem>>
        %dma_wait3A_357 = arith.constant 0 : i32
        %dma_wait3A_358 = tpu.memref_slice %arg3[%dma_wait3A_357] : memref<640000xi32, #tpu.memory_space<hbm>> -> memref<128xi32, #tpu.memory_space<hbm>>
        %dma_wait3A_359 = arith.constant 0 : i32
        %dma_wait3A_360 = tpu.memref_slice %arg10[%dma_wait3A_352, %dma_wait3A_353, %dma_wait3A_359] : memref<1x1x128xi32, #tpu.memory_space<vmem>> -> memref<1x1x128xi32, #tpu.memory_space<vmem>>
        %dma_wait3A_361 = tpu.memref_squeeze %dma_wait3A_360 : memref<1x1x128xi32, #tpu.memory_space<vmem>> -> memref<128xi32, #tpu.memory_space<vmem>>
        %dma_wait3A_362 = arith.constant 0 : i32
        %dma_wait3A_363 = tpu.memref_slice %arg3[%dma_wait3A_362] : memref<640000xi32, #tpu.memory_space<hbm>> -> memref<128xi32, #tpu.memory_space<hbm>>
        tpu.wait_dma2 semaphore(%arg20 : memref<!tpu.dma_semaphore, #tpu.memory_space<semaphore_mem>>) src(%dma_wait3A_363 : memref<128xi32, #tpu.memory_space<hbm>>) dst(%dma_wait3A_361 : memref<128xi32, #tpu.memory_space<vmem>>)
        %dma_wait3A_364 = arith.constant 0 : i32
        %dma_wait3A_365 = arith.constant 0 : i32
        %dma_wait3A_366 = arith.constant 0 : i32
        %dma_wait3A_367 = tpu.memref_slice %arg14[%dma_wait3A_364, %dma_wait3A_365, %dma_wait3A_366] : memref<1x1x128xi32, #tpu.memory_space<vmem>> -> memref<1x1x128xi32, #tpu.memory_space<vmem>>
        %dma_wait3A_368 = tpu.memref_squeeze %dma_wait3A_367 : memref<1x1x128xi32, #tpu.memory_space<vmem>> -> memref<128xi32, #tpu.memory_space<vmem>>
        %dma_wait3A_369 = arith.constant 0 : i32
        %dma_wait3A_370 = tpu.memref_slice %arg3[%dma_wait3A_369] : memref<640000xi32, #tpu.memory_space<hbm>> -> memref<128xi32, #tpu.memory_space<hbm>>
        %dma_wait3A_371 = arith.constant 0 : i32
        %dma_wait3A_372 = tpu.memref_slice %arg14[%dma_wait3A_364, %dma_wait3A_365, %dma_wait3A_371] : memref<1x1x128xi32, #tpu.memory_space<vmem>> -> memref<1x1x128xi32, #tpu.memory_space<vmem>>
        %dma_wait3A_373 = tpu.memref_squeeze %dma_wait3A_372 : memref<1x1x128xi32, #tpu.memory_space<vmem>> -> memref<128xi32, #tpu.memory_space<vmem>>
        %dma_wait3A_374 = arith.constant 0 : i32
        %dma_wait3A_375 = tpu.memref_slice %arg3[%dma_wait3A_374] : memref<640000xi32, #tpu.memory_space<hbm>> -> memref<128xi32, #tpu.memory_space<hbm>>
        tpu.wait_dma2 semaphore(%arg20 : memref<!tpu.dma_semaphore, #tpu.memory_space<semaphore_mem>>) src(%dma_wait3A_375 : memref<128xi32, #tpu.memory_space<hbm>>) dst(%dma_wait3A_373 : memref<128xi32, #tpu.memory_space<vmem>>)
        %ge3A = arith.constant 1 : i32
        %ge3A_376 = arith.cmpi sge, %add3A_287, %ge3A : i32
        %convert_element_type3A_377 = arith.extui %ge3A_376 : i1 to i32
        %cond3A_378 = arith.constant 0 : i32
        %cond3A_379 = arith.cmpi ne, %convert_element_type3A_377, %cond3A_378 : i32
        scf.if %cond3A_379 {
          %dma_wait3A_388 = arith.constant 0 : i32
          %dma_wait3A_389 = arith.constant 0 : i32
          %dma_wait3A_390 = arith.constant 0 : i32
          %dma_wait3A_391 = tpu.memref_slice %arg14[%dma_wait3A_388, %dma_wait3A_389, %dma_wait3A_390] : memref<1x1x128xi32, #tpu.memory_space<vmem>> -> memref<1x1x128xi32, #tpu.memory_space<vmem>>
          %dma_wait3A_392 = tpu.memref_squeeze %dma_wait3A_391 : memref<1x1x128xi32, #tpu.memory_space<vmem>> -> memref<128xi32, #tpu.memory_space<vmem>>
          %dma_wait3A_393 = arith.constant 0 : i32
          %dma_wait3A_394 = arith.constant 0 : i32
          %dma_wait3A_395 = tpu.memref_slice %arg6[%dma_wait3A_393, %dma_wait3A_394] : memref<10112x128xf32, #tpu.memory_space<vmem_shared>> -> memref<10112x128xf32, #tpu.memory_space<vmem_shared>>
          tpu.wait_indirect_dma semaphore(%arg24 : memref<!tpu.dma_semaphore, #tpu.memory_space<semaphore_mem>>) src(%arg16 : memref<128x128xf32, #tpu.memory_space<vmem>>) dst(%dma_wait3A_395 : memref<10112x128xf32, #tpu.memory_space<vmem_shared>>)
        } else {
        }
        %dma_start3A_380 = arith.constant 0 : i32
        %dma_start3A_381 = arith.constant 0 : i32
        %dma_start3A_382 = arith.constant 0 : i32
        %dma_start3A_383 = tpu.memref_slice %arg10[%dma_start3A_380, %dma_start3A_381, %dma_start3A_382] : memref<1x1x128xi32, #tpu.memory_space<vmem>> -> memref<1x1x128xi32, #tpu.memory_space<vmem>>
        %dma_start3A_384 = tpu.memref_squeeze %dma_start3A_383 : memref<1x1x128xi32, #tpu.memory_space<vmem>> -> memref<128xi32, #tpu.memory_space<vmem>>
        %dma_start3A_385 = arith.constant 0 : i32
        %dma_start3A_386 = arith.constant 0 : i32
        %dma_start3A_387 = tpu.memref_slice %arg2[%dma_start3A_385, %dma_start3A_386] : memref<10000x128xf32, #tpu.memory_space<hbm>> -> memref<10000x128xf32, #tpu.memory_space<hbm>>
        tpu.enqueue_indirect_dma source(%dma_start3A_387 : memref<10000x128xf32, #tpu.memory_space<hbm>>) target(%arg16 : memref<128x128xf32, #tpu.memory_space<vmem>>) offsets(%dma_start3A_384 : memref<128xi32, #tpu.memory_space<vmem>>) semaphore(%arg22 : memref<!tpu.dma_semaphore, #tpu.memory_space<semaphore_mem>>)
      } else {
      }
      %dma_wait3A_295 = arith.constant 0 : i32
      %dma_wait3A_296 = arith.constant 0 : i32
      %dma_wait3A_297 = arith.constant 0 : i32
      %dma_wait3A_298 = tpu.memref_slice %arg7[%dma_wait3A_295, %dma_wait3A_296, %dma_wait3A_297] : memref<1x1x128xi32, #tpu.memory_space<vmem>> -> memref<1x1x128xi32, #tpu.memory_space<vmem>>
      %dma_wait3A_299 = tpu.memref_squeeze %dma_wait3A_298 : memref<1x1x128xi32, #tpu.memory_space<vmem>> -> memref<128xi32, #tpu.memory_space<vmem>>
      %dma_wait3A_300 = arith.constant 0 : i32
      %dma_wait3A_301 = arith.constant 0 : i32
      %dma_wait3A_302 = tpu.memref_slice %arg2[%dma_wait3A_300, %dma_wait3A_301] : memref<10000x128xf32, #tpu.memory_space<hbm>> -> memref<10000x128xf32, #tpu.memory_space<hbm>>
      tpu.wait_indirect_dma semaphore(%arg21 : memref<!tpu.dma_semaphore, #tpu.memory_space<semaphore_mem>>) src(%dma_wait3A_302 : memref<10000x128xf32, #tpu.memory_space<hbm>>) dst(%arg15 : memref<128x128xf32, #tpu.memory_space<vmem>>)
      %dma_start3A_303 = arith.constant 0 : i32
      %dma_start3A_304 = arith.constant 0 : i32
      %dma_start3A_305 = arith.constant 0 : i32
      %dma_start3A_306 = tpu.memref_slice %arg13[%dma_start3A_303, %dma_start3A_304, %dma_start3A_305] : memref<1x1x128xi32, #tpu.memory_space<vmem>> -> memref<1x1x128xi32, #tpu.memory_space<vmem>>
      %dma_start3A_307 = tpu.memref_squeeze %dma_start3A_306 : memref<1x1x128xi32, #tpu.memory_space<vmem>> -> memref<128xi32, #tpu.memory_space<vmem>>
      %dma_start3A_308 = arith.constant 0 : i32
      %dma_start3A_309 = arith.constant 0 : i32
      %dma_start3A_310 = tpu.memref_slice %arg6[%dma_start3A_308, %dma_start3A_309] : memref<10112x128xf32, #tpu.memory_space<vmem_shared>> -> memref<10112x128xf32, #tpu.memory_space<vmem_shared>>
      tpu.enqueue_indirect_dma source(%arg15 : memref<128x128xf32, #tpu.memory_space<vmem>>) target(%dma_start3A_310 : memref<10112x128xf32, #tpu.memory_space<vmem_shared>>) offsets(%dma_start3A_307 : memref<128xi32, #tpu.memory_space<vmem>>) semaphore(%arg23 : memref<!tpu.dma_semaphore, #tpu.memory_space<semaphore_mem>>) {add = true}
      %add3A_311 = arith.constant 3 : i32
      %add3A_312 = arith.addi %add3A_287, %add3A_311 : i32
      %lt3A_313 = arith.constant 78 : i32
      %lt3A_314 = arith.cmpi slt, %add3A_312, %lt3A_313 : i32
      %convert_element_type3A_315 = arith.extui %lt3A_314 : i1 to i32
      %cond3A_316 = arith.constant 0 : i32
      %cond3A_317 = arith.cmpi ne, %convert_element_type3A_315, %cond3A_316 : i32
      scf.if %cond3A_317 {
        %add3A_352 = arith.addi %mul3A_6, %add3A_287 : i32
        %add3A_353 = arith.constant 3 : i32
        %add3A_354 = arith.addi %add3A_352, %add3A_353 : i32
        %mul3A_355 = arith.constant 128 : i32
        %mul3A_356 = arith.muli %add3A_354, %mul3A_355 : i32
        %multiple_of3A_357 = tpu.assume_multiple %mul3A_356, 128 : i32
        %dma_start3A_358 = arith.constant 0 : i32
        %dma_start3A_359 = arith.constant 0 : i32
        %dma_start3A_360 = arith.constant 0 : i32
        %dma_start3A_361 = tpu.memref_slice %arg8[%dma_start3A_358, %dma_start3A_359, %dma_start3A_360] : memref<1x1x128xi32, #tpu.memory_space<vmem>> -> memref<1x1x128xi32, #tpu.memory_space<vmem>>
        %dma_start3A_362 = tpu.memref_squeeze %dma_start3A_361 : memref<1x1x128xi32, #tpu.memory_space<vmem>> -> memref<128xi32, #tpu.memory_space<vmem>>
        %dma_start3A_363 = tpu.memref_slice %arg3[%multiple_of3A_357] : memref<640000xi32, #tpu.memory_space<hbm>> -> memref<128xi32, #tpu.memory_space<hbm>>
        %dma_start3A_364 = arith.constant 0 : i32
        %dma_start3A_365 = tpu.memref_slice %arg8[%dma_start3A_358, %dma_start3A_359, %dma_start3A_364] : memref<1x1x128xi32, #tpu.memory_space<vmem>> -> memref<1x1x128xi32, #tpu.memory_space<vmem>>
        %dma_start3A_366 = tpu.memref_squeeze %dma_start3A_365 : memref<1x1x128xi32, #tpu.memory_space<vmem>> -> memref<128xi32, #tpu.memory_space<vmem>>
        %dma_start3A_367 = tpu.memref_slice %arg3[%multiple_of3A_357] : memref<640000xi32, #tpu.memory_space<hbm>> -> memref<128xi32, #tpu.memory_space<hbm>>
        tpu.enqueue_dma source(%dma_start3A_367 : memref<128xi32, #tpu.memory_space<hbm>>) target(%dma_start3A_366 : memref<128xi32, #tpu.memory_space<vmem>>) target_semaphore(%arg18 : memref<!tpu.dma_semaphore, #tpu.memory_space<semaphore_mem>>)
        %add3A_368 = arith.constant 320000 : i32
        %add3A_369 = arith.addi %add3A_368, %multiple_of3A_357 : i32
        %dma_start3A_370 = arith.constant 0 : i32
        %dma_start3A_371 = arith.constant 0 : i32
        %dma_start3A_372 = arith.constant 0 : i32
        %dma_start3A_373 = tpu.memref_slice %arg12[%dma_start3A_370, %dma_start3A_371, %dma_start3A_372] : memref<1x1x128xi32, #tpu.memory_space<vmem>> -> memref<1x1x128xi32, #tpu.memory_space<vmem>>
        %dma_start3A_374 = tpu.memref_squeeze %dma_start3A_373 : memref<1x1x128xi32, #tpu.memory_space<vmem>> -> memref<128xi32, #tpu.memory_space<vmem>>
        %dma_start3A_375 = tpu.memref_slice %arg3[%add3A_369] : memref<640000xi32, #tpu.memory_space<hbm>> -> memref<128xi32, #tpu.memory_space<hbm>>
        %dma_start3A_376 = arith.constant 0 : i32
        %dma_start3A_377 = tpu.memref_slice %arg12[%dma_start3A_370, %dma_start3A_371, %dma_start3A_376] : memref<1x1x128xi32, #tpu.memory_space<vmem>> -> memref<1x1x128xi32, #tpu.memory_space<vmem>>
        %dma_start3A_378 = tpu.memref_squeeze %dma_start3A_377 : memref<1x1x128xi32, #tpu.memory_space<vmem>> -> memref<128xi32, #tpu.memory_space<vmem>>
        %dma_start3A_379 = tpu.memref_slice %arg3[%add3A_369] : memref<640000xi32, #tpu.memory_space<hbm>> -> memref<128xi32, #tpu.memory_space<hbm>>
        tpu.enqueue_dma source(%dma_start3A_379 : memref<128xi32, #tpu.memory_space<hbm>>) target(%dma_start3A_378 : memref<128xi32, #tpu.memory_space<vmem>>) target_semaphore(%arg18 : memref<!tpu.dma_semaphore, #tpu.memory_space<semaphore_mem>>)
      } else {
      }
      %mul3A_318 = arith.constant 4 : i32
      %mul3A_319 = arith.muli %mul3A_318, %scan3A_215 : i32
      %add3A_320 = arith.constant 3 : i32
      %add3A_321 = arith.addi %mul3A_319, %add3A_320 : i32
      %add3A_322 = arith.constant 1 : i32
      %add3A_323 = arith.addi %add3A_321, %add3A_322 : i32
      %lt3A_324 = arith.constant 78 : i32
      %lt3A_325 = arith.cmpi slt, %add3A_323, %lt3A_324 : i32
      %convert_element_type3A_326 = arith.extui %lt3A_325 : i1 to i32
      %cond3A_327 = arith.constant 0 : i32
      %cond3A_328 = arith.cmpi ne, %convert_element_type3A_326, %cond3A_327 : i32
      scf.if %cond3A_328 {
        %dma_wait3A_352 = arith.constant 0 : i32
        %dma_wait3A_353 = arith.constant 0 : i32
        %dma_wait3A_354 = arith.constant 0 : i32
        %dma_wait3A_355 = tpu.memref_slice %arg7[%dma_wait3A_352, %dma_wait3A_353, %dma_wait3A_354] : memref<1x1x128xi32, #tpu.memory_space<vmem>> -> memref<1x1x128xi32, #tpu.memory_space<vmem>>
        %dma_wait3A_356 = tpu.memref_squeeze %dma_wait3A_355 : memref<1x1x128xi32, #tpu.memory_space<vmem>> -> memref<128xi32, #tpu.memory_space<vmem>>
        %dma_wait3A_357 = arith.constant 0 : i32
        %dma_wait3A_358 = tpu.memref_slice %arg3[%dma_wait3A_357] : memref<640000xi32, #tpu.memory_space<hbm>> -> memref<128xi32, #tpu.memory_space<hbm>>
        %dma_wait3A_359 = arith.constant 0 : i32
        %dma_wait3A_360 = tpu.memref_slice %arg7[%dma_wait3A_352, %dma_wait3A_353, %dma_wait3A_359] : memref<1x1x128xi32, #tpu.memory_space<vmem>> -> memref<1x1x128xi32, #tpu.memory_space<vmem>>
        %dma_wait3A_361 = tpu.memref_squeeze %dma_wait3A_360 : memref<1x1x128xi32, #tpu.memory_space<vmem>> -> memref<128xi32, #tpu.memory_space<vmem>>
        %dma_wait3A_362 = arith.constant 0 : i32
        %dma_wait3A_363 = tpu.memref_slice %arg3[%dma_wait3A_362] : memref<640000xi32, #tpu.memory_space<hbm>> -> memref<128xi32, #tpu.memory_space<hbm>>
        tpu.wait_dma2 semaphore(%arg17 : memref<!tpu.dma_semaphore, #tpu.memory_space<semaphore_mem>>) src(%dma_wait3A_363 : memref<128xi32, #tpu.memory_space<hbm>>) dst(%dma_wait3A_361 : memref<128xi32, #tpu.memory_space<vmem>>)
        %dma_wait3A_364 = arith.constant 0 : i32
        %dma_wait3A_365 = arith.constant 0 : i32
        %dma_wait3A_366 = arith.constant 0 : i32
        %dma_wait3A_367 = tpu.memref_slice %arg11[%dma_wait3A_364, %dma_wait3A_365, %dma_wait3A_366] : memref<1x1x128xi32, #tpu.memory_space<vmem>> -> memref<1x1x128xi32, #tpu.memory_space<vmem>>
        %dma_wait3A_368 = tpu.memref_squeeze %dma_wait3A_367 : memref<1x1x128xi32, #tpu.memory_space<vmem>> -> memref<128xi32, #tpu.memory_space<vmem>>
        %dma_wait3A_369 = arith.constant 0 : i32
        %dma_wait3A_370 = tpu.memref_slice %arg3[%dma_wait3A_369] : memref<640000xi32, #tpu.memory_space<hbm>> -> memref<128xi32, #tpu.memory_space<hbm>>
        %dma_wait3A_371 = arith.constant 0 : i32
        %dma_wait3A_372 = tpu.memref_slice %arg11[%dma_wait3A_364, %dma_wait3A_365, %dma_wait3A_371] : memref<1x1x128xi32, #tpu.memory_space<vmem>> -> memref<1x1x128xi32, #tpu.memory_space<vmem>>
        %dma_wait3A_373 = tpu.memref_squeeze %dma_wait3A_372 : memref<1x1x128xi32, #tpu.memory_space<vmem>> -> memref<128xi32, #tpu.memory_space<vmem>>
        %dma_wait3A_374 = arith.constant 0 : i32
        %dma_wait3A_375 = tpu.memref_slice %arg3[%dma_wait3A_374] : memref<640000xi32, #tpu.memory_space<hbm>> -> memref<128xi32, #tpu.memory_space<hbm>>
        tpu.wait_dma2 semaphore(%arg17 : memref<!tpu.dma_semaphore, #tpu.memory_space<semaphore_mem>>) src(%dma_wait3A_375 : memref<128xi32, #tpu.memory_space<hbm>>) dst(%dma_wait3A_373 : memref<128xi32, #tpu.memory_space<vmem>>)
        %ge3A = arith.constant 1 : i32
        %ge3A_376 = arith.cmpi sge, %add3A_321, %ge3A : i32
        %convert_element_type3A_377 = arith.extui %ge3A_376 : i1 to i32
        %cond3A_378 = arith.constant 0 : i32
        %cond3A_379 = arith.cmpi ne, %convert_element_type3A_377, %cond3A_378 : i32
        scf.if %cond3A_379 {
          %dma_wait3A_388 = arith.constant 0 : i32
          %dma_wait3A_389 = arith.constant 0 : i32
          %dma_wait3A_390 = arith.constant 0 : i32
          %dma_wait3A_391 = tpu.memref_slice %arg11[%dma_wait3A_388, %dma_wait3A_389, %dma_wait3A_390] : memref<1x1x128xi32, #tpu.memory_space<vmem>> -> memref<1x1x128xi32, #tpu.memory_space<vmem>>
          %dma_wait3A_392 = tpu.memref_squeeze %dma_wait3A_391 : memref<1x1x128xi32, #tpu.memory_space<vmem>> -> memref<128xi32, #tpu.memory_space<vmem>>
          %dma_wait3A_393 = arith.constant 0 : i32
          %dma_wait3A_394 = arith.constant 0 : i32
          %dma_wait3A_395 = tpu.memref_slice %arg6[%dma_wait3A_393, %dma_wait3A_394] : memref<10112x128xf32, #tpu.memory_space<vmem_shared>> -> memref<10112x128xf32, #tpu.memory_space<vmem_shared>>
          tpu.wait_indirect_dma semaphore(%arg23 : memref<!tpu.dma_semaphore, #tpu.memory_space<semaphore_mem>>) src(%arg15 : memref<128x128xf32, #tpu.memory_space<vmem>>) dst(%dma_wait3A_395 : memref<10112x128xf32, #tpu.memory_space<vmem_shared>>)
        } else {
        }
        %dma_start3A_380 = arith.constant 0 : i32
        %dma_start3A_381 = arith.constant 0 : i32
        %dma_start3A_382 = arith.constant 0 : i32
        %dma_start3A_383 = tpu.memref_slice %arg7[%dma_start3A_380, %dma_start3A_381, %dma_start3A_382] : memref<1x1x128xi32, #tpu.memory_space<vmem>> -> memref<1x1x128xi32, #tpu.memory_space<vmem>>
        %dma_start3A_384 = tpu.memref_squeeze %dma_start3A_383 : memref<1x1x128xi32, #tpu.memory_space<vmem>> -> memref<128xi32, #tpu.memory_space<vmem>>
        %dma_start3A_385 = arith.constant 0 : i32
        %dma_start3A_386 = arith.constant 0 : i32
        %dma_start3A_387 = tpu.memref_slice %arg2[%dma_start3A_385, %dma_start3A_386] : memref<10000x128xf32, #tpu.memory_space<hbm>> -> memref<10000x128xf32, #tpu.memory_space<hbm>>
        tpu.enqueue_indirect_dma source(%dma_start3A_387 : memref<10000x128xf32, #tpu.memory_space<hbm>>) target(%arg15 : memref<128x128xf32, #tpu.memory_space<vmem>>) offsets(%dma_start3A_384 : memref<128xi32, #tpu.memory_space<vmem>>) semaphore(%arg21 : memref<!tpu.dma_semaphore, #tpu.memory_space<semaphore_mem>>)
      } else {
      }
      %dma_wait3A_329 = arith.constant 0 : i32
      %dma_wait3A_330 = arith.constant 0 : i32
      %dma_wait3A_331 = arith.constant 0 : i32
      %dma_wait3A_332 = tpu.memref_slice %arg7[%dma_wait3A_329, %dma_wait3A_330, %dma_wait3A_331] : memref<1x1x128xi32, #tpu.memory_space<vmem>> -> memref<1x1x128xi32, #tpu.memory_space<vmem>>
      %dma_wait3A_333 = tpu.memref_squeeze %dma_wait3A_332 : memref<1x1x128xi32, #tpu.memory_space<vmem>> -> memref<128xi32, #tpu.memory_space<vmem>>
      %dma_wait3A_334 = arith.constant 0 : i32
      %dma_wait3A_335 = arith.constant 0 : i32
      %dma_wait3A_336 = tpu.memref_slice %arg2[%dma_wait3A_334, %dma_wait3A_335] : memref<10000x128xf32, #tpu.memory_space<hbm>> -> memref<10000x128xf32, #tpu.memory_space<hbm>>
      tpu.wait_indirect_dma semaphore(%arg22 : memref<!tpu.dma_semaphore, #tpu.memory_space<semaphore_mem>>) src(%dma_wait3A_336 : memref<10000x128xf32, #tpu.memory_space<hbm>>) dst(%arg16 : memref<128x128xf32, #tpu.memory_space<vmem>>)
      %dma_start3A_337 = arith.constant 0 : i32
      %dma_start3A_338 = arith.constant 0 : i32
      %dma_start3A_339 = arith.constant 0 : i32
      %dma_start3A_340 = tpu.memref_slice %arg14[%dma_start3A_337, %dma_start3A_338, %dma_start3A_339] : memref<1x1x128xi32, #tpu.memory_space<vmem>> -> memref<1x1x128xi32, #tpu.memory_space<vmem>>
      %dma_start3A_341 = tpu.memref_squeeze %dma_start3A_340 : memref<1x1x128xi32, #tpu.memory_space<vmem>> -> memref<128xi32, #tpu.memory_space<vmem>>
      %dma_start3A_342 = arith.constant 0 : i32
      %dma_start3A_343 = arith.constant 0 : i32
      %dma_start3A_344 = tpu.memref_slice %arg6[%dma_start3A_342, %dma_start3A_343] : memref<10112x128xf32, #tpu.memory_space<vmem_shared>> -> memref<10112x128xf32, #tpu.memory_space<vmem_shared>>
      tpu.enqueue_indirect_dma source(%arg16 : memref<128x128xf32, #tpu.memory_space<vmem>>) target(%dma_start3A_344 : memref<10112x128xf32, #tpu.memory_space<vmem_shared>>) offsets(%dma_start3A_341 : memref<128xi32, #tpu.memory_space<vmem>>) semaphore(%arg24 : memref<!tpu.dma_semaphore, #tpu.memory_space<semaphore_mem>>) {add = true}
      %add3A_345 = arith.constant 3 : i32
      %add3A_346 = arith.addi %add3A_321, %add3A_345 : i32
      %lt3A_347 = arith.constant 78 : i32
      %lt3A_348 = arith.cmpi slt, %add3A_346, %lt3A_347 : i32
      %convert_element_type3A_349 = arith.extui %lt3A_348 : i1 to i32
      %cond3A_350 = arith.constant 0 : i32
      %cond3A_351 = arith.cmpi ne, %convert_element_type3A_349, %cond3A_350 : i32
      scf.if %cond3A_351 {
        %add3A_352 = arith.addi %mul3A_6, %add3A_321 : i32
        %add3A_353 = arith.constant 3 : i32
        %add3A_354 = arith.addi %add3A_352, %add3A_353 : i32
        %mul3A_355 = arith.constant 128 : i32
        %mul3A_356 = arith.muli %add3A_354, %mul3A_355 : i32
        %multiple_of3A_357 = tpu.assume_multiple %mul3A_356, 128 : i32
        %dma_start3A_358 = arith.constant 0 : i32
        %dma_start3A_359 = arith.constant 0 : i32
        %dma_start3A_360 = arith.constant 0 : i32
        %dma_start3A_361 = tpu.memref_slice %arg9[%dma_start3A_358, %dma_start3A_359, %dma_start3A_360] : memref<1x1x128xi32, #tpu.memory_space<vmem>> -> memref<1x1x128xi32, #tpu.memory_space<vmem>>
        %dma_start3A_362 = tpu.memref_squeeze %dma_start3A_361 : memref<1x1x128xi32, #tpu.memory_space<vmem>> -> memref<128xi32, #tpu.memory_space<vmem>>
        %dma_start3A_363 = tpu.memref_slice %arg3[%multiple_of3A_357] : memref<640000xi32, #tpu.memory_space<hbm>> -> memref<128xi32, #tpu.memory_space<hbm>>
        %dma_start3A_364 = arith.constant 0 : i32
        %dma_start3A_365 = tpu.memref_slice %arg9[%dma_start3A_358, %dma_start3A_359, %dma_start3A_364] : memref<1x1x128xi32, #tpu.memory_space<vmem>> -> memref<1x1x128xi32, #tpu.memory_space<vmem>>
        %dma_start3A_366 = tpu.memref_squeeze %dma_start3A_365 : memref<1x1x128xi32, #tpu.memory_space<vmem>> -> memref<128xi32, #tpu.memory_space<vmem>>
        %dma_start3A_367 = tpu.memref_slice %arg3[%multiple_of3A_357] : memref<640000xi32, #tpu.memory_space<hbm>> -> memref<128xi32, #tpu.memory_space<hbm>>
        tpu.enqueue_dma source(%dma_start3A_367 : memref<128xi32, #tpu.memory_space<hbm>>) target(%dma_start3A_366 : memref<128xi32, #tpu.memory_space<vmem>>) target_semaphore(%arg19 : memref<!tpu.dma_semaphore, #tpu.memory_space<semaphore_mem>>)
        %add3A_368 = arith.constant 320000 : i32
        %add3A_369 = arith.addi %add3A_368, %multiple_of3A_357 : i32
        %dma_start3A_370 = arith.constant 0 : i32
        %dma_start3A_371 = arith.constant 0 : i32
        %dma_start3A_372 = arith.constant 0 : i32
        %dma_start3A_373 = tpu.memref_slice %arg13[%dma_start3A_370, %dma_start3A_371, %dma_start3A_372] : memref<1x1x128xi32, #tpu.memory_space<vmem>> -> memref<1x1x128xi32, #tpu.memory_space<vmem>>
        %dma_start3A_374 = tpu.memref_squeeze %dma_start3A_373 : memref<1x1x128xi32, #tpu.memory_space<vmem>> -> memref<128xi32, #tpu.memory_space<vmem>>
        %dma_start3A_375 = tpu.memref_slice %arg3[%add3A_369] : memref<640000xi32, #tpu.memory_space<hbm>> -> memref<128xi32, #tpu.memory_space<hbm>>
        %dma_start3A_376 = arith.constant 0 : i32
        %dma_start3A_377 = tpu.memref_slice %arg13[%dma_start3A_370, %dma_start3A_371, %dma_start3A_376] : memref<1x1x128xi32, #tpu.memory_space<vmem>> -> memref<1x1x128xi32, #tpu.memory_space<vmem>>
        %dma_start3A_378 = tpu.memref_squeeze %dma_start3A_377 : memref<1x1x128xi32, #tpu.memory_space<vmem>> -> memref<128xi32, #tpu.memory_space<vmem>>
        %dma_start3A_379 = tpu.memref_slice %arg3[%add3A_369] : memref<640000xi32, #tpu.memory_space<hbm>> -> memref<128xi32, #tpu.memory_space<hbm>>
        tpu.enqueue_dma source(%dma_start3A_379 : memref<128xi32, #tpu.memory_space<hbm>>) target(%dma_start3A_378 : memref<128xi32, #tpu.memory_space<vmem>>) target_semaphore(%arg19 : memref<!tpu.dma_semaphore, #tpu.memory_space<semaphore_mem>>)
      } else {
      }
    }
    %scan3A_119 = arith.constant 19 : i32
    %dma_wait3A_120 = arith.constant 0 : i32
    %dma_wait3A_121 = arith.constant 0 : i32
    %dma_wait3A_122 = arith.constant 0 : i32
    %dma_wait3A_123 = tpu.memref_slice %arg8[%dma_wait3A_120, %dma_wait3A_121, %dma_wait3A_122] : memref<1x1x128xi32, #tpu.memory_space<vmem>> -> memref<1x1x128xi32, #tpu.memory_space<vmem>>
    %dma_wait3A_124 = tpu.memref_squeeze %dma_wait3A_123 : memref<1x1x128xi32, #tpu.memory_space<vmem>> -> memref<128xi32, #tpu.memory_space<vmem>>
    %dma_wait3A_125 = arith.constant 0 : i32
    %dma_wait3A_126 = tpu.memref_slice %arg3[%dma_wait3A_125] : memref<640000xi32, #tpu.memory_space<hbm>> -> memref<128xi32, #tpu.memory_space<hbm>>
    %dma_wait3A_127 = arith.constant 0 : i32
    %dma_wait3A_128 = tpu.memref_slice %arg8[%dma_wait3A_120, %dma_wait3A_121, %dma_wait3A_127] : memref<1x1x128xi32, #tpu.memory_space<vmem>> -> memref<1x1x128xi32, #tpu.memory_space<vmem>>
    %dma_wait3A_129 = tpu.memref_squeeze %dma_wait3A_128 : memref<1x1x128xi32, #tpu.memory_space<vmem>> -> memref<128xi32, #tpu.memory_space<vmem>>
    %dma_wait3A_130 = arith.constant 0 : i32
    %dma_wait3A_131 = tpu.memref_slice %arg3[%dma_wait3A_130] : memref<640000xi32, #tpu.memory_space<hbm>> -> memref<128xi32, #tpu.memory_space<hbm>>
    tpu.wait_dma2 semaphore(%arg18 : memref<!tpu.dma_semaphore, #tpu.memory_space<semaphore_mem>>) src(%dma_wait3A_131 : memref<128xi32, #tpu.memory_space<hbm>>) dst(%dma_wait3A_129 : memref<128xi32, #tpu.memory_space<vmem>>)
    %dma_wait3A_132 = arith.constant 0 : i32
    %dma_wait3A_133 = arith.constant 0 : i32
    %dma_wait3A_134 = arith.constant 0 : i32
    %dma_wait3A_135 = tpu.memref_slice %arg12[%dma_wait3A_132, %dma_wait3A_133, %dma_wait3A_134] : memref<1x1x128xi32, #tpu.memory_space<vmem>> -> memref<1x1x128xi32, #tpu.memory_space<vmem>>
    %dma_wait3A_136 = tpu.memref_squeeze %dma_wait3A_135 : memref<1x1x128xi32, #tpu.memory_space<vmem>> -> memref<128xi32, #tpu.memory_space<vmem>>
    %dma_wait3A_137 = arith.constant 0 : i32
    %dma_wait3A_138 = tpu.memref_slice %arg3[%dma_wait3A_137] : memref<640000xi32, #tpu.memory_space<hbm>> -> memref<128xi32, #tpu.memory_space<hbm>>
    %dma_wait3A_139 = arith.constant 0 : i32
    %dma_wait3A_140 = tpu.memref_slice %arg12[%dma_wait3A_132, %dma_wait3A_133, %dma_wait3A_139] : memref<1x1x128xi32, #tpu.memory_space<vmem>> -> memref<1x1x128xi32, #tpu.memory_space<vmem>>
    %dma_wait3A_141 = tpu.memref_squeeze %dma_wait3A_140 : memref<1x1x128xi32, #tpu.memory_space<vmem>> -> memref<128xi32, #tpu.memory_space<vmem>>
    %dma_wait3A_142 = arith.constant 0 : i32
    %dma_wait3A_143 = tpu.memref_slice %arg3[%dma_wait3A_142] : memref<640000xi32, #tpu.memory_space<hbm>> -> memref<128xi32, #tpu.memory_space<hbm>>
    tpu.wait_dma2 semaphore(%arg18 : memref<!tpu.dma_semaphore, #tpu.memory_space<semaphore_mem>>) src(%dma_wait3A_143 : memref<128xi32, #tpu.memory_space<hbm>>) dst(%dma_wait3A_141 : memref<128xi32, #tpu.memory_space<vmem>>)
    %dma_wait3A_144 = arith.constant 0 : i32
    %dma_wait3A_145 = arith.constant 0 : i32
    %dma_wait3A_146 = arith.constant 0 : i32
    %dma_wait3A_147 = tpu.memref_slice %arg12[%dma_wait3A_144, %dma_wait3A_145, %dma_wait3A_146] : memref<1x1x128xi32, #tpu.memory_space<vmem>> -> memref<1x1x128xi32, #tpu.memory_space<vmem>>
    %dma_wait3A_148 = tpu.memref_squeeze %dma_wait3A_147 : memref<1x1x128xi32, #tpu.memory_space<vmem>> -> memref<128xi32, #tpu.memory_space<vmem>>
    %dma_wait3A_149 = arith.constant 0 : i32
    %dma_wait3A_150 = arith.constant 0 : i32
    %dma_wait3A_151 = tpu.memref_slice %arg6[%dma_wait3A_149, %dma_wait3A_150] : memref<10112x128xf32, #tpu.memory_space<vmem_shared>> -> memref<10112x128xf32, #tpu.memory_space<vmem_shared>>
    tpu.wait_indirect_dma semaphore(%arg24 : memref<!tpu.dma_semaphore, #tpu.memory_space<semaphore_mem>>) src(%arg16 : memref<128x128xf32, #tpu.memory_space<vmem>>) dst(%dma_wait3A_151 : memref<10112x128xf32, #tpu.memory_space<vmem_shared>>)
    %dma_start3A_152 = arith.constant 0 : i32
    %dma_start3A_153 = arith.constant 0 : i32
    %dma_start3A_154 = arith.constant 0 : i32
    %dma_start3A_155 = tpu.memref_slice %arg8[%dma_start3A_152, %dma_start3A_153, %dma_start3A_154] : memref<1x1x128xi32, #tpu.memory_space<vmem>> -> memref<1x1x128xi32, #tpu.memory_space<vmem>>
    %dma_start3A_156 = tpu.memref_squeeze %dma_start3A_155 : memref<1x1x128xi32, #tpu.memory_space<vmem>> -> memref<128xi32, #tpu.memory_space<vmem>>
    %dma_start3A_157 = arith.constant 0 : i32
    %dma_start3A_158 = arith.constant 0 : i32
    %dma_start3A_159 = tpu.memref_slice %arg2[%dma_start3A_157, %dma_start3A_158] : memref<10000x128xf32, #tpu.memory_space<hbm>> -> memref<10000x128xf32, #tpu.memory_space<hbm>>
    tpu.enqueue_indirect_dma source(%dma_start3A_159 : memref<10000x128xf32, #tpu.memory_space<hbm>>) target(%arg16 : memref<128x128xf32, #tpu.memory_space<vmem>>) offsets(%dma_start3A_156 : memref<128xi32, #tpu.memory_space<vmem>>) semaphore(%arg22 : memref<!tpu.dma_semaphore, #tpu.memory_space<semaphore_mem>>)
    %dma_wait3A_160 = arith.constant 0 : i32
    %dma_wait3A_161 = arith.constant 0 : i32
    %dma_wait3A_162 = arith.constant 0 : i32
    %dma_wait3A_163 = tpu.memref_slice %arg7[%dma_wait3A_160, %dma_wait3A_161, %dma_wait3A_162] : memref<1x1x128xi32, #tpu.memory_space<vmem>> -> memref<1x1x128xi32, #tpu.memory_space<vmem>>
    %dma_wait3A_164 = tpu.memref_squeeze %dma_wait3A_163 : memref<1x1x128xi32, #tpu.memory_space<vmem>> -> memref<128xi32, #tpu.memory_space<vmem>>
    %dma_wait3A_165 = arith.constant 0 : i32
    %dma_wait3A_166 = arith.constant 0 : i32
    %dma_wait3A_167 = tpu.memref_slice %arg2[%dma_wait3A_165, %dma_wait3A_166] : memref<10000x128xf32, #tpu.memory_space<hbm>> -> memref<10000x128xf32, #tpu.memory_space<hbm>>
    tpu.wait_indirect_dma semaphore(%arg21 : memref<!tpu.dma_semaphore, #tpu.memory_space<semaphore_mem>>) src(%dma_wait3A_167 : memref<10000x128xf32, #tpu.memory_space<hbm>>) dst(%arg15 : memref<128x128xf32, #tpu.memory_space<vmem>>)
    %dma_start3A_168 = arith.constant 0 : i32
    %dma_start3A_169 = arith.constant 0 : i32
    %dma_start3A_170 = arith.constant 0 : i32
    %dma_start3A_171 = tpu.memref_slice %arg11[%dma_start3A_168, %dma_start3A_169, %dma_start3A_170] : memref<1x1x128xi32, #tpu.memory_space<vmem>> -> memref<1x1x128xi32, #tpu.memory_space<vmem>>
    %dma_start3A_172 = tpu.memref_squeeze %dma_start3A_171 : memref<1x1x128xi32, #tpu.memory_space<vmem>> -> memref<128xi32, #tpu.memory_space<vmem>>
    %dma_start3A_173 = arith.constant 0 : i32
    %dma_start3A_174 = arith.constant 0 : i32
    %dma_start3A_175 = tpu.memref_slice %arg6[%dma_start3A_173, %dma_start3A_174] : memref<10112x128xf32, #tpu.memory_space<vmem_shared>> -> memref<10112x128xf32, #tpu.memory_space<vmem_shared>>
    tpu.enqueue_indirect_dma source(%arg15 : memref<128x128xf32, #tpu.memory_space<vmem>>) target(%dma_start3A_175 : memref<10112x128xf32, #tpu.memory_space<vmem_shared>>) offsets(%dma_start3A_172 : memref<128xi32, #tpu.memory_space<vmem>>) semaphore(%arg23 : memref<!tpu.dma_semaphore, #tpu.memory_space<semaphore_mem>>) {add = true}
    %dma_wait3A_176 = arith.constant 0 : i32
    %dma_wait3A_177 = arith.constant 0 : i32
    %dma_wait3A_178 = arith.constant 0 : i32
    %dma_wait3A_179 = tpu.memref_slice %arg7[%dma_wait3A_176, %dma_wait3A_177, %dma_wait3A_178] : memref<1x1x128xi32, #tpu.memory_space<vmem>> -> memref<1x1x128xi32, #tpu.memory_space<vmem>>
    %dma_wait3A_180 = tpu.memref_squeeze %dma_wait3A_179 : memref<1x1x128xi32, #tpu.memory_space<vmem>> -> memref<128xi32, #tpu.memory_space<vmem>>
    %dma_wait3A_181 = arith.constant 0 : i32
    %dma_wait3A_182 = arith.constant 0 : i32
    %dma_wait3A_183 = tpu.memref_slice %arg2[%dma_wait3A_181, %dma_wait3A_182] : memref<10000x128xf32, #tpu.memory_space<hbm>> -> memref<10000x128xf32, #tpu.memory_space<hbm>>
    tpu.wait_indirect_dma semaphore(%arg22 : memref<!tpu.dma_semaphore, #tpu.memory_space<semaphore_mem>>) src(%dma_wait3A_183 : memref<10000x128xf32, #tpu.memory_space<hbm>>) dst(%arg16 : memref<128x128xf32, #tpu.memory_space<vmem>>)
    %dma_start3A_184 = arith.constant 0 : i32
    %dma_start3A_185 = arith.constant 0 : i32
    %dma_start3A_186 = arith.constant 0 : i32
    %dma_start3A_187 = tpu.memref_slice %arg12[%dma_start3A_184, %dma_start3A_185, %dma_start3A_186] : memref<1x1x128xi32, #tpu.memory_space<vmem>> -> memref<1x1x128xi32, #tpu.memory_space<vmem>>
    %dma_start3A_188 = tpu.memref_squeeze %dma_start3A_187 : memref<1x1x128xi32, #tpu.memory_space<vmem>> -> memref<128xi32, #tpu.memory_space<vmem>>
    %dma_start3A_189 = arith.constant 0 : i32
    %dma_start3A_190 = arith.constant 0 : i32
    %dma_start3A_191 = tpu.memref_slice %arg6[%dma_start3A_189, %dma_start3A_190] : memref<10112x128xf32, #tpu.memory_space<vmem_shared>> -> memref<10112x128xf32, #tpu.memory_space<vmem_shared>>
    tpu.enqueue_indirect_dma source(%arg16 : memref<128x128xf32, #tpu.memory_space<vmem>>) target(%dma_start3A_191 : memref<10112x128xf32, #tpu.memory_space<vmem_shared>>) offsets(%dma_start3A_188 : memref<128xi32, #tpu.memory_space<vmem>>) semaphore(%arg24 : memref<!tpu.dma_semaphore, #tpu.memory_space<semaphore_mem>>) {add = true}
    %dma_wait3A_192 = arith.constant 0 : i32
    %dma_wait3A_193 = arith.constant 0 : i32
    %dma_wait3A_194 = arith.constant 0 : i32
    %dma_wait3A_195 = tpu.memref_slice %arg11[%dma_wait3A_192, %dma_wait3A_193, %dma_wait3A_194] : memref<1x1x128xi32, #tpu.memory_space<vmem>> -> memref<1x1x128xi32, #tpu.memory_space<vmem>>
    %dma_wait3A_196 = tpu.memref_squeeze %dma_wait3A_195 : memref<1x1x128xi32, #tpu.memory_space<vmem>> -> memref<128xi32, #tpu.memory_space<vmem>>
    %dma_wait3A_197 = arith.constant 0 : i32
    %dma_wait3A_198 = arith.constant 0 : i32
    %dma_wait3A_199 = tpu.memref_slice %arg6[%dma_wait3A_197, %dma_wait3A_198] : memref<10112x128xf32, #tpu.memory_space<vmem_shared>> -> memref<10112x128xf32, #tpu.memory_space<vmem_shared>>
    tpu.wait_indirect_dma semaphore(%arg23 : memref<!tpu.dma_semaphore, #tpu.memory_space<semaphore_mem>>) src(%arg15 : memref<128x128xf32, #tpu.memory_space<vmem>>) dst(%dma_wait3A_199 : memref<10112x128xf32, #tpu.memory_space<vmem_shared>>)
    %dma_wait3A_200 = arith.constant 0 : i32
    %dma_wait3A_201 = arith.constant 0 : i32
    %dma_wait3A_202 = arith.constant 0 : i32
    %dma_wait3A_203 = tpu.memref_slice %arg12[%dma_wait3A_200, %dma_wait3A_201, %dma_wait3A_202] : memref<1x1x128xi32, #tpu.memory_space<vmem>> -> memref<1x1x128xi32, #tpu.memory_space<vmem>>
    %dma_wait3A_204 = tpu.memref_squeeze %dma_wait3A_203 : memref<1x1x128xi32, #tpu.memory_space<vmem>> -> memref<128xi32, #tpu.memory_space<vmem>>
    %dma_wait3A_205 = arith.constant 0 : i32
    %dma_wait3A_206 = arith.constant 0 : i32
    %dma_wait3A_207 = tpu.memref_slice %arg6[%dma_wait3A_205, %dma_wait3A_206] : memref<10112x128xf32, #tpu.memory_space<vmem_shared>> -> memref<10112x128xf32, #tpu.memory_space<vmem_shared>>
    tpu.wait_indirect_dma semaphore(%arg24 : memref<!tpu.dma_semaphore, #tpu.memory_space<semaphore_mem>>) src(%arg16 : memref<128x128xf32, #tpu.memory_space<vmem>>) dst(%dma_wait3A_207 : memref<10112x128xf32, #tpu.memory_space<vmem_shared>>)
    %lt3A = arith.constant 4 : i32
    %lt3A_208 = arith.cmpi slt, %add3A, %lt3A : i32
    %convert_element_type3A = arith.extui %lt3A_208 : i1 to i32
    %cond3A = arith.constant 0 : i32
    %cond3A_209 = arith.cmpi ne, %convert_element_type3A, %cond3A : i32
    scf.if %cond3A_209 {
      %add3A_215 = arith.constant 2496 : i32
      %add3A_216 = arith.addi %add3A_215, %add3A : i32
      %mul3A_217 = arith.constant 128 : i32
      %mul3A_218 = arith.muli %add3A_216, %mul3A_217 : i32
      %multiple_of3A_219 = tpu.assume_multiple %mul3A_218, 128 : i32
      %dma_start3A_220 = arith.constant 0 : i32
      %dma_start3A_221 = arith.constant 0 : i32
      %dma_start3A_222 = arith.constant 0 : i32
      %dma_start3A_223 = tpu.memref_slice %arg7[%dma_start3A_220, %dma_start3A_221, %dma_start3A_222] : memref<1x1x128xi32, #tpu.memory_space<vmem>> -> memref<1x1x128xi32, #tpu.memory_space<vmem>>
      %dma_start3A_224 = tpu.memref_squeeze %dma_start3A_223 : memref<1x1x128xi32, #tpu.memory_space<vmem>> -> memref<128xi32, #tpu.memory_space<vmem>>
      %dma_start3A_225 = tpu.memref_slice %arg3[%multiple_of3A_219] : memref<640000xi32, #tpu.memory_space<hbm>> -> memref<128xi32, #tpu.memory_space<hbm>>
      %dma_start3A_226 = arith.constant 0 : i32
      %dma_start3A_227 = tpu.memref_slice %arg7[%dma_start3A_220, %dma_start3A_221, %dma_start3A_226] : memref<1x1x128xi32, #tpu.memory_space<vmem>> -> memref<1x1x128xi32, #tpu.memory_space<vmem>>
      %dma_start3A_228 = tpu.memref_squeeze %dma_start3A_227 : memref<1x1x128xi32, #tpu.memory_space<vmem>> -> memref<128xi32, #tpu.memory_space<vmem>>
      %dma_start3A_229 = tpu.memref_slice %arg3[%multiple_of3A_219] : memref<640000xi32, #tpu.memory_space<hbm>> -> memref<128xi32, #tpu.memory_space<hbm>>
      tpu.enqueue_dma source(%dma_start3A_229 : memref<128xi32, #tpu.memory_space<hbm>>) target(%dma_start3A_228 : memref<128xi32, #tpu.memory_space<vmem>>) target_semaphore(%arg17 : memref<!tpu.dma_semaphore, #tpu.memory_space<semaphore_mem>>)
      %add3A_230 = arith.constant 320000 : i32
      %add3A_231 = arith.addi %add3A_230, %multiple_of3A_219 : i32
      %dma_start3A_232 = arith.constant 0 : i32
      %dma_start3A_233 = arith.constant 0 : i32
      %dma_start3A_234 = arith.constant 0 : i32
      %dma_start3A_235 = tpu.memref_slice %arg11[%dma_start3A_232, %dma_start3A_233, %dma_start3A_234] : memref<1x1x128xi32, #tpu.memory_space<vmem>> -> memref<1x1x128xi32, #tpu.memory_space<vmem>>
      %dma_start3A_236 = tpu.memref_squeeze %dma_start3A_235 : memref<1x1x128xi32, #tpu.memory_space<vmem>> -> memref<128xi32, #tpu.memory_space<vmem>>
      %dma_start3A_237 = tpu.memref_slice %arg3[%add3A_231] : memref<640000xi32, #tpu.memory_space<hbm>> -> memref<128xi32, #tpu.memory_space<hbm>>
      %dma_start3A_238 = arith.constant 0 : i32
      %dma_start3A_239 = tpu.memref_slice %arg11[%dma_start3A_232, %dma_start3A_233, %dma_start3A_238] : memref<1x1x128xi32, #tpu.memory_space<vmem>> -> memref<1x1x128xi32, #tpu.memory_space<vmem>>
      %dma_start3A_240 = tpu.memref_squeeze %dma_start3A_239 : memref<1x1x128xi32, #tpu.memory_space<vmem>> -> memref<128xi32, #tpu.memory_space<vmem>>
      %dma_start3A_241 = tpu.memref_slice %arg3[%add3A_231] : memref<640000xi32, #tpu.memory_space<hbm>> -> memref<128xi32, #tpu.memory_space<hbm>>
      tpu.enqueue_dma source(%dma_start3A_241 : memref<128xi32, #tpu.memory_space<hbm>>) target(%dma_start3A_240 : memref<128xi32, #tpu.memory_space<vmem>>) target_semaphore(%arg17 : memref<!tpu.dma_semaphore, #tpu.memory_space<semaphore_mem>>)
      %dma_wait3A_242 = arith.constant 0 : i32
      %dma_wait3A_243 = arith.constant 0 : i32
      %dma_wait3A_244 = arith.constant 0 : i32
      %dma_wait3A_245 = tpu.memref_slice %arg7[%dma_wait3A_242, %dma_wait3A_243, %dma_wait3A_244] : memref<1x1x128xi32, #tpu.memory_space<vmem>> -> memref<1x1x128xi32, #tpu.memory_space<vmem>>
      %dma_wait3A_246 = tpu.memref_squeeze %dma_wait3A_245 : memref<1x1x128xi32, #tpu.memory_space<vmem>> -> memref<128xi32, #tpu.memory_space<vmem>>
      %dma_wait3A_247 = arith.constant 0 : i32
      %dma_wait3A_248 = tpu.memref_slice %arg3[%dma_wait3A_247] : memref<640000xi32, #tpu.memory_space<hbm>> -> memref<128xi32, #tpu.memory_space<hbm>>
      %dma_wait3A_249 = arith.constant 0 : i32
      %dma_wait3A_250 = tpu.memref_slice %arg7[%dma_wait3A_242, %dma_wait3A_243, %dma_wait3A_249] : memref<1x1x128xi32, #tpu.memory_space<vmem>> -> memref<1x1x128xi32, #tpu.memory_space<vmem>>
      %dma_wait3A_251 = tpu.memref_squeeze %dma_wait3A_250 : memref<1x1x128xi32, #tpu.memory_space<vmem>> -> memref<128xi32, #tpu.memory_space<vmem>>
      %dma_wait3A_252 = arith.constant 0 : i32
      %dma_wait3A_253 = tpu.memref_slice %arg3[%dma_wait3A_252] : memref<640000xi32, #tpu.memory_space<hbm>> -> memref<128xi32, #tpu.memory_space<hbm>>
      tpu.wait_dma2 semaphore(%arg17 : memref<!tpu.dma_semaphore, #tpu.memory_space<semaphore_mem>>) src(%dma_wait3A_253 : memref<128xi32, #tpu.memory_space<hbm>>) dst(%dma_wait3A_251 : memref<128xi32, #tpu.memory_space<vmem>>)
      %dma_wait3A_254 = arith.constant 0 : i32
      %dma_wait3A_255 = arith.constant 0 : i32
      %dma_wait3A_256 = arith.constant 0 : i32
      %dma_wait3A_257 = tpu.memref_slice %arg11[%dma_wait3A_254, %dma_wait3A_255, %dma_wait3A_256] : memref<1x1x128xi32, #tpu.memory_space<vmem>> -> memref<1x1x128xi32, #tpu.memory_space<vmem>>
      %dma_wait3A_258 = tpu.memref_squeeze %dma_wait3A_257 : memref<1x1x128xi32, #tpu.memory_space<vmem>> -> memref<128xi32, #tpu.memory_space<vmem>>
      %dma_wait3A_259 = arith.constant 0 : i32
      %dma_wait3A_260 = tpu.memref_slice %arg3[%dma_wait3A_259] : memref<640000xi32, #tpu.memory_space<hbm>> -> memref<128xi32, #tpu.memory_space<hbm>>
      %dma_wait3A_261 = arith.constant 0 : i32
      %dma_wait3A_262 = tpu.memref_slice %arg11[%dma_wait3A_254, %dma_wait3A_255, %dma_wait3A_261] : memref<1x1x128xi32, #tpu.memory_space<vmem>> -> memref<1x1x128xi32, #tpu.memory_space<vmem>>
      %dma_wait3A_263 = tpu.memref_squeeze %dma_wait3A_262 : memref<1x1x128xi32, #tpu.memory_space<vmem>> -> memref<128xi32, #tpu.memory_space<vmem>>
      %dma_wait3A_264 = arith.constant 0 : i32
      %dma_wait3A_265 = tpu.memref_slice %arg3[%dma_wait3A_264] : memref<640000xi32, #tpu.memory_space<hbm>> -> memref<128xi32, #tpu.memory_space<hbm>>
      tpu.wait_dma2 semaphore(%arg17 : memref<!tpu.dma_semaphore, #tpu.memory_space<semaphore_mem>>) src(%dma_wait3A_265 : memref<128xi32, #tpu.memory_space<hbm>>) dst(%dma_wait3A_263 : memref<128xi32, #tpu.memory_space<vmem>>)
      %dma_start3A_266 = arith.constant 0 : i32
      %dma_start3A_267 = arith.constant 0 : i32
      %dma_start3A_268 = arith.constant 0 : i32
      %dma_start3A_269 = tpu.memref_slice %arg7[%dma_start3A_266, %dma_start3A_267, %dma_start3A_268] : memref<1x1x128xi32, #tpu.memory_space<vmem>> -> memref<1x1x128xi32, #tpu.memory_space<vmem>>
      %dma_start3A_270 = tpu.memref_squeeze %dma_start3A_269 : memref<1x1x128xi32, #tpu.memory_space<vmem>> -> memref<128xi32, #tpu.memory_space<vmem>>
      %dma_start3A_271 = arith.constant 0 : i32
      %dma_start3A_272 = arith.constant 0 : i32
      %dma_start3A_273 = tpu.memref_slice %arg2[%dma_start3A_271, %dma_start3A_272] : memref<10000x128xf32, #tpu.memory_space<hbm>> -> memref<10000x128xf32, #tpu.memory_space<hbm>>
      tpu.enqueue_indirect_dma source(%dma_start3A_273 : memref<10000x128xf32, #tpu.memory_space<hbm>>) target(%arg15 : memref<128x128xf32, #tpu.memory_space<vmem>>) offsets(%dma_start3A_270 : memref<128xi32, #tpu.memory_space<vmem>>) semaphore(%arg21 : memref<!tpu.dma_semaphore, #tpu.memory_space<semaphore_mem>>)
      %dma_wait3A_274 = arith.constant 0 : i32
      %dma_wait3A_275 = arith.constant 0 : i32
      %dma_wait3A_276 = arith.constant 0 : i32
      %dma_wait3A_277 = tpu.memref_slice %arg7[%dma_wait3A_274, %dma_wait3A_275, %dma_wait3A_276] : memref<1x1x128xi32, #tpu.memory_space<vmem>> -> memref<1x1x128xi32, #tpu.memory_space<vmem>>
      %dma_wait3A_278 = tpu.memref_squeeze %dma_wait3A_277 : memref<1x1x128xi32, #tpu.memory_space<vmem>> -> memref<128xi32, #tpu.memory_space<vmem>>
      %dma_wait3A_279 = arith.constant 0 : i32
      %dma_wait3A_280 = arith.constant 0 : i32
      %dma_wait3A_281 = tpu.memref_slice %arg2[%dma_wait3A_279, %dma_wait3A_280] : memref<10000x128xf32, #tpu.memory_space<hbm>> -> memref<10000x128xf32, #tpu.memory_space<hbm>>
      tpu.wait_indirect_dma semaphore(%arg21 : memref<!tpu.dma_semaphore, #tpu.memory_space<semaphore_mem>>) src(%dma_wait3A_281 : memref<10000x128xf32, #tpu.memory_space<hbm>>) dst(%arg15 : memref<128x128xf32, #tpu.memory_space<vmem>>)
      %dma_start3A_282 = arith.constant 0 : i32
      %dma_start3A_283 = arith.constant 0 : i32
      %dma_start3A_284 = arith.constant 0 : i32
      %dma_start3A_285 = tpu.memref_slice %arg11[%dma_start3A_282, %dma_start3A_283, %dma_start3A_284] : memref<1x1x128xi32, #tpu.memory_space<vmem>> -> memref<1x1x128xi32, #tpu.memory_space<vmem>>
      %dma_start3A_286 = tpu.memref_squeeze %dma_start3A_285 : memref<1x1x128xi32, #tpu.memory_space<vmem>> -> memref<128xi32, #tpu.memory_space<vmem>>
      %dma_start3A_287 = arith.constant 0 : i32
      %dma_start3A_288 = arith.constant 0 : i32
      %dma_start3A_289 = tpu.memref_slice %arg6[%dma_start3A_287, %dma_start3A_288] : memref<10112x128xf32, #tpu.memory_space<vmem_shared>> -> memref<10112x128xf32, #tpu.memory_space<vmem_shared>>
      tpu.enqueue_indirect_dma source(%arg15 : memref<128x128xf32, #tpu.memory_space<vmem>>) target(%dma_start3A_289 : memref<10112x128xf32, #tpu.memory_space<vmem_shared>>) offsets(%dma_start3A_286 : memref<128xi32, #tpu.memory_space<vmem>>) semaphore(%arg23 : memref<!tpu.dma_semaphore, #tpu.memory_space<semaphore_mem>>) {add = true}
      %dma_wait3A_290 = arith.constant 0 : i32
      %dma_wait3A_291 = arith.constant 0 : i32
      %dma_wait3A_292 = arith.constant 0 : i32
      %dma_wait3A_293 = tpu.memref_slice %arg11[%dma_wait3A_290, %dma_wait3A_291, %dma_wait3A_292] : memref<1x1x128xi32, #tpu.memory_space<vmem>> -> memref<1x1x128xi32, #tpu.memory_space<vmem>>
      %dma_wait3A_294 = tpu.memref_squeeze %dma_wait3A_293 : memref<1x1x128xi32, #tpu.memory_space<vmem>> -> memref<128xi32, #tpu.memory_space<vmem>>
      %dma_wait3A_295 = arith.constant 0 : i32
      %dma_wait3A_296 = arith.constant 0 : i32
      %dma_wait3A_297 = tpu.memref_slice %arg6[%dma_wait3A_295, %dma_wait3A_296] : memref<10112x128xf32, #tpu.memory_space<vmem_shared>> -> memref<10112x128xf32, #tpu.memory_space<vmem_shared>>
      tpu.wait_indirect_dma semaphore(%arg23 : memref<!tpu.dma_semaphore, #tpu.memory_space<semaphore_mem>>) src(%arg15 : memref<128x128xf32, #tpu.memory_space<vmem>>) dst(%dma_wait3A_297 : memref<10112x128xf32, #tpu.memory_space<vmem_shared>>)
    } else {
    }
    %barrier3A_210 = arith.constant 0 : index
    tpu.barrier barrier_id(%barrier3A_210)
    %mul3A_211 = arith.constant 632 : i32
    %mul3A_212 = arith.muli %arg1, %mul3A_211 : i32
    %mul3A_213 = arith.constant 632 : i32
    %mul3A_214 = arith.muli %arg1, %mul3A_213 : i32
    "tpu.region"() ({
      %run_scoped3A = tpu.sem_alloc : memref<!tpu.dma_semaphore, #tpu.memory_space<semaphore_mem>>
      %dma_start3A_215 = arith.constant 0 : i32
      %dma_start3A_216 = tpu.memref_slice %arg5[%arg0, %mul3A_214, %dma_start3A_215] : memref<2x10112x128xf32, #tpu.memory_space<hbm>> -> memref<1x632x128xf32, #tpu.memory_space<hbm>>
      %dma_start3A_217 = tpu.memref_squeeze %dma_start3A_216 : memref<1x632x128xf32, #tpu.memory_space<hbm>> -> memref<632x128xf32, #tpu.memory_space<hbm>>
      %dma_start3A_218 = arith.constant 0 : i32
      %dma_start3A_219 = tpu.memref_slice %arg6[%mul3A_212, %dma_start3A_218] : memref<10112x128xf32, #tpu.memory_space<vmem_shared>> -> memref<632x128xf32, #tpu.memory_space<vmem_shared>>
      tpu.enqueue_dma source(%dma_start3A_219 : memref<632x128xf32, #tpu.memory_space<vmem_shared>>) target(%dma_start3A_217 : memref<632x128xf32, #tpu.memory_space<hbm>>) target_semaphore(%run_scoped3A : memref<!tpu.dma_semaphore, #tpu.memory_space<semaphore_mem>>)
      %dma_wait3A_220 = arith.constant 0 : i32
      %dma_wait3A_221 = tpu.memref_slice %arg5[%arg0, %mul3A_214, %dma_wait3A_220] : memref<2x10112x128xf32, #tpu.memory_space<hbm>> -> memref<1x632x128xf32, #tpu.memory_space<hbm>>
      %dma_wait3A_222 = tpu.memref_squeeze %dma_wait3A_221 : memref<1x632x128xf32, #tpu.memory_space<hbm>> -> memref<632x128xf32, #tpu.memory_space<hbm>>
      %dma_wait3A_223 = arith.constant 0 : i32
      %dma_wait3A_224 = tpu.memref_slice %arg6[%mul3A_212, %dma_wait3A_223] : memref<10112x128xf32, #tpu.memory_space<vmem_shared>> -> memref<632x128xf32, #tpu.memory_space<vmem_shared>>
      tpu.wait_dma2 semaphore(%run_scoped3A : memref<!tpu.dma_semaphore, #tpu.memory_space<semaphore_mem>>) src(%dma_wait3A_224 : memref<632x128xf32, #tpu.memory_space<vmem_shared>>) dst(%dma_wait3A_222 : memref<632x128xf32, #tpu.memory_space<hbm>>)
      tpu.yield
    }) : () -> ()
    return
  }
}

#map = affine_map<(d0, d1) -> (0, 0)>
#map1 = affine_map<(d0, d1) -> (0)>
#map2 = affine_map<(d0, d1) -> (0, 0, 0)>
module attributes {stable_mosaic.version = 14 : i64} {
  func.func @agg(%arg0: i32, %arg1: i32, %arg2: memref<10000x128xf32, #tpu.memory_space<hbm>>, %arg3: memref<640000xi32, #tpu.memory_space<hbm>>, %arg4: memref<10112x128xf32, #tpu.memory_space<hbm>>, %arg5: memref<2x10112x128xf32, #tpu.memory_space<hbm>>, %arg6: memref<10112x128xf32, #tpu.memory_space<vmem_shared>>, %arg7: memref<1x1x128xi32, #tpu.memory_space<vmem>>, %arg8: memref<1x1x128xi32, #tpu.memory_space<vmem>>, %arg9: memref<1x1x128xi32, #tpu.memory_space<vmem>>, %arg10: memref<1x1x128xi32, #tpu.memory_space<vmem>>, %arg11: memref<1x1x128xi32, #tpu.memory_space<vmem>>, %arg12: memref<1x1x128xi32, #tpu.memory_space<vmem>>, %arg13: memref<1x1x128xi32, #tpu.memory_space<vmem>>, %arg14: memref<1x1x128xi32, #tpu.memory_space<vmem>>, %arg15: memref<128x128xf32, #tpu.memory_space<vmem>>, %arg16: memref<128x128xf32, #tpu.memory_space<vmem>>, %arg17: memref<!tpu.dma_semaphore, #tpu.memory_space<semaphore_mem>>, %arg18: memref<!tpu.dma_semaphore, #tpu.memory_space<semaphore_mem>>, %arg19: memref<!tpu.dma_semaphore, #tpu.memory_space<semaphore_mem>>, %arg20: memref<!tpu.dma_semaphore, #tpu.memory_space<semaphore_mem>>, %arg21: memref<!tpu.dma_semaphore, #tpu.memory_space<semaphore_mem>>, %arg22: memref<!tpu.dma_semaphore, #tpu.memory_space<semaphore_mem>>, %arg23: memref<!tpu.dma_semaphore, #tpu.memory_space<semaphore_mem>>, %arg24: memref<!tpu.dma_semaphore, #tpu.memory_space<semaphore_mem>>) attributes {dimension_semantics = [#tpu.dimension_semantics<core_parallel>, #tpu.dimension_semantics<subcore_parallel>], iteration_bounds = array<i64: 2, 16>, scalar_prefetch = 0 : i64, scratch_operands = 19 : i64, tpu.core_type = #tpu.core_type<sc_vector_subcore>, window_params = [{transform_indices = #map}, {transform_indices = #map1}, {transform_indices = #map}, {transform_indices = #map2}]} {
    %mul3A = arith.constant 2 : i32
    %mul3A_0 = arith.muli %arg1, %mul3A : i32
    %add3A = arith.addi %mul3A_0, %arg0 : i32
    %mul3A_1 = arith.constant 632 : i32
    %mul3A_2 = arith.muli %arg1, %mul3A_1 : i32
    %mul3A_3 = arith.constant 632 : i32
    %mul3A_4 = arith.muli %arg1, %mul3A_3 : i32
    "tpu.region"() ({
      %run_scoped3A = tpu.sem_alloc : memref<!tpu.dma_semaphore, #tpu.memory_space<semaphore_mem>>
      %dma_start3A_215 = arith.constant 0 : i32
      %dma_start3A_216 = tpu.memref_slice %arg6[%mul3A_4, %dma_start3A_215] : memref<10112x128xf32, #tpu.memory_space<vmem_shared>> -> memref<632x128xf32, #tpu.memory_space<vmem_shared>>
      %dma_start3A_217 = arith.constant 0 : i32
      %dma_start3A_218 = tpu.memref_slice %arg4[%mul3A_2, %dma_start3A_217] : memref<10112x128xf32, #tpu.memory_space<hbm>> -> memref<632x128xf32, #tpu.memory_space<hbm>>
      tpu.enqueue_dma source(%dma_start3A_218 : memref<632x128xf32, #tpu.memory_space<hbm>>) target(%dma_start3A_216 : memref<632x128xf32, #tpu.memory_space<vmem_shared>>) target_semaphore(%run_scoped3A : memref<!tpu.dma_semaphore, #tpu.memory_space<semaphore_mem>>)
      %dma_wait3A_219 = arith.constant 0 : i32
      %dma_wait3A_220 = tpu.memref_slice %arg6[%mul3A_4, %dma_wait3A_219] : memref<10112x128xf32, #tpu.memory_space<vmem_shared>> -> memref<632x128xf32, #tpu.memory_space<vmem_shared>>
      %dma_wait3A_221 = arith.constant 0 : i32
      %dma_wait3A_222 = tpu.memref_slice %arg4[%mul3A_2, %dma_wait3A_221] : memref<10112x128xf32, #tpu.memory_space<hbm>> -> memref<632x128xf32, #tpu.memory_space<hbm>>
      tpu.wait_dma2 semaphore(%run_scoped3A : memref<!tpu.dma_semaphore, #tpu.memory_space<semaphore_mem>>) src(%dma_wait3A_222 : memref<632x128xf32, #tpu.memory_space<hbm>>) dst(%dma_wait3A_220 : memref<632x128xf32, #tpu.memory_space<vmem_shared>>)
      tpu.yield
    }) : () -> ()
    %mul3A_5 = arith.constant 78 : i32
    %mul3A_6 = arith.muli %add3A, %mul3A_5 : i32
    %mul3A_7 = arith.constant 128 : i32
    %mul3A_8 = arith.muli %mul3A_6, %mul3A_7 : i32
    %multiple_of3A = tpu.assume_multiple %mul3A_8, 128 : i32
    %dma_start3A = arith.constant 0 : i32
    %dma_start3A_9 = arith.constant 0 : i32
    %dma_start3A_10 = arith.constant 0 : i32
    %dma_start3A_11 = tpu.memref_slice %arg7[%dma_start3A, %dma_start3A_9, %dma_start3A_10] : memref<1x1x128xi32, #tpu.memory_space<vmem>> -> memref<1x1x128xi32, #tpu.memory_space<vmem>>
    %dma_start3A_12 = tpu.memref_squeeze %dma_start3A_11 : memref<1x1x128xi32, #tpu.memory_space<vmem>> -> memref<128xi32, #tpu.memory_space<vmem>>
    %dma_start3A_13 = tpu.memref_slice %arg3[%multiple_of3A] : memref<640000xi32, #tpu.memory_space<hbm>> -> memref<128xi32, #tpu.memory_space<hbm>>
    %dma_start3A_14 = arith.constant 0 : i32
    %dma_start3A_15 = tpu.memref_slice %arg7[%dma_start3A, %dma_start3A_9, %dma_start3A_14] : memref<1x1x128xi32, #tpu.memory_space<vmem>> -> memref<1x1x128xi32, #tpu.memory_space<vmem>>
    %dma_start3A_16 = tpu.memref_squeeze %dma_start3A_15 : memref<1x1x128xi32, #tpu.memory_space<vmem>> -> memref<128xi32, #tpu.memory_space<vmem>>
    %dma_start3A_17 = tpu.memref_slice %arg3[%multiple_of3A] : memref<640000xi32, #tpu.memory_space<hbm>> -> memref<128xi32, #tpu.memory_space<hbm>>
    tpu.enqueue_dma source(%dma_start3A_17 : memref<128xi32, #tpu.memory_space<hbm>>) target(%dma_start3A_16 : memref<128xi32, #tpu.memory_space<vmem>>) target_semaphore(%arg17 : memref<!tpu.dma_semaphore, #tpu.memory_space<semaphore_mem>>)
    %add3A_18 = arith.constant 320000 : i32
    %add3A_19 = arith.addi %add3A_18, %multiple_of3A : i32
    %dma_start3A_20 = arith.constant 0 : i32
    %dma_start3A_21 = arith.constant 0 : i32
    %dma_start3A_22 = arith.constant 0 : i32
    %dma_start3A_23 = tpu.memref_slice %arg11[%dma_start3A_20, %dma_start3A_21, %dma_start3A_22] : memref<1x1x128xi32, #tpu.memory_space<vmem>> -> memref<1x1x128xi32, #tpu.memory_space<vmem>>
    %dma_start3A_24 = tpu.memref_squeeze %dma_start3A_23 : memref<1x1x128xi32, #tpu.memory_space<vmem>> -> memref<128xi32, #tpu.memory_space<vmem>>
    %dma_start3A_25 = tpu.memref_slice %arg3[%add3A_19] : memref<640000xi32, #tpu.memory_space<hbm>> -> memref<128xi32, #tpu.memory_space<hbm>>
    %dma_start3A_26 = arith.constant 0 : i32
    %dma_start3A_27 = tpu.memref_slice %arg11[%dma_start3A_20, %dma_start3A_21, %dma_start3A_26] : memref<1x1x128xi32, #tpu.memory_space<vmem>> -> memref<1x1x128xi32, #tpu.memory_space<vmem>>
    %dma_start3A_28 = tpu.memref_squeeze %dma_start3A_27 : memref<1x1x128xi32, #tpu.memory_space<vmem>> -> memref<128xi32, #tpu.memory_space<vmem>>
    %dma_start3A_29 = tpu.memref_slice %arg3[%add3A_19] : memref<640000xi32, #tpu.memory_space<hbm>> -> memref<128xi32, #tpu.memory_space<hbm>>
    tpu.enqueue_dma source(%dma_start3A_29 : memref<128xi32, #tpu.memory_space<hbm>>) target(%dma_start3A_28 : memref<128xi32, #tpu.memory_space<vmem>>) target_semaphore(%arg17 : memref<!tpu.dma_semaphore, #tpu.memory_space<semaphore_mem>>)
    %barrier3A = arith.constant 0 : index
    tpu.barrier barrier_id(%barrier3A)
    %dma_wait3A = arith.constant 0 : i32
    %dma_wait3A_30 = arith.constant 0 : i32
    %dma_wait3A_31 = arith.constant 0 : i32
    %dma_wait3A_32 = tpu.memref_slice %arg7[%dma_wait3A, %dma_wait3A_30, %dma_wait3A_31] : memref<1x1x128xi32, #tpu.memory_space<vmem>> -> memref<1x1x128xi32, #tpu.memory_space<vmem>>
    %dma_wait3A_33 = tpu.memref_squeeze %dma_wait3A_32 : memref<1x1x128xi32, #tpu.memory_space<vmem>> -> memref<128xi32, #tpu.memory_space<vmem>>
    %dma_wait3A_34 = arith.constant 0 : i32
    %dma_wait3A_35 = tpu.memref_slice %arg3[%dma_wait3A_34] : memref<640000xi32, #tpu.memory_space<hbm>> -> memref<128xi32, #tpu.memory_space<hbm>>
    %dma_wait3A_36 = arith.constant 0 : i32
    %dma_wait3A_37 = tpu.memref_slice %arg7[%dma_wait3A, %dma_wait3A_30, %dma_wait3A_36] : memref<1x1x128xi32, #tpu.memory_space<vmem>> -> memref<1x1x128xi32, #tpu.memory_space<vmem>>
    %dma_wait3A_38 = tpu.memref_squeeze %dma_wait3A_37 : memref<1x1x128xi32, #tpu.memory_space<vmem>> -> memref<128xi32, #tpu.memory_space<vmem>>
    %dma_wait3A_39 = arith.constant 0 : i32
    %dma_wait3A_40 = tpu.memref_slice %arg3[%dma_wait3A_39] : memref<640000xi32, #tpu.memory_space<hbm>> -> memref<128xi32, #tpu.memory_space<hbm>>
    tpu.wait_dma2 semaphore(%arg17 : memref<!tpu.dma_semaphore, #tpu.memory_space<semaphore_mem>>) src(%dma_wait3A_40 : memref<128xi32, #tpu.memory_space<hbm>>) dst(%dma_wait3A_38 : memref<128xi32, #tpu.memory_space<vmem>>)
    %dma_wait3A_41 = arith.constant 0 : i32
    %dma_wait3A_42 = arith.constant 0 : i32
    %dma_wait3A_43 = arith.constant 0 : i32
    %dma_wait3A_44 = tpu.memref_slice %arg11[%dma_wait3A_41, %dma_wait3A_42, %dma_wait3A_43] : memref<1x1x128xi32, #tpu.memory_space<vmem>> -> memref<1x1x128xi32, #tpu.memory_space<vmem>>
    %dma_wait3A_45 = tpu.memref_squeeze %dma_wait3A_44 : memref<1x1x128xi32, #tpu.memory_space<vmem>> -> memref<128xi32, #tpu.memory_space<vmem>>
    %dma_wait3A_46 = arith.constant 0 : i32
    %dma_wait3A_47 = tpu.memref_slice %arg3[%dma_wait3A_46] : memref<640000xi32, #tpu.memory_space<hbm>> -> memref<128xi32, #tpu.memory_space<hbm>>
    %dma_wait3A_48 = arith.constant 0 : i32
    %dma_wait3A_49 = tpu.memref_slice %arg11[%dma_wait3A_41, %dma_wait3A_42, %dma_wait3A_48] : memref<1x1x128xi32, #tpu.memory_space<vmem>> -> memref<1x1x128xi32, #tpu.memory_space<vmem>>
    %dma_wait3A_50 = tpu.memref_squeeze %dma_wait3A_49 : memref<1x1x128xi32, #tpu.memory_space<vmem>> -> memref<128xi32, #tpu.memory_space<vmem>>
    %dma_wait3A_51 = arith.constant 0 : i32
    %dma_wait3A_52 = tpu.memref_slice %arg3[%dma_wait3A_51] : memref<640000xi32, #tpu.memory_space<hbm>> -> memref<128xi32, #tpu.memory_space<hbm>>
    tpu.wait_dma2 semaphore(%arg17 : memref<!tpu.dma_semaphore, #tpu.memory_space<semaphore_mem>>) src(%dma_wait3A_52 : memref<128xi32, #tpu.memory_space<hbm>>) dst(%dma_wait3A_50 : memref<128xi32, #tpu.memory_space<vmem>>)
    %dma_start3A_53 = arith.constant 0 : i32
    %dma_start3A_54 = arith.constant 0 : i32
    %dma_start3A_55 = arith.constant 0 : i32
    %dma_start3A_56 = tpu.memref_slice %arg7[%dma_start3A_53, %dma_start3A_54, %dma_start3A_55] : memref<1x1x128xi32, #tpu.memory_space<vmem>> -> memref<1x1x128xi32, #tpu.memory_space<vmem>>
    %dma_start3A_57 = tpu.memref_squeeze %dma_start3A_56 : memref<1x1x128xi32, #tpu.memory_space<vmem>> -> memref<128xi32, #tpu.memory_space<vmem>>
    %dma_start3A_58 = arith.constant 0 : i32
    %dma_start3A_59 = arith.constant 0 : i32
    %dma_start3A_60 = tpu.memref_slice %arg2[%dma_start3A_58, %dma_start3A_59] : memref<10000x128xf32, #tpu.memory_space<hbm>> -> memref<10000x128xf32, #tpu.memory_space<hbm>>
    tpu.enqueue_indirect_dma source(%dma_start3A_60 : memref<10000x128xf32, #tpu.memory_space<hbm>>) target(%arg15 : memref<128x128xf32, #tpu.memory_space<vmem>>) offsets(%dma_start3A_57 : memref<128xi32, #tpu.memory_space<vmem>>) semaphore(%arg21 : memref<!tpu.dma_semaphore, #tpu.memory_space<semaphore_mem>>)
    %add3A_61 = arith.constant 1 : i32
    %add3A_62 = arith.addi %mul3A_6, %add3A_61 : i32
    %mul3A_63 = arith.constant 128 : i32
    %mul3A_64 = arith.muli %add3A_62, %mul3A_63 : i32
    %multiple_of3A_65 = tpu.assume_multiple %mul3A_64, 128 : i32
    %dma_start3A_66 = arith.constant 0 : i32
    %dma_start3A_67 = arith.constant 0 : i32
    %dma_start3A_68 = arith.constant 0 : i32
    %dma_start3A_69 = tpu.memref_slice %arg8[%dma_start3A_66, %dma_start3A_67, %dma_start3A_68] : memref<1x1x128xi32, #tpu.memory_space<vmem>> -> memref<1x1x128xi32, #tpu.memory_space<vmem>>
    %dma_start3A_70 = tpu.memref_squeeze %dma_start3A_69 : memref<1x1x128xi32, #tpu.memory_space<vmem>> -> memref<128xi32, #tpu.memory_space<vmem>>
    %dma_start3A_71 = tpu.memref_slice %arg3[%multiple_of3A_65] : memref<640000xi32, #tpu.memory_space<hbm>> -> memref<128xi32, #tpu.memory_space<hbm>>
    %dma_start3A_72 = arith.constant 0 : i32
    %dma_start3A_73 = tpu.memref_slice %arg8[%dma_start3A_66, %dma_start3A_67, %dma_start3A_72] : memref<1x1x128xi32, #tpu.memory_space<vmem>> -> memref<1x1x128xi32, #tpu.memory_space<vmem>>
    %dma_start3A_74 = tpu.memref_squeeze %dma_start3A_73 : memref<1x1x128xi32, #tpu.memory_space<vmem>> -> memref<128xi32, #tpu.memory_space<vmem>>
    %dma_start3A_75 = tpu.memref_slice %arg3[%multiple_of3A_65] : memref<640000xi32, #tpu.memory_space<hbm>> -> memref<128xi32, #tpu.memory_space<hbm>>
    tpu.enqueue_dma source(%dma_start3A_75 : memref<128xi32, #tpu.memory_space<hbm>>) target(%dma_start3A_74 : memref<128xi32, #tpu.memory_space<vmem>>) target_semaphore(%arg18 : memref<!tpu.dma_semaphore, #tpu.memory_space<semaphore_mem>>)
    %add3A_76 = arith.constant 320000 : i32
    %add3A_77 = arith.addi %add3A_76, %multiple_of3A_65 : i32
    %dma_start3A_78 = arith.constant 0 : i32
    %dma_start3A_79 = arith.constant 0 : i32
    %dma_start3A_80 = arith.constant 0 : i32
    %dma_start3A_81 = tpu.memref_slice %arg12[%dma_start3A_78, %dma_start3A_79, %dma_start3A_80] : memref<1x1x128xi32, #tpu.memory_space<vmem>> -> memref<1x1x128xi32, #tpu.memory_space<vmem>>
    %dma_start3A_82 = tpu.memref_squeeze %dma_start3A_81 : memref<1x1x128xi32, #tpu.memory_space<vmem>> -> memref<128xi32, #tpu.memory_space<vmem>>
    %dma_start3A_83 = tpu.memref_slice %arg3[%add3A_77] : memref<640000xi32, #tpu.memory_space<hbm>> -> memref<128xi32, #tpu.memory_space<hbm>>
    %dma_start3A_84 = arith.constant 0 : i32
    %dma_start3A_85 = tpu.memref_slice %arg12[%dma_start3A_78, %dma_start3A_79, %dma_start3A_84] : memref<1x1x128xi32, #tpu.memory_space<vmem>> -> memref<1x1x128xi32, #tpu.memory_space<vmem>>
    %dma_start3A_86 = tpu.memref_squeeze %dma_start3A_85 : memref<1x1x128xi32, #tpu.memory_space<vmem>> -> memref<128xi32, #tpu.memory_space<vmem>>
    %dma_start3A_87 = tpu.memref_slice %arg3[%add3A_77] : memref<640000xi32, #tpu.memory_space<hbm>> -> memref<128xi32, #tpu.memory_space<hbm>>
    tpu.enqueue_dma source(%dma_start3A_87 : memref<128xi32, #tpu.memory_space<hbm>>) target(%dma_start3A_86 : memref<128xi32, #tpu.memory_space<vmem>>) target_semaphore(%arg18 : memref<!tpu.dma_semaphore, #tpu.memory_space<semaphore_mem>>)
    %add3A_88 = arith.constant 2 : i32
    %add3A_89 = arith.addi %mul3A_6, %add3A_88 : i32
    %mul3A_90 = arith.constant 128 : i32
    %mul3A_91 = arith.muli %add3A_89, %mul3A_90 : i32
    %multiple_of3A_92 = tpu.assume_multiple %mul3A_91, 128 : i32
    %dma_start3A_93 = arith.constant 0 : i32
    %dma_start3A_94 = arith.constant 0 : i32
    %dma_start3A_95 = arith.constant 0 : i32
    %dma_start3A_96 = tpu.memref_slice %arg9[%dma_start3A_93, %dma_start3A_94, %dma_start3A_95] : memref<1x1x128xi32, #tpu.memory_space<vmem>> -> memref<1x1x128xi32, #tpu.memory_space<vmem>>
    %dma_start3A_97 = tpu.memref_squeeze %dma_start3A_96 : memref<1x1x128xi32, #tpu.memory_space<vmem>> -> memref<128xi32, #tpu.memory_space<vmem>>
    %dma_start3A_98 = tpu.memref_slice %arg3[%multiple_of3A_92] : memref<640000xi32, #tpu.memory_space<hbm>> -> memref<128xi32, #tpu.memory_space<hbm>>
    %dma_start3A_99 = arith.constant 0 : i32
    %dma_start3A_100 = tpu.memref_slice %arg9[%dma_start3A_93, %dma_start3A_94, %dma_start3A_99] : memref<1x1x128xi32, #tpu.memory_space<vmem>> -> memref<1x1x128xi32, #tpu.memory_space<vmem>>
    %dma_start3A_101 = tpu.memref_squeeze %dma_start3A_100 : memref<1x1x128xi32, #tpu.memory_space<vmem>> -> memref<128xi32, #tpu.memory_space<vmem>>
    %dma_start3A_102 = tpu.memref_slice %arg3[%multiple_of3A_92] : memref<640000xi32, #tpu.memory_space<hbm>> -> memref<128xi32, #tpu.memory_space<hbm>>
    tpu.enqueue_dma source(%dma_start3A_102 : memref<128xi32, #tpu.memory_space<hbm>>) target(%dma_start3A_101 : memref<128xi32, #tpu.memory_space<vmem>>) target_semaphore(%arg19 : memref<!tpu.dma_semaphore, #tpu.memory_space<semaphore_mem>>)
    %add3A_103 = arith.constant 320000 : i32
    %add3A_104 = arith.addi %add3A_103, %multiple_of3A_92 : i32
    %dma_start3A_105 = arith.constant 0 : i32
    %dma_start3A_106 = arith.constant 0 : i32
    %dma_start3A_107 = arith.constant 0 : i32
    %dma_start3A_108 = tpu.memref_slice %arg13[%dma_start3A_105, %dma_start3A_106, %dma_start3A_107] : memref<1x1x128xi32, #tpu.memory_space<vmem>> -> memref<1x1x128xi32, #tpu.memory_space<vmem>>
    %dma_start3A_109 = tpu.memref_squeeze %dma_start3A_108 : memref<1x1x128xi32, #tpu.memory_space<vmem>> -> memref<128xi32, #tpu.memory_space<vmem>>
    %dma_start3A_110 = tpu.memref_slice %arg3[%add3A_104] : memref<640000xi32, #tpu.memory_space<hbm>> -> memref<128xi32, #tpu.memory_space<hbm>>
    %dma_start3A_111 = arith.constant 0 : i32
    %dma_start3A_112 = tpu.memref_slice %arg13[%dma_start3A_105, %dma_start3A_106, %dma_start3A_111] : memref<1x1x128xi32, #tpu.memory_space<vmem>> -> memref<1x1x128xi32, #tpu.memory_space<vmem>>
    %dma_start3A_113 = tpu.memref_squeeze %dma_start3A_112 : memref<1x1x128xi32, #tpu.memory_space<vmem>> -> memref<128xi32, #tpu.memory_space<vmem>>
    %dma_start3A_114 = tpu.memref_slice %arg3[%add3A_104] : memref<640000xi32, #tpu.memory_space<hbm>> -> memref<128xi32, #tpu.memory_space<hbm>>
    tpu.enqueue_dma source(%dma_start3A_114 : memref<128xi32, #tpu.memory_space<hbm>>) target(%dma_start3A_113 : memref<128xi32, #tpu.memory_space<vmem>>) target_semaphore(%arg19 : memref<!tpu.dma_semaphore, #tpu.memory_space<semaphore_mem>>)
    %scan3A = arith.constant 0 : i32
    %scan3A_115 = arith.constant 0 : i32
    %scan3A_116 = arith.constant 19 : i32
    %scan3A_117 = arith.addi %scan3A_115, %scan3A_116 : i32
    %scan3A_118 = arith.constant 1 : i32
    scf.for %scan3A_215 = %scan3A_115 to %scan3A_117 step %scan3A_118  : i32 {
      %mul3A_216 = arith.constant 4 : i32
      %mul3A_217 = arith.muli %mul3A_216, %scan3A_215 : i32
      %add3A_218 = arith.constant 0 : i32
      %add3A_219 = arith.addi %mul3A_217, %add3A_218 : i32
      %add3A_220 = arith.constant 1 : i32
      %add3A_221 = arith.addi %add3A_219, %add3A_220 : i32
      %lt3A_222 = arith.constant 78 : i32
      %lt3A_223 = arith.cmpi slt, %add3A_221, %lt3A_222 : i32
      %convert_element_type3A_224 = arith.extui %lt3A_223 : i1 to i32
      %cond3A_225 = arith.constant 0 : i32
      %cond3A_226 = arith.cmpi ne, %convert_element_type3A_224, %cond3A_225 : i32
      scf.if %cond3A_226 {
        %dma_wait3A_352 = arith.constant 0 : i32
        %dma_wait3A_353 = arith.constant 0 : i32
        %dma_wait3A_354 = arith.constant 0 : i32
        %dma_wait3A_355 = tpu.memref_slice %arg8[%dma_wait3A_352, %dma_wait3A_353, %dma_wait3A_354] : memref<1x1x128xi32, #tpu.memory_space<vmem>> -> memref<1x1x128xi32, #tpu.memory_space<vmem>>
        %dma_wait3A_356 = tpu.memref_squeeze %dma_wait3A_355 : memref<1x1x128xi32, #tpu.memory_space<vmem>> -> memref<128xi32, #tpu.memory_space<vmem>>
        %dma_wait3A_357 = arith.constant 0 : i32
        %dma_wait3A_358 = tpu.memref_slice %arg3[%dma_wait3A_357] : memref<640000xi32, #tpu.memory_space<hbm>> -> memref<128xi32, #tpu.memory_space<hbm>>
        %dma_wait3A_359 = arith.constant 0 : i32
        %dma_wait3A_360 = tpu.memref_slice %arg8[%dma_wait3A_352, %dma_wait3A_353, %dma_wait3A_359] : memref<1x1x128xi32, #tpu.memory_space<vmem>> -> memref<1x1x128xi32, #tpu.memory_space<vmem>>
        %dma_wait3A_361 = tpu.memref_squeeze %dma_wait3A_360 : memref<1x1x128xi32, #tpu.memory_space<vmem>> -> memref<128xi32, #tpu.memory_space<vmem>>
        %dma_wait3A_362 = arith.constant 0 : i32
        %dma_wait3A_363 = tpu.memref_slice %arg3[%dma_wait3A_362] : memref<640000xi32, #tpu.memory_space<hbm>> -> memref<128xi32, #tpu.memory_space<hbm>>
        tpu.wait_dma2 semaphore(%arg18 : memref<!tpu.dma_semaphore, #tpu.memory_space<semaphore_mem>>) src(%dma_wait3A_363 : memref<128xi32, #tpu.memory_space<hbm>>) dst(%dma_wait3A_361 : memref<128xi32, #tpu.memory_space<vmem>>)
        %dma_wait3A_364 = arith.constant 0 : i32
        %dma_wait3A_365 = arith.constant 0 : i32
        %dma_wait3A_366 = arith.constant 0 : i32
        %dma_wait3A_367 = tpu.memref_slice %arg12[%dma_wait3A_364, %dma_wait3A_365, %dma_wait3A_366] : memref<1x1x128xi32, #tpu.memory_space<vmem>> -> memref<1x1x128xi32, #tpu.memory_space<vmem>>
        %dma_wait3A_368 = tpu.memref_squeeze %dma_wait3A_367 : memref<1x1x128xi32, #tpu.memory_space<vmem>> -> memref<128xi32, #tpu.memory_space<vmem>>
        %dma_wait3A_369 = arith.constant 0 : i32
        %dma_wait3A_370 = tpu.memref_slice %arg3[%dma_wait3A_369] : memref<640000xi32, #tpu.memory_space<hbm>> -> memref<128xi32, #tpu.memory_space<hbm>>
        %dma_wait3A_371 = arith.constant 0 : i32
        %dma_wait3A_372 = tpu.memref_slice %arg12[%dma_wait3A_364, %dma_wait3A_365, %dma_wait3A_371] : memref<1x1x128xi32, #tpu.memory_space<vmem>> -> memref<1x1x128xi32, #tpu.memory_space<vmem>>
        %dma_wait3A_373 = tpu.memref_squeeze %dma_wait3A_372 : memref<1x1x128xi32, #tpu.memory_space<vmem>> -> memref<128xi32, #tpu.memory_space<vmem>>
        %dma_wait3A_374 = arith.constant 0 : i32
        %dma_wait3A_375 = tpu.memref_slice %arg3[%dma_wait3A_374] : memref<640000xi32, #tpu.memory_space<hbm>> -> memref<128xi32, #tpu.memory_space<hbm>>
        tpu.wait_dma2 semaphore(%arg18 : memref<!tpu.dma_semaphore, #tpu.memory_space<semaphore_mem>>) src(%dma_wait3A_375 : memref<128xi32, #tpu.memory_space<hbm>>) dst(%dma_wait3A_373 : memref<128xi32, #tpu.memory_space<vmem>>)
        %ge3A = arith.constant 1 : i32
        %ge3A_376 = arith.cmpi sge, %add3A_219, %ge3A : i32
        %convert_element_type3A_377 = arith.extui %ge3A_376 : i1 to i32
        %cond3A_378 = arith.constant 0 : i32
        %cond3A_379 = arith.cmpi ne, %convert_element_type3A_377, %cond3A_378 : i32
        scf.if %cond3A_379 {
          %dma_wait3A_388 = arith.constant 0 : i32
          %dma_wait3A_389 = arith.constant 0 : i32
          %dma_wait3A_390 = arith.constant 0 : i32
          %dma_wait3A_391 = tpu.memref_slice %arg12[%dma_wait3A_388, %dma_wait3A_389, %dma_wait3A_390] : memref<1x1x128xi32, #tpu.memory_space<vmem>> -> memref<1x1x128xi32, #tpu.memory_space<vmem>>
          %dma_wait3A_392 = tpu.memref_squeeze %dma_wait3A_391 : memref<1x1x128xi32, #tpu.memory_space<vmem>> -> memref<128xi32, #tpu.memory_space<vmem>>
          %dma_wait3A_393 = arith.constant 0 : i32
          %dma_wait3A_394 = arith.constant 0 : i32
          %dma_wait3A_395 = tpu.memref_slice %arg6[%dma_wait3A_393, %dma_wait3A_394] : memref<10112x128xf32, #tpu.memory_space<vmem_shared>> -> memref<10112x128xf32, #tpu.memory_space<vmem_shared>>
          tpu.wait_indirect_dma semaphore(%arg24 : memref<!tpu.dma_semaphore, #tpu.memory_space<semaphore_mem>>) src(%arg16 : memref<128x128xf32, #tpu.memory_space<vmem>>) dst(%dma_wait3A_395 : memref<10112x128xf32, #tpu.memory_space<vmem_shared>>)
        } else {
        }
        %dma_start3A_380 = arith.constant 0 : i32
        %dma_start3A_381 = arith.constant 0 : i32
        %dma_start3A_382 = arith.constant 0 : i32
        %dma_start3A_383 = tpu.memref_slice %arg8[%dma_start3A_380, %dma_start3A_381, %dma_start3A_382] : memref<1x1x128xi32, #tpu.memory_space<vmem>> -> memref<1x1x128xi32, #tpu.memory_space<vmem>>
        %dma_start3A_384 = tpu.memref_squeeze %dma_start3A_383 : memref<1x1x128xi32, #tpu.memory_space<vmem>> -> memref<128xi32, #tpu.memory_space<vmem>>
        %dma_start3A_385 = arith.constant 0 : i32
        %dma_start3A_386 = arith.constant 0 : i32
        %dma_start3A_387 = tpu.memref_slice %arg2[%dma_start3A_385, %dma_start3A_386] : memref<10000x128xf32, #tpu.memory_space<hbm>> -> memref<10000x128xf32, #tpu.memory_space<hbm>>
        tpu.enqueue_indirect_dma source(%dma_start3A_387 : memref<10000x128xf32, #tpu.memory_space<hbm>>) target(%arg16 : memref<128x128xf32, #tpu.memory_space<vmem>>) offsets(%dma_start3A_384 : memref<128xi32, #tpu.memory_space<vmem>>) semaphore(%arg22 : memref<!tpu.dma_semaphore, #tpu.memory_space<semaphore_mem>>)
      } else {
      }
      %dma_wait3A_227 = arith.constant 0 : i32
      %dma_wait3A_228 = arith.constant 0 : i32
      %dma_wait3A_229 = arith.constant 0 : i32
      %dma_wait3A_230 = tpu.memref_slice %arg7[%dma_wait3A_227, %dma_wait3A_228, %dma_wait3A_229] : memref<1x1x128xi32, #tpu.memory_space<vmem>> -> memref<1x1x128xi32, #tpu.memory_space<vmem>>
      %dma_wait3A_231 = tpu.memref_squeeze %dma_wait3A_230 : memref<1x1x128xi32, #tpu.memory_space<vmem>> -> memref<128xi32, #tpu.memory_space<vmem>>
      %dma_wait3A_232 = arith.constant 0 : i32
      %dma_wait3A_233 = arith.constant 0 : i32
      %dma_wait3A_234 = tpu.memref_slice %arg2[%dma_wait3A_232, %dma_wait3A_233] : memref<10000x128xf32, #tpu.memory_space<hbm>> -> memref<10000x128xf32, #tpu.memory_space<hbm>>
      tpu.wait_indirect_dma semaphore(%arg21 : memref<!tpu.dma_semaphore, #tpu.memory_space<semaphore_mem>>) src(%dma_wait3A_234 : memref<10000x128xf32, #tpu.memory_space<hbm>>) dst(%arg15 : memref<128x128xf32, #tpu.memory_space<vmem>>)
      %dma_start3A_235 = arith.constant 0 : i32
      %dma_start3A_236 = arith.constant 0 : i32
      %dma_start3A_237 = arith.constant 0 : i32
      %dma_start3A_238 = tpu.memref_slice %arg11[%dma_start3A_235, %dma_start3A_236, %dma_start3A_237] : memref<1x1x128xi32, #tpu.memory_space<vmem>> -> memref<1x1x128xi32, #tpu.memory_space<vmem>>
      %dma_start3A_239 = tpu.memref_squeeze %dma_start3A_238 : memref<1x1x128xi32, #tpu.memory_space<vmem>> -> memref<128xi32, #tpu.memory_space<vmem>>
      %dma_start3A_240 = arith.constant 0 : i32
      %dma_start3A_241 = arith.constant 0 : i32
      %dma_start3A_242 = tpu.memref_slice %arg6[%dma_start3A_240, %dma_start3A_241] : memref<10112x128xf32, #tpu.memory_space<vmem_shared>> -> memref<10112x128xf32, #tpu.memory_space<vmem_shared>>
      tpu.enqueue_indirect_dma source(%arg15 : memref<128x128xf32, #tpu.memory_space<vmem>>) target(%dma_start3A_242 : memref<10112x128xf32, #tpu.memory_space<vmem_shared>>) offsets(%dma_start3A_239 : memref<128xi32, #tpu.memory_space<vmem>>) semaphore(%arg23 : memref<!tpu.dma_semaphore, #tpu.memory_space<semaphore_mem>>) {add = true}
      %add3A_243 = arith.constant 3 : i32
      %add3A_244 = arith.addi %add3A_219, %add3A_243 : i32
      %lt3A_245 = arith.constant 78 : i32
      %lt3A_246 = arith.cmpi slt, %add3A_244, %lt3A_245 : i32
      %convert_element_type3A_247 = arith.extui %lt3A_246 : i1 to i32
      %cond3A_248 = arith.constant 0 : i32
      %cond3A_249 = arith.cmpi ne, %convert_element_type3A_247, %cond3A_248 : i32
      scf.if %cond3A_249 {
        %add3A_352 = arith.addi %mul3A_6, %add3A_219 : i32
        %add3A_353 = arith.constant 3 : i32
        %add3A_354 = arith.addi %add3A_352, %add3A_353 : i32
        %mul3A_355 = arith.constant 128 : i32
        %mul3A_356 = arith.muli %add3A_354, %mul3A_355 : i32
        %multiple_of3A_357 = tpu.assume_multiple %mul3A_356, 128 : i32
        %dma_start3A_358 = arith.constant 0 : i32
        %dma_start3A_359 = arith.constant 0 : i32
        %dma_start3A_360 = arith.constant 0 : i32
        %dma_start3A_361 = tpu.memref_slice %arg10[%dma_start3A_358, %dma_start3A_359, %dma_start3A_360] : memref<1x1x128xi32, #tpu.memory_space<vmem>> -> memref<1x1x128xi32, #tpu.memory_space<vmem>>
        %dma_start3A_362 = tpu.memref_squeeze %dma_start3A_361 : memref<1x1x128xi32, #tpu.memory_space<vmem>> -> memref<128xi32, #tpu.memory_space<vmem>>
        %dma_start3A_363 = tpu.memref_slice %arg3[%multiple_of3A_357] : memref<640000xi32, #tpu.memory_space<hbm>> -> memref<128xi32, #tpu.memory_space<hbm>>
        %dma_start3A_364 = arith.constant 0 : i32
        %dma_start3A_365 = tpu.memref_slice %arg10[%dma_start3A_358, %dma_start3A_359, %dma_start3A_364] : memref<1x1x128xi32, #tpu.memory_space<vmem>> -> memref<1x1x128xi32, #tpu.memory_space<vmem>>
        %dma_start3A_366 = tpu.memref_squeeze %dma_start3A_365 : memref<1x1x128xi32, #tpu.memory_space<vmem>> -> memref<128xi32, #tpu.memory_space<vmem>>
        %dma_start3A_367 = tpu.memref_slice %arg3[%multiple_of3A_357] : memref<640000xi32, #tpu.memory_space<hbm>> -> memref<128xi32, #tpu.memory_space<hbm>>
        tpu.enqueue_dma source(%dma_start3A_367 : memref<128xi32, #tpu.memory_space<hbm>>) target(%dma_start3A_366 : memref<128xi32, #tpu.memory_space<vmem>>) target_semaphore(%arg20 : memref<!tpu.dma_semaphore, #tpu.memory_space<semaphore_mem>>)
        %add3A_368 = arith.constant 320000 : i32
        %add3A_369 = arith.addi %add3A_368, %multiple_of3A_357 : i32
        %dma_start3A_370 = arith.constant 0 : i32
        %dma_start3A_371 = arith.constant 0 : i32
        %dma_start3A_372 = arith.constant 0 : i32
        %dma_start3A_373 = tpu.memref_slice %arg14[%dma_start3A_370, %dma_start3A_371, %dma_start3A_372] : memref<1x1x128xi32, #tpu.memory_space<vmem>> -> memref<1x1x128xi32, #tpu.memory_space<vmem>>
        %dma_start3A_374 = tpu.memref_squeeze %dma_start3A_373 : memref<1x1x128xi32, #tpu.memory_space<vmem>> -> memref<128xi32, #tpu.memory_space<vmem>>
        %dma_start3A_375 = tpu.memref_slice %arg3[%add3A_369] : memref<640000xi32, #tpu.memory_space<hbm>> -> memref<128xi32, #tpu.memory_space<hbm>>
        %dma_start3A_376 = arith.constant 0 : i32
        %dma_start3A_377 = tpu.memref_slice %arg14[%dma_start3A_370, %dma_start3A_371, %dma_start3A_376] : memref<1x1x128xi32, #tpu.memory_space<vmem>> -> memref<1x1x128xi32, #tpu.memory_space<vmem>>
        %dma_start3A_378 = tpu.memref_squeeze %dma_start3A_377 : memref<1x1x128xi32, #tpu.memory_space<vmem>> -> memref<128xi32, #tpu.memory_space<vmem>>
        %dma_start3A_379 = tpu.memref_slice %arg3[%add3A_369] : memref<640000xi32, #tpu.memory_space<hbm>> -> memref<128xi32, #tpu.memory_space<hbm>>
        tpu.enqueue_dma source(%dma_start3A_379 : memref<128xi32, #tpu.memory_space<hbm>>) target(%dma_start3A_378 : memref<128xi32, #tpu.memory_space<vmem>>) target_semaphore(%arg20 : memref<!tpu.dma_semaphore, #tpu.memory_space<semaphore_mem>>)
      } else {
      }
      %mul3A_250 = arith.constant 4 : i32
      %mul3A_251 = arith.muli %mul3A_250, %scan3A_215 : i32
      %add3A_252 = arith.constant 1 : i32
      %add3A_253 = arith.addi %mul3A_251, %add3A_252 : i32
      %add3A_254 = arith.constant 1 : i32
      %add3A_255 = arith.addi %add3A_253, %add3A_254 : i32
      %lt3A_256 = arith.constant 78 : i32
      %lt3A_257 = arith.cmpi slt, %add3A_255, %lt3A_256 : i32
      %convert_element_type3A_258 = arith.extui %lt3A_257 : i1 to i32
      %cond3A_259 = arith.constant 0 : i32
      %cond3A_260 = arith.cmpi ne, %convert_element_type3A_258, %cond3A_259 : i32
      scf.if %cond3A_260 {
        %dma_wait3A_352 = arith.constant 0 : i32
        %dma_wait3A_353 = arith.constant 0 : i32
        %dma_wait3A_354 = arith.constant 0 : i32
        %dma_wait3A_355 = tpu.memref_slice %arg9[%dma_wait3A_352, %dma_wait3A_353, %dma_wait3A_354] : memref<1x1x128xi32, #tpu.memory_space<vmem>> -> memref<1x1x128xi32, #tpu.memory_space<vmem>>
        %dma_wait3A_356 = tpu.memref_squeeze %dma_wait3A_355 : memref<1x1x128xi32, #tpu.memory_space<vmem>> -> memref<128xi32, #tpu.memory_space<vmem>>
        %dma_wait3A_357 = arith.constant 0 : i32
        %dma_wait3A_358 = tpu.memref_slice %arg3[%dma_wait3A_357] : memref<640000xi32, #tpu.memory_space<hbm>> -> memref<128xi32, #tpu.memory_space<hbm>>
        %dma_wait3A_359 = arith.constant 0 : i32
        %dma_wait3A_360 = tpu.memref_slice %arg9[%dma_wait3A_352, %dma_wait3A_353, %dma_wait3A_359] : memref<1x1x128xi32, #tpu.memory_space<vmem>> -> memref<1x1x128xi32, #tpu.memory_space<vmem>>
        %dma_wait3A_361 = tpu.memref_squeeze %dma_wait3A_360 : memref<1x1x128xi32, #tpu.memory_space<vmem>> -> memref<128xi32, #tpu.memory_space<vmem>>
        %dma_wait3A_362 = arith.constant 0 : i32
        %dma_wait3A_363 = tpu.memref_slice %arg3[%dma_wait3A_362] : memref<640000xi32, #tpu.memory_space<hbm>> -> memref<128xi32, #tpu.memory_space<hbm>>
        tpu.wait_dma2 semaphore(%arg19 : memref<!tpu.dma_semaphore, #tpu.memory_space<semaphore_mem>>) src(%dma_wait3A_363 : memref<128xi32, #tpu.memory_space<hbm>>) dst(%dma_wait3A_361 : memref<128xi32, #tpu.memory_space<vmem>>)
        %dma_wait3A_364 = arith.constant 0 : i32
        %dma_wait3A_365 = arith.constant 0 : i32
        %dma_wait3A_366 = arith.constant 0 : i32
        %dma_wait3A_367 = tpu.memref_slice %arg13[%dma_wait3A_364, %dma_wait3A_365, %dma_wait3A_366] : memref<1x1x128xi32, #tpu.memory_space<vmem>> -> memref<1x1x128xi32, #tpu.memory_space<vmem>>
        %dma_wait3A_368 = tpu.memref_squeeze %dma_wait3A_367 : memref<1x1x128xi32, #tpu.memory_space<vmem>> -> memref<128xi32, #tpu.memory_space<vmem>>
        %dma_wait3A_369 = arith.constant 0 : i32
        %dma_wait3A_370 = tpu.memref_slice %arg3[%dma_wait3A_369] : memref<640000xi32, #tpu.memory_space<hbm>> -> memref<128xi32, #tpu.memory_space<hbm>>
        %dma_wait3A_371 = arith.constant 0 : i32
        %dma_wait3A_372 = tpu.memref_slice %arg13[%dma_wait3A_364, %dma_wait3A_365, %dma_wait3A_371] : memref<1x1x128xi32, #tpu.memory_space<vmem>> -> memref<1x1x128xi32, #tpu.memory_space<vmem>>
        %dma_wait3A_373 = tpu.memref_squeeze %dma_wait3A_372 : memref<1x1x128xi32, #tpu.memory_space<vmem>> -> memref<128xi32, #tpu.memory_space<vmem>>
        %dma_wait3A_374 = arith.constant 0 : i32
        %dma_wait3A_375 = tpu.memref_slice %arg3[%dma_wait3A_374] : memref<640000xi32, #tpu.memory_space<hbm>> -> memref<128xi32, #tpu.memory_space<hbm>>
        tpu.wait_dma2 semaphore(%arg19 : memref<!tpu.dma_semaphore, #tpu.memory_space<semaphore_mem>>) src(%dma_wait3A_375 : memref<128xi32, #tpu.memory_space<hbm>>) dst(%dma_wait3A_373 : memref<128xi32, #tpu.memory_space<vmem>>)
        %ge3A = arith.constant 1 : i32
        %ge3A_376 = arith.cmpi sge, %add3A_253, %ge3A : i32
        %convert_element_type3A_377 = arith.extui %ge3A_376 : i1 to i32
        %cond3A_378 = arith.constant 0 : i32
        %cond3A_379 = arith.cmpi ne, %convert_element_type3A_377, %cond3A_378 : i32
        scf.if %cond3A_379 {
          %dma_wait3A_388 = arith.constant 0 : i32
          %dma_wait3A_389 = arith.constant 0 : i32
          %dma_wait3A_390 = arith.constant 0 : i32
          %dma_wait3A_391 = tpu.memref_slice %arg13[%dma_wait3A_388, %dma_wait3A_389, %dma_wait3A_390] : memref<1x1x128xi32, #tpu.memory_space<vmem>> -> memref<1x1x128xi32, #tpu.memory_space<vmem>>
          %dma_wait3A_392 = tpu.memref_squeeze %dma_wait3A_391 : memref<1x1x128xi32, #tpu.memory_space<vmem>> -> memref<128xi32, #tpu.memory_space<vmem>>
          %dma_wait3A_393 = arith.constant 0 : i32
          %dma_wait3A_394 = arith.constant 0 : i32
          %dma_wait3A_395 = tpu.memref_slice %arg6[%dma_wait3A_393, %dma_wait3A_394] : memref<10112x128xf32, #tpu.memory_space<vmem_shared>> -> memref<10112x128xf32, #tpu.memory_space<vmem_shared>>
          tpu.wait_indirect_dma semaphore(%arg23 : memref<!tpu.dma_semaphore, #tpu.memory_space<semaphore_mem>>) src(%arg15 : memref<128x128xf32, #tpu.memory_space<vmem>>) dst(%dma_wait3A_395 : memref<10112x128xf32, #tpu.memory_space<vmem_shared>>)
        } else {
        }
        %dma_start3A_380 = arith.constant 0 : i32
        %dma_start3A_381 = arith.constant 0 : i32
        %dma_start3A_382 = arith.constant 0 : i32
        %dma_start3A_383 = tpu.memref_slice %arg9[%dma_start3A_380, %dma_start3A_381, %dma_start3A_382] : memref<1x1x128xi32, #tpu.memory_space<vmem>> -> memref<1x1x128xi32, #tpu.memory_space<vmem>>
        %dma_start3A_384 = tpu.memref_squeeze %dma_start3A_383 : memref<1x1x128xi32, #tpu.memory_space<vmem>> -> memref<128xi32, #tpu.memory_space<vmem>>
        %dma_start3A_385 = arith.constant 0 : i32
        %dma_start3A_386 = arith.constant 0 : i32
        %dma_start3A_387 = tpu.memref_slice %arg2[%dma_start3A_385, %dma_start3A_386] : memref<10000x128xf32, #tpu.memory_space<hbm>> -> memref<10000x128xf32, #tpu.memory_space<hbm>>
        tpu.enqueue_indirect_dma source(%dma_start3A_387 : memref<10000x128xf32, #tpu.memory_space<hbm>>) target(%arg15 : memref<128x128xf32, #tpu.memory_space<vmem>>) offsets(%dma_start3A_384 : memref<128xi32, #tpu.memory_space<vmem>>) semaphore(%arg21 : memref<!tpu.dma_semaphore, #tpu.memory_space<semaphore_mem>>)
      } else {
      }
      %dma_wait3A_261 = arith.constant 0 : i32
      %dma_wait3A_262 = arith.constant 0 : i32
      %dma_wait3A_263 = arith.constant 0 : i32
      %dma_wait3A_264 = tpu.memref_slice %arg7[%dma_wait3A_261, %dma_wait3A_262, %dma_wait3A_263] : memref<1x1x128xi32, #tpu.memory_space<vmem>> -> memref<1x1x128xi32, #tpu.memory_space<vmem>>
      %dma_wait3A_265 = tpu.memref_squeeze %dma_wait3A_264 : memref<1x1x128xi32, #tpu.memory_space<vmem>> -> memref<128xi32, #tpu.memory_space<vmem>>
      %dma_wait3A_266 = arith.constant 0 : i32
      %dma_wait3A_267 = arith.constant 0 : i32
      %dma_wait3A_268 = tpu.memref_slice %arg2[%dma_wait3A_266, %dma_wait3A_267] : memref<10000x128xf32, #tpu.memory_space<hbm>> -> memref<10000x128xf32, #tpu.memory_space<hbm>>
      tpu.wait_indirect_dma semaphore(%arg22 : memref<!tpu.dma_semaphore, #tpu.memory_space<semaphore_mem>>) src(%dma_wait3A_268 : memref<10000x128xf32, #tpu.memory_space<hbm>>) dst(%arg16 : memref<128x128xf32, #tpu.memory_space<vmem>>)
      %dma_start3A_269 = arith.constant 0 : i32
      %dma_start3A_270 = arith.constant 0 : i32
      %dma_start3A_271 = arith.constant 0 : i32
      %dma_start3A_272 = tpu.memref_slice %arg12[%dma_start3A_269, %dma_start3A_270, %dma_start3A_271] : memref<1x1x128xi32, #tpu.memory_space<vmem>> -> memref<1x1x128xi32, #tpu.memory_space<vmem>>
      %dma_start3A_273 = tpu.memref_squeeze %dma_start3A_272 : memref<1x1x128xi32, #tpu.memory_space<vmem>> -> memref<128xi32, #tpu.memory_space<vmem>>
      %dma_start3A_274 = arith.constant 0 : i32
      %dma_start3A_275 = arith.constant 0 : i32
      %dma_start3A_276 = tpu.memref_slice %arg6[%dma_start3A_274, %dma_start3A_275] : memref<10112x128xf32, #tpu.memory_space<vmem_shared>> -> memref<10112x128xf32, #tpu.memory_space<vmem_shared>>
      tpu.enqueue_indirect_dma source(%arg16 : memref<128x128xf32, #tpu.memory_space<vmem>>) target(%dma_start3A_276 : memref<10112x128xf32, #tpu.memory_space<vmem_shared>>) offsets(%dma_start3A_273 : memref<128xi32, #tpu.memory_space<vmem>>) semaphore(%arg24 : memref<!tpu.dma_semaphore, #tpu.memory_space<semaphore_mem>>) {add = true}
      %add3A_277 = arith.constant 3 : i32
      %add3A_278 = arith.addi %add3A_253, %add3A_277 : i32
      %lt3A_279 = arith.constant 78 : i32
      %lt3A_280 = arith.cmpi slt, %add3A_278, %lt3A_279 : i32
      %convert_element_type3A_281 = arith.extui %lt3A_280 : i1 to i32
      %cond3A_282 = arith.constant 0 : i32
      %cond3A_283 = arith.cmpi ne, %convert_element_type3A_281, %cond3A_282 : i32
      scf.if %cond3A_283 {
        %add3A_352 = arith.addi %mul3A_6, %add3A_253 : i32
        %add3A_353 = arith.constant 3 : i32
        %add3A_354 = arith.addi %add3A_352, %add3A_353 : i32
        %mul3A_355 = arith.constant 128 : i32
        %mul3A_356 = arith.muli %add3A_354, %mul3A_355 : i32
        %multiple_of3A_357 = tpu.assume_multiple %mul3A_356, 128 : i32
        %dma_start3A_358 = arith.constant 0 : i32
        %dma_start3A_359 = arith.constant 0 : i32
        %dma_start3A_360 = arith.constant 0 : i32
        %dma_start3A_361 = tpu.memref_slice %arg7[%dma_start3A_358, %dma_start3A_359, %dma_start3A_360] : memref<1x1x128xi32, #tpu.memory_space<vmem>> -> memref<1x1x128xi32, #tpu.memory_space<vmem>>
        %dma_start3A_362 = tpu.memref_squeeze %dma_start3A_361 : memref<1x1x128xi32, #tpu.memory_space<vmem>> -> memref<128xi32, #tpu.memory_space<vmem>>
        %dma_start3A_363 = tpu.memref_slice %arg3[%multiple_of3A_357] : memref<640000xi32, #tpu.memory_space<hbm>> -> memref<128xi32, #tpu.memory_space<hbm>>
        %dma_start3A_364 = arith.constant 0 : i32
        %dma_start3A_365 = tpu.memref_slice %arg7[%dma_start3A_358, %dma_start3A_359, %dma_start3A_364] : memref<1x1x128xi32, #tpu.memory_space<vmem>> -> memref<1x1x128xi32, #tpu.memory_space<vmem>>
        %dma_start3A_366 = tpu.memref_squeeze %dma_start3A_365 : memref<1x1x128xi32, #tpu.memory_space<vmem>> -> memref<128xi32, #tpu.memory_space<vmem>>
        %dma_start3A_367 = tpu.memref_slice %arg3[%multiple_of3A_357] : memref<640000xi32, #tpu.memory_space<hbm>> -> memref<128xi32, #tpu.memory_space<hbm>>
        tpu.enqueue_dma source(%dma_start3A_367 : memref<128xi32, #tpu.memory_space<hbm>>) target(%dma_start3A_366 : memref<128xi32, #tpu.memory_space<vmem>>) target_semaphore(%arg17 : memref<!tpu.dma_semaphore, #tpu.memory_space<semaphore_mem>>)
        %add3A_368 = arith.constant 320000 : i32
        %add3A_369 = arith.addi %add3A_368, %multiple_of3A_357 : i32
        %dma_start3A_370 = arith.constant 0 : i32
        %dma_start3A_371 = arith.constant 0 : i32
        %dma_start3A_372 = arith.constant 0 : i32
        %dma_start3A_373 = tpu.memref_slice %arg11[%dma_start3A_370, %dma_start3A_371, %dma_start3A_372] : memref<1x1x128xi32, #tpu.memory_space<vmem>> -> memref<1x1x128xi32, #tpu.memory_space<vmem>>
        %dma_start3A_374 = tpu.memref_squeeze %dma_start3A_373 : memref<1x1x128xi32, #tpu.memory_space<vmem>> -> memref<128xi32, #tpu.memory_space<vmem>>
        %dma_start3A_375 = tpu.memref_slice %arg3[%add3A_369] : memref<640000xi32, #tpu.memory_space<hbm>> -> memref<128xi32, #tpu.memory_space<hbm>>
        %dma_start3A_376 = arith.constant 0 : i32
        %dma_start3A_377 = tpu.memref_slice %arg11[%dma_start3A_370, %dma_start3A_371, %dma_start3A_376] : memref<1x1x128xi32, #tpu.memory_space<vmem>> -> memref<1x1x128xi32, #tpu.memory_space<vmem>>
        %dma_start3A_378 = tpu.memref_squeeze %dma_start3A_377 : memref<1x1x128xi32, #tpu.memory_space<vmem>> -> memref<128xi32, #tpu.memory_space<vmem>>
        %dma_start3A_379 = tpu.memref_slice %arg3[%add3A_369] : memref<640000xi32, #tpu.memory_space<hbm>> -> memref<128xi32, #tpu.memory_space<hbm>>
        tpu.enqueue_dma source(%dma_start3A_379 : memref<128xi32, #tpu.memory_space<hbm>>) target(%dma_start3A_378 : memref<128xi32, #tpu.memory_space<vmem>>) target_semaphore(%arg17 : memref<!tpu.dma_semaphore, #tpu.memory_space<semaphore_mem>>)
      } else {
      }
      %mul3A_284 = arith.constant 4 : i32
      %mul3A_285 = arith.muli %mul3A_284, %scan3A_215 : i32
      %add3A_286 = arith.constant 2 : i32
      %add3A_287 = arith.addi %mul3A_285, %add3A_286 : i32
      %add3A_288 = arith.constant 1 : i32
      %add3A_289 = arith.addi %add3A_287, %add3A_288 : i32
      %lt3A_290 = arith.constant 78 : i32
      %lt3A_291 = arith.cmpi slt, %add3A_289, %lt3A_290 : i32
      %convert_element_type3A_292 = arith.extui %lt3A_291 : i1 to i32
      %cond3A_293 = arith.constant 0 : i32
      %cond3A_294 = arith.cmpi ne, %convert_element_type3A_292, %cond3A_293 : i32
      scf.if %cond3A_294 {
        %dma_wait3A_352 = arith.constant 0 : i32
        %dma_wait3A_353 = arith.constant 0 : i32
        %dma_wait3A_354 = arith.constant 0 : i32
        %dma_wait3A_355 = tpu.memref_slice %arg10[%dma_wait3A_352, %dma_wait3A_353, %dma_wait3A_354] : memref<1x1x128xi32, #tpu.memory_space<vmem>> -> memref<1x1x128xi32, #tpu.memory_space<vmem>>
        %dma_wait3A_356 = tpu.memref_squeeze %dma_wait3A_355 : memref<1x1x128xi32, #tpu.memory_space<vmem>> -> memref<128xi32, #tpu.memory_space<vmem>>
        %dma_wait3A_357 = arith.constant 0 : i32
        %dma_wait3A_358 = tpu.memref_slice %arg3[%dma_wait3A_357] : memref<640000xi32, #tpu.memory_space<hbm>> -> memref<128xi32, #tpu.memory_space<hbm>>
        %dma_wait3A_359 = arith.constant 0 : i32
        %dma_wait3A_360 = tpu.memref_slice %arg10[%dma_wait3A_352, %dma_wait3A_353, %dma_wait3A_359] : memref<1x1x128xi32, #tpu.memory_space<vmem>> -> memref<1x1x128xi32, #tpu.memory_space<vmem>>
        %dma_wait3A_361 = tpu.memref_squeeze %dma_wait3A_360 : memref<1x1x128xi32, #tpu.memory_space<vmem>> -> memref<128xi32, #tpu.memory_space<vmem>>
        %dma_wait3A_362 = arith.constant 0 : i32
        %dma_wait3A_363 = tpu.memref_slice %arg3[%dma_wait3A_362] : memref<640000xi32, #tpu.memory_space<hbm>> -> memref<128xi32, #tpu.memory_space<hbm>>
        tpu.wait_dma2 semaphore(%arg20 : memref<!tpu.dma_semaphore, #tpu.memory_space<semaphore_mem>>) src(%dma_wait3A_363 : memref<128xi32, #tpu.memory_space<hbm>>) dst(%dma_wait3A_361 : memref<128xi32, #tpu.memory_space<vmem>>)
        %dma_wait3A_364 = arith.constant 0 : i32
        %dma_wait3A_365 = arith.constant 0 : i32
        %dma_wait3A_366 = arith.constant 0 : i32
        %dma_wait3A_367 = tpu.memref_slice %arg14[%dma_wait3A_364, %dma_wait3A_365, %dma_wait3A_366] : memref<1x1x128xi32, #tpu.memory_space<vmem>> -> memref<1x1x128xi32, #tpu.memory_space<vmem>>
        %dma_wait3A_368 = tpu.memref_squeeze %dma_wait3A_367 : memref<1x1x128xi32, #tpu.memory_space<vmem>> -> memref<128xi32, #tpu.memory_space<vmem>>
        %dma_wait3A_369 = arith.constant 0 : i32
        %dma_wait3A_370 = tpu.memref_slice %arg3[%dma_wait3A_369] : memref<640000xi32, #tpu.memory_space<hbm>> -> memref<128xi32, #tpu.memory_space<hbm>>
        %dma_wait3A_371 = arith.constant 0 : i32
        %dma_wait3A_372 = tpu.memref_slice %arg14[%dma_wait3A_364, %dma_wait3A_365, %dma_wait3A_371] : memref<1x1x128xi32, #tpu.memory_space<vmem>> -> memref<1x1x128xi32, #tpu.memory_space<vmem>>
        %dma_wait3A_373 = tpu.memref_squeeze %dma_wait3A_372 : memref<1x1x128xi32, #tpu.memory_space<vmem>> -> memref<128xi32, #tpu.memory_space<vmem>>
        %dma_wait3A_374 = arith.constant 0 : i32
        %dma_wait3A_375 = tpu.memref_slice %arg3[%dma_wait3A_374] : memref<640000xi32, #tpu.memory_space<hbm>> -> memref<128xi32, #tpu.memory_space<hbm>>
        tpu.wait_dma2 semaphore(%arg20 : memref<!tpu.dma_semaphore, #tpu.memory_space<semaphore_mem>>) src(%dma_wait3A_375 : memref<128xi32, #tpu.memory_space<hbm>>) dst(%dma_wait3A_373 : memref<128xi32, #tpu.memory_space<vmem>>)
        %ge3A = arith.constant 1 : i32
        %ge3A_376 = arith.cmpi sge, %add3A_287, %ge3A : i32
        %convert_element_type3A_377 = arith.extui %ge3A_376 : i1 to i32
        %cond3A_378 = arith.constant 0 : i32
        %cond3A_379 = arith.cmpi ne, %convert_element_type3A_377, %cond3A_378 : i32
        scf.if %cond3A_379 {
          %dma_wait3A_388 = arith.constant 0 : i32
          %dma_wait3A_389 = arith.constant 0 : i32
          %dma_wait3A_390 = arith.constant 0 : i32
          %dma_wait3A_391 = tpu.memref_slice %arg14[%dma_wait3A_388, %dma_wait3A_389, %dma_wait3A_390] : memref<1x1x128xi32, #tpu.memory_space<vmem>> -> memref<1x1x128xi32, #tpu.memory_space<vmem>>
          %dma_wait3A_392 = tpu.memref_squeeze %dma_wait3A_391 : memref<1x1x128xi32, #tpu.memory_space<vmem>> -> memref<128xi32, #tpu.memory_space<vmem>>
          %dma_wait3A_393 = arith.constant 0 : i32
          %dma_wait3A_394 = arith.constant 0 : i32
          %dma_wait3A_395 = tpu.memref_slice %arg6[%dma_wait3A_393, %dma_wait3A_394] : memref<10112x128xf32, #tpu.memory_space<vmem_shared>> -> memref<10112x128xf32, #tpu.memory_space<vmem_shared>>
          tpu.wait_indirect_dma semaphore(%arg24 : memref<!tpu.dma_semaphore, #tpu.memory_space<semaphore_mem>>) src(%arg16 : memref<128x128xf32, #tpu.memory_space<vmem>>) dst(%dma_wait3A_395 : memref<10112x128xf32, #tpu.memory_space<vmem_shared>>)
        } else {
        }
        %dma_start3A_380 = arith.constant 0 : i32
        %dma_start3A_381 = arith.constant 0 : i32
        %dma_start3A_382 = arith.constant 0 : i32
        %dma_start3A_383 = tpu.memref_slice %arg10[%dma_start3A_380, %dma_start3A_381, %dma_start3A_382] : memref<1x1x128xi32, #tpu.memory_space<vmem>> -> memref<1x1x128xi32, #tpu.memory_space<vmem>>
        %dma_start3A_384 = tpu.memref_squeeze %dma_start3A_383 : memref<1x1x128xi32, #tpu.memory_space<vmem>> -> memref<128xi32, #tpu.memory_space<vmem>>
        %dma_start3A_385 = arith.constant 0 : i32
        %dma_start3A_386 = arith.constant 0 : i32
        %dma_start3A_387 = tpu.memref_slice %arg2[%dma_start3A_385, %dma_start3A_386] : memref<10000x128xf32, #tpu.memory_space<hbm>> -> memref<10000x128xf32, #tpu.memory_space<hbm>>
        tpu.enqueue_indirect_dma source(%dma_start3A_387 : memref<10000x128xf32, #tpu.memory_space<hbm>>) target(%arg16 : memref<128x128xf32, #tpu.memory_space<vmem>>) offsets(%dma_start3A_384 : memref<128xi32, #tpu.memory_space<vmem>>) semaphore(%arg22 : memref<!tpu.dma_semaphore, #tpu.memory_space<semaphore_mem>>)
      } else {
      }
      %dma_wait3A_295 = arith.constant 0 : i32
      %dma_wait3A_296 = arith.constant 0 : i32
      %dma_wait3A_297 = arith.constant 0 : i32
      %dma_wait3A_298 = tpu.memref_slice %arg7[%dma_wait3A_295, %dma_wait3A_296, %dma_wait3A_297] : memref<1x1x128xi32, #tpu.memory_space<vmem>> -> memref<1x1x128xi32, #tpu.memory_space<vmem>>
      %dma_wait3A_299 = tpu.memref_squeeze %dma_wait3A_298 : memref<1x1x128xi32, #tpu.memory_space<vmem>> -> memref<128xi32, #tpu.memory_space<vmem>>
      %dma_wait3A_300 = arith.constant 0 : i32
      %dma_wait3A_301 = arith.constant 0 : i32
      %dma_wait3A_302 = tpu.memref_slice %arg2[%dma_wait3A_300, %dma_wait3A_301] : memref<10000x128xf32, #tpu.memory_space<hbm>> -> memref<10000x128xf32, #tpu.memory_space<hbm>>
      tpu.wait_indirect_dma semaphore(%arg21 : memref<!tpu.dma_semaphore, #tpu.memory_space<semaphore_mem>>) src(%dma_wait3A_302 : memref<10000x128xf32, #tpu.memory_space<hbm>>) dst(%arg15 : memref<128x128xf32, #tpu.memory_space<vmem>>)
      %dma_start3A_303 = arith.constant 0 : i32
      %dma_start3A_304 = arith.constant 0 : i32
      %dma_start3A_305 = arith.constant 0 : i32
      %dma_start3A_306 = tpu.memref_slice %arg13[%dma_start3A_303, %dma_start3A_304, %dma_start3A_305] : memref<1x1x128xi32, #tpu.memory_space<vmem>> -> memref<1x1x128xi32, #tpu.memory_space<vmem>>
      %dma_start3A_307 = tpu.memref_squeeze %dma_start3A_306 : memref<1x1x128xi32, #tpu.memory_space<vmem>> -> memref<128xi32, #tpu.memory_space<vmem>>
      %dma_start3A_308 = arith.constant 0 : i32
      %dma_start3A_309 = arith.constant 0 : i32
      %dma_start3A_310 = tpu.memref_slice %arg6[%dma_start3A_308, %dma_start3A_309] : memref<10112x128xf32, #tpu.memory_space<vmem_shared>> -> memref<10112x128xf32, #tpu.memory_space<vmem_shared>>
      tpu.enqueue_indirect_dma source(%arg15 : memref<128x128xf32, #tpu.memory_space<vmem>>) target(%dma_start3A_310 : memref<10112x128xf32, #tpu.memory_space<vmem_shared>>) offsets(%dma_start3A_307 : memref<128xi32, #tpu.memory_space<vmem>>) semaphore(%arg23 : memref<!tpu.dma_semaphore, #tpu.memory_space<semaphore_mem>>) {add = true}
      %add3A_311 = arith.constant 3 : i32
      %add3A_312 = arith.addi %add3A_287, %add3A_311 : i32
      %lt3A_313 = arith.constant 78 : i32
      %lt3A_314 = arith.cmpi slt, %add3A_312, %lt3A_313 : i32
      %convert_element_type3A_315 = arith.extui %lt3A_314 : i1 to i32
      %cond3A_316 = arith.constant 0 : i32
      %cond3A_317 = arith.cmpi ne, %convert_element_type3A_315, %cond3A_316 : i32
      scf.if %cond3A_317 {
        %add3A_352 = arith.addi %mul3A_6, %add3A_287 : i32
        %add3A_353 = arith.constant 3 : i32
        %add3A_354 = arith.addi %add3A_352, %add3A_353 : i32
        %mul3A_355 = arith.constant 128 : i32
        %mul3A_356 = arith.muli %add3A_354, %mul3A_355 : i32
        %multiple_of3A_357 = tpu.assume_multiple %mul3A_356, 128 : i32
        %dma_start3A_358 = arith.constant 0 : i32
        %dma_start3A_359 = arith.constant 0 : i32
        %dma_start3A_360 = arith.constant 0 : i32
        %dma_start3A_361 = tpu.memref_slice %arg8[%dma_start3A_358, %dma_start3A_359, %dma_start3A_360] : memref<1x1x128xi32, #tpu.memory_space<vmem>> -> memref<1x1x128xi32, #tpu.memory_space<vmem>>
        %dma_start3A_362 = tpu.memref_squeeze %dma_start3A_361 : memref<1x1x128xi32, #tpu.memory_space<vmem>> -> memref<128xi32, #tpu.memory_space<vmem>>
        %dma_start3A_363 = tpu.memref_slice %arg3[%multiple_of3A_357] : memref<640000xi32, #tpu.memory_space<hbm>> -> memref<128xi32, #tpu.memory_space<hbm>>
        %dma_start3A_364 = arith.constant 0 : i32
        %dma_start3A_365 = tpu.memref_slice %arg8[%dma_start3A_358, %dma_start3A_359, %dma_start3A_364] : memref<1x1x128xi32, #tpu.memory_space<vmem>> -> memref<1x1x128xi32, #tpu.memory_space<vmem>>
        %dma_start3A_366 = tpu.memref_squeeze %dma_start3A_365 : memref<1x1x128xi32, #tpu.memory_space<vmem>> -> memref<128xi32, #tpu.memory_space<vmem>>
        %dma_start3A_367 = tpu.memref_slice %arg3[%multiple_of3A_357] : memref<640000xi32, #tpu.memory_space<hbm>> -> memref<128xi32, #tpu.memory_space<hbm>>
        tpu.enqueue_dma source(%dma_start3A_367 : memref<128xi32, #tpu.memory_space<hbm>>) target(%dma_start3A_366 : memref<128xi32, #tpu.memory_space<vmem>>) target_semaphore(%arg18 : memref<!tpu.dma_semaphore, #tpu.memory_space<semaphore_mem>>)
        %add3A_368 = arith.constant 320000 : i32
        %add3A_369 = arith.addi %add3A_368, %multiple_of3A_357 : i32
        %dma_start3A_370 = arith.constant 0 : i32
        %dma_start3A_371 = arith.constant 0 : i32
        %dma_start3A_372 = arith.constant 0 : i32
        %dma_start3A_373 = tpu.memref_slice %arg12[%dma_start3A_370, %dma_start3A_371, %dma_start3A_372] : memref<1x1x128xi32, #tpu.memory_space<vmem>> -> memref<1x1x128xi32, #tpu.memory_space<vmem>>
        %dma_start3A_374 = tpu.memref_squeeze %dma_start3A_373 : memref<1x1x128xi32, #tpu.memory_space<vmem>> -> memref<128xi32, #tpu.memory_space<vmem>>
        %dma_start3A_375 = tpu.memref_slice %arg3[%add3A_369] : memref<640000xi32, #tpu.memory_space<hbm>> -> memref<128xi32, #tpu.memory_space<hbm>>
        %dma_start3A_376 = arith.constant 0 : i32
        %dma_start3A_377 = tpu.memref_slice %arg12[%dma_start3A_370, %dma_start3A_371, %dma_start3A_376] : memref<1x1x128xi32, #tpu.memory_space<vmem>> -> memref<1x1x128xi32, #tpu.memory_space<vmem>>
        %dma_start3A_378 = tpu.memref_squeeze %dma_start3A_377 : memref<1x1x128xi32, #tpu.memory_space<vmem>> -> memref<128xi32, #tpu.memory_space<vmem>>
        %dma_start3A_379 = tpu.memref_slice %arg3[%add3A_369] : memref<640000xi32, #tpu.memory_space<hbm>> -> memref<128xi32, #tpu.memory_space<hbm>>
        tpu.enqueue_dma source(%dma_start3A_379 : memref<128xi32, #tpu.memory_space<hbm>>) target(%dma_start3A_378 : memref<128xi32, #tpu.memory_space<vmem>>) target_semaphore(%arg18 : memref<!tpu.dma_semaphore, #tpu.memory_space<semaphore_mem>>)
      } else {
      }
      %mul3A_318 = arith.constant 4 : i32
      %mul3A_319 = arith.muli %mul3A_318, %scan3A_215 : i32
      %add3A_320 = arith.constant 3 : i32
      %add3A_321 = arith.addi %mul3A_319, %add3A_320 : i32
      %add3A_322 = arith.constant 1 : i32
      %add3A_323 = arith.addi %add3A_321, %add3A_322 : i32
      %lt3A_324 = arith.constant 78 : i32
      %lt3A_325 = arith.cmpi slt, %add3A_323, %lt3A_324 : i32
      %convert_element_type3A_326 = arith.extui %lt3A_325 : i1 to i32
      %cond3A_327 = arith.constant 0 : i32
      %cond3A_328 = arith.cmpi ne, %convert_element_type3A_326, %cond3A_327 : i32
      scf.if %cond3A_328 {
        %dma_wait3A_352 = arith.constant 0 : i32
        %dma_wait3A_353 = arith.constant 0 : i32
        %dma_wait3A_354 = arith.constant 0 : i32
        %dma_wait3A_355 = tpu.memref_slice %arg7[%dma_wait3A_352, %dma_wait3A_353, %dma_wait3A_354] : memref<1x1x128xi32, #tpu.memory_space<vmem>> -> memref<1x1x128xi32, #tpu.memory_space<vmem>>
        %dma_wait3A_356 = tpu.memref_squeeze %dma_wait3A_355 : memref<1x1x128xi32, #tpu.memory_space<vmem>> -> memref<128xi32, #tpu.memory_space<vmem>>
        %dma_wait3A_357 = arith.constant 0 : i32
        %dma_wait3A_358 = tpu.memref_slice %arg3[%dma_wait3A_357] : memref<640000xi32, #tpu.memory_space<hbm>> -> memref<128xi32, #tpu.memory_space<hbm>>
        %dma_wait3A_359 = arith.constant 0 : i32
        %dma_wait3A_360 = tpu.memref_slice %arg7[%dma_wait3A_352, %dma_wait3A_353, %dma_wait3A_359] : memref<1x1x128xi32, #tpu.memory_space<vmem>> -> memref<1x1x128xi32, #tpu.memory_space<vmem>>
        %dma_wait3A_361 = tpu.memref_squeeze %dma_wait3A_360 : memref<1x1x128xi32, #tpu.memory_space<vmem>> -> memref<128xi32, #tpu.memory_space<vmem>>
        %dma_wait3A_362 = arith.constant 0 : i32
        %dma_wait3A_363 = tpu.memref_slice %arg3[%dma_wait3A_362] : memref<640000xi32, #tpu.memory_space<hbm>> -> memref<128xi32, #tpu.memory_space<hbm>>
        tpu.wait_dma2 semaphore(%arg17 : memref<!tpu.dma_semaphore, #tpu.memory_space<semaphore_mem>>) src(%dma_wait3A_363 : memref<128xi32, #tpu.memory_space<hbm>>) dst(%dma_wait3A_361 : memref<128xi32, #tpu.memory_space<vmem>>)
        %dma_wait3A_364 = arith.constant 0 : i32
        %dma_wait3A_365 = arith.constant 0 : i32
        %dma_wait3A_366 = arith.constant 0 : i32
        %dma_wait3A_367 = tpu.memref_slice %arg11[%dma_wait3A_364, %dma_wait3A_365, %dma_wait3A_366] : memref<1x1x128xi32, #tpu.memory_space<vmem>> -> memref<1x1x128xi32, #tpu.memory_space<vmem>>
        %dma_wait3A_368 = tpu.memref_squeeze %dma_wait3A_367 : memref<1x1x128xi32, #tpu.memory_space<vmem>> -> memref<128xi32, #tpu.memory_space<vmem>>
        %dma_wait3A_369 = arith.constant 0 : i32
        %dma_wait3A_370 = tpu.memref_slice %arg3[%dma_wait3A_369] : memref<640000xi32, #tpu.memory_space<hbm>> -> memref<128xi32, #tpu.memory_space<hbm>>
        %dma_wait3A_371 = arith.constant 0 : i32
        %dma_wait3A_372 = tpu.memref_slice %arg11[%dma_wait3A_364, %dma_wait3A_365, %dma_wait3A_371] : memref<1x1x128xi32, #tpu.memory_space<vmem>> -> memref<1x1x128xi32, #tpu.memory_space<vmem>>
        %dma_wait3A_373 = tpu.memref_squeeze %dma_wait3A_372 : memref<1x1x128xi32, #tpu.memory_space<vmem>> -> memref<128xi32, #tpu.memory_space<vmem>>
        %dma_wait3A_374 = arith.constant 0 : i32
        %dma_wait3A_375 = tpu.memref_slice %arg3[%dma_wait3A_374] : memref<640000xi32, #tpu.memory_space<hbm>> -> memref<128xi32, #tpu.memory_space<hbm>>
        tpu.wait_dma2 semaphore(%arg17 : memref<!tpu.dma_semaphore, #tpu.memory_space<semaphore_mem>>) src(%dma_wait3A_375 : memref<128xi32, #tpu.memory_space<hbm>>) dst(%dma_wait3A_373 : memref<128xi32, #tpu.memory_space<vmem>>)
        %ge3A = arith.constant 1 : i32
        %ge3A_376 = arith.cmpi sge, %add3A_321, %ge3A : i32
        %convert_element_type3A_377 = arith.extui %ge3A_376 : i1 to i32
        %cond3A_378 = arith.constant 0 : i32
        %cond3A_379 = arith.cmpi ne, %convert_element_type3A_377, %cond3A_378 : i32
        scf.if %cond3A_379 {
          %dma_wait3A_388 = arith.constant 0 : i32
          %dma_wait3A_389 = arith.constant 0 : i32
          %dma_wait3A_390 = arith.constant 0 : i32
          %dma_wait3A_391 = tpu.memref_slice %arg11[%dma_wait3A_388, %dma_wait3A_389, %dma_wait3A_390] : memref<1x1x128xi32, #tpu.memory_space<vmem>> -> memref<1x1x128xi32, #tpu.memory_space<vmem>>
          %dma_wait3A_392 = tpu.memref_squeeze %dma_wait3A_391 : memref<1x1x128xi32, #tpu.memory_space<vmem>> -> memref<128xi32, #tpu.memory_space<vmem>>
          %dma_wait3A_393 = arith.constant 0 : i32
          %dma_wait3A_394 = arith.constant 0 : i32
          %dma_wait3A_395 = tpu.memref_slice %arg6[%dma_wait3A_393, %dma_wait3A_394] : memref<10112x128xf32, #tpu.memory_space<vmem_shared>> -> memref<10112x128xf32, #tpu.memory_space<vmem_shared>>
          tpu.wait_indirect_dma semaphore(%arg23 : memref<!tpu.dma_semaphore, #tpu.memory_space<semaphore_mem>>) src(%arg15 : memref<128x128xf32, #tpu.memory_space<vmem>>) dst(%dma_wait3A_395 : memref<10112x128xf32, #tpu.memory_space<vmem_shared>>)
        } else {
        }
        %dma_start3A_380 = arith.constant 0 : i32
        %dma_start3A_381 = arith.constant 0 : i32
        %dma_start3A_382 = arith.constant 0 : i32
        %dma_start3A_383 = tpu.memref_slice %arg7[%dma_start3A_380, %dma_start3A_381, %dma_start3A_382] : memref<1x1x128xi32, #tpu.memory_space<vmem>> -> memref<1x1x128xi32, #tpu.memory_space<vmem>>
        %dma_start3A_384 = tpu.memref_squeeze %dma_start3A_383 : memref<1x1x128xi32, #tpu.memory_space<vmem>> -> memref<128xi32, #tpu.memory_space<vmem>>
        %dma_start3A_385 = arith.constant 0 : i32
        %dma_start3A_386 = arith.constant 0 : i32
        %dma_start3A_387 = tpu.memref_slice %arg2[%dma_start3A_385, %dma_start3A_386] : memref<10000x128xf32, #tpu.memory_space<hbm>> -> memref<10000x128xf32, #tpu.memory_space<hbm>>
        tpu.enqueue_indirect_dma source(%dma_start3A_387 : memref<10000x128xf32, #tpu.memory_space<hbm>>) target(%arg15 : memref<128x128xf32, #tpu.memory_space<vmem>>) offsets(%dma_start3A_384 : memref<128xi32, #tpu.memory_space<vmem>>) semaphore(%arg21 : memref<!tpu.dma_semaphore, #tpu.memory_space<semaphore_mem>>)
      } else {
      }
      %dma_wait3A_329 = arith.constant 0 : i32
      %dma_wait3A_330 = arith.constant 0 : i32
      %dma_wait3A_331 = arith.constant 0 : i32
      %dma_wait3A_332 = tpu.memref_slice %arg7[%dma_wait3A_329, %dma_wait3A_330, %dma_wait3A_331] : memref<1x1x128xi32, #tpu.memory_space<vmem>> -> memref<1x1x128xi32, #tpu.memory_space<vmem>>
      %dma_wait3A_333 = tpu.memref_squeeze %dma_wait3A_332 : memref<1x1x128xi32, #tpu.memory_space<vmem>> -> memref<128xi32, #tpu.memory_space<vmem>>
      %dma_wait3A_334 = arith.constant 0 : i32
      %dma_wait3A_335 = arith.constant 0 : i32
      %dma_wait3A_336 = tpu.memref_slice %arg2[%dma_wait3A_334, %dma_wait3A_335] : memref<10000x128xf32, #tpu.memory_space<hbm>> -> memref<10000x128xf32, #tpu.memory_space<hbm>>
      tpu.wait_indirect_dma semaphore(%arg22 : memref<!tpu.dma_semaphore, #tpu.memory_space<semaphore_mem>>) src(%dma_wait3A_336 : memref<10000x128xf32, #tpu.memory_space<hbm>>) dst(%arg16 : memref<128x128xf32, #tpu.memory_space<vmem>>)
      %dma_start3A_337 = arith.constant 0 : i32
      %dma_start3A_338 = arith.constant 0 : i32
      %dma_start3A_339 = arith.constant 0 : i32
      %dma_start3A_340 = tpu.memref_slice %arg14[%dma_start3A_337, %dma_start3A_338, %dma_start3A_339] : memref<1x1x128xi32, #tpu.memory_space<vmem>> -> memref<1x1x128xi32, #tpu.memory_space<vmem>>
      %dma_start3A_341 = tpu.memref_squeeze %dma_start3A_340 : memref<1x1x128xi32, #tpu.memory_space<vmem>> -> memref<128xi32, #tpu.memory_space<vmem>>
      %dma_start3A_342 = arith.constant 0 : i32
      %dma_start3A_343 = arith.constant 0 : i32
      %dma_start3A_344 = tpu.memref_slice %arg6[%dma_start3A_342, %dma_start3A_343] : memref<10112x128xf32, #tpu.memory_space<vmem_shared>> -> memref<10112x128xf32, #tpu.memory_space<vmem_shared>>
      tpu.enqueue_indirect_dma source(%arg16 : memref<128x128xf32, #tpu.memory_space<vmem>>) target(%dma_start3A_344 : memref<10112x128xf32, #tpu.memory_space<vmem_shared>>) offsets(%dma_start3A_341 : memref<128xi32, #tpu.memory_space<vmem>>) semaphore(%arg24 : memref<!tpu.dma_semaphore, #tpu.memory_space<semaphore_mem>>) {add = true}
      %add3A_345 = arith.constant 3 : i32
      %add3A_346 = arith.addi %add3A_321, %add3A_345 : i32
      %lt3A_347 = arith.constant 78 : i32
      %lt3A_348 = arith.cmpi slt, %add3A_346, %lt3A_347 : i32
      %convert_element_type3A_349 = arith.extui %lt3A_348 : i1 to i32
      %cond3A_350 = arith.constant 0 : i32
      %cond3A_351 = arith.cmpi ne, %convert_element_type3A_349, %cond3A_350 : i32
      scf.if %cond3A_351 {
        %add3A_352 = arith.addi %mul3A_6, %add3A_321 : i32
        %add3A_353 = arith.constant 3 : i32
        %add3A_354 = arith.addi %add3A_352, %add3A_353 : i32
        %mul3A_355 = arith.constant 128 : i32
        %mul3A_356 = arith.muli %add3A_354, %mul3A_355 : i32
        %multiple_of3A_357 = tpu.assume_multiple %mul3A_356, 128 : i32
        %dma_start3A_358 = arith.constant 0 : i32
        %dma_start3A_359 = arith.constant 0 : i32
        %dma_start3A_360 = arith.constant 0 : i32
        %dma_start3A_361 = tpu.memref_slice %arg9[%dma_start3A_358, %dma_start3A_359, %dma_start3A_360] : memref<1x1x128xi32, #tpu.memory_space<vmem>> -> memref<1x1x128xi32, #tpu.memory_space<vmem>>
        %dma_start3A_362 = tpu.memref_squeeze %dma_start3A_361 : memref<1x1x128xi32, #tpu.memory_space<vmem>> -> memref<128xi32, #tpu.memory_space<vmem>>
        %dma_start3A_363 = tpu.memref_slice %arg3[%multiple_of3A_357] : memref<640000xi32, #tpu.memory_space<hbm>> -> memref<128xi32, #tpu.memory_space<hbm>>
        %dma_start3A_364 = arith.constant 0 : i32
        %dma_start3A_365 = tpu.memref_slice %arg9[%dma_start3A_358, %dma_start3A_359, %dma_start3A_364] : memref<1x1x128xi32, #tpu.memory_space<vmem>> -> memref<1x1x128xi32, #tpu.memory_space<vmem>>
        %dma_start3A_366 = tpu.memref_squeeze %dma_start3A_365 : memref<1x1x128xi32, #tpu.memory_space<vmem>> -> memref<128xi32, #tpu.memory_space<vmem>>
        %dma_start3A_367 = tpu.memref_slice %arg3[%multiple_of3A_357] : memref<640000xi32, #tpu.memory_space<hbm>> -> memref<128xi32, #tpu.memory_space<hbm>>
        tpu.enqueue_dma source(%dma_start3A_367 : memref<128xi32, #tpu.memory_space<hbm>>) target(%dma_start3A_366 : memref<128xi32, #tpu.memory_space<vmem>>) target_semaphore(%arg19 : memref<!tpu.dma_semaphore, #tpu.memory_space<semaphore_mem>>)
        %add3A_368 = arith.constant 320000 : i32
        %add3A_369 = arith.addi %add3A_368, %multiple_of3A_357 : i32
        %dma_start3A_370 = arith.constant 0 : i32
        %dma_start3A_371 = arith.constant 0 : i32
        %dma_start3A_372 = arith.constant 0 : i32
        %dma_start3A_373 = tpu.memref_slice %arg13[%dma_start3A_370, %dma_start3A_371, %dma_start3A_372] : memref<1x1x128xi32, #tpu.memory_space<vmem>> -> memref<1x1x128xi32, #tpu.memory_space<vmem>>
        %dma_start3A_374 = tpu.memref_squeeze %dma_start3A_373 : memref<1x1x128xi32, #tpu.memory_space<vmem>> -> memref<128xi32, #tpu.memory_space<vmem>>
        %dma_start3A_375 = tpu.memref_slice %arg3[%add3A_369] : memref<640000xi32, #tpu.memory_space<hbm>> -> memref<128xi32, #tpu.memory_space<hbm>>
        %dma_start3A_376 = arith.constant 0 : i32
        %dma_start3A_377 = tpu.memref_slice %arg13[%dma_start3A_370, %dma_start3A_371, %dma_start3A_376] : memref<1x1x128xi32, #tpu.memory_space<vmem>> -> memref<1x1x128xi32, #tpu.memory_space<vmem>>
        %dma_start3A_378 = tpu.memref_squeeze %dma_start3A_377 : memref<1x1x128xi32, #tpu.memory_space<vmem>> -> memref<128xi32, #tpu.memory_space<vmem>>
        %dma_start3A_379 = tpu.memref_slice %arg3[%add3A_369] : memref<640000xi32, #tpu.memory_space<hbm>> -> memref<128xi32, #tpu.memory_space<hbm>>
        tpu.enqueue_dma source(%dma_start3A_379 : memref<128xi32, #tpu.memory_space<hbm>>) target(%dma_start3A_378 : memref<128xi32, #tpu.memory_space<vmem>>) target_semaphore(%arg19 : memref<!tpu.dma_semaphore, #tpu.memory_space<semaphore_mem>>)
      } else {
      }
    }
    %scan3A_119 = arith.constant 19 : i32
    %dma_wait3A_120 = arith.constant 0 : i32
    %dma_wait3A_121 = arith.constant 0 : i32
    %dma_wait3A_122 = arith.constant 0 : i32
    %dma_wait3A_123 = tpu.memref_slice %arg8[%dma_wait3A_120, %dma_wait3A_121, %dma_wait3A_122] : memref<1x1x128xi32, #tpu.memory_space<vmem>> -> memref<1x1x128xi32, #tpu.memory_space<vmem>>
    %dma_wait3A_124 = tpu.memref_squeeze %dma_wait3A_123 : memref<1x1x128xi32, #tpu.memory_space<vmem>> -> memref<128xi32, #tpu.memory_space<vmem>>
    %dma_wait3A_125 = arith.constant 0 : i32
    %dma_wait3A_126 = tpu.memref_slice %arg3[%dma_wait3A_125] : memref<640000xi32, #tpu.memory_space<hbm>> -> memref<128xi32, #tpu.memory_space<hbm>>
    %dma_wait3A_127 = arith.constant 0 : i32
    %dma_wait3A_128 = tpu.memref_slice %arg8[%dma_wait3A_120, %dma_wait3A_121, %dma_wait3A_127] : memref<1x1x128xi32, #tpu.memory_space<vmem>> -> memref<1x1x128xi32, #tpu.memory_space<vmem>>
    %dma_wait3A_129 = tpu.memref_squeeze %dma_wait3A_128 : memref<1x1x128xi32, #tpu.memory_space<vmem>> -> memref<128xi32, #tpu.memory_space<vmem>>
    %dma_wait3A_130 = arith.constant 0 : i32
    %dma_wait3A_131 = tpu.memref_slice %arg3[%dma_wait3A_130] : memref<640000xi32, #tpu.memory_space<hbm>> -> memref<128xi32, #tpu.memory_space<hbm>>
    tpu.wait_dma2 semaphore(%arg18 : memref<!tpu.dma_semaphore, #tpu.memory_space<semaphore_mem>>) src(%dma_wait3A_131 : memref<128xi32, #tpu.memory_space<hbm>>) dst(%dma_wait3A_129 : memref<128xi32, #tpu.memory_space<vmem>>)
    %dma_wait3A_132 = arith.constant 0 : i32
    %dma_wait3A_133 = arith.constant 0 : i32
    %dma_wait3A_134 = arith.constant 0 : i32
    %dma_wait3A_135 = tpu.memref_slice %arg12[%dma_wait3A_132, %dma_wait3A_133, %dma_wait3A_134] : memref<1x1x128xi32, #tpu.memory_space<vmem>> -> memref<1x1x128xi32, #tpu.memory_space<vmem>>
    %dma_wait3A_136 = tpu.memref_squeeze %dma_wait3A_135 : memref<1x1x128xi32, #tpu.memory_space<vmem>> -> memref<128xi32, #tpu.memory_space<vmem>>
    %dma_wait3A_137 = arith.constant 0 : i32
    %dma_wait3A_138 = tpu.memref_slice %arg3[%dma_wait3A_137] : memref<640000xi32, #tpu.memory_space<hbm>> -> memref<128xi32, #tpu.memory_space<hbm>>
    %dma_wait3A_139 = arith.constant 0 : i32
    %dma_wait3A_140 = tpu.memref_slice %arg12[%dma_wait3A_132, %dma_wait3A_133, %dma_wait3A_139] : memref<1x1x128xi32, #tpu.memory_space<vmem>> -> memref<1x1x128xi32, #tpu.memory_space<vmem>>
    %dma_wait3A_141 = tpu.memref_squeeze %dma_wait3A_140 : memref<1x1x128xi32, #tpu.memory_space<vmem>> -> memref<128xi32, #tpu.memory_space<vmem>>
    %dma_wait3A_142 = arith.constant 0 : i32
    %dma_wait3A_143 = tpu.memref_slice %arg3[%dma_wait3A_142] : memref<640000xi32, #tpu.memory_space<hbm>> -> memref<128xi32, #tpu.memory_space<hbm>>
    tpu.wait_dma2 semaphore(%arg18 : memref<!tpu.dma_semaphore, #tpu.memory_space<semaphore_mem>>) src(%dma_wait3A_143 : memref<128xi32, #tpu.memory_space<hbm>>) dst(%dma_wait3A_141 : memref<128xi32, #tpu.memory_space<vmem>>)
    %dma_wait3A_144 = arith.constant 0 : i32
    %dma_wait3A_145 = arith.constant 0 : i32
    %dma_wait3A_146 = arith.constant 0 : i32
    %dma_wait3A_147 = tpu.memref_slice %arg12[%dma_wait3A_144, %dma_wait3A_145, %dma_wait3A_146] : memref<1x1x128xi32, #tpu.memory_space<vmem>> -> memref<1x1x128xi32, #tpu.memory_space<vmem>>
    %dma_wait3A_148 = tpu.memref_squeeze %dma_wait3A_147 : memref<1x1x128xi32, #tpu.memory_space<vmem>> -> memref<128xi32, #tpu.memory_space<vmem>>
    %dma_wait3A_149 = arith.constant 0 : i32
    %dma_wait3A_150 = arith.constant 0 : i32
    %dma_wait3A_151 = tpu.memref_slice %arg6[%dma_wait3A_149, %dma_wait3A_150] : memref<10112x128xf32, #tpu.memory_space<vmem_shared>> -> memref<10112x128xf32, #tpu.memory_space<vmem_shared>>
    tpu.wait_indirect_dma semaphore(%arg24 : memref<!tpu.dma_semaphore, #tpu.memory_space<semaphore_mem>>) src(%arg16 : memref<128x128xf32, #tpu.memory_space<vmem>>) dst(%dma_wait3A_151 : memref<10112x128xf32, #tpu.memory_space<vmem_shared>>)
    %dma_start3A_152 = arith.constant 0 : i32
    %dma_start3A_153 = arith.constant 0 : i32
    %dma_start3A_154 = arith.constant 0 : i32
    %dma_start3A_155 = tpu.memref_slice %arg8[%dma_start3A_152, %dma_start3A_153, %dma_start3A_154] : memref<1x1x128xi32, #tpu.memory_space<vmem>> -> memref<1x1x128xi32, #tpu.memory_space<vmem>>
    %dma_start3A_156 = tpu.memref_squeeze %dma_start3A_155 : memref<1x1x128xi32, #tpu.memory_space<vmem>> -> memref<128xi32, #tpu.memory_space<vmem>>
    %dma_start3A_157 = arith.constant 0 : i32
    %dma_start3A_158 = arith.constant 0 : i32
    %dma_start3A_159 = tpu.memref_slice %arg2[%dma_start3A_157, %dma_start3A_158] : memref<10000x128xf32, #tpu.memory_space<hbm>> -> memref<10000x128xf32, #tpu.memory_space<hbm>>
    tpu.enqueue_indirect_dma source(%dma_start3A_159 : memref<10000x128xf32, #tpu.memory_space<hbm>>) target(%arg16 : memref<128x128xf32, #tpu.memory_space<vmem>>) offsets(%dma_start3A_156 : memref<128xi32, #tpu.memory_space<vmem>>) semaphore(%arg22 : memref<!tpu.dma_semaphore, #tpu.memory_space<semaphore_mem>>)
    %dma_wait3A_160 = arith.constant 0 : i32
    %dma_wait3A_161 = arith.constant 0 : i32
    %dma_wait3A_162 = arith.constant 0 : i32
    %dma_wait3A_163 = tpu.memref_slice %arg7[%dma_wait3A_160, %dma_wait3A_161, %dma_wait3A_162] : memref<1x1x128xi32, #tpu.memory_space<vmem>> -> memref<1x1x128xi32, #tpu.memory_space<vmem>>
    %dma_wait3A_164 = tpu.memref_squeeze %dma_wait3A_163 : memref<1x1x128xi32, #tpu.memory_space<vmem>> -> memref<128xi32, #tpu.memory_space<vmem>>
    %dma_wait3A_165 = arith.constant 0 : i32
    %dma_wait3A_166 = arith.constant 0 : i32
    %dma_wait3A_167 = tpu.memref_slice %arg2[%dma_wait3A_165, %dma_wait3A_166] : memref<10000x128xf32, #tpu.memory_space<hbm>> -> memref<10000x128xf32, #tpu.memory_space<hbm>>
    tpu.wait_indirect_dma semaphore(%arg21 : memref<!tpu.dma_semaphore, #tpu.memory_space<semaphore_mem>>) src(%dma_wait3A_167 : memref<10000x128xf32, #tpu.memory_space<hbm>>) dst(%arg15 : memref<128x128xf32, #tpu.memory_space<vmem>>)
    %dma_start3A_168 = arith.constant 0 : i32
    %dma_start3A_169 = arith.constant 0 : i32
    %dma_start3A_170 = arith.constant 0 : i32
    %dma_start3A_171 = tpu.memref_slice %arg11[%dma_start3A_168, %dma_start3A_169, %dma_start3A_170] : memref<1x1x128xi32, #tpu.memory_space<vmem>> -> memref<1x1x128xi32, #tpu.memory_space<vmem>>
    %dma_start3A_172 = tpu.memref_squeeze %dma_start3A_171 : memref<1x1x128xi32, #tpu.memory_space<vmem>> -> memref<128xi32, #tpu.memory_space<vmem>>
    %dma_start3A_173 = arith.constant 0 : i32
    %dma_start3A_174 = arith.constant 0 : i32
    %dma_start3A_175 = tpu.memref_slice %arg6[%dma_start3A_173, %dma_start3A_174] : memref<10112x128xf32, #tpu.memory_space<vmem_shared>> -> memref<10112x128xf32, #tpu.memory_space<vmem_shared>>
    tpu.enqueue_indirect_dma source(%arg15 : memref<128x128xf32, #tpu.memory_space<vmem>>) target(%dma_start3A_175 : memref<10112x128xf32, #tpu.memory_space<vmem_shared>>) offsets(%dma_start3A_172 : memref<128xi32, #tpu.memory_space<vmem>>) semaphore(%arg23 : memref<!tpu.dma_semaphore, #tpu.memory_space<semaphore_mem>>) {add = true}
    %dma_wait3A_176 = arith.constant 0 : i32
    %dma_wait3A_177 = arith.constant 0 : i32
    %dma_wait3A_178 = arith.constant 0 : i32
    %dma_wait3A_179 = tpu.memref_slice %arg7[%dma_wait3A_176, %dma_wait3A_177, %dma_wait3A_178] : memref<1x1x128xi32, #tpu.memory_space<vmem>> -> memref<1x1x128xi32, #tpu.memory_space<vmem>>
    %dma_wait3A_180 = tpu.memref_squeeze %dma_wait3A_179 : memref<1x1x128xi32, #tpu.memory_space<vmem>> -> memref<128xi32, #tpu.memory_space<vmem>>
    %dma_wait3A_181 = arith.constant 0 : i32
    %dma_wait3A_182 = arith.constant 0 : i32
    %dma_wait3A_183 = tpu.memref_slice %arg2[%dma_wait3A_181, %dma_wait3A_182] : memref<10000x128xf32, #tpu.memory_space<hbm>> -> memref<10000x128xf32, #tpu.memory_space<hbm>>
    tpu.wait_indirect_dma semaphore(%arg22 : memref<!tpu.dma_semaphore, #tpu.memory_space<semaphore_mem>>) src(%dma_wait3A_183 : memref<10000x128xf32, #tpu.memory_space<hbm>>) dst(%arg16 : memref<128x128xf32, #tpu.memory_space<vmem>>)
    %dma_start3A_184 = arith.constant 0 : i32
    %dma_start3A_185 = arith.constant 0 : i32
    %dma_start3A_186 = arith.constant 0 : i32
    %dma_start3A_187 = tpu.memref_slice %arg12[%dma_start3A_184, %dma_start3A_185, %dma_start3A_186] : memref<1x1x128xi32, #tpu.memory_space<vmem>> -> memref<1x1x128xi32, #tpu.memory_space<vmem>>
    %dma_start3A_188 = tpu.memref_squeeze %dma_start3A_187 : memref<1x1x128xi32, #tpu.memory_space<vmem>> -> memref<128xi32, #tpu.memory_space<vmem>>
    %dma_start3A_189 = arith.constant 0 : i32
    %dma_start3A_190 = arith.constant 0 : i32
    %dma_start3A_191 = tpu.memref_slice %arg6[%dma_start3A_189, %dma_start3A_190] : memref<10112x128xf32, #tpu.memory_space<vmem_shared>> -> memref<10112x128xf32, #tpu.memory_space<vmem_shared>>
    tpu.enqueue_indirect_dma source(%arg16 : memref<128x128xf32, #tpu.memory_space<vmem>>) target(%dma_start3A_191 : memref<10112x128xf32, #tpu.memory_space<vmem_shared>>) offsets(%dma_start3A_188 : memref<128xi32, #tpu.memory_space<vmem>>) semaphore(%arg24 : memref<!tpu.dma_semaphore, #tpu.memory_space<semaphore_mem>>) {add = true}
    %dma_wait3A_192 = arith.constant 0 : i32
    %dma_wait3A_193 = arith.constant 0 : i32
    %dma_wait3A_194 = arith.constant 0 : i32
    %dma_wait3A_195 = tpu.memref_slice %arg11[%dma_wait3A_192, %dma_wait3A_193, %dma_wait3A_194] : memref<1x1x128xi32, #tpu.memory_space<vmem>> -> memref<1x1x128xi32, #tpu.memory_space<vmem>>
    %dma_wait3A_196 = tpu.memref_squeeze %dma_wait3A_195 : memref<1x1x128xi32, #tpu.memory_space<vmem>> -> memref<128xi32, #tpu.memory_space<vmem>>
    %dma_wait3A_197 = arith.constant 0 : i32
    %dma_wait3A_198 = arith.constant 0 : i32
    %dma_wait3A_199 = tpu.memref_slice %arg6[%dma_wait3A_197, %dma_wait3A_198] : memref<10112x128xf32, #tpu.memory_space<vmem_shared>> -> memref<10112x128xf32, #tpu.memory_space<vmem_shared>>
    tpu.wait_indirect_dma semaphore(%arg23 : memref<!tpu.dma_semaphore, #tpu.memory_space<semaphore_mem>>) src(%arg15 : memref<128x128xf32, #tpu.memory_space<vmem>>) dst(%dma_wait3A_199 : memref<10112x128xf32, #tpu.memory_space<vmem_shared>>)
    %dma_wait3A_200 = arith.constant 0 : i32
    %dma_wait3A_201 = arith.constant 0 : i32
    %dma_wait3A_202 = arith.constant 0 : i32
    %dma_wait3A_203 = tpu.memref_slice %arg12[%dma_wait3A_200, %dma_wait3A_201, %dma_wait3A_202] : memref<1x1x128xi32, #tpu.memory_space<vmem>> -> memref<1x1x128xi32, #tpu.memory_space<vmem>>
    %dma_wait3A_204 = tpu.memref_squeeze %dma_wait3A_203 : memref<1x1x128xi32, #tpu.memory_space<vmem>> -> memref<128xi32, #tpu.memory_space<vmem>>
    %dma_wait3A_205 = arith.constant 0 : i32
    %dma_wait3A_206 = arith.constant 0 : i32
    %dma_wait3A_207 = tpu.memref_slice %arg6[%dma_wait3A_205, %dma_wait3A_206] : memref<10112x128xf32, #tpu.memory_space<vmem_shared>> -> memref<10112x128xf32, #tpu.memory_space<vmem_shared>>
    tpu.wait_indirect_dma semaphore(%arg24 : memref<!tpu.dma_semaphore, #tpu.memory_space<semaphore_mem>>) src(%arg16 : memref<128x128xf32, #tpu.memory_space<vmem>>) dst(%dma_wait3A_207 : memref<10112x128xf32, #tpu.memory_space<vmem_shared>>)
    %lt3A = arith.constant 4 : i32
    %lt3A_208 = arith.cmpi slt, %add3A, %lt3A : i32
    %convert_element_type3A = arith.extui %lt3A_208 : i1 to i32
    %cond3A = arith.constant 0 : i32
    %cond3A_209 = arith.cmpi ne, %convert_element_type3A, %cond3A : i32
    scf.if %cond3A_209 {
      %add3A_215 = arith.constant 2496 : i32
      %add3A_216 = arith.addi %add3A_215, %add3A : i32
      %mul3A_217 = arith.constant 128 : i32
      %mul3A_218 = arith.muli %add3A_216, %mul3A_217 : i32
      %multiple_of3A_219 = tpu.assume_multiple %mul3A_218, 128 : i32
      %dma_start3A_220 = arith.constant 0 : i32
      %dma_start3A_221 = arith.constant 0 : i32
      %dma_start3A_222 = arith.constant 0 : i32
      %dma_start3A_223 = tpu.memref_slice %arg7[%dma_start3A_220, %dma_start3A_221, %dma_start3A_222] : memref<1x1x128xi32, #tpu.memory_space<vmem>> -> memref<1x1x128xi32, #tpu.memory_space<vmem>>
      %dma_start3A_224 = tpu.memref_squeeze %dma_start3A_223 : memref<1x1x128xi32, #tpu.memory_space<vmem>> -> memref<128xi32, #tpu.memory_space<vmem>>
      %dma_start3A_225 = tpu.memref_slice %arg3[%multiple_of3A_219] : memref<640000xi32, #tpu.memory_space<hbm>> -> memref<128xi32, #tpu.memory_space<hbm>>
      %dma_start3A_226 = arith.constant 0 : i32
      %dma_start3A_227 = tpu.memref_slice %arg7[%dma_start3A_220, %dma_start3A_221, %dma_start3A_226] : memref<1x1x128xi32, #tpu.memory_space<vmem>> -> memref<1x1x128xi32, #tpu.memory_space<vmem>>
      %dma_start3A_228 = tpu.memref_squeeze %dma_start3A_227 : memref<1x1x128xi32, #tpu.memory_space<vmem>> -> memref<128xi32, #tpu.memory_space<vmem>>
      %dma_start3A_229 = tpu.memref_slice %arg3[%multiple_of3A_219] : memref<640000xi32, #tpu.memory_space<hbm>> -> memref<128xi32, #tpu.memory_space<hbm>>
      tpu.enqueue_dma source(%dma_start3A_229 : memref<128xi32, #tpu.memory_space<hbm>>) target(%dma_start3A_228 : memref<128xi32, #tpu.memory_space<vmem>>) target_semaphore(%arg17 : memref<!tpu.dma_semaphore, #tpu.memory_space<semaphore_mem>>)
      %add3A_230 = arith.constant 320000 : i32
      %add3A_231 = arith.addi %add3A_230, %multiple_of3A_219 : i32
      %dma_start3A_232 = arith.constant 0 : i32
      %dma_start3A_233 = arith.constant 0 : i32
      %dma_start3A_234 = arith.constant 0 : i32
      %dma_start3A_235 = tpu.memref_slice %arg11[%dma_start3A_232, %dma_start3A_233, %dma_start3A_234] : memref<1x1x128xi32, #tpu.memory_space<vmem>> -> memref<1x1x128xi32, #tpu.memory_space<vmem>>
      %dma_start3A_236 = tpu.memref_squeeze %dma_start3A_235 : memref<1x1x128xi32, #tpu.memory_space<vmem>> -> memref<128xi32, #tpu.memory_space<vmem>>
      %dma_start3A_237 = tpu.memref_slice %arg3[%add3A_231] : memref<640000xi32, #tpu.memory_space<hbm>> -> memref<128xi32, #tpu.memory_space<hbm>>
      %dma_start3A_238 = arith.constant 0 : i32
      %dma_start3A_239 = tpu.memref_slice %arg11[%dma_start3A_232, %dma_start3A_233, %dma_start3A_238] : memref<1x1x128xi32, #tpu.memory_space<vmem>> -> memref<1x1x128xi32, #tpu.memory_space<vmem>>
      %dma_start3A_240 = tpu.memref_squeeze %dma_start3A_239 : memref<1x1x128xi32, #tpu.memory_space<vmem>> -> memref<128xi32, #tpu.memory_space<vmem>>
      %dma_start3A_241 = tpu.memref_slice %arg3[%add3A_231] : memref<640000xi32, #tpu.memory_space<hbm>> -> memref<128xi32, #tpu.memory_space<hbm>>
      tpu.enqueue_dma source(%dma_start3A_241 : memref<128xi32, #tpu.memory_space<hbm>>) target(%dma_start3A_240 : memref<128xi32, #tpu.memory_space<vmem>>) target_semaphore(%arg17 : memref<!tpu.dma_semaphore, #tpu.memory_space<semaphore_mem>>)
      %dma_wait3A_242 = arith.constant 0 : i32
      %dma_wait3A_243 = arith.constant 0 : i32
      %dma_wait3A_244 = arith.constant 0 : i32
      %dma_wait3A_245 = tpu.memref_slice %arg7[%dma_wait3A_242, %dma_wait3A_243, %dma_wait3A_244] : memref<1x1x128xi32, #tpu.memory_space<vmem>> -> memref<1x1x128xi32, #tpu.memory_space<vmem>>
      %dma_wait3A_246 = tpu.memref_squeeze %dma_wait3A_245 : memref<1x1x128xi32, #tpu.memory_space<vmem>> -> memref<128xi32, #tpu.memory_space<vmem>>
      %dma_wait3A_247 = arith.constant 0 : i32
      %dma_wait3A_248 = tpu.memref_slice %arg3[%dma_wait3A_247] : memref<640000xi32, #tpu.memory_space<hbm>> -> memref<128xi32, #tpu.memory_space<hbm>>
      %dma_wait3A_249 = arith.constant 0 : i32
      %dma_wait3A_250 = tpu.memref_slice %arg7[%dma_wait3A_242, %dma_wait3A_243, %dma_wait3A_249] : memref<1x1x128xi32, #tpu.memory_space<vmem>> -> memref<1x1x128xi32, #tpu.memory_space<vmem>>
      %dma_wait3A_251 = tpu.memref_squeeze %dma_wait3A_250 : memref<1x1x128xi32, #tpu.memory_space<vmem>> -> memref<128xi32, #tpu.memory_space<vmem>>
      %dma_wait3A_252 = arith.constant 0 : i32
      %dma_wait3A_253 = tpu.memref_slice %arg3[%dma_wait3A_252] : memref<640000xi32, #tpu.memory_space<hbm>> -> memref<128xi32, #tpu.memory_space<hbm>>
      tpu.wait_dma2 semaphore(%arg17 : memref<!tpu.dma_semaphore, #tpu.memory_space<semaphore_mem>>) src(%dma_wait3A_253 : memref<128xi32, #tpu.memory_space<hbm>>) dst(%dma_wait3A_251 : memref<128xi32, #tpu.memory_space<vmem>>)
      %dma_wait3A_254 = arith.constant 0 : i32
      %dma_wait3A_255 = arith.constant 0 : i32
      %dma_wait3A_256 = arith.constant 0 : i32
      %dma_wait3A_257 = tpu.memref_slice %arg11[%dma_wait3A_254, %dma_wait3A_255, %dma_wait3A_256] : memref<1x1x128xi32, #tpu.memory_space<vmem>> -> memref<1x1x128xi32, #tpu.memory_space<vmem>>
      %dma_wait3A_258 = tpu.memref_squeeze %dma_wait3A_257 : memref<1x1x128xi32, #tpu.memory_space<vmem>> -> memref<128xi32, #tpu.memory_space<vmem>>
      %dma_wait3A_259 = arith.constant 0 : i32
      %dma_wait3A_260 = tpu.memref_slice %arg3[%dma_wait3A_259] : memref<640000xi32, #tpu.memory_space<hbm>> -> memref<128xi32, #tpu.memory_space<hbm>>
      %dma_wait3A_261 = arith.constant 0 : i32
      %dma_wait3A_262 = tpu.memref_slice %arg11[%dma_wait3A_254, %dma_wait3A_255, %dma_wait3A_261] : memref<1x1x128xi32, #tpu.memory_space<vmem>> -> memref<1x1x128xi32, #tpu.memory_space<vmem>>
      %dma_wait3A_263 = tpu.memref_squeeze %dma_wait3A_262 : memref<1x1x128xi32, #tpu.memory_space<vmem>> -> memref<128xi32, #tpu.memory_space<vmem>>
      %dma_wait3A_264 = arith.constant 0 : i32
      %dma_wait3A_265 = tpu.memref_slice %arg3[%dma_wait3A_264] : memref<640000xi32, #tpu.memory_space<hbm>> -> memref<128xi32, #tpu.memory_space<hbm>>
      tpu.wait_dma2 semaphore(%arg17 : memref<!tpu.dma_semaphore, #tpu.memory_space<semaphore_mem>>) src(%dma_wait3A_265 : memref<128xi32, #tpu.memory_space<hbm>>) dst(%dma_wait3A_263 : memref<128xi32, #tpu.memory_space<vmem>>)
      %dma_start3A_266 = arith.constant 0 : i32
      %dma_start3A_267 = arith.constant 0 : i32
      %dma_start3A_268 = arith.constant 0 : i32
      %dma_start3A_269 = tpu.memref_slice %arg7[%dma_start3A_266, %dma_start3A_267, %dma_start3A_268] : memref<1x1x128xi32, #tpu.memory_space<vmem>> -> memref<1x1x128xi32, #tpu.memory_space<vmem>>
      %dma_start3A_270 = tpu.memref_squeeze %dma_start3A_269 : memref<1x1x128xi32, #tpu.memory_space<vmem>> -> memref<128xi32, #tpu.memory_space<vmem>>
      %dma_start3A_271 = arith.constant 0 : i32
      %dma_start3A_272 = arith.constant 0 : i32
      %dma_start3A_273 = tpu.memref_slice %arg2[%dma_start3A_271, %dma_start3A_272] : memref<10000x128xf32, #tpu.memory_space<hbm>> -> memref<10000x128xf32, #tpu.memory_space<hbm>>
      tpu.enqueue_indirect_dma source(%dma_start3A_273 : memref<10000x128xf32, #tpu.memory_space<hbm>>) target(%arg15 : memref<128x128xf32, #tpu.memory_space<vmem>>) offsets(%dma_start3A_270 : memref<128xi32, #tpu.memory_space<vmem>>) semaphore(%arg21 : memref<!tpu.dma_semaphore, #tpu.memory_space<semaphore_mem>>)
      %dma_wait3A_274 = arith.constant 0 : i32
      %dma_wait3A_275 = arith.constant 0 : i32
      %dma_wait3A_276 = arith.constant 0 : i32
      %dma_wait3A_277 = tpu.memref_slice %arg7[%dma_wait3A_274, %dma_wait3A_275, %dma_wait3A_276] : memref<1x1x128xi32, #tpu.memory_space<vmem>> -> memref<1x1x128xi32, #tpu.memory_space<vmem>>
      %dma_wait3A_278 = tpu.memref_squeeze %dma_wait3A_277 : memref<1x1x128xi32, #tpu.memory_space<vmem>> -> memref<128xi32, #tpu.memory_space<vmem>>
      %dma_wait3A_279 = arith.constant 0 : i32
      %dma_wait3A_280 = arith.constant 0 : i32
      %dma_wait3A_281 = tpu.memref_slice %arg2[%dma_wait3A_279, %dma_wait3A_280] : memref<10000x128xf32, #tpu.memory_space<hbm>> -> memref<10000x128xf32, #tpu.memory_space<hbm>>
      tpu.wait_indirect_dma semaphore(%arg21 : memref<!tpu.dma_semaphore, #tpu.memory_space<semaphore_mem>>) src(%dma_wait3A_281 : memref<10000x128xf32, #tpu.memory_space<hbm>>) dst(%arg15 : memref<128x128xf32, #tpu.memory_space<vmem>>)
      %dma_start3A_282 = arith.constant 0 : i32
      %dma_start3A_283 = arith.constant 0 : i32
      %dma_start3A_284 = arith.constant 0 : i32
      %dma_start3A_285 = tpu.memref_slice %arg11[%dma_start3A_282, %dma_start3A_283, %dma_start3A_284] : memref<1x1x128xi32, #tpu.memory_space<vmem>> -> memref<1x1x128xi32, #tpu.memory_space<vmem>>
      %dma_start3A_286 = tpu.memref_squeeze %dma_start3A_285 : memref<1x1x128xi32, #tpu.memory_space<vmem>> -> memref<128xi32, #tpu.memory_space<vmem>>
      %dma_start3A_287 = arith.constant 0 : i32
      %dma_start3A_288 = arith.constant 0 : i32
      %dma_start3A_289 = tpu.memref_slice %arg6[%dma_start3A_287, %dma_start3A_288] : memref<10112x128xf32, #tpu.memory_space<vmem_shared>> -> memref<10112x128xf32, #tpu.memory_space<vmem_shared>>
      tpu.enqueue_indirect_dma source(%arg15 : memref<128x128xf32, #tpu.memory_space<vmem>>) target(%dma_start3A_289 : memref<10112x128xf32, #tpu.memory_space<vmem_shared>>) offsets(%dma_start3A_286 : memref<128xi32, #tpu.memory_space<vmem>>) semaphore(%arg23 : memref<!tpu.dma_semaphore, #tpu.memory_space<semaphore_mem>>) {add = true}
      %dma_wait3A_290 = arith.constant 0 : i32
      %dma_wait3A_291 = arith.constant 0 : i32
      %dma_wait3A_292 = arith.constant 0 : i32
      %dma_wait3A_293 = tpu.memref_slice %arg11[%dma_wait3A_290, %dma_wait3A_291, %dma_wait3A_292] : memref<1x1x128xi32, #tpu.memory_space<vmem>> -> memref<1x1x128xi32, #tpu.memory_space<vmem>>
      %dma_wait3A_294 = tpu.memref_squeeze %dma_wait3A_293 : memref<1x1x128xi32, #tpu.memory_space<vmem>> -> memref<128xi32, #tpu.memory_space<vmem>>
      %dma_wait3A_295 = arith.constant 0 : i32
      %dma_wait3A_296 = arith.constant 0 : i32
      %dma_wait3A_297 = tpu.memref_slice %arg6[%dma_wait3A_295, %dma_wait3A_296] : memref<10112x128xf32, #tpu.memory_space<vmem_shared>> -> memref<10112x128xf32, #tpu.memory_space<vmem_shared>>
      tpu.wait_indirect_dma semaphore(%arg23 : memref<!tpu.dma_semaphore, #tpu.memory_space<semaphore_mem>>) src(%arg15 : memref<128x128xf32, #tpu.memory_space<vmem>>) dst(%dma_wait3A_297 : memref<10112x128xf32, #tpu.memory_space<vmem_shared>>)
    } else {
    }
    %barrier3A_210 = arith.constant 0 : index
    tpu.barrier barrier_id(%barrier3A_210)
    %mul3A_211 = arith.constant 632 : i32
    %mul3A_212 = arith.muli %arg1, %mul3A_211 : i32
    %mul3A_213 = arith.constant 632 : i32
    %mul3A_214 = arith.muli %arg1, %mul3A_213 : i32
    "tpu.region"() ({
      %run_scoped3A = tpu.sem_alloc : memref<!tpu.dma_semaphore, #tpu.memory_space<semaphore_mem>>
      %dma_start3A_215 = arith.constant 0 : i32
      %dma_start3A_216 = tpu.memref_slice %arg5[%arg0, %mul3A_214, %dma_start3A_215] : memref<2x10112x128xf32, #tpu.memory_space<hbm>> -> memref<1x632x128xf32, #tpu.memory_space<hbm>>
      %dma_start3A_217 = tpu.memref_squeeze %dma_start3A_216 : memref<1x632x128xf32, #tpu.memory_space<hbm>> -> memref<632x128xf32, #tpu.memory_space<hbm>>
      %dma_start3A_218 = arith.constant 0 : i32
      %dma_start3A_219 = tpu.memref_slice %arg6[%mul3A_212, %dma_start3A_218] : memref<10112x128xf32, #tpu.memory_space<vmem_shared>> -> memref<632x128xf32, #tpu.memory_space<vmem_shared>>
      tpu.enqueue_dma source(%dma_start3A_219 : memref<632x128xf32, #tpu.memory_space<vmem_shared>>) target(%dma_start3A_217 : memref<632x128xf32, #tpu.memory_space<hbm>>) target_semaphore(%run_scoped3A : memref<!tpu.dma_semaphore, #tpu.memory_space<semaphore_mem>>)
      %dma_wait3A_220 = arith.constant 0 : i32
      %dma_wait3A_221 = tpu.memref_slice %arg5[%arg0, %mul3A_214, %dma_wait3A_220] : memref<2x10112x128xf32, #tpu.memory_space<hbm>> -> memref<1x632x128xf32, #tpu.memory_space<hbm>>
      %dma_wait3A_222 = tpu.memref_squeeze %dma_wait3A_221 : memref<1x632x128xf32, #tpu.memory_space<hbm>> -> memref<632x128xf32, #tpu.memory_space<hbm>>
      %dma_wait3A_223 = arith.constant 0 : i32
      %dma_wait3A_224 = tpu.memref_slice %arg6[%mul3A_212, %dma_wait3A_223] : memref<10112x128xf32, #tpu.memory_space<vmem_shared>> -> memref<632x128xf32, #tpu.memory_space<vmem_shared>>
      tpu.wait_dma2 semaphore(%run_scoped3A : memref<!tpu.dma_semaphore, #tpu.memory_space<semaphore_mem>>) src(%dma_wait3A_224 : memref<632x128xf32, #tpu.memory_space<vmem_shared>>) dst(%dma_wait3A_222 : memref<632x128xf32, #tpu.memory_space<hbm>>)
      tpu.yield
    }) : () -> ()
    return
  }
}

#map = affine_map<(d0, d1) -> (0, 0)>
#map1 = affine_map<(d0, d1) -> (0)>
#map2 = affine_map<(d0, d1) -> (0, 0, 0)>
module attributes {stable_mosaic.version = 14 : i64} {
  func.func @agg(%arg0: i32, %arg1: i32, %arg2: memref<10000x128xf32, #tpu.memory_space<hbm>>, %arg3: memref<640000xi32, #tpu.memory_space<hbm>>, %arg4: memref<10112x128xf32, #tpu.memory_space<hbm>>, %arg5: memref<2x10112x128xf32, #tpu.memory_space<hbm>>, %arg6: memref<10112x128xf32, #tpu.memory_space<vmem_shared>>, %arg7: memref<1x1x128xi32, #tpu.memory_space<vmem>>, %arg8: memref<1x1x128xi32, #tpu.memory_space<vmem>>, %arg9: memref<1x1x128xi32, #tpu.memory_space<vmem>>, %arg10: memref<1x1x128xi32, #tpu.memory_space<vmem>>, %arg11: memref<1x1x128xi32, #tpu.memory_space<vmem>>, %arg12: memref<1x1x128xi32, #tpu.memory_space<vmem>>, %arg13: memref<1x1x128xi32, #tpu.memory_space<vmem>>, %arg14: memref<1x1x128xi32, #tpu.memory_space<vmem>>, %arg15: memref<128x128xf32, #tpu.memory_space<vmem>>, %arg16: memref<128x128xf32, #tpu.memory_space<vmem>>, %arg17: memref<!tpu.dma_semaphore, #tpu.memory_space<semaphore_mem>>, %arg18: memref<!tpu.dma_semaphore, #tpu.memory_space<semaphore_mem>>, %arg19: memref<!tpu.dma_semaphore, #tpu.memory_space<semaphore_mem>>, %arg20: memref<!tpu.dma_semaphore, #tpu.memory_space<semaphore_mem>>, %arg21: memref<!tpu.dma_semaphore, #tpu.memory_space<semaphore_mem>>, %arg22: memref<!tpu.dma_semaphore, #tpu.memory_space<semaphore_mem>>, %arg23: memref<!tpu.dma_semaphore, #tpu.memory_space<semaphore_mem>>, %arg24: memref<!tpu.dma_semaphore, #tpu.memory_space<semaphore_mem>>) attributes {dimension_semantics = [#tpu.dimension_semantics<core_parallel>, #tpu.dimension_semantics<subcore_parallel>], iteration_bounds = array<i64: 2, 16>, scalar_prefetch = 0 : i64, scratch_operands = 19 : i64, tpu.core_type = #tpu.core_type<sc_vector_subcore>, window_params = [{transform_indices = #map}, {transform_indices = #map1}, {transform_indices = #map}, {transform_indices = #map2}]} {
    %mul3A = arith.constant 2 : i32
    %mul3A_0 = arith.muli %arg1, %mul3A : i32
    %add3A = arith.addi %mul3A_0, %arg0 : i32
    %mul3A_1 = arith.constant 632 : i32
    %mul3A_2 = arith.muli %arg1, %mul3A_1 : i32
    %mul3A_3 = arith.constant 632 : i32
    %mul3A_4 = arith.muli %arg1, %mul3A_3 : i32
    "tpu.region"() ({
      %run_scoped3A = tpu.sem_alloc : memref<!tpu.dma_semaphore, #tpu.memory_space<semaphore_mem>>
      %dma_start3A_215 = arith.constant 0 : i32
      %dma_start3A_216 = tpu.memref_slice %arg6[%mul3A_4, %dma_start3A_215] : memref<10112x128xf32, #tpu.memory_space<vmem_shared>> -> memref<632x128xf32, #tpu.memory_space<vmem_shared>>
      %dma_start3A_217 = arith.constant 0 : i32
      %dma_start3A_218 = tpu.memref_slice %arg4[%mul3A_2, %dma_start3A_217] : memref<10112x128xf32, #tpu.memory_space<hbm>> -> memref<632x128xf32, #tpu.memory_space<hbm>>
      tpu.enqueue_dma source(%dma_start3A_218 : memref<632x128xf32, #tpu.memory_space<hbm>>) target(%dma_start3A_216 : memref<632x128xf32, #tpu.memory_space<vmem_shared>>) target_semaphore(%run_scoped3A : memref<!tpu.dma_semaphore, #tpu.memory_space<semaphore_mem>>)
      %dma_wait3A_219 = arith.constant 0 : i32
      %dma_wait3A_220 = tpu.memref_slice %arg6[%mul3A_4, %dma_wait3A_219] : memref<10112x128xf32, #tpu.memory_space<vmem_shared>> -> memref<632x128xf32, #tpu.memory_space<vmem_shared>>
      %dma_wait3A_221 = arith.constant 0 : i32
      %dma_wait3A_222 = tpu.memref_slice %arg4[%mul3A_2, %dma_wait3A_221] : memref<10112x128xf32, #tpu.memory_space<hbm>> -> memref<632x128xf32, #tpu.memory_space<hbm>>
      tpu.wait_dma2 semaphore(%run_scoped3A : memref<!tpu.dma_semaphore, #tpu.memory_space<semaphore_mem>>) src(%dma_wait3A_222 : memref<632x128xf32, #tpu.memory_space<hbm>>) dst(%dma_wait3A_220 : memref<632x128xf32, #tpu.memory_space<vmem_shared>>)
      tpu.yield
    }) : () -> ()
    %mul3A_5 = arith.constant 78 : i32
    %mul3A_6 = arith.muli %add3A, %mul3A_5 : i32
    %mul3A_7 = arith.constant 128 : i32
    %mul3A_8 = arith.muli %mul3A_6, %mul3A_7 : i32
    %multiple_of3A = tpu.assume_multiple %mul3A_8, 128 : i32
    %dma_start3A = arith.constant 0 : i32
    %dma_start3A_9 = arith.constant 0 : i32
    %dma_start3A_10 = arith.constant 0 : i32
    %dma_start3A_11 = tpu.memref_slice %arg7[%dma_start3A, %dma_start3A_9, %dma_start3A_10] : memref<1x1x128xi32, #tpu.memory_space<vmem>> -> memref<1x1x128xi32, #tpu.memory_space<vmem>>
    %dma_start3A_12 = tpu.memref_squeeze %dma_start3A_11 : memref<1x1x128xi32, #tpu.memory_space<vmem>> -> memref<128xi32, #tpu.memory_space<vmem>>
    %dma_start3A_13 = tpu.memref_slice %arg3[%multiple_of3A] : memref<640000xi32, #tpu.memory_space<hbm>> -> memref<128xi32, #tpu.memory_space<hbm>>
    %dma_start3A_14 = arith.constant 0 : i32
    %dma_start3A_15 = tpu.memref_slice %arg7[%dma_start3A, %dma_start3A_9, %dma_start3A_14] : memref<1x1x128xi32, #tpu.memory_space<vmem>> -> memref<1x1x128xi32, #tpu.memory_space<vmem>>
    %dma_start3A_16 = tpu.memref_squeeze %dma_start3A_15 : memref<1x1x128xi32, #tpu.memory_space<vmem>> -> memref<128xi32, #tpu.memory_space<vmem>>
    %dma_start3A_17 = tpu.memref_slice %arg3[%multiple_of3A] : memref<640000xi32, #tpu.memory_space<hbm>> -> memref<128xi32, #tpu.memory_space<hbm>>
    tpu.enqueue_dma source(%dma_start3A_17 : memref<128xi32, #tpu.memory_space<hbm>>) target(%dma_start3A_16 : memref<128xi32, #tpu.memory_space<vmem>>) target_semaphore(%arg17 : memref<!tpu.dma_semaphore, #tpu.memory_space<semaphore_mem>>)
    %add3A_18 = arith.constant 320000 : i32
    %add3A_19 = arith.addi %add3A_18, %multiple_of3A : i32
    %dma_start3A_20 = arith.constant 0 : i32
    %dma_start3A_21 = arith.constant 0 : i32
    %dma_start3A_22 = arith.constant 0 : i32
    %dma_start3A_23 = tpu.memref_slice %arg11[%dma_start3A_20, %dma_start3A_21, %dma_start3A_22] : memref<1x1x128xi32, #tpu.memory_space<vmem>> -> memref<1x1x128xi32, #tpu.memory_space<vmem>>
    %dma_start3A_24 = tpu.memref_squeeze %dma_start3A_23 : memref<1x1x128xi32, #tpu.memory_space<vmem>> -> memref<128xi32, #tpu.memory_space<vmem>>
    %dma_start3A_25 = tpu.memref_slice %arg3[%add3A_19] : memref<640000xi32, #tpu.memory_space<hbm>> -> memref<128xi32, #tpu.memory_space<hbm>>
    %dma_start3A_26 = arith.constant 0 : i32
    %dma_start3A_27 = tpu.memref_slice %arg11[%dma_start3A_20, %dma_start3A_21, %dma_start3A_26] : memref<1x1x128xi32, #tpu.memory_space<vmem>> -> memref<1x1x128xi32, #tpu.memory_space<vmem>>
    %dma_start3A_28 = tpu.memref_squeeze %dma_start3A_27 : memref<1x1x128xi32, #tpu.memory_space<vmem>> -> memref<128xi32, #tpu.memory_space<vmem>>
    %dma_start3A_29 = tpu.memref_slice %arg3[%add3A_19] : memref<640000xi32, #tpu.memory_space<hbm>> -> memref<128xi32, #tpu.memory_space<hbm>>
    tpu.enqueue_dma source(%dma_start3A_29 : memref<128xi32, #tpu.memory_space<hbm>>) target(%dma_start3A_28 : memref<128xi32, #tpu.memory_space<vmem>>) target_semaphore(%arg17 : memref<!tpu.dma_semaphore, #tpu.memory_space<semaphore_mem>>)
    %barrier3A = arith.constant 0 : index
    tpu.barrier barrier_id(%barrier3A)
    %dma_wait3A = arith.constant 0 : i32
    %dma_wait3A_30 = arith.constant 0 : i32
    %dma_wait3A_31 = arith.constant 0 : i32
    %dma_wait3A_32 = tpu.memref_slice %arg7[%dma_wait3A, %dma_wait3A_30, %dma_wait3A_31] : memref<1x1x128xi32, #tpu.memory_space<vmem>> -> memref<1x1x128xi32, #tpu.memory_space<vmem>>
    %dma_wait3A_33 = tpu.memref_squeeze %dma_wait3A_32 : memref<1x1x128xi32, #tpu.memory_space<vmem>> -> memref<128xi32, #tpu.memory_space<vmem>>
    %dma_wait3A_34 = arith.constant 0 : i32
    %dma_wait3A_35 = tpu.memref_slice %arg3[%dma_wait3A_34] : memref<640000xi32, #tpu.memory_space<hbm>> -> memref<128xi32, #tpu.memory_space<hbm>>
    %dma_wait3A_36 = arith.constant 0 : i32
    %dma_wait3A_37 = tpu.memref_slice %arg7[%dma_wait3A, %dma_wait3A_30, %dma_wait3A_36] : memref<1x1x128xi32, #tpu.memory_space<vmem>> -> memref<1x1x128xi32, #tpu.memory_space<vmem>>
    %dma_wait3A_38 = tpu.memref_squeeze %dma_wait3A_37 : memref<1x1x128xi32, #tpu.memory_space<vmem>> -> memref<128xi32, #tpu.memory_space<vmem>>
    %dma_wait3A_39 = arith.constant 0 : i32
    %dma_wait3A_40 = tpu.memref_slice %arg3[%dma_wait3A_39] : memref<640000xi32, #tpu.memory_space<hbm>> -> memref<128xi32, #tpu.memory_space<hbm>>
    tpu.wait_dma2 semaphore(%arg17 : memref<!tpu.dma_semaphore, #tpu.memory_space<semaphore_mem>>) src(%dma_wait3A_40 : memref<128xi32, #tpu.memory_space<hbm>>) dst(%dma_wait3A_38 : memref<128xi32, #tpu.memory_space<vmem>>)
    %dma_wait3A_41 = arith.constant 0 : i32
    %dma_wait3A_42 = arith.constant 0 : i32
    %dma_wait3A_43 = arith.constant 0 : i32
    %dma_wait3A_44 = tpu.memref_slice %arg11[%dma_wait3A_41, %dma_wait3A_42, %dma_wait3A_43] : memref<1x1x128xi32, #tpu.memory_space<vmem>> -> memref<1x1x128xi32, #tpu.memory_space<vmem>>
    %dma_wait3A_45 = tpu.memref_squeeze %dma_wait3A_44 : memref<1x1x128xi32, #tpu.memory_space<vmem>> -> memref<128xi32, #tpu.memory_space<vmem>>
    %dma_wait3A_46 = arith.constant 0 : i32
    %dma_wait3A_47 = tpu.memref_slice %arg3[%dma_wait3A_46] : memref<640000xi32, #tpu.memory_space<hbm>> -> memref<128xi32, #tpu.memory_space<hbm>>
    %dma_wait3A_48 = arith.constant 0 : i32
    %dma_wait3A_49 = tpu.memref_slice %arg11[%dma_wait3A_41, %dma_wait3A_42, %dma_wait3A_48] : memref<1x1x128xi32, #tpu.memory_space<vmem>> -> memref<1x1x128xi32, #tpu.memory_space<vmem>>
    %dma_wait3A_50 = tpu.memref_squeeze %dma_wait3A_49 : memref<1x1x128xi32, #tpu.memory_space<vmem>> -> memref<128xi32, #tpu.memory_space<vmem>>
    %dma_wait3A_51 = arith.constant 0 : i32
    %dma_wait3A_52 = tpu.memref_slice %arg3[%dma_wait3A_51] : memref<640000xi32, #tpu.memory_space<hbm>> -> memref<128xi32, #tpu.memory_space<hbm>>
    tpu.wait_dma2 semaphore(%arg17 : memref<!tpu.dma_semaphore, #tpu.memory_space<semaphore_mem>>) src(%dma_wait3A_52 : memref<128xi32, #tpu.memory_space<hbm>>) dst(%dma_wait3A_50 : memref<128xi32, #tpu.memory_space<vmem>>)
    %dma_start3A_53 = arith.constant 0 : i32
    %dma_start3A_54 = arith.constant 0 : i32
    %dma_start3A_55 = arith.constant 0 : i32
    %dma_start3A_56 = tpu.memref_slice %arg7[%dma_start3A_53, %dma_start3A_54, %dma_start3A_55] : memref<1x1x128xi32, #tpu.memory_space<vmem>> -> memref<1x1x128xi32, #tpu.memory_space<vmem>>
    %dma_start3A_57 = tpu.memref_squeeze %dma_start3A_56 : memref<1x1x128xi32, #tpu.memory_space<vmem>> -> memref<128xi32, #tpu.memory_space<vmem>>
    %dma_start3A_58 = arith.constant 0 : i32
    %dma_start3A_59 = arith.constant 0 : i32
    %dma_start3A_60 = tpu.memref_slice %arg2[%dma_start3A_58, %dma_start3A_59] : memref<10000x128xf32, #tpu.memory_space<hbm>> -> memref<10000x128xf32, #tpu.memory_space<hbm>>
    tpu.enqueue_indirect_dma source(%dma_start3A_60 : memref<10000x128xf32, #tpu.memory_space<hbm>>) target(%arg15 : memref<128x128xf32, #tpu.memory_space<vmem>>) offsets(%dma_start3A_57 : memref<128xi32, #tpu.memory_space<vmem>>) semaphore(%arg21 : memref<!tpu.dma_semaphore, #tpu.memory_space<semaphore_mem>>)
    %add3A_61 = arith.constant 1 : i32
    %add3A_62 = arith.addi %mul3A_6, %add3A_61 : i32
    %mul3A_63 = arith.constant 128 : i32
    %mul3A_64 = arith.muli %add3A_62, %mul3A_63 : i32
    %multiple_of3A_65 = tpu.assume_multiple %mul3A_64, 128 : i32
    %dma_start3A_66 = arith.constant 0 : i32
    %dma_start3A_67 = arith.constant 0 : i32
    %dma_start3A_68 = arith.constant 0 : i32
    %dma_start3A_69 = tpu.memref_slice %arg8[%dma_start3A_66, %dma_start3A_67, %dma_start3A_68] : memref<1x1x128xi32, #tpu.memory_space<vmem>> -> memref<1x1x128xi32, #tpu.memory_space<vmem>>
    %dma_start3A_70 = tpu.memref_squeeze %dma_start3A_69 : memref<1x1x128xi32, #tpu.memory_space<vmem>> -> memref<128xi32, #tpu.memory_space<vmem>>
    %dma_start3A_71 = tpu.memref_slice %arg3[%multiple_of3A_65] : memref<640000xi32, #tpu.memory_space<hbm>> -> memref<128xi32, #tpu.memory_space<hbm>>
    %dma_start3A_72 = arith.constant 0 : i32
    %dma_start3A_73 = tpu.memref_slice %arg8[%dma_start3A_66, %dma_start3A_67, %dma_start3A_72] : memref<1x1x128xi32, #tpu.memory_space<vmem>> -> memref<1x1x128xi32, #tpu.memory_space<vmem>>
    %dma_start3A_74 = tpu.memref_squeeze %dma_start3A_73 : memref<1x1x128xi32, #tpu.memory_space<vmem>> -> memref<128xi32, #tpu.memory_space<vmem>>
    %dma_start3A_75 = tpu.memref_slice %arg3[%multiple_of3A_65] : memref<640000xi32, #tpu.memory_space<hbm>> -> memref<128xi32, #tpu.memory_space<hbm>>
    tpu.enqueue_dma source(%dma_start3A_75 : memref<128xi32, #tpu.memory_space<hbm>>) target(%dma_start3A_74 : memref<128xi32, #tpu.memory_space<vmem>>) target_semaphore(%arg18 : memref<!tpu.dma_semaphore, #tpu.memory_space<semaphore_mem>>)
    %add3A_76 = arith.constant 320000 : i32
    %add3A_77 = arith.addi %add3A_76, %multiple_of3A_65 : i32
    %dma_start3A_78 = arith.constant 0 : i32
    %dma_start3A_79 = arith.constant 0 : i32
    %dma_start3A_80 = arith.constant 0 : i32
    %dma_start3A_81 = tpu.memref_slice %arg12[%dma_start3A_78, %dma_start3A_79, %dma_start3A_80] : memref<1x1x128xi32, #tpu.memory_space<vmem>> -> memref<1x1x128xi32, #tpu.memory_space<vmem>>
    %dma_start3A_82 = tpu.memref_squeeze %dma_start3A_81 : memref<1x1x128xi32, #tpu.memory_space<vmem>> -> memref<128xi32, #tpu.memory_space<vmem>>
    %dma_start3A_83 = tpu.memref_slice %arg3[%add3A_77] : memref<640000xi32, #tpu.memory_space<hbm>> -> memref<128xi32, #tpu.memory_space<hbm>>
    %dma_start3A_84 = arith.constant 0 : i32
    %dma_start3A_85 = tpu.memref_slice %arg12[%dma_start3A_78, %dma_start3A_79, %dma_start3A_84] : memref<1x1x128xi32, #tpu.memory_space<vmem>> -> memref<1x1x128xi32, #tpu.memory_space<vmem>>
    %dma_start3A_86 = tpu.memref_squeeze %dma_start3A_85 : memref<1x1x128xi32, #tpu.memory_space<vmem>> -> memref<128xi32, #tpu.memory_space<vmem>>
    %dma_start3A_87 = tpu.memref_slice %arg3[%add3A_77] : memref<640000xi32, #tpu.memory_space<hbm>> -> memref<128xi32, #tpu.memory_space<hbm>>
    tpu.enqueue_dma source(%dma_start3A_87 : memref<128xi32, #tpu.memory_space<hbm>>) target(%dma_start3A_86 : memref<128xi32, #tpu.memory_space<vmem>>) target_semaphore(%arg18 : memref<!tpu.dma_semaphore, #tpu.memory_space<semaphore_mem>>)
    %add3A_88 = arith.constant 2 : i32
    %add3A_89 = arith.addi %mul3A_6, %add3A_88 : i32
    %mul3A_90 = arith.constant 128 : i32
    %mul3A_91 = arith.muli %add3A_89, %mul3A_90 : i32
    %multiple_of3A_92 = tpu.assume_multiple %mul3A_91, 128 : i32
    %dma_start3A_93 = arith.constant 0 : i32
    %dma_start3A_94 = arith.constant 0 : i32
    %dma_start3A_95 = arith.constant 0 : i32
    %dma_start3A_96 = tpu.memref_slice %arg9[%dma_start3A_93, %dma_start3A_94, %dma_start3A_95] : memref<1x1x128xi32, #tpu.memory_space<vmem>> -> memref<1x1x128xi32, #tpu.memory_space<vmem>>
    %dma_start3A_97 = tpu.memref_squeeze %dma_start3A_96 : memref<1x1x128xi32, #tpu.memory_space<vmem>> -> memref<128xi32, #tpu.memory_space<vmem>>
    %dma_start3A_98 = tpu.memref_slice %arg3[%multiple_of3A_92] : memref<640000xi32, #tpu.memory_space<hbm>> -> memref<128xi32, #tpu.memory_space<hbm>>
    %dma_start3A_99 = arith.constant 0 : i32
    %dma_start3A_100 = tpu.memref_slice %arg9[%dma_start3A_93, %dma_start3A_94, %dma_start3A_99] : memref<1x1x128xi32, #tpu.memory_space<vmem>> -> memref<1x1x128xi32, #tpu.memory_space<vmem>>
    %dma_start3A_101 = tpu.memref_squeeze %dma_start3A_100 : memref<1x1x128xi32, #tpu.memory_space<vmem>> -> memref<128xi32, #tpu.memory_space<vmem>>
    %dma_start3A_102 = tpu.memref_slice %arg3[%multiple_of3A_92] : memref<640000xi32, #tpu.memory_space<hbm>> -> memref<128xi32, #tpu.memory_space<hbm>>
    tpu.enqueue_dma source(%dma_start3A_102 : memref<128xi32, #tpu.memory_space<hbm>>) target(%dma_start3A_101 : memref<128xi32, #tpu.memory_space<vmem>>) target_semaphore(%arg19 : memref<!tpu.dma_semaphore, #tpu.memory_space<semaphore_mem>>)
    %add3A_103 = arith.constant 320000 : i32
    %add3A_104 = arith.addi %add3A_103, %multiple_of3A_92 : i32
    %dma_start3A_105 = arith.constant 0 : i32
    %dma_start3A_106 = arith.constant 0 : i32
    %dma_start3A_107 = arith.constant 0 : i32
    %dma_start3A_108 = tpu.memref_slice %arg13[%dma_start3A_105, %dma_start3A_106, %dma_start3A_107] : memref<1x1x128xi32, #tpu.memory_space<vmem>> -> memref<1x1x128xi32, #tpu.memory_space<vmem>>
    %dma_start3A_109 = tpu.memref_squeeze %dma_start3A_108 : memref<1x1x128xi32, #tpu.memory_space<vmem>> -> memref<128xi32, #tpu.memory_space<vmem>>
    %dma_start3A_110 = tpu.memref_slice %arg3[%add3A_104] : memref<640000xi32, #tpu.memory_space<hbm>> -> memref<128xi32, #tpu.memory_space<hbm>>
    %dma_start3A_111 = arith.constant 0 : i32
    %dma_start3A_112 = tpu.memref_slice %arg13[%dma_start3A_105, %dma_start3A_106, %dma_start3A_111] : memref<1x1x128xi32, #tpu.memory_space<vmem>> -> memref<1x1x128xi32, #tpu.memory_space<vmem>>
    %dma_start3A_113 = tpu.memref_squeeze %dma_start3A_112 : memref<1x1x128xi32, #tpu.memory_space<vmem>> -> memref<128xi32, #tpu.memory_space<vmem>>
    %dma_start3A_114 = tpu.memref_slice %arg3[%add3A_104] : memref<640000xi32, #tpu.memory_space<hbm>> -> memref<128xi32, #tpu.memory_space<hbm>>
    tpu.enqueue_dma source(%dma_start3A_114 : memref<128xi32, #tpu.memory_space<hbm>>) target(%dma_start3A_113 : memref<128xi32, #tpu.memory_space<vmem>>) target_semaphore(%arg19 : memref<!tpu.dma_semaphore, #tpu.memory_space<semaphore_mem>>)
    %scan3A = arith.constant 0 : i32
    %scan3A_115 = arith.constant 0 : i32
    %scan3A_116 = arith.constant 19 : i32
    %scan3A_117 = arith.addi %scan3A_115, %scan3A_116 : i32
    %scan3A_118 = arith.constant 1 : i32
    scf.for %scan3A_215 = %scan3A_115 to %scan3A_117 step %scan3A_118  : i32 {
      %mul3A_216 = arith.constant 4 : i32
      %mul3A_217 = arith.muli %mul3A_216, %scan3A_215 : i32
      %add3A_218 = arith.constant 0 : i32
      %add3A_219 = arith.addi %mul3A_217, %add3A_218 : i32
      %add3A_220 = arith.constant 1 : i32
      %add3A_221 = arith.addi %add3A_219, %add3A_220 : i32
      %lt3A_222 = arith.constant 78 : i32
      %lt3A_223 = arith.cmpi slt, %add3A_221, %lt3A_222 : i32
      %convert_element_type3A_224 = arith.extui %lt3A_223 : i1 to i32
      %cond3A_225 = arith.constant 0 : i32
      %cond3A_226 = arith.cmpi ne, %convert_element_type3A_224, %cond3A_225 : i32
      scf.if %cond3A_226 {
        %dma_wait3A_352 = arith.constant 0 : i32
        %dma_wait3A_353 = arith.constant 0 : i32
        %dma_wait3A_354 = arith.constant 0 : i32
        %dma_wait3A_355 = tpu.memref_slice %arg8[%dma_wait3A_352, %dma_wait3A_353, %dma_wait3A_354] : memref<1x1x128xi32, #tpu.memory_space<vmem>> -> memref<1x1x128xi32, #tpu.memory_space<vmem>>
        %dma_wait3A_356 = tpu.memref_squeeze %dma_wait3A_355 : memref<1x1x128xi32, #tpu.memory_space<vmem>> -> memref<128xi32, #tpu.memory_space<vmem>>
        %dma_wait3A_357 = arith.constant 0 : i32
        %dma_wait3A_358 = tpu.memref_slice %arg3[%dma_wait3A_357] : memref<640000xi32, #tpu.memory_space<hbm>> -> memref<128xi32, #tpu.memory_space<hbm>>
        %dma_wait3A_359 = arith.constant 0 : i32
        %dma_wait3A_360 = tpu.memref_slice %arg8[%dma_wait3A_352, %dma_wait3A_353, %dma_wait3A_359] : memref<1x1x128xi32, #tpu.memory_space<vmem>> -> memref<1x1x128xi32, #tpu.memory_space<vmem>>
        %dma_wait3A_361 = tpu.memref_squeeze %dma_wait3A_360 : memref<1x1x128xi32, #tpu.memory_space<vmem>> -> memref<128xi32, #tpu.memory_space<vmem>>
        %dma_wait3A_362 = arith.constant 0 : i32
        %dma_wait3A_363 = tpu.memref_slice %arg3[%dma_wait3A_362] : memref<640000xi32, #tpu.memory_space<hbm>> -> memref<128xi32, #tpu.memory_space<hbm>>
        tpu.wait_dma2 semaphore(%arg18 : memref<!tpu.dma_semaphore, #tpu.memory_space<semaphore_mem>>) src(%dma_wait3A_363 : memref<128xi32, #tpu.memory_space<hbm>>) dst(%dma_wait3A_361 : memref<128xi32, #tpu.memory_space<vmem>>)
        %dma_wait3A_364 = arith.constant 0 : i32
        %dma_wait3A_365 = arith.constant 0 : i32
        %dma_wait3A_366 = arith.constant 0 : i32
        %dma_wait3A_367 = tpu.memref_slice %arg12[%dma_wait3A_364, %dma_wait3A_365, %dma_wait3A_366] : memref<1x1x128xi32, #tpu.memory_space<vmem>> -> memref<1x1x128xi32, #tpu.memory_space<vmem>>
        %dma_wait3A_368 = tpu.memref_squeeze %dma_wait3A_367 : memref<1x1x128xi32, #tpu.memory_space<vmem>> -> memref<128xi32, #tpu.memory_space<vmem>>
        %dma_wait3A_369 = arith.constant 0 : i32
        %dma_wait3A_370 = tpu.memref_slice %arg3[%dma_wait3A_369] : memref<640000xi32, #tpu.memory_space<hbm>> -> memref<128xi32, #tpu.memory_space<hbm>>
        %dma_wait3A_371 = arith.constant 0 : i32
        %dma_wait3A_372 = tpu.memref_slice %arg12[%dma_wait3A_364, %dma_wait3A_365, %dma_wait3A_371] : memref<1x1x128xi32, #tpu.memory_space<vmem>> -> memref<1x1x128xi32, #tpu.memory_space<vmem>>
        %dma_wait3A_373 = tpu.memref_squeeze %dma_wait3A_372 : memref<1x1x128xi32, #tpu.memory_space<vmem>> -> memref<128xi32, #tpu.memory_space<vmem>>
        %dma_wait3A_374 = arith.constant 0 : i32
        %dma_wait3A_375 = tpu.memref_slice %arg3[%dma_wait3A_374] : memref<640000xi32, #tpu.memory_space<hbm>> -> memref<128xi32, #tpu.memory_space<hbm>>
        tpu.wait_dma2 semaphore(%arg18 : memref<!tpu.dma_semaphore, #tpu.memory_space<semaphore_mem>>) src(%dma_wait3A_375 : memref<128xi32, #tpu.memory_space<hbm>>) dst(%dma_wait3A_373 : memref<128xi32, #tpu.memory_space<vmem>>)
        %ge3A = arith.constant 1 : i32
        %ge3A_376 = arith.cmpi sge, %add3A_219, %ge3A : i32
        %convert_element_type3A_377 = arith.extui %ge3A_376 : i1 to i32
        %cond3A_378 = arith.constant 0 : i32
        %cond3A_379 = arith.cmpi ne, %convert_element_type3A_377, %cond3A_378 : i32
        scf.if %cond3A_379 {
          %dma_wait3A_388 = arith.constant 0 : i32
          %dma_wait3A_389 = arith.constant 0 : i32
          %dma_wait3A_390 = arith.constant 0 : i32
          %dma_wait3A_391 = tpu.memref_slice %arg12[%dma_wait3A_388, %dma_wait3A_389, %dma_wait3A_390] : memref<1x1x128xi32, #tpu.memory_space<vmem>> -> memref<1x1x128xi32, #tpu.memory_space<vmem>>
          %dma_wait3A_392 = tpu.memref_squeeze %dma_wait3A_391 : memref<1x1x128xi32, #tpu.memory_space<vmem>> -> memref<128xi32, #tpu.memory_space<vmem>>
          %dma_wait3A_393 = arith.constant 0 : i32
          %dma_wait3A_394 = arith.constant 0 : i32
          %dma_wait3A_395 = tpu.memref_slice %arg6[%dma_wait3A_393, %dma_wait3A_394] : memref<10112x128xf32, #tpu.memory_space<vmem_shared>> -> memref<10112x128xf32, #tpu.memory_space<vmem_shared>>
          tpu.wait_indirect_dma semaphore(%arg24 : memref<!tpu.dma_semaphore, #tpu.memory_space<semaphore_mem>>) src(%arg16 : memref<128x128xf32, #tpu.memory_space<vmem>>) dst(%dma_wait3A_395 : memref<10112x128xf32, #tpu.memory_space<vmem_shared>>)
        } else {
        }
        %dma_start3A_380 = arith.constant 0 : i32
        %dma_start3A_381 = arith.constant 0 : i32
        %dma_start3A_382 = arith.constant 0 : i32
        %dma_start3A_383 = tpu.memref_slice %arg8[%dma_start3A_380, %dma_start3A_381, %dma_start3A_382] : memref<1x1x128xi32, #tpu.memory_space<vmem>> -> memref<1x1x128xi32, #tpu.memory_space<vmem>>
        %dma_start3A_384 = tpu.memref_squeeze %dma_start3A_383 : memref<1x1x128xi32, #tpu.memory_space<vmem>> -> memref<128xi32, #tpu.memory_space<vmem>>
        %dma_start3A_385 = arith.constant 0 : i32
        %dma_start3A_386 = arith.constant 0 : i32
        %dma_start3A_387 = tpu.memref_slice %arg2[%dma_start3A_385, %dma_start3A_386] : memref<10000x128xf32, #tpu.memory_space<hbm>> -> memref<10000x128xf32, #tpu.memory_space<hbm>>
        tpu.enqueue_indirect_dma source(%dma_start3A_387 : memref<10000x128xf32, #tpu.memory_space<hbm>>) target(%arg16 : memref<128x128xf32, #tpu.memory_space<vmem>>) offsets(%dma_start3A_384 : memref<128xi32, #tpu.memory_space<vmem>>) semaphore(%arg22 : memref<!tpu.dma_semaphore, #tpu.memory_space<semaphore_mem>>)
      } else {
      }
      %dma_wait3A_227 = arith.constant 0 : i32
      %dma_wait3A_228 = arith.constant 0 : i32
      %dma_wait3A_229 = arith.constant 0 : i32
      %dma_wait3A_230 = tpu.memref_slice %arg7[%dma_wait3A_227, %dma_wait3A_228, %dma_wait3A_229] : memref<1x1x128xi32, #tpu.memory_space<vmem>> -> memref<1x1x128xi32, #tpu.memory_space<vmem>>
      %dma_wait3A_231 = tpu.memref_squeeze %dma_wait3A_230 : memref<1x1x128xi32, #tpu.memory_space<vmem>> -> memref<128xi32, #tpu.memory_space<vmem>>
      %dma_wait3A_232 = arith.constant 0 : i32
      %dma_wait3A_233 = arith.constant 0 : i32
      %dma_wait3A_234 = tpu.memref_slice %arg2[%dma_wait3A_232, %dma_wait3A_233] : memref<10000x128xf32, #tpu.memory_space<hbm>> -> memref<10000x128xf32, #tpu.memory_space<hbm>>
      tpu.wait_indirect_dma semaphore(%arg21 : memref<!tpu.dma_semaphore, #tpu.memory_space<semaphore_mem>>) src(%dma_wait3A_234 : memref<10000x128xf32, #tpu.memory_space<hbm>>) dst(%arg15 : memref<128x128xf32, #tpu.memory_space<vmem>>)
      %dma_start3A_235 = arith.constant 0 : i32
      %dma_start3A_236 = arith.constant 0 : i32
      %dma_start3A_237 = arith.constant 0 : i32
      %dma_start3A_238 = tpu.memref_slice %arg11[%dma_start3A_235, %dma_start3A_236, %dma_start3A_237] : memref<1x1x128xi32, #tpu.memory_space<vmem>> -> memref<1x1x128xi32, #tpu.memory_space<vmem>>
      %dma_start3A_239 = tpu.memref_squeeze %dma_start3A_238 : memref<1x1x128xi32, #tpu.memory_space<vmem>> -> memref<128xi32, #tpu.memory_space<vmem>>
      %dma_start3A_240 = arith.constant 0 : i32
      %dma_start3A_241 = arith.constant 0 : i32
      %dma_start3A_242 = tpu.memref_slice %arg6[%dma_start3A_240, %dma_start3A_241] : memref<10112x128xf32, #tpu.memory_space<vmem_shared>> -> memref<10112x128xf32, #tpu.memory_space<vmem_shared>>
      tpu.enqueue_indirect_dma source(%arg15 : memref<128x128xf32, #tpu.memory_space<vmem>>) target(%dma_start3A_242 : memref<10112x128xf32, #tpu.memory_space<vmem_shared>>) offsets(%dma_start3A_239 : memref<128xi32, #tpu.memory_space<vmem>>) semaphore(%arg23 : memref<!tpu.dma_semaphore, #tpu.memory_space<semaphore_mem>>) {add = true}
      %add3A_243 = arith.constant 3 : i32
      %add3A_244 = arith.addi %add3A_219, %add3A_243 : i32
      %lt3A_245 = arith.constant 78 : i32
      %lt3A_246 = arith.cmpi slt, %add3A_244, %lt3A_245 : i32
      %convert_element_type3A_247 = arith.extui %lt3A_246 : i1 to i32
      %cond3A_248 = arith.constant 0 : i32
      %cond3A_249 = arith.cmpi ne, %convert_element_type3A_247, %cond3A_248 : i32
      scf.if %cond3A_249 {
        %add3A_352 = arith.addi %mul3A_6, %add3A_219 : i32
        %add3A_353 = arith.constant 3 : i32
        %add3A_354 = arith.addi %add3A_352, %add3A_353 : i32
        %mul3A_355 = arith.constant 128 : i32
        %mul3A_356 = arith.muli %add3A_354, %mul3A_355 : i32
        %multiple_of3A_357 = tpu.assume_multiple %mul3A_356, 128 : i32
        %dma_start3A_358 = arith.constant 0 : i32
        %dma_start3A_359 = arith.constant 0 : i32
        %dma_start3A_360 = arith.constant 0 : i32
        %dma_start3A_361 = tpu.memref_slice %arg10[%dma_start3A_358, %dma_start3A_359, %dma_start3A_360] : memref<1x1x128xi32, #tpu.memory_space<vmem>> -> memref<1x1x128xi32, #tpu.memory_space<vmem>>
        %dma_start3A_362 = tpu.memref_squeeze %dma_start3A_361 : memref<1x1x128xi32, #tpu.memory_space<vmem>> -> memref<128xi32, #tpu.memory_space<vmem>>
        %dma_start3A_363 = tpu.memref_slice %arg3[%multiple_of3A_357] : memref<640000xi32, #tpu.memory_space<hbm>> -> memref<128xi32, #tpu.memory_space<hbm>>
        %dma_start3A_364 = arith.constant 0 : i32
        %dma_start3A_365 = tpu.memref_slice %arg10[%dma_start3A_358, %dma_start3A_359, %dma_start3A_364] : memref<1x1x128xi32, #tpu.memory_space<vmem>> -> memref<1x1x128xi32, #tpu.memory_space<vmem>>
        %dma_start3A_366 = tpu.memref_squeeze %dma_start3A_365 : memref<1x1x128xi32, #tpu.memory_space<vmem>> -> memref<128xi32, #tpu.memory_space<vmem>>
        %dma_start3A_367 = tpu.memref_slice %arg3[%multiple_of3A_357] : memref<640000xi32, #tpu.memory_space<hbm>> -> memref<128xi32, #tpu.memory_space<hbm>>
        tpu.enqueue_dma source(%dma_start3A_367 : memref<128xi32, #tpu.memory_space<hbm>>) target(%dma_start3A_366 : memref<128xi32, #tpu.memory_space<vmem>>) target_semaphore(%arg20 : memref<!tpu.dma_semaphore, #tpu.memory_space<semaphore_mem>>)
        %add3A_368 = arith.constant 320000 : i32
        %add3A_369 = arith.addi %add3A_368, %multiple_of3A_357 : i32
        %dma_start3A_370 = arith.constant 0 : i32
        %dma_start3A_371 = arith.constant 0 : i32
        %dma_start3A_372 = arith.constant 0 : i32
        %dma_start3A_373 = tpu.memref_slice %arg14[%dma_start3A_370, %dma_start3A_371, %dma_start3A_372] : memref<1x1x128xi32, #tpu.memory_space<vmem>> -> memref<1x1x128xi32, #tpu.memory_space<vmem>>
        %dma_start3A_374 = tpu.memref_squeeze %dma_start3A_373 : memref<1x1x128xi32, #tpu.memory_space<vmem>> -> memref<128xi32, #tpu.memory_space<vmem>>
        %dma_start3A_375 = tpu.memref_slice %arg3[%add3A_369] : memref<640000xi32, #tpu.memory_space<hbm>> -> memref<128xi32, #tpu.memory_space<hbm>>
        %dma_start3A_376 = arith.constant 0 : i32
        %dma_start3A_377 = tpu.memref_slice %arg14[%dma_start3A_370, %dma_start3A_371, %dma_start3A_376] : memref<1x1x128xi32, #tpu.memory_space<vmem>> -> memref<1x1x128xi32, #tpu.memory_space<vmem>>
        %dma_start3A_378 = tpu.memref_squeeze %dma_start3A_377 : memref<1x1x128xi32, #tpu.memory_space<vmem>> -> memref<128xi32, #tpu.memory_space<vmem>>
        %dma_start3A_379 = tpu.memref_slice %arg3[%add3A_369] : memref<640000xi32, #tpu.memory_space<hbm>> -> memref<128xi32, #tpu.memory_space<hbm>>
        tpu.enqueue_dma source(%dma_start3A_379 : memref<128xi32, #tpu.memory_space<hbm>>) target(%dma_start3A_378 : memref<128xi32, #tpu.memory_space<vmem>>) target_semaphore(%arg20 : memref<!tpu.dma_semaphore, #tpu.memory_space<semaphore_mem>>)
      } else {
      }
      %mul3A_250 = arith.constant 4 : i32
      %mul3A_251 = arith.muli %mul3A_250, %scan3A_215 : i32
      %add3A_252 = arith.constant 1 : i32
      %add3A_253 = arith.addi %mul3A_251, %add3A_252 : i32
      %add3A_254 = arith.constant 1 : i32
      %add3A_255 = arith.addi %add3A_253, %add3A_254 : i32
      %lt3A_256 = arith.constant 78 : i32
      %lt3A_257 = arith.cmpi slt, %add3A_255, %lt3A_256 : i32
      %convert_element_type3A_258 = arith.extui %lt3A_257 : i1 to i32
      %cond3A_259 = arith.constant 0 : i32
      %cond3A_260 = arith.cmpi ne, %convert_element_type3A_258, %cond3A_259 : i32
      scf.if %cond3A_260 {
        %dma_wait3A_352 = arith.constant 0 : i32
        %dma_wait3A_353 = arith.constant 0 : i32
        %dma_wait3A_354 = arith.constant 0 : i32
        %dma_wait3A_355 = tpu.memref_slice %arg9[%dma_wait3A_352, %dma_wait3A_353, %dma_wait3A_354] : memref<1x1x128xi32, #tpu.memory_space<vmem>> -> memref<1x1x128xi32, #tpu.memory_space<vmem>>
        %dma_wait3A_356 = tpu.memref_squeeze %dma_wait3A_355 : memref<1x1x128xi32, #tpu.memory_space<vmem>> -> memref<128xi32, #tpu.memory_space<vmem>>
        %dma_wait3A_357 = arith.constant 0 : i32
        %dma_wait3A_358 = tpu.memref_slice %arg3[%dma_wait3A_357] : memref<640000xi32, #tpu.memory_space<hbm>> -> memref<128xi32, #tpu.memory_space<hbm>>
        %dma_wait3A_359 = arith.constant 0 : i32
        %dma_wait3A_360 = tpu.memref_slice %arg9[%dma_wait3A_352, %dma_wait3A_353, %dma_wait3A_359] : memref<1x1x128xi32, #tpu.memory_space<vmem>> -> memref<1x1x128xi32, #tpu.memory_space<vmem>>
        %dma_wait3A_361 = tpu.memref_squeeze %dma_wait3A_360 : memref<1x1x128xi32, #tpu.memory_space<vmem>> -> memref<128xi32, #tpu.memory_space<vmem>>
        %dma_wait3A_362 = arith.constant 0 : i32
        %dma_wait3A_363 = tpu.memref_slice %arg3[%dma_wait3A_362] : memref<640000xi32, #tpu.memory_space<hbm>> -> memref<128xi32, #tpu.memory_space<hbm>>
        tpu.wait_dma2 semaphore(%arg19 : memref<!tpu.dma_semaphore, #tpu.memory_space<semaphore_mem>>) src(%dma_wait3A_363 : memref<128xi32, #tpu.memory_space<hbm>>) dst(%dma_wait3A_361 : memref<128xi32, #tpu.memory_space<vmem>>)
        %dma_wait3A_364 = arith.constant 0 : i32
        %dma_wait3A_365 = arith.constant 0 : i32
        %dma_wait3A_366 = arith.constant 0 : i32
        %dma_wait3A_367 = tpu.memref_slice %arg13[%dma_wait3A_364, %dma_wait3A_365, %dma_wait3A_366] : memref<1x1x128xi32, #tpu.memory_space<vmem>> -> memref<1x1x128xi32, #tpu.memory_space<vmem>>
        %dma_wait3A_368 = tpu.memref_squeeze %dma_wait3A_367 : memref<1x1x128xi32, #tpu.memory_space<vmem>> -> memref<128xi32, #tpu.memory_space<vmem>>
        %dma_wait3A_369 = arith.constant 0 : i32
        %dma_wait3A_370 = tpu.memref_slice %arg3[%dma_wait3A_369] : memref<640000xi32, #tpu.memory_space<hbm>> -> memref<128xi32, #tpu.memory_space<hbm>>
        %dma_wait3A_371 = arith.constant 0 : i32
        %dma_wait3A_372 = tpu.memref_slice %arg13[%dma_wait3A_364, %dma_wait3A_365, %dma_wait3A_371] : memref<1x1x128xi32, #tpu.memory_space<vmem>> -> memref<1x1x128xi32, #tpu.memory_space<vmem>>
        %dma_wait3A_373 = tpu.memref_squeeze %dma_wait3A_372 : memref<1x1x128xi32, #tpu.memory_space<vmem>> -> memref<128xi32, #tpu.memory_space<vmem>>
        %dma_wait3A_374 = arith.constant 0 : i32
        %dma_wait3A_375 = tpu.memref_slice %arg3[%dma_wait3A_374] : memref<640000xi32, #tpu.memory_space<hbm>> -> memref<128xi32, #tpu.memory_space<hbm>>
        tpu.wait_dma2 semaphore(%arg19 : memref<!tpu.dma_semaphore, #tpu.memory_space<semaphore_mem>>) src(%dma_wait3A_375 : memref<128xi32, #tpu.memory_space<hbm>>) dst(%dma_wait3A_373 : memref<128xi32, #tpu.memory_space<vmem>>)
        %ge3A = arith.constant 1 : i32
        %ge3A_376 = arith.cmpi sge, %add3A_253, %ge3A : i32
        %convert_element_type3A_377 = arith.extui %ge3A_376 : i1 to i32
        %cond3A_378 = arith.constant 0 : i32
        %cond3A_379 = arith.cmpi ne, %convert_element_type3A_377, %cond3A_378 : i32
        scf.if %cond3A_379 {
          %dma_wait3A_388 = arith.constant 0 : i32
          %dma_wait3A_389 = arith.constant 0 : i32
          %dma_wait3A_390 = arith.constant 0 : i32
          %dma_wait3A_391 = tpu.memref_slice %arg13[%dma_wait3A_388, %dma_wait3A_389, %dma_wait3A_390] : memref<1x1x128xi32, #tpu.memory_space<vmem>> -> memref<1x1x128xi32, #tpu.memory_space<vmem>>
          %dma_wait3A_392 = tpu.memref_squeeze %dma_wait3A_391 : memref<1x1x128xi32, #tpu.memory_space<vmem>> -> memref<128xi32, #tpu.memory_space<vmem>>
          %dma_wait3A_393 = arith.constant 0 : i32
          %dma_wait3A_394 = arith.constant 0 : i32
          %dma_wait3A_395 = tpu.memref_slice %arg6[%dma_wait3A_393, %dma_wait3A_394] : memref<10112x128xf32, #tpu.memory_space<vmem_shared>> -> memref<10112x128xf32, #tpu.memory_space<vmem_shared>>
          tpu.wait_indirect_dma semaphore(%arg23 : memref<!tpu.dma_semaphore, #tpu.memory_space<semaphore_mem>>) src(%arg15 : memref<128x128xf32, #tpu.memory_space<vmem>>) dst(%dma_wait3A_395 : memref<10112x128xf32, #tpu.memory_space<vmem_shared>>)
        } else {
        }
        %dma_start3A_380 = arith.constant 0 : i32
        %dma_start3A_381 = arith.constant 0 : i32
        %dma_start3A_382 = arith.constant 0 : i32
        %dma_start3A_383 = tpu.memref_slice %arg9[%dma_start3A_380, %dma_start3A_381, %dma_start3A_382] : memref<1x1x128xi32, #tpu.memory_space<vmem>> -> memref<1x1x128xi32, #tpu.memory_space<vmem>>
        %dma_start3A_384 = tpu.memref_squeeze %dma_start3A_383 : memref<1x1x128xi32, #tpu.memory_space<vmem>> -> memref<128xi32, #tpu.memory_space<vmem>>
        %dma_start3A_385 = arith.constant 0 : i32
        %dma_start3A_386 = arith.constant 0 : i32
        %dma_start3A_387 = tpu.memref_slice %arg2[%dma_start3A_385, %dma_start3A_386] : memref<10000x128xf32, #tpu.memory_space<hbm>> -> memref<10000x128xf32, #tpu.memory_space<hbm>>
        tpu.enqueue_indirect_dma source(%dma_start3A_387 : memref<10000x128xf32, #tpu.memory_space<hbm>>) target(%arg15 : memref<128x128xf32, #tpu.memory_space<vmem>>) offsets(%dma_start3A_384 : memref<128xi32, #tpu.memory_space<vmem>>) semaphore(%arg21 : memref<!tpu.dma_semaphore, #tpu.memory_space<semaphore_mem>>)
      } else {
      }
      %dma_wait3A_261 = arith.constant 0 : i32
      %dma_wait3A_262 = arith.constant 0 : i32
      %dma_wait3A_263 = arith.constant 0 : i32
      %dma_wait3A_264 = tpu.memref_slice %arg7[%dma_wait3A_261, %dma_wait3A_262, %dma_wait3A_263] : memref<1x1x128xi32, #tpu.memory_space<vmem>> -> memref<1x1x128xi32, #tpu.memory_space<vmem>>
      %dma_wait3A_265 = tpu.memref_squeeze %dma_wait3A_264 : memref<1x1x128xi32, #tpu.memory_space<vmem>> -> memref<128xi32, #tpu.memory_space<vmem>>
      %dma_wait3A_266 = arith.constant 0 : i32
      %dma_wait3A_267 = arith.constant 0 : i32
      %dma_wait3A_268 = tpu.memref_slice %arg2[%dma_wait3A_266, %dma_wait3A_267] : memref<10000x128xf32, #tpu.memory_space<hbm>> -> memref<10000x128xf32, #tpu.memory_space<hbm>>
      tpu.wait_indirect_dma semaphore(%arg22 : memref<!tpu.dma_semaphore, #tpu.memory_space<semaphore_mem>>) src(%dma_wait3A_268 : memref<10000x128xf32, #tpu.memory_space<hbm>>) dst(%arg16 : memref<128x128xf32, #tpu.memory_space<vmem>>)
      %dma_start3A_269 = arith.constant 0 : i32
      %dma_start3A_270 = arith.constant 0 : i32
      %dma_start3A_271 = arith.constant 0 : i32
      %dma_start3A_272 = tpu.memref_slice %arg12[%dma_start3A_269, %dma_start3A_270, %dma_start3A_271] : memref<1x1x128xi32, #tpu.memory_space<vmem>> -> memref<1x1x128xi32, #tpu.memory_space<vmem>>
      %dma_start3A_273 = tpu.memref_squeeze %dma_start3A_272 : memref<1x1x128xi32, #tpu.memory_space<vmem>> -> memref<128xi32, #tpu.memory_space<vmem>>
      %dma_start3A_274 = arith.constant 0 : i32
      %dma_start3A_275 = arith.constant 0 : i32
      %dma_start3A_276 = tpu.memref_slice %arg6[%dma_start3A_274, %dma_start3A_275] : memref<10112x128xf32, #tpu.memory_space<vmem_shared>> -> memref<10112x128xf32, #tpu.memory_space<vmem_shared>>
      tpu.enqueue_indirect_dma source(%arg16 : memref<128x128xf32, #tpu.memory_space<vmem>>) target(%dma_start3A_276 : memref<10112x128xf32, #tpu.memory_space<vmem_shared>>) offsets(%dma_start3A_273 : memref<128xi32, #tpu.memory_space<vmem>>) semaphore(%arg24 : memref<!tpu.dma_semaphore, #tpu.memory_space<semaphore_mem>>) {add = true}
      %add3A_277 = arith.constant 3 : i32
      %add3A_278 = arith.addi %add3A_253, %add3A_277 : i32
      %lt3A_279 = arith.constant 78 : i32
      %lt3A_280 = arith.cmpi slt, %add3A_278, %lt3A_279 : i32
      %convert_element_type3A_281 = arith.extui %lt3A_280 : i1 to i32
      %cond3A_282 = arith.constant 0 : i32
      %cond3A_283 = arith.cmpi ne, %convert_element_type3A_281, %cond3A_282 : i32
      scf.if %cond3A_283 {
        %add3A_352 = arith.addi %mul3A_6, %add3A_253 : i32
        %add3A_353 = arith.constant 3 : i32
        %add3A_354 = arith.addi %add3A_352, %add3A_353 : i32
        %mul3A_355 = arith.constant 128 : i32
        %mul3A_356 = arith.muli %add3A_354, %mul3A_355 : i32
        %multiple_of3A_357 = tpu.assume_multiple %mul3A_356, 128 : i32
        %dma_start3A_358 = arith.constant 0 : i32
        %dma_start3A_359 = arith.constant 0 : i32
        %dma_start3A_360 = arith.constant 0 : i32
        %dma_start3A_361 = tpu.memref_slice %arg7[%dma_start3A_358, %dma_start3A_359, %dma_start3A_360] : memref<1x1x128xi32, #tpu.memory_space<vmem>> -> memref<1x1x128xi32, #tpu.memory_space<vmem>>
        %dma_start3A_362 = tpu.memref_squeeze %dma_start3A_361 : memref<1x1x128xi32, #tpu.memory_space<vmem>> -> memref<128xi32, #tpu.memory_space<vmem>>
        %dma_start3A_363 = tpu.memref_slice %arg3[%multiple_of3A_357] : memref<640000xi32, #tpu.memory_space<hbm>> -> memref<128xi32, #tpu.memory_space<hbm>>
        %dma_start3A_364 = arith.constant 0 : i32
        %dma_start3A_365 = tpu.memref_slice %arg7[%dma_start3A_358, %dma_start3A_359, %dma_start3A_364] : memref<1x1x128xi32, #tpu.memory_space<vmem>> -> memref<1x1x128xi32, #tpu.memory_space<vmem>>
        %dma_start3A_366 = tpu.memref_squeeze %dma_start3A_365 : memref<1x1x128xi32, #tpu.memory_space<vmem>> -> memref<128xi32, #tpu.memory_space<vmem>>
        %dma_start3A_367 = tpu.memref_slice %arg3[%multiple_of3A_357] : memref<640000xi32, #tpu.memory_space<hbm>> -> memref<128xi32, #tpu.memory_space<hbm>>
        tpu.enqueue_dma source(%dma_start3A_367 : memref<128xi32, #tpu.memory_space<hbm>>) target(%dma_start3A_366 : memref<128xi32, #tpu.memory_space<vmem>>) target_semaphore(%arg17 : memref<!tpu.dma_semaphore, #tpu.memory_space<semaphore_mem>>)
        %add3A_368 = arith.constant 320000 : i32
        %add3A_369 = arith.addi %add3A_368, %multiple_of3A_357 : i32
        %dma_start3A_370 = arith.constant 0 : i32
        %dma_start3A_371 = arith.constant 0 : i32
        %dma_start3A_372 = arith.constant 0 : i32
        %dma_start3A_373 = tpu.memref_slice %arg11[%dma_start3A_370, %dma_start3A_371, %dma_start3A_372] : memref<1x1x128xi32, #tpu.memory_space<vmem>> -> memref<1x1x128xi32, #tpu.memory_space<vmem>>
        %dma_start3A_374 = tpu.memref_squeeze %dma_start3A_373 : memref<1x1x128xi32, #tpu.memory_space<vmem>> -> memref<128xi32, #tpu.memory_space<vmem>>
        %dma_start3A_375 = tpu.memref_slice %arg3[%add3A_369] : memref<640000xi32, #tpu.memory_space<hbm>> -> memref<128xi32, #tpu.memory_space<hbm>>
        %dma_start3A_376 = arith.constant 0 : i32
        %dma_start3A_377 = tpu.memref_slice %arg11[%dma_start3A_370, %dma_start3A_371, %dma_start3A_376] : memref<1x1x128xi32, #tpu.memory_space<vmem>> -> memref<1x1x128xi32, #tpu.memory_space<vmem>>
        %dma_start3A_378 = tpu.memref_squeeze %dma_start3A_377 : memref<1x1x128xi32, #tpu.memory_space<vmem>> -> memref<128xi32, #tpu.memory_space<vmem>>
        %dma_start3A_379 = tpu.memref_slice %arg3[%add3A_369] : memref<640000xi32, #tpu.memory_space<hbm>> -> memref<128xi32, #tpu.memory_space<hbm>>
        tpu.enqueue_dma source(%dma_start3A_379 : memref<128xi32, #tpu.memory_space<hbm>>) target(%dma_start3A_378 : memref<128xi32, #tpu.memory_space<vmem>>) target_semaphore(%arg17 : memref<!tpu.dma_semaphore, #tpu.memory_space<semaphore_mem>>)
      } else {
      }
      %mul3A_284 = arith.constant 4 : i32
      %mul3A_285 = arith.muli %mul3A_284, %scan3A_215 : i32
      %add3A_286 = arith.constant 2 : i32
      %add3A_287 = arith.addi %mul3A_285, %add3A_286 : i32
      %add3A_288 = arith.constant 1 : i32
      %add3A_289 = arith.addi %add3A_287, %add3A_288 : i32
      %lt3A_290 = arith.constant 78 : i32
      %lt3A_291 = arith.cmpi slt, %add3A_289, %lt3A_290 : i32
      %convert_element_type3A_292 = arith.extui %lt3A_291 : i1 to i32
      %cond3A_293 = arith.constant 0 : i32
      %cond3A_294 = arith.cmpi ne, %convert_element_type3A_292, %cond3A_293 : i32
      scf.if %cond3A_294 {
        %dma_wait3A_352 = arith.constant 0 : i32
        %dma_wait3A_353 = arith.constant 0 : i32
        %dma_wait3A_354 = arith.constant 0 : i32
        %dma_wait3A_355 = tpu.memref_slice %arg10[%dma_wait3A_352, %dma_wait3A_353, %dma_wait3A_354] : memref<1x1x128xi32, #tpu.memory_space<vmem>> -> memref<1x1x128xi32, #tpu.memory_space<vmem>>
        %dma_wait3A_356 = tpu.memref_squeeze %dma_wait3A_355 : memref<1x1x128xi32, #tpu.memory_space<vmem>> -> memref<128xi32, #tpu.memory_space<vmem>>
        %dma_wait3A_357 = arith.constant 0 : i32
        %dma_wait3A_358 = tpu.memref_slice %arg3[%dma_wait3A_357] : memref<640000xi32, #tpu.memory_space<hbm>> -> memref<128xi32, #tpu.memory_space<hbm>>
        %dma_wait3A_359 = arith.constant 0 : i32
        %dma_wait3A_360 = tpu.memref_slice %arg10[%dma_wait3A_352, %dma_wait3A_353, %dma_wait3A_359] : memref<1x1x128xi32, #tpu.memory_space<vmem>> -> memref<1x1x128xi32, #tpu.memory_space<vmem>>
        %dma_wait3A_361 = tpu.memref_squeeze %dma_wait3A_360 : memref<1x1x128xi32, #tpu.memory_space<vmem>> -> memref<128xi32, #tpu.memory_space<vmem>>
        %dma_wait3A_362 = arith.constant 0 : i32
        %dma_wait3A_363 = tpu.memref_slice %arg3[%dma_wait3A_362] : memref<640000xi32, #tpu.memory_space<hbm>> -> memref<128xi32, #tpu.memory_space<hbm>>
        tpu.wait_dma2 semaphore(%arg20 : memref<!tpu.dma_semaphore, #tpu.memory_space<semaphore_mem>>) src(%dma_wait3A_363 : memref<128xi32, #tpu.memory_space<hbm>>) dst(%dma_wait3A_361 : memref<128xi32, #tpu.memory_space<vmem>>)
        %dma_wait3A_364 = arith.constant 0 : i32
        %dma_wait3A_365 = arith.constant 0 : i32
        %dma_wait3A_366 = arith.constant 0 : i32
        %dma_wait3A_367 = tpu.memref_slice %arg14[%dma_wait3A_364, %dma_wait3A_365, %dma_wait3A_366] : memref<1x1x128xi32, #tpu.memory_space<vmem>> -> memref<1x1x128xi32, #tpu.memory_space<vmem>>
        %dma_wait3A_368 = tpu.memref_squeeze %dma_wait3A_367 : memref<1x1x128xi32, #tpu.memory_space<vmem>> -> memref<128xi32, #tpu.memory_space<vmem>>
        %dma_wait3A_369 = arith.constant 0 : i32
        %dma_wait3A_370 = tpu.memref_slice %arg3[%dma_wait3A_369] : memref<640000xi32, #tpu.memory_space<hbm>> -> memref<128xi32, #tpu.memory_space<hbm>>
        %dma_wait3A_371 = arith.constant 0 : i32
        %dma_wait3A_372 = tpu.memref_slice %arg14[%dma_wait3A_364, %dma_wait3A_365, %dma_wait3A_371] : memref<1x1x128xi32, #tpu.memory_space<vmem>> -> memref<1x1x128xi32, #tpu.memory_space<vmem>>
        %dma_wait3A_373 = tpu.memref_squeeze %dma_wait3A_372 : memref<1x1x128xi32, #tpu.memory_space<vmem>> -> memref<128xi32, #tpu.memory_space<vmem>>
        %dma_wait3A_374 = arith.constant 0 : i32
        %dma_wait3A_375 = tpu.memref_slice %arg3[%dma_wait3A_374] : memref<640000xi32, #tpu.memory_space<hbm>> -> memref<128xi32, #tpu.memory_space<hbm>>
        tpu.wait_dma2 semaphore(%arg20 : memref<!tpu.dma_semaphore, #tpu.memory_space<semaphore_mem>>) src(%dma_wait3A_375 : memref<128xi32, #tpu.memory_space<hbm>>) dst(%dma_wait3A_373 : memref<128xi32, #tpu.memory_space<vmem>>)
        %ge3A = arith.constant 1 : i32
        %ge3A_376 = arith.cmpi sge, %add3A_287, %ge3A : i32
        %convert_element_type3A_377 = arith.extui %ge3A_376 : i1 to i32
        %cond3A_378 = arith.constant 0 : i32
        %cond3A_379 = arith.cmpi ne, %convert_element_type3A_377, %cond3A_378 : i32
        scf.if %cond3A_379 {
          %dma_wait3A_388 = arith.constant 0 : i32
          %dma_wait3A_389 = arith.constant 0 : i32
          %dma_wait3A_390 = arith.constant 0 : i32
          %dma_wait3A_391 = tpu.memref_slice %arg14[%dma_wait3A_388, %dma_wait3A_389, %dma_wait3A_390] : memref<1x1x128xi32, #tpu.memory_space<vmem>> -> memref<1x1x128xi32, #tpu.memory_space<vmem>>
          %dma_wait3A_392 = tpu.memref_squeeze %dma_wait3A_391 : memref<1x1x128xi32, #tpu.memory_space<vmem>> -> memref<128xi32, #tpu.memory_space<vmem>>
          %dma_wait3A_393 = arith.constant 0 : i32
          %dma_wait3A_394 = arith.constant 0 : i32
          %dma_wait3A_395 = tpu.memref_slice %arg6[%dma_wait3A_393, %dma_wait3A_394] : memref<10112x128xf32, #tpu.memory_space<vmem_shared>> -> memref<10112x128xf32, #tpu.memory_space<vmem_shared>>
          tpu.wait_indirect_dma semaphore(%arg24 : memref<!tpu.dma_semaphore, #tpu.memory_space<semaphore_mem>>) src(%arg16 : memref<128x128xf32, #tpu.memory_space<vmem>>) dst(%dma_wait3A_395 : memref<10112x128xf32, #tpu.memory_space<vmem_shared>>)
        } else {
        }
        %dma_start3A_380 = arith.constant 0 : i32
        %dma_start3A_381 = arith.constant 0 : i32
        %dma_start3A_382 = arith.constant 0 : i32
        %dma_start3A_383 = tpu.memref_slice %arg10[%dma_start3A_380, %dma_start3A_381, %dma_start3A_382] : memref<1x1x128xi32, #tpu.memory_space<vmem>> -> memref<1x1x128xi32, #tpu.memory_space<vmem>>
        %dma_start3A_384 = tpu.memref_squeeze %dma_start3A_383 : memref<1x1x128xi32, #tpu.memory_space<vmem>> -> memref<128xi32, #tpu.memory_space<vmem>>
        %dma_start3A_385 = arith.constant 0 : i32
        %dma_start3A_386 = arith.constant 0 : i32
        %dma_start3A_387 = tpu.memref_slice %arg2[%dma_start3A_385, %dma_start3A_386] : memref<10000x128xf32, #tpu.memory_space<hbm>> -> memref<10000x128xf32, #tpu.memory_space<hbm>>
        tpu.enqueue_indirect_dma source(%dma_start3A_387 : memref<10000x128xf32, #tpu.memory_space<hbm>>) target(%arg16 : memref<128x128xf32, #tpu.memory_space<vmem>>) offsets(%dma_start3A_384 : memref<128xi32, #tpu.memory_space<vmem>>) semaphore(%arg22 : memref<!tpu.dma_semaphore, #tpu.memory_space<semaphore_mem>>)
      } else {
      }
      %dma_wait3A_295 = arith.constant 0 : i32
      %dma_wait3A_296 = arith.constant 0 : i32
      %dma_wait3A_297 = arith.constant 0 : i32
      %dma_wait3A_298 = tpu.memref_slice %arg7[%dma_wait3A_295, %dma_wait3A_296, %dma_wait3A_297] : memref<1x1x128xi32, #tpu.memory_space<vmem>> -> memref<1x1x128xi32, #tpu.memory_space<vmem>>
      %dma_wait3A_299 = tpu.memref_squeeze %dma_wait3A_298 : memref<1x1x128xi32, #tpu.memory_space<vmem>> -> memref<128xi32, #tpu.memory_space<vmem>>
      %dma_wait3A_300 = arith.constant 0 : i32
      %dma_wait3A_301 = arith.constant 0 : i32
      %dma_wait3A_302 = tpu.memref_slice %arg2[%dma_wait3A_300, %dma_wait3A_301] : memref<10000x128xf32, #tpu.memory_space<hbm>> -> memref<10000x128xf32, #tpu.memory_space<hbm>>
      tpu.wait_indirect_dma semaphore(%arg21 : memref<!tpu.dma_semaphore, #tpu.memory_space<semaphore_mem>>) src(%dma_wait3A_302 : memref<10000x128xf32, #tpu.memory_space<hbm>>) dst(%arg15 : memref<128x128xf32, #tpu.memory_space<vmem>>)
      %dma_start3A_303 = arith.constant 0 : i32
      %dma_start3A_304 = arith.constant 0 : i32
      %dma_start3A_305 = arith.constant 0 : i32
      %dma_start3A_306 = tpu.memref_slice %arg13[%dma_start3A_303, %dma_start3A_304, %dma_start3A_305] : memref<1x1x128xi32, #tpu.memory_space<vmem>> -> memref<1x1x128xi32, #tpu.memory_space<vmem>>
      %dma_start3A_307 = tpu.memref_squeeze %dma_start3A_306 : memref<1x1x128xi32, #tpu.memory_space<vmem>> -> memref<128xi32, #tpu.memory_space<vmem>>
      %dma_start3A_308 = arith.constant 0 : i32
      %dma_start3A_309 = arith.constant 0 : i32
      %dma_start3A_310 = tpu.memref_slice %arg6[%dma_start3A_308, %dma_start3A_309] : memref<10112x128xf32, #tpu.memory_space<vmem_shared>> -> memref<10112x128xf32, #tpu.memory_space<vmem_shared>>
      tpu.enqueue_indirect_dma source(%arg15 : memref<128x128xf32, #tpu.memory_space<vmem>>) target(%dma_start3A_310 : memref<10112x128xf32, #tpu.memory_space<vmem_shared>>) offsets(%dma_start3A_307 : memref<128xi32, #tpu.memory_space<vmem>>) semaphore(%arg23 : memref<!tpu.dma_semaphore, #tpu.memory_space<semaphore_mem>>) {add = true}
      %add3A_311 = arith.constant 3 : i32
      %add3A_312 = arith.addi %add3A_287, %add3A_311 : i32
      %lt3A_313 = arith.constant 78 : i32
      %lt3A_314 = arith.cmpi slt, %add3A_312, %lt3A_313 : i32
      %convert_element_type3A_315 = arith.extui %lt3A_314 : i1 to i32
      %cond3A_316 = arith.constant 0 : i32
      %cond3A_317 = arith.cmpi ne, %convert_element_type3A_315, %cond3A_316 : i32
      scf.if %cond3A_317 {
        %add3A_352 = arith.addi %mul3A_6, %add3A_287 : i32
        %add3A_353 = arith.constant 3 : i32
        %add3A_354 = arith.addi %add3A_352, %add3A_353 : i32
        %mul3A_355 = arith.constant 128 : i32
        %mul3A_356 = arith.muli %add3A_354, %mul3A_355 : i32
        %multiple_of3A_357 = tpu.assume_multiple %mul3A_356, 128 : i32
        %dma_start3A_358 = arith.constant 0 : i32
        %dma_start3A_359 = arith.constant 0 : i32
        %dma_start3A_360 = arith.constant 0 : i32
        %dma_start3A_361 = tpu.memref_slice %arg8[%dma_start3A_358, %dma_start3A_359, %dma_start3A_360] : memref<1x1x128xi32, #tpu.memory_space<vmem>> -> memref<1x1x128xi32, #tpu.memory_space<vmem>>
        %dma_start3A_362 = tpu.memref_squeeze %dma_start3A_361 : memref<1x1x128xi32, #tpu.memory_space<vmem>> -> memref<128xi32, #tpu.memory_space<vmem>>
        %dma_start3A_363 = tpu.memref_slice %arg3[%multiple_of3A_357] : memref<640000xi32, #tpu.memory_space<hbm>> -> memref<128xi32, #tpu.memory_space<hbm>>
        %dma_start3A_364 = arith.constant 0 : i32
        %dma_start3A_365 = tpu.memref_slice %arg8[%dma_start3A_358, %dma_start3A_359, %dma_start3A_364] : memref<1x1x128xi32, #tpu.memory_space<vmem>> -> memref<1x1x128xi32, #tpu.memory_space<vmem>>
        %dma_start3A_366 = tpu.memref_squeeze %dma_start3A_365 : memref<1x1x128xi32, #tpu.memory_space<vmem>> -> memref<128xi32, #tpu.memory_space<vmem>>
        %dma_start3A_367 = tpu.memref_slice %arg3[%multiple_of3A_357] : memref<640000xi32, #tpu.memory_space<hbm>> -> memref<128xi32, #tpu.memory_space<hbm>>
        tpu.enqueue_dma source(%dma_start3A_367 : memref<128xi32, #tpu.memory_space<hbm>>) target(%dma_start3A_366 : memref<128xi32, #tpu.memory_space<vmem>>) target_semaphore(%arg18 : memref<!tpu.dma_semaphore, #tpu.memory_space<semaphore_mem>>)
        %add3A_368 = arith.constant 320000 : i32
        %add3A_369 = arith.addi %add3A_368, %multiple_of3A_357 : i32
        %dma_start3A_370 = arith.constant 0 : i32
        %dma_start3A_371 = arith.constant 0 : i32
        %dma_start3A_372 = arith.constant 0 : i32
        %dma_start3A_373 = tpu.memref_slice %arg12[%dma_start3A_370, %dma_start3A_371, %dma_start3A_372] : memref<1x1x128xi32, #tpu.memory_space<vmem>> -> memref<1x1x128xi32, #tpu.memory_space<vmem>>
        %dma_start3A_374 = tpu.memref_squeeze %dma_start3A_373 : memref<1x1x128xi32, #tpu.memory_space<vmem>> -> memref<128xi32, #tpu.memory_space<vmem>>
        %dma_start3A_375 = tpu.memref_slice %arg3[%add3A_369] : memref<640000xi32, #tpu.memory_space<hbm>> -> memref<128xi32, #tpu.memory_space<hbm>>
        %dma_start3A_376 = arith.constant 0 : i32
        %dma_start3A_377 = tpu.memref_slice %arg12[%dma_start3A_370, %dma_start3A_371, %dma_start3A_376] : memref<1x1x128xi32, #tpu.memory_space<vmem>> -> memref<1x1x128xi32, #tpu.memory_space<vmem>>
        %dma_start3A_378 = tpu.memref_squeeze %dma_start3A_377 : memref<1x1x128xi32, #tpu.memory_space<vmem>> -> memref<128xi32, #tpu.memory_space<vmem>>
        %dma_start3A_379 = tpu.memref_slice %arg3[%add3A_369] : memref<640000xi32, #tpu.memory_space<hbm>> -> memref<128xi32, #tpu.memory_space<hbm>>
        tpu.enqueue_dma source(%dma_start3A_379 : memref<128xi32, #tpu.memory_space<hbm>>) target(%dma_start3A_378 : memref<128xi32, #tpu.memory_space<vmem>>) target_semaphore(%arg18 : memref<!tpu.dma_semaphore, #tpu.memory_space<semaphore_mem>>)
      } else {
      }
      %mul3A_318 = arith.constant 4 : i32
      %mul3A_319 = arith.muli %mul3A_318, %scan3A_215 : i32
      %add3A_320 = arith.constant 3 : i32
      %add3A_321 = arith.addi %mul3A_319, %add3A_320 : i32
      %add3A_322 = arith.constant 1 : i32
      %add3A_323 = arith.addi %add3A_321, %add3A_322 : i32
      %lt3A_324 = arith.constant 78 : i32
      %lt3A_325 = arith.cmpi slt, %add3A_323, %lt3A_324 : i32
      %convert_element_type3A_326 = arith.extui %lt3A_325 : i1 to i32
      %cond3A_327 = arith.constant 0 : i32
      %cond3A_328 = arith.cmpi ne, %convert_element_type3A_326, %cond3A_327 : i32
      scf.if %cond3A_328 {
        %dma_wait3A_352 = arith.constant 0 : i32
        %dma_wait3A_353 = arith.constant 0 : i32
        %dma_wait3A_354 = arith.constant 0 : i32
        %dma_wait3A_355 = tpu.memref_slice %arg7[%dma_wait3A_352, %dma_wait3A_353, %dma_wait3A_354] : memref<1x1x128xi32, #tpu.memory_space<vmem>> -> memref<1x1x128xi32, #tpu.memory_space<vmem>>
        %dma_wait3A_356 = tpu.memref_squeeze %dma_wait3A_355 : memref<1x1x128xi32, #tpu.memory_space<vmem>> -> memref<128xi32, #tpu.memory_space<vmem>>
        %dma_wait3A_357 = arith.constant 0 : i32
        %dma_wait3A_358 = tpu.memref_slice %arg3[%dma_wait3A_357] : memref<640000xi32, #tpu.memory_space<hbm>> -> memref<128xi32, #tpu.memory_space<hbm>>
        %dma_wait3A_359 = arith.constant 0 : i32
        %dma_wait3A_360 = tpu.memref_slice %arg7[%dma_wait3A_352, %dma_wait3A_353, %dma_wait3A_359] : memref<1x1x128xi32, #tpu.memory_space<vmem>> -> memref<1x1x128xi32, #tpu.memory_space<vmem>>
        %dma_wait3A_361 = tpu.memref_squeeze %dma_wait3A_360 : memref<1x1x128xi32, #tpu.memory_space<vmem>> -> memref<128xi32, #tpu.memory_space<vmem>>
        %dma_wait3A_362 = arith.constant 0 : i32
        %dma_wait3A_363 = tpu.memref_slice %arg3[%dma_wait3A_362] : memref<640000xi32, #tpu.memory_space<hbm>> -> memref<128xi32, #tpu.memory_space<hbm>>
        tpu.wait_dma2 semaphore(%arg17 : memref<!tpu.dma_semaphore, #tpu.memory_space<semaphore_mem>>) src(%dma_wait3A_363 : memref<128xi32, #tpu.memory_space<hbm>>) dst(%dma_wait3A_361 : memref<128xi32, #tpu.memory_space<vmem>>)
        %dma_wait3A_364 = arith.constant 0 : i32
        %dma_wait3A_365 = arith.constant 0 : i32
        %dma_wait3A_366 = arith.constant 0 : i32
        %dma_wait3A_367 = tpu.memref_slice %arg11[%dma_wait3A_364, %dma_wait3A_365, %dma_wait3A_366] : memref<1x1x128xi32, #tpu.memory_space<vmem>> -> memref<1x1x128xi32, #tpu.memory_space<vmem>>
        %dma_wait3A_368 = tpu.memref_squeeze %dma_wait3A_367 : memref<1x1x128xi32, #tpu.memory_space<vmem>> -> memref<128xi32, #tpu.memory_space<vmem>>
        %dma_wait3A_369 = arith.constant 0 : i32
        %dma_wait3A_370 = tpu.memref_slice %arg3[%dma_wait3A_369] : memref<640000xi32, #tpu.memory_space<hbm>> -> memref<128xi32, #tpu.memory_space<hbm>>
        %dma_wait3A_371 = arith.constant 0 : i32
        %dma_wait3A_372 = tpu.memref_slice %arg11[%dma_wait3A_364, %dma_wait3A_365, %dma_wait3A_371] : memref<1x1x128xi32, #tpu.memory_space<vmem>> -> memref<1x1x128xi32, #tpu.memory_space<vmem>>
        %dma_wait3A_373 = tpu.memref_squeeze %dma_wait3A_372 : memref<1x1x128xi32, #tpu.memory_space<vmem>> -> memref<128xi32, #tpu.memory_space<vmem>>
        %dma_wait3A_374 = arith.constant 0 : i32
        %dma_wait3A_375 = tpu.memref_slice %arg3[%dma_wait3A_374] : memref<640000xi32, #tpu.memory_space<hbm>> -> memref<128xi32, #tpu.memory_space<hbm>>
        tpu.wait_dma2 semaphore(%arg17 : memref<!tpu.dma_semaphore, #tpu.memory_space<semaphore_mem>>) src(%dma_wait3A_375 : memref<128xi32, #tpu.memory_space<hbm>>) dst(%dma_wait3A_373 : memref<128xi32, #tpu.memory_space<vmem>>)
        %ge3A = arith.constant 1 : i32
        %ge3A_376 = arith.cmpi sge, %add3A_321, %ge3A : i32
        %convert_element_type3A_377 = arith.extui %ge3A_376 : i1 to i32
        %cond3A_378 = arith.constant 0 : i32
        %cond3A_379 = arith.cmpi ne, %convert_element_type3A_377, %cond3A_378 : i32
        scf.if %cond3A_379 {
          %dma_wait3A_388 = arith.constant 0 : i32
          %dma_wait3A_389 = arith.constant 0 : i32
          %dma_wait3A_390 = arith.constant 0 : i32
          %dma_wait3A_391 = tpu.memref_slice %arg11[%dma_wait3A_388, %dma_wait3A_389, %dma_wait3A_390] : memref<1x1x128xi32, #tpu.memory_space<vmem>> -> memref<1x1x128xi32, #tpu.memory_space<vmem>>
          %dma_wait3A_392 = tpu.memref_squeeze %dma_wait3A_391 : memref<1x1x128xi32, #tpu.memory_space<vmem>> -> memref<128xi32, #tpu.memory_space<vmem>>
          %dma_wait3A_393 = arith.constant 0 : i32
          %dma_wait3A_394 = arith.constant 0 : i32
          %dma_wait3A_395 = tpu.memref_slice %arg6[%dma_wait3A_393, %dma_wait3A_394] : memref<10112x128xf32, #tpu.memory_space<vmem_shared>> -> memref<10112x128xf32, #tpu.memory_space<vmem_shared>>
          tpu.wait_indirect_dma semaphore(%arg23 : memref<!tpu.dma_semaphore, #tpu.memory_space<semaphore_mem>>) src(%arg15 : memref<128x128xf32, #tpu.memory_space<vmem>>) dst(%dma_wait3A_395 : memref<10112x128xf32, #tpu.memory_space<vmem_shared>>)
        } else {
        }
        %dma_start3A_380 = arith.constant 0 : i32
        %dma_start3A_381 = arith.constant 0 : i32
        %dma_start3A_382 = arith.constant 0 : i32
        %dma_start3A_383 = tpu.memref_slice %arg7[%dma_start3A_380, %dma_start3A_381, %dma_start3A_382] : memref<1x1x128xi32, #tpu.memory_space<vmem>> -> memref<1x1x128xi32, #tpu.memory_space<vmem>>
        %dma_start3A_384 = tpu.memref_squeeze %dma_start3A_383 : memref<1x1x128xi32, #tpu.memory_space<vmem>> -> memref<128xi32, #tpu.memory_space<vmem>>
        %dma_start3A_385 = arith.constant 0 : i32
        %dma_start3A_386 = arith.constant 0 : i32
        %dma_start3A_387 = tpu.memref_slice %arg2[%dma_start3A_385, %dma_start3A_386] : memref<10000x128xf32, #tpu.memory_space<hbm>> -> memref<10000x128xf32, #tpu.memory_space<hbm>>
        tpu.enqueue_indirect_dma source(%dma_start3A_387 : memref<10000x128xf32, #tpu.memory_space<hbm>>) target(%arg15 : memref<128x128xf32, #tpu.memory_space<vmem>>) offsets(%dma_start3A_384 : memref<128xi32, #tpu.memory_space<vmem>>) semaphore(%arg21 : memref<!tpu.dma_semaphore, #tpu.memory_space<semaphore_mem>>)
      } else {
      }
      %dma_wait3A_329 = arith.constant 0 : i32
      %dma_wait3A_330 = arith.constant 0 : i32
      %dma_wait3A_331 = arith.constant 0 : i32
      %dma_wait3A_332 = tpu.memref_slice %arg7[%dma_wait3A_329, %dma_wait3A_330, %dma_wait3A_331] : memref<1x1x128xi32, #tpu.memory_space<vmem>> -> memref<1x1x128xi32, #tpu.memory_space<vmem>>
      %dma_wait3A_333 = tpu.memref_squeeze %dma_wait3A_332 : memref<1x1x128xi32, #tpu.memory_space<vmem>> -> memref<128xi32, #tpu.memory_space<vmem>>
      %dma_wait3A_334 = arith.constant 0 : i32
      %dma_wait3A_335 = arith.constant 0 : i32
      %dma_wait3A_336 = tpu.memref_slice %arg2[%dma_wait3A_334, %dma_wait3A_335] : memref<10000x128xf32, #tpu.memory_space<hbm>> -> memref<10000x128xf32, #tpu.memory_space<hbm>>
      tpu.wait_indirect_dma semaphore(%arg22 : memref<!tpu.dma_semaphore, #tpu.memory_space<semaphore_mem>>) src(%dma_wait3A_336 : memref<10000x128xf32, #tpu.memory_space<hbm>>) dst(%arg16 : memref<128x128xf32, #tpu.memory_space<vmem>>)
      %dma_start3A_337 = arith.constant 0 : i32
      %dma_start3A_338 = arith.constant 0 : i32
      %dma_start3A_339 = arith.constant 0 : i32
      %dma_start3A_340 = tpu.memref_slice %arg14[%dma_start3A_337, %dma_start3A_338, %dma_start3A_339] : memref<1x1x128xi32, #tpu.memory_space<vmem>> -> memref<1x1x128xi32, #tpu.memory_space<vmem>>
      %dma_start3A_341 = tpu.memref_squeeze %dma_start3A_340 : memref<1x1x128xi32, #tpu.memory_space<vmem>> -> memref<128xi32, #tpu.memory_space<vmem>>
      %dma_start3A_342 = arith.constant 0 : i32
      %dma_start3A_343 = arith.constant 0 : i32
      %dma_start3A_344 = tpu.memref_slice %arg6[%dma_start3A_342, %dma_start3A_343] : memref<10112x128xf32, #tpu.memory_space<vmem_shared>> -> memref<10112x128xf32, #tpu.memory_space<vmem_shared>>
      tpu.enqueue_indirect_dma source(%arg16 : memref<128x128xf32, #tpu.memory_space<vmem>>) target(%dma_start3A_344 : memref<10112x128xf32, #tpu.memory_space<vmem_shared>>) offsets(%dma_start3A_341 : memref<128xi32, #tpu.memory_space<vmem>>) semaphore(%arg24 : memref<!tpu.dma_semaphore, #tpu.memory_space<semaphore_mem>>) {add = true}
      %add3A_345 = arith.constant 3 : i32
      %add3A_346 = arith.addi %add3A_321, %add3A_345 : i32
      %lt3A_347 = arith.constant 78 : i32
      %lt3A_348 = arith.cmpi slt, %add3A_346, %lt3A_347 : i32
      %convert_element_type3A_349 = arith.extui %lt3A_348 : i1 to i32
      %cond3A_350 = arith.constant 0 : i32
      %cond3A_351 = arith.cmpi ne, %convert_element_type3A_349, %cond3A_350 : i32
      scf.if %cond3A_351 {
        %add3A_352 = arith.addi %mul3A_6, %add3A_321 : i32
        %add3A_353 = arith.constant 3 : i32
        %add3A_354 = arith.addi %add3A_352, %add3A_353 : i32
        %mul3A_355 = arith.constant 128 : i32
        %mul3A_356 = arith.muli %add3A_354, %mul3A_355 : i32
        %multiple_of3A_357 = tpu.assume_multiple %mul3A_356, 128 : i32
        %dma_start3A_358 = arith.constant 0 : i32
        %dma_start3A_359 = arith.constant 0 : i32
        %dma_start3A_360 = arith.constant 0 : i32
        %dma_start3A_361 = tpu.memref_slice %arg9[%dma_start3A_358, %dma_start3A_359, %dma_start3A_360] : memref<1x1x128xi32, #tpu.memory_space<vmem>> -> memref<1x1x128xi32, #tpu.memory_space<vmem>>
        %dma_start3A_362 = tpu.memref_squeeze %dma_start3A_361 : memref<1x1x128xi32, #tpu.memory_space<vmem>> -> memref<128xi32, #tpu.memory_space<vmem>>
        %dma_start3A_363 = tpu.memref_slice %arg3[%multiple_of3A_357] : memref<640000xi32, #tpu.memory_space<hbm>> -> memref<128xi32, #tpu.memory_space<hbm>>
        %dma_start3A_364 = arith.constant 0 : i32
        %dma_start3A_365 = tpu.memref_slice %arg9[%dma_start3A_358, %dma_start3A_359, %dma_start3A_364] : memref<1x1x128xi32, #tpu.memory_space<vmem>> -> memref<1x1x128xi32, #tpu.memory_space<vmem>>
        %dma_start3A_366 = tpu.memref_squeeze %dma_start3A_365 : memref<1x1x128xi32, #tpu.memory_space<vmem>> -> memref<128xi32, #tpu.memory_space<vmem>>
        %dma_start3A_367 = tpu.memref_slice %arg3[%multiple_of3A_357] : memref<640000xi32, #tpu.memory_space<hbm>> -> memref<128xi32, #tpu.memory_space<hbm>>
        tpu.enqueue_dma source(%dma_start3A_367 : memref<128xi32, #tpu.memory_space<hbm>>) target(%dma_start3A_366 : memref<128xi32, #tpu.memory_space<vmem>>) target_semaphore(%arg19 : memref<!tpu.dma_semaphore, #tpu.memory_space<semaphore_mem>>)
        %add3A_368 = arith.constant 320000 : i32
        %add3A_369 = arith.addi %add3A_368, %multiple_of3A_357 : i32
        %dma_start3A_370 = arith.constant 0 : i32
        %dma_start3A_371 = arith.constant 0 : i32
        %dma_start3A_372 = arith.constant 0 : i32
        %dma_start3A_373 = tpu.memref_slice %arg13[%dma_start3A_370, %dma_start3A_371, %dma_start3A_372] : memref<1x1x128xi32, #tpu.memory_space<vmem>> -> memref<1x1x128xi32, #tpu.memory_space<vmem>>
        %dma_start3A_374 = tpu.memref_squeeze %dma_start3A_373 : memref<1x1x128xi32, #tpu.memory_space<vmem>> -> memref<128xi32, #tpu.memory_space<vmem>>
        %dma_start3A_375 = tpu.memref_slice %arg3[%add3A_369] : memref<640000xi32, #tpu.memory_space<hbm>> -> memref<128xi32, #tpu.memory_space<hbm>>
        %dma_start3A_376 = arith.constant 0 : i32
        %dma_start3A_377 = tpu.memref_slice %arg13[%dma_start3A_370, %dma_start3A_371, %dma_start3A_376] : memref<1x1x128xi32, #tpu.memory_space<vmem>> -> memref<1x1x128xi32, #tpu.memory_space<vmem>>
        %dma_start3A_378 = tpu.memref_squeeze %dma_start3A_377 : memref<1x1x128xi32, #tpu.memory_space<vmem>> -> memref<128xi32, #tpu.memory_space<vmem>>
        %dma_start3A_379 = tpu.memref_slice %arg3[%add3A_369] : memref<640000xi32, #tpu.memory_space<hbm>> -> memref<128xi32, #tpu.memory_space<hbm>>
        tpu.enqueue_dma source(%dma_start3A_379 : memref<128xi32, #tpu.memory_space<hbm>>) target(%dma_start3A_378 : memref<128xi32, #tpu.memory_space<vmem>>) target_semaphore(%arg19 : memref<!tpu.dma_semaphore, #tpu.memory_space<semaphore_mem>>)
      } else {
      }
    }
    %scan3A_119 = arith.constant 19 : i32
    %dma_wait3A_120 = arith.constant 0 : i32
    %dma_wait3A_121 = arith.constant 0 : i32
    %dma_wait3A_122 = arith.constant 0 : i32
    %dma_wait3A_123 = tpu.memref_slice %arg8[%dma_wait3A_120, %dma_wait3A_121, %dma_wait3A_122] : memref<1x1x128xi32, #tpu.memory_space<vmem>> -> memref<1x1x128xi32, #tpu.memory_space<vmem>>
    %dma_wait3A_124 = tpu.memref_squeeze %dma_wait3A_123 : memref<1x1x128xi32, #tpu.memory_space<vmem>> -> memref<128xi32, #tpu.memory_space<vmem>>
    %dma_wait3A_125 = arith.constant 0 : i32
    %dma_wait3A_126 = tpu.memref_slice %arg3[%dma_wait3A_125] : memref<640000xi32, #tpu.memory_space<hbm>> -> memref<128xi32, #tpu.memory_space<hbm>>
    %dma_wait3A_127 = arith.constant 0 : i32
    %dma_wait3A_128 = tpu.memref_slice %arg8[%dma_wait3A_120, %dma_wait3A_121, %dma_wait3A_127] : memref<1x1x128xi32, #tpu.memory_space<vmem>> -> memref<1x1x128xi32, #tpu.memory_space<vmem>>
    %dma_wait3A_129 = tpu.memref_squeeze %dma_wait3A_128 : memref<1x1x128xi32, #tpu.memory_space<vmem>> -> memref<128xi32, #tpu.memory_space<vmem>>
    %dma_wait3A_130 = arith.constant 0 : i32
    %dma_wait3A_131 = tpu.memref_slice %arg3[%dma_wait3A_130] : memref<640000xi32, #tpu.memory_space<hbm>> -> memref<128xi32, #tpu.memory_space<hbm>>
    tpu.wait_dma2 semaphore(%arg18 : memref<!tpu.dma_semaphore, #tpu.memory_space<semaphore_mem>>) src(%dma_wait3A_131 : memref<128xi32, #tpu.memory_space<hbm>>) dst(%dma_wait3A_129 : memref<128xi32, #tpu.memory_space<vmem>>)
    %dma_wait3A_132 = arith.constant 0 : i32
    %dma_wait3A_133 = arith.constant 0 : i32
    %dma_wait3A_134 = arith.constant 0 : i32
    %dma_wait3A_135 = tpu.memref_slice %arg12[%dma_wait3A_132, %dma_wait3A_133, %dma_wait3A_134] : memref<1x1x128xi32, #tpu.memory_space<vmem>> -> memref<1x1x128xi32, #tpu.memory_space<vmem>>
    %dma_wait3A_136 = tpu.memref_squeeze %dma_wait3A_135 : memref<1x1x128xi32, #tpu.memory_space<vmem>> -> memref<128xi32, #tpu.memory_space<vmem>>
    %dma_wait3A_137 = arith.constant 0 : i32
    %dma_wait3A_138 = tpu.memref_slice %arg3[%dma_wait3A_137] : memref<640000xi32, #tpu.memory_space<hbm>> -> memref<128xi32, #tpu.memory_space<hbm>>
    %dma_wait3A_139 = arith.constant 0 : i32
    %dma_wait3A_140 = tpu.memref_slice %arg12[%dma_wait3A_132, %dma_wait3A_133, %dma_wait3A_139] : memref<1x1x128xi32, #tpu.memory_space<vmem>> -> memref<1x1x128xi32, #tpu.memory_space<vmem>>
    %dma_wait3A_141 = tpu.memref_squeeze %dma_wait3A_140 : memref<1x1x128xi32, #tpu.memory_space<vmem>> -> memref<128xi32, #tpu.memory_space<vmem>>
    %dma_wait3A_142 = arith.constant 0 : i32
    %dma_wait3A_143 = tpu.memref_slice %arg3[%dma_wait3A_142] : memref<640000xi32, #tpu.memory_space<hbm>> -> memref<128xi32, #tpu.memory_space<hbm>>
    tpu.wait_dma2 semaphore(%arg18 : memref<!tpu.dma_semaphore, #tpu.memory_space<semaphore_mem>>) src(%dma_wait3A_143 : memref<128xi32, #tpu.memory_space<hbm>>) dst(%dma_wait3A_141 : memref<128xi32, #tpu.memory_space<vmem>>)
    %dma_wait3A_144 = arith.constant 0 : i32
    %dma_wait3A_145 = arith.constant 0 : i32
    %dma_wait3A_146 = arith.constant 0 : i32
    %dma_wait3A_147 = tpu.memref_slice %arg12[%dma_wait3A_144, %dma_wait3A_145, %dma_wait3A_146] : memref<1x1x128xi32, #tpu.memory_space<vmem>> -> memref<1x1x128xi32, #tpu.memory_space<vmem>>
    %dma_wait3A_148 = tpu.memref_squeeze %dma_wait3A_147 : memref<1x1x128xi32, #tpu.memory_space<vmem>> -> memref<128xi32, #tpu.memory_space<vmem>>
    %dma_wait3A_149 = arith.constant 0 : i32
    %dma_wait3A_150 = arith.constant 0 : i32
    %dma_wait3A_151 = tpu.memref_slice %arg6[%dma_wait3A_149, %dma_wait3A_150] : memref<10112x128xf32, #tpu.memory_space<vmem_shared>> -> memref<10112x128xf32, #tpu.memory_space<vmem_shared>>
    tpu.wait_indirect_dma semaphore(%arg24 : memref<!tpu.dma_semaphore, #tpu.memory_space<semaphore_mem>>) src(%arg16 : memref<128x128xf32, #tpu.memory_space<vmem>>) dst(%dma_wait3A_151 : memref<10112x128xf32, #tpu.memory_space<vmem_shared>>)
    %dma_start3A_152 = arith.constant 0 : i32
    %dma_start3A_153 = arith.constant 0 : i32
    %dma_start3A_154 = arith.constant 0 : i32
    %dma_start3A_155 = tpu.memref_slice %arg8[%dma_start3A_152, %dma_start3A_153, %dma_start3A_154] : memref<1x1x128xi32, #tpu.memory_space<vmem>> -> memref<1x1x128xi32, #tpu.memory_space<vmem>>
    %dma_start3A_156 = tpu.memref_squeeze %dma_start3A_155 : memref<1x1x128xi32, #tpu.memory_space<vmem>> -> memref<128xi32, #tpu.memory_space<vmem>>
    %dma_start3A_157 = arith.constant 0 : i32
    %dma_start3A_158 = arith.constant 0 : i32
    %dma_start3A_159 = tpu.memref_slice %arg2[%dma_start3A_157, %dma_start3A_158] : memref<10000x128xf32, #tpu.memory_space<hbm>> -> memref<10000x128xf32, #tpu.memory_space<hbm>>
    tpu.enqueue_indirect_dma source(%dma_start3A_159 : memref<10000x128xf32, #tpu.memory_space<hbm>>) target(%arg16 : memref<128x128xf32, #tpu.memory_space<vmem>>) offsets(%dma_start3A_156 : memref<128xi32, #tpu.memory_space<vmem>>) semaphore(%arg22 : memref<!tpu.dma_semaphore, #tpu.memory_space<semaphore_mem>>)
    %dma_wait3A_160 = arith.constant 0 : i32
    %dma_wait3A_161 = arith.constant 0 : i32
    %dma_wait3A_162 = arith.constant 0 : i32
    %dma_wait3A_163 = tpu.memref_slice %arg7[%dma_wait3A_160, %dma_wait3A_161, %dma_wait3A_162] : memref<1x1x128xi32, #tpu.memory_space<vmem>> -> memref<1x1x128xi32, #tpu.memory_space<vmem>>
    %dma_wait3A_164 = tpu.memref_squeeze %dma_wait3A_163 : memref<1x1x128xi32, #tpu.memory_space<vmem>> -> memref<128xi32, #tpu.memory_space<vmem>>
    %dma_wait3A_165 = arith.constant 0 : i32
    %dma_wait3A_166 = arith.constant 0 : i32
    %dma_wait3A_167 = tpu.memref_slice %arg2[%dma_wait3A_165, %dma_wait3A_166] : memref<10000x128xf32, #tpu.memory_space<hbm>> -> memref<10000x128xf32, #tpu.memory_space<hbm>>
    tpu.wait_indirect_dma semaphore(%arg21 : memref<!tpu.dma_semaphore, #tpu.memory_space<semaphore_mem>>) src(%dma_wait3A_167 : memref<10000x128xf32, #tpu.memory_space<hbm>>) dst(%arg15 : memref<128x128xf32, #tpu.memory_space<vmem>>)
    %dma_start3A_168 = arith.constant 0 : i32
    %dma_start3A_169 = arith.constant 0 : i32
    %dma_start3A_170 = arith.constant 0 : i32
    %dma_start3A_171 = tpu.memref_slice %arg11[%dma_start3A_168, %dma_start3A_169, %dma_start3A_170] : memref<1x1x128xi32, #tpu.memory_space<vmem>> -> memref<1x1x128xi32, #tpu.memory_space<vmem>>
    %dma_start3A_172 = tpu.memref_squeeze %dma_start3A_171 : memref<1x1x128xi32, #tpu.memory_space<vmem>> -> memref<128xi32, #tpu.memory_space<vmem>>
    %dma_start3A_173 = arith.constant 0 : i32
    %dma_start3A_174 = arith.constant 0 : i32
    %dma_start3A_175 = tpu.memref_slice %arg6[%dma_start3A_173, %dma_start3A_174] : memref<10112x128xf32, #tpu.memory_space<vmem_shared>> -> memref<10112x128xf32, #tpu.memory_space<vmem_shared>>
    tpu.enqueue_indirect_dma source(%arg15 : memref<128x128xf32, #tpu.memory_space<vmem>>) target(%dma_start3A_175 : memref<10112x128xf32, #tpu.memory_space<vmem_shared>>) offsets(%dma_start3A_172 : memref<128xi32, #tpu.memory_space<vmem>>) semaphore(%arg23 : memref<!tpu.dma_semaphore, #tpu.memory_space<semaphore_mem>>) {add = true}
    %dma_wait3A_176 = arith.constant 0 : i32
    %dma_wait3A_177 = arith.constant 0 : i32
    %dma_wait3A_178 = arith.constant 0 : i32
    %dma_wait3A_179 = tpu.memref_slice %arg7[%dma_wait3A_176, %dma_wait3A_177, %dma_wait3A_178] : memref<1x1x128xi32, #tpu.memory_space<vmem>> -> memref<1x1x128xi32, #tpu.memory_space<vmem>>
    %dma_wait3A_180 = tpu.memref_squeeze %dma_wait3A_179 : memref<1x1x128xi32, #tpu.memory_space<vmem>> -> memref<128xi32, #tpu.memory_space<vmem>>
    %dma_wait3A_181 = arith.constant 0 : i32
    %dma_wait3A_182 = arith.constant 0 : i32
    %dma_wait3A_183 = tpu.memref_slice %arg2[%dma_wait3A_181, %dma_wait3A_182] : memref<10000x128xf32, #tpu.memory_space<hbm>> -> memref<10000x128xf32, #tpu.memory_space<hbm>>
    tpu.wait_indirect_dma semaphore(%arg22 : memref<!tpu.dma_semaphore, #tpu.memory_space<semaphore_mem>>) src(%dma_wait3A_183 : memref<10000x128xf32, #tpu.memory_space<hbm>>) dst(%arg16 : memref<128x128xf32, #tpu.memory_space<vmem>>)
    %dma_start3A_184 = arith.constant 0 : i32
    %dma_start3A_185 = arith.constant 0 : i32
    %dma_start3A_186 = arith.constant 0 : i32
    %dma_start3A_187 = tpu.memref_slice %arg12[%dma_start3A_184, %dma_start3A_185, %dma_start3A_186] : memref<1x1x128xi32, #tpu.memory_space<vmem>> -> memref<1x1x128xi32, #tpu.memory_space<vmem>>
    %dma_start3A_188 = tpu.memref_squeeze %dma_start3A_187 : memref<1x1x128xi32, #tpu.memory_space<vmem>> -> memref<128xi32, #tpu.memory_space<vmem>>
    %dma_start3A_189 = arith.constant 0 : i32
    %dma_start3A_190 = arith.constant 0 : i32
    %dma_start3A_191 = tpu.memref_slice %arg6[%dma_start3A_189, %dma_start3A_190] : memref<10112x128xf32, #tpu.memory_space<vmem_shared>> -> memref<10112x128xf32, #tpu.memory_space<vmem_shared>>
    tpu.enqueue_indirect_dma source(%arg16 : memref<128x128xf32, #tpu.memory_space<vmem>>) target(%dma_start3A_191 : memref<10112x128xf32, #tpu.memory_space<vmem_shared>>) offsets(%dma_start3A_188 : memref<128xi32, #tpu.memory_space<vmem>>) semaphore(%arg24 : memref<!tpu.dma_semaphore, #tpu.memory_space<semaphore_mem>>) {add = true}
    %dma_wait3A_192 = arith.constant 0 : i32
    %dma_wait3A_193 = arith.constant 0 : i32
    %dma_wait3A_194 = arith.constant 0 : i32
    %dma_wait3A_195 = tpu.memref_slice %arg11[%dma_wait3A_192, %dma_wait3A_193, %dma_wait3A_194] : memref<1x1x128xi32, #tpu.memory_space<vmem>> -> memref<1x1x128xi32, #tpu.memory_space<vmem>>
    %dma_wait3A_196 = tpu.memref_squeeze %dma_wait3A_195 : memref<1x1x128xi32, #tpu.memory_space<vmem>> -> memref<128xi32, #tpu.memory_space<vmem>>
    %dma_wait3A_197 = arith.constant 0 : i32
    %dma_wait3A_198 = arith.constant 0 : i32
    %dma_wait3A_199 = tpu.memref_slice %arg6[%dma_wait3A_197, %dma_wait3A_198] : memref<10112x128xf32, #tpu.memory_space<vmem_shared>> -> memref<10112x128xf32, #tpu.memory_space<vmem_shared>>
    tpu.wait_indirect_dma semaphore(%arg23 : memref<!tpu.dma_semaphore, #tpu.memory_space<semaphore_mem>>) src(%arg15 : memref<128x128xf32, #tpu.memory_space<vmem>>) dst(%dma_wait3A_199 : memref<10112x128xf32, #tpu.memory_space<vmem_shared>>)
    %dma_wait3A_200 = arith.constant 0 : i32
    %dma_wait3A_201 = arith.constant 0 : i32
    %dma_wait3A_202 = arith.constant 0 : i32
    %dma_wait3A_203 = tpu.memref_slice %arg12[%dma_wait3A_200, %dma_wait3A_201, %dma_wait3A_202] : memref<1x1x128xi32, #tpu.memory_space<vmem>> -> memref<1x1x128xi32, #tpu.memory_space<vmem>>
    %dma_wait3A_204 = tpu.memref_squeeze %dma_wait3A_203 : memref<1x1x128xi32, #tpu.memory_space<vmem>> -> memref<128xi32, #tpu.memory_space<vmem>>
    %dma_wait3A_205 = arith.constant 0 : i32
    %dma_wait3A_206 = arith.constant 0 : i32
    %dma_wait3A_207 = tpu.memref_slice %arg6[%dma_wait3A_205, %dma_wait3A_206] : memref<10112x128xf32, #tpu.memory_space<vmem_shared>> -> memref<10112x128xf32, #tpu.memory_space<vmem_shared>>
    tpu.wait_indirect_dma semaphore(%arg24 : memref<!tpu.dma_semaphore, #tpu.memory_space<semaphore_mem>>) src(%arg16 : memref<128x128xf32, #tpu.memory_space<vmem>>) dst(%dma_wait3A_207 : memref<10112x128xf32, #tpu.memory_space<vmem_shared>>)
    %lt3A = arith.constant 4 : i32
    %lt3A_208 = arith.cmpi slt, %add3A, %lt3A : i32
    %convert_element_type3A = arith.extui %lt3A_208 : i1 to i32
    %cond3A = arith.constant 0 : i32
    %cond3A_209 = arith.cmpi ne, %convert_element_type3A, %cond3A : i32
    scf.if %cond3A_209 {
      %add3A_215 = arith.constant 2496 : i32
      %add3A_216 = arith.addi %add3A_215, %add3A : i32
      %mul3A_217 = arith.constant 128 : i32
      %mul3A_218 = arith.muli %add3A_216, %mul3A_217 : i32
      %multiple_of3A_219 = tpu.assume_multiple %mul3A_218, 128 : i32
      %dma_start3A_220 = arith.constant 0 : i32
      %dma_start3A_221 = arith.constant 0 : i32
      %dma_start3A_222 = arith.constant 0 : i32
      %dma_start3A_223 = tpu.memref_slice %arg7[%dma_start3A_220, %dma_start3A_221, %dma_start3A_222] : memref<1x1x128xi32, #tpu.memory_space<vmem>> -> memref<1x1x128xi32, #tpu.memory_space<vmem>>
      %dma_start3A_224 = tpu.memref_squeeze %dma_start3A_223 : memref<1x1x128xi32, #tpu.memory_space<vmem>> -> memref<128xi32, #tpu.memory_space<vmem>>
      %dma_start3A_225 = tpu.memref_slice %arg3[%multiple_of3A_219] : memref<640000xi32, #tpu.memory_space<hbm>> -> memref<128xi32, #tpu.memory_space<hbm>>
      %dma_start3A_226 = arith.constant 0 : i32
      %dma_start3A_227 = tpu.memref_slice %arg7[%dma_start3A_220, %dma_start3A_221, %dma_start3A_226] : memref<1x1x128xi32, #tpu.memory_space<vmem>> -> memref<1x1x128xi32, #tpu.memory_space<vmem>>
      %dma_start3A_228 = tpu.memref_squeeze %dma_start3A_227 : memref<1x1x128xi32, #tpu.memory_space<vmem>> -> memref<128xi32, #tpu.memory_space<vmem>>
      %dma_start3A_229 = tpu.memref_slice %arg3[%multiple_of3A_219] : memref<640000xi32, #tpu.memory_space<hbm>> -> memref<128xi32, #tpu.memory_space<hbm>>
      tpu.enqueue_dma source(%dma_start3A_229 : memref<128xi32, #tpu.memory_space<hbm>>) target(%dma_start3A_228 : memref<128xi32, #tpu.memory_space<vmem>>) target_semaphore(%arg17 : memref<!tpu.dma_semaphore, #tpu.memory_space<semaphore_mem>>)
      %add3A_230 = arith.constant 320000 : i32
      %add3A_231 = arith.addi %add3A_230, %multiple_of3A_219 : i32
      %dma_start3A_232 = arith.constant 0 : i32
      %dma_start3A_233 = arith.constant 0 : i32
      %dma_start3A_234 = arith.constant 0 : i32
      %dma_start3A_235 = tpu.memref_slice %arg11[%dma_start3A_232, %dma_start3A_233, %dma_start3A_234] : memref<1x1x128xi32, #tpu.memory_space<vmem>> -> memref<1x1x128xi32, #tpu.memory_space<vmem>>
      %dma_start3A_236 = tpu.memref_squeeze %dma_start3A_235 : memref<1x1x128xi32, #tpu.memory_space<vmem>> -> memref<128xi32, #tpu.memory_space<vmem>>
      %dma_start3A_237 = tpu.memref_slice %arg3[%add3A_231] : memref<640000xi32, #tpu.memory_space<hbm>> -> memref<128xi32, #tpu.memory_space<hbm>>
      %dma_start3A_238 = arith.constant 0 : i32
      %dma_start3A_239 = tpu.memref_slice %arg11[%dma_start3A_232, %dma_start3A_233, %dma_start3A_238] : memref<1x1x128xi32, #tpu.memory_space<vmem>> -> memref<1x1x128xi32, #tpu.memory_space<vmem>>
      %dma_start3A_240 = tpu.memref_squeeze %dma_start3A_239 : memref<1x1x128xi32, #tpu.memory_space<vmem>> -> memref<128xi32, #tpu.memory_space<vmem>>
      %dma_start3A_241 = tpu.memref_slice %arg3[%add3A_231] : memref<640000xi32, #tpu.memory_space<hbm>> -> memref<128xi32, #tpu.memory_space<hbm>>
      tpu.enqueue_dma source(%dma_start3A_241 : memref<128xi32, #tpu.memory_space<hbm>>) target(%dma_start3A_240 : memref<128xi32, #tpu.memory_space<vmem>>) target_semaphore(%arg17 : memref<!tpu.dma_semaphore, #tpu.memory_space<semaphore_mem>>)
      %dma_wait3A_242 = arith.constant 0 : i32
      %dma_wait3A_243 = arith.constant 0 : i32
      %dma_wait3A_244 = arith.constant 0 : i32
      %dma_wait3A_245 = tpu.memref_slice %arg7[%dma_wait3A_242, %dma_wait3A_243, %dma_wait3A_244] : memref<1x1x128xi32, #tpu.memory_space<vmem>> -> memref<1x1x128xi32, #tpu.memory_space<vmem>>
      %dma_wait3A_246 = tpu.memref_squeeze %dma_wait3A_245 : memref<1x1x128xi32, #tpu.memory_space<vmem>> -> memref<128xi32, #tpu.memory_space<vmem>>
      %dma_wait3A_247 = arith.constant 0 : i32
      %dma_wait3A_248 = tpu.memref_slice %arg3[%dma_wait3A_247] : memref<640000xi32, #tpu.memory_space<hbm>> -> memref<128xi32, #tpu.memory_space<hbm>>
      %dma_wait3A_249 = arith.constant 0 : i32
      %dma_wait3A_250 = tpu.memref_slice %arg7[%dma_wait3A_242, %dma_wait3A_243, %dma_wait3A_249] : memref<1x1x128xi32, #tpu.memory_space<vmem>> -> memref<1x1x128xi32, #tpu.memory_space<vmem>>
      %dma_wait3A_251 = tpu.memref_squeeze %dma_wait3A_250 : memref<1x1x128xi32, #tpu.memory_space<vmem>> -> memref<128xi32, #tpu.memory_space<vmem>>
      %dma_wait3A_252 = arith.constant 0 : i32
      %dma_wait3A_253 = tpu.memref_slice %arg3[%dma_wait3A_252] : memref<640000xi32, #tpu.memory_space<hbm>> -> memref<128xi32, #tpu.memory_space<hbm>>
      tpu.wait_dma2 semaphore(%arg17 : memref<!tpu.dma_semaphore, #tpu.memory_space<semaphore_mem>>) src(%dma_wait3A_253 : memref<128xi32, #tpu.memory_space<hbm>>) dst(%dma_wait3A_251 : memref<128xi32, #tpu.memory_space<vmem>>)
      %dma_wait3A_254 = arith.constant 0 : i32
      %dma_wait3A_255 = arith.constant 0 : i32
      %dma_wait3A_256 = arith.constant 0 : i32
      %dma_wait3A_257 = tpu.memref_slice %arg11[%dma_wait3A_254, %dma_wait3A_255, %dma_wait3A_256] : memref<1x1x128xi32, #tpu.memory_space<vmem>> -> memref<1x1x128xi32, #tpu.memory_space<vmem>>
      %dma_wait3A_258 = tpu.memref_squeeze %dma_wait3A_257 : memref<1x1x128xi32, #tpu.memory_space<vmem>> -> memref<128xi32, #tpu.memory_space<vmem>>
      %dma_wait3A_259 = arith.constant 0 : i32
      %dma_wait3A_260 = tpu.memref_slice %arg3[%dma_wait3A_259] : memref<640000xi32, #tpu.memory_space<hbm>> -> memref<128xi32, #tpu.memory_space<hbm>>
      %dma_wait3A_261 = arith.constant 0 : i32
      %dma_wait3A_262 = tpu.memref_slice %arg11[%dma_wait3A_254, %dma_wait3A_255, %dma_wait3A_261] : memref<1x1x128xi32, #tpu.memory_space<vmem>> -> memref<1x1x128xi32, #tpu.memory_space<vmem>>
      %dma_wait3A_263 = tpu.memref_squeeze %dma_wait3A_262 : memref<1x1x128xi32, #tpu.memory_space<vmem>> -> memref<128xi32, #tpu.memory_space<vmem>>
      %dma_wait3A_264 = arith.constant 0 : i32
      %dma_wait3A_265 = tpu.memref_slice %arg3[%dma_wait3A_264] : memref<640000xi32, #tpu.memory_space<hbm>> -> memref<128xi32, #tpu.memory_space<hbm>>
      tpu.wait_dma2 semaphore(%arg17 : memref<!tpu.dma_semaphore, #tpu.memory_space<semaphore_mem>>) src(%dma_wait3A_265 : memref<128xi32, #tpu.memory_space<hbm>>) dst(%dma_wait3A_263 : memref<128xi32, #tpu.memory_space<vmem>>)
      %dma_start3A_266 = arith.constant 0 : i32
      %dma_start3A_267 = arith.constant 0 : i32
      %dma_start3A_268 = arith.constant 0 : i32
      %dma_start3A_269 = tpu.memref_slice %arg7[%dma_start3A_266, %dma_start3A_267, %dma_start3A_268] : memref<1x1x128xi32, #tpu.memory_space<vmem>> -> memref<1x1x128xi32, #tpu.memory_space<vmem>>
      %dma_start3A_270 = tpu.memref_squeeze %dma_start3A_269 : memref<1x1x128xi32, #tpu.memory_space<vmem>> -> memref<128xi32, #tpu.memory_space<vmem>>
      %dma_start3A_271 = arith.constant 0 : i32
      %dma_start3A_272 = arith.constant 0 : i32
      %dma_start3A_273 = tpu.memref_slice %arg2[%dma_start3A_271, %dma_start3A_272] : memref<10000x128xf32, #tpu.memory_space<hbm>> -> memref<10000x128xf32, #tpu.memory_space<hbm>>
      tpu.enqueue_indirect_dma source(%dma_start3A_273 : memref<10000x128xf32, #tpu.memory_space<hbm>>) target(%arg15 : memref<128x128xf32, #tpu.memory_space<vmem>>) offsets(%dma_start3A_270 : memref<128xi32, #tpu.memory_space<vmem>>) semaphore(%arg21 : memref<!tpu.dma_semaphore, #tpu.memory_space<semaphore_mem>>)
      %dma_wait3A_274 = arith.constant 0 : i32
      %dma_wait3A_275 = arith.constant 0 : i32
      %dma_wait3A_276 = arith.constant 0 : i32
      %dma_wait3A_277 = tpu.memref_slice %arg7[%dma_wait3A_274, %dma_wait3A_275, %dma_wait3A_276] : memref<1x1x128xi32, #tpu.memory_space<vmem>> -> memref<1x1x128xi32, #tpu.memory_space<vmem>>
      %dma_wait3A_278 = tpu.memref_squeeze %dma_wait3A_277 : memref<1x1x128xi32, #tpu.memory_space<vmem>> -> memref<128xi32, #tpu.memory_space<vmem>>
      %dma_wait3A_279 = arith.constant 0 : i32
      %dma_wait3A_280 = arith.constant 0 : i32
      %dma_wait3A_281 = tpu.memref_slice %arg2[%dma_wait3A_279, %dma_wait3A_280] : memref<10000x128xf32, #tpu.memory_space<hbm>> -> memref<10000x128xf32, #tpu.memory_space<hbm>>
      tpu.wait_indirect_dma semaphore(%arg21 : memref<!tpu.dma_semaphore, #tpu.memory_space<semaphore_mem>>) src(%dma_wait3A_281 : memref<10000x128xf32, #tpu.memory_space<hbm>>) dst(%arg15 : memref<128x128xf32, #tpu.memory_space<vmem>>)
      %dma_start3A_282 = arith.constant 0 : i32
      %dma_start3A_283 = arith.constant 0 : i32
      %dma_start3A_284 = arith.constant 0 : i32
      %dma_start3A_285 = tpu.memref_slice %arg11[%dma_start3A_282, %dma_start3A_283, %dma_start3A_284] : memref<1x1x128xi32, #tpu.memory_space<vmem>> -> memref<1x1x128xi32, #tpu.memory_space<vmem>>
      %dma_start3A_286 = tpu.memref_squeeze %dma_start3A_285 : memref<1x1x128xi32, #tpu.memory_space<vmem>> -> memref<128xi32, #tpu.memory_space<vmem>>
      %dma_start3A_287 = arith.constant 0 : i32
      %dma_start3A_288 = arith.constant 0 : i32
      %dma_start3A_289 = tpu.memref_slice %arg6[%dma_start3A_287, %dma_start3A_288] : memref<10112x128xf32, #tpu.memory_space<vmem_shared>> -> memref<10112x128xf32, #tpu.memory_space<vmem_shared>>
      tpu.enqueue_indirect_dma source(%arg15 : memref<128x128xf32, #tpu.memory_space<vmem>>) target(%dma_start3A_289 : memref<10112x128xf32, #tpu.memory_space<vmem_shared>>) offsets(%dma_start3A_286 : memref<128xi32, #tpu.memory_space<vmem>>) semaphore(%arg23 : memref<!tpu.dma_semaphore, #tpu.memory_space<semaphore_mem>>) {add = true}
      %dma_wait3A_290 = arith.constant 0 : i32
      %dma_wait3A_291 = arith.constant 0 : i32
      %dma_wait3A_292 = arith.constant 0 : i32
      %dma_wait3A_293 = tpu.memref_slice %arg11[%dma_wait3A_290, %dma_wait3A_291, %dma_wait3A_292] : memref<1x1x128xi32, #tpu.memory_space<vmem>> -> memref<1x1x128xi32, #tpu.memory_space<vmem>>
      %dma_wait3A_294 = tpu.memref_squeeze %dma_wait3A_293 : memref<1x1x128xi32, #tpu.memory_space<vmem>> -> memref<128xi32, #tpu.memory_space<vmem>>
      %dma_wait3A_295 = arith.constant 0 : i32
      %dma_wait3A_296 = arith.constant 0 : i32
      %dma_wait3A_297 = tpu.memref_slice %arg6[%dma_wait3A_295, %dma_wait3A_296] : memref<10112x128xf32, #tpu.memory_space<vmem_shared>> -> memref<10112x128xf32, #tpu.memory_space<vmem_shared>>
      tpu.wait_indirect_dma semaphore(%arg23 : memref<!tpu.dma_semaphore, #tpu.memory_space<semaphore_mem>>) src(%arg15 : memref<128x128xf32, #tpu.memory_space<vmem>>) dst(%dma_wait3A_297 : memref<10112x128xf32, #tpu.memory_space<vmem_shared>>)
    } else {
    }
    %barrier3A_210 = arith.constant 0 : index
    tpu.barrier barrier_id(%barrier3A_210)
    %mul3A_211 = arith.constant 632 : i32
    %mul3A_212 = arith.muli %arg1, %mul3A_211 : i32
    %mul3A_213 = arith.constant 632 : i32
    %mul3A_214 = arith.muli %arg1, %mul3A_213 : i32
    "tpu.region"() ({
      %run_scoped3A = tpu.sem_alloc : memref<!tpu.dma_semaphore, #tpu.memory_space<semaphore_mem>>
      %dma_start3A_215 = arith.constant 0 : i32
      %dma_start3A_216 = tpu.memref_slice %arg5[%arg0, %mul3A_214, %dma_start3A_215] : memref<2x10112x128xf32, #tpu.memory_space<hbm>> -> memref<1x632x128xf32, #tpu.memory_space<hbm>>
      %dma_start3A_217 = tpu.memref_squeeze %dma_start3A_216 : memref<1x632x128xf32, #tpu.memory_space<hbm>> -> memref<632x128xf32, #tpu.memory_space<hbm>>
      %dma_start3A_218 = arith.constant 0 : i32
      %dma_start3A_219 = tpu.memref_slice %arg6[%mul3A_212, %dma_start3A_218] : memref<10112x128xf32, #tpu.memory_space<vmem_shared>> -> memref<632x128xf32, #tpu.memory_space<vmem_shared>>
      tpu.enqueue_dma source(%dma_start3A_219 : memref<632x128xf32, #tpu.memory_space<vmem_shared>>) target(%dma_start3A_217 : memref<632x128xf32, #tpu.memory_space<hbm>>) target_semaphore(%run_scoped3A : memref<!tpu.dma_semaphore, #tpu.memory_space<semaphore_mem>>)
      %dma_wait3A_220 = arith.constant 0 : i32
      %dma_wait3A_221 = tpu.memref_slice %arg5[%arg0, %mul3A_214, %dma_wait3A_220] : memref<2x10112x128xf32, #tpu.memory_space<hbm>> -> memref<1x632x128xf32, #tpu.memory_space<hbm>>
      %dma_wait3A_222 = tpu.memref_squeeze %dma_wait3A_221 : memref<1x632x128xf32, #tpu.memory_space<hbm>> -> memref<632x128xf32, #tpu.memory_space<hbm>>
      %dma_wait3A_223 = arith.constant 0 : i32
      %dma_wait3A_224 = tpu.memref_slice %arg6[%mul3A_212, %dma_wait3A_223] : memref<10112x128xf32, #tpu.memory_space<vmem_shared>> -> memref<632x128xf32, #tpu.memory_space<vmem_shared>>
      tpu.wait_dma2 semaphore(%run_scoped3A : memref<!tpu.dma_semaphore, #tpu.memory_space<semaphore_mem>>) src(%dma_wait3A_224 : memref<632x128xf32, #tpu.memory_space<vmem_shared>>) dst(%dma_wait3A_222 : memref<632x128xf32, #tpu.memory_space<hbm>>)
      tpu.yield
    }) : () -> ()
    return
  }
}

module attributes {stable_mosaic.version = 14 : i64} {
  func.func @body(%arg0: memref<10000x128xf32, #tpu.memory_space<vmem>>, %arg1: memref<2x10112x128xf32, #tpu.memory_space<vmem>>, %arg2: memref<128x128xf32, #tpu.memory_space<vmem>>, %arg3: memref<128xf32, #tpu.memory_space<vmem>>, %arg4: memref<128x128xf32, #tpu.memory_space<vmem>>, %arg5: memref<128xf32, #tpu.memory_space<vmem>>, %arg6: memref<10000x128xf32, #tpu.memory_space<vmem>>) attributes {dimension_semantics = [], scalar_prefetch = 0 : i64, scratch_operands = 0 : i64, tpu.core_type = #tpu.core_type<tc>} {
    %get3A = arith.constant 0 : index
    %get3A_0 = arith.constant 0 : index
    %get3A_1 = vector.load %arg0[%get3A, %get3A_0] : memref<10000x128xf32, #tpu.memory_space<vmem>>, vector<10000x128xf32>
    %get3A_2 = arith.constant 0 : index
    %get3A_3 = arith.constant 0 : index
    %get3A_4 = arith.constant 0 : index
    %get3A_5 = vector.load %arg1[%get3A_2, %get3A_3, %get3A_4] : memref<2x10112x128xf32, #tpu.memory_space<vmem>>, vector<1x10000x128xf32>
    %get3A_6 = vector.shape_cast %get3A_5 : vector<1x10000x128xf32> to vector<10000x128xf32>
    %add3A = arith.addf %get3A_1, %get3A_6 : vector<10000x128xf32>
    %get3A_7 = arith.constant 1 : index
    %get3A_8 = arith.constant 0 : index
    %get3A_9 = arith.constant 0 : index
    %get3A_10 = vector.load %arg1[%get3A_7, %get3A_8, %get3A_9] : memref<2x10112x128xf32, #tpu.memory_space<vmem>>, vector<1x10000x128xf32>
    %get3A_11 = vector.shape_cast %get3A_10 : vector<1x10000x128xf32> to vector<10000x128xf32>
    %add3A_12 = arith.addf %add3A, %get3A_11 : vector<10000x128xf32>
    %get3A_13 = arith.constant 0 : index
    %get3A_14 = arith.constant 0 : index
    %get3A_15 = vector.load %arg2[%get3A_13, %get3A_14] : memref<128x128xf32, #tpu.memory_space<vmem>>, vector<128x128xf32>
    %dot_general3A = arith.constant dense<0.000000e+00> : vector<10000x128xf32>
    %dot_general3A_16 = tpu.matmul %add3A_12, %get3A_15, %dot_general3A {dimension_numbers = #tpu.dot_dimension_numbers<[1], [0], [0], [1], [0, 0, 1, 1], [], []>, transpose_lhs_hint = false} : vector<10000x128xf32>, vector<128x128xf32>, vector<10000x128xf32> -> vector<10000x128xf32>
    %get3A_17 = arith.constant 0 : index
    %get3A_18 = vector.load %arg3[%get3A_17] : memref<128xf32, #tpu.memory_space<vmem>>, vector<128xf32>
    %broadcast_in_dim3A = vector.shape_cast %get3A_18 : vector<128xf32> to vector<1x128xf32>
    %add3A_19 = vector.broadcast %broadcast_in_dim3A : vector<1x128xf32> to vector<10000x128xf32>
    %add3A_20 = arith.addf %dot_general3A_16, %add3A_19 : vector<10000x128xf32>
    %max3A = arith.constant 0.000000e+00 : f32
    %max3A_21 = vector.broadcast %max3A : f32 to vector<10000x128xf32>
    %max3A_22 = arith.maximumf %add3A_20, %max3A_21 : vector<10000x128xf32>
    %get3A_23 = arith.constant 0 : index
    %get3A_24 = arith.constant 0 : index
    %get3A_25 = vector.load %arg4[%get3A_23, %get3A_24] : memref<128x128xf32, #tpu.memory_space<vmem>>, vector<128x128xf32>
    %dot_general3A_26 = arith.constant dense<0.000000e+00> : vector<10000x128xf32>
    %dot_general3A_27 = tpu.matmul %max3A_22, %get3A_25, %dot_general3A_26 {dimension_numbers = #tpu.dot_dimension_numbers<[1], [0], [0], [1], [0, 0, 1, 1], [], []>, transpose_lhs_hint = false} : vector<10000x128xf32>, vector<128x128xf32>, vector<10000x128xf32> -> vector<10000x128xf32>
    %get3A_28 = arith.constant 0 : index
    %get3A_29 = vector.load %arg5[%get3A_28] : memref<128xf32, #tpu.memory_space<vmem>>, vector<128xf32>
    %broadcast_in_dim3A_30 = vector.shape_cast %get3A_29 : vector<128xf32> to vector<1x128xf32>
    %add3A_31 = vector.broadcast %broadcast_in_dim3A_30 : vector<1x128xf32> to vector<10000x128xf32>
    %add3A_32 = arith.addf %dot_general3A_27, %add3A_31 : vector<10000x128xf32>
    %max3A_33 = arith.constant 0.000000e+00 : f32
    %max3A_34 = vector.broadcast %max3A_33 : f32 to vector<10000x128xf32>
    %max3A_35 = arith.maximumf %add3A_32, %max3A_34 : vector<10000x128xf32>
    %swap3A = arith.constant 0 : index
    %swap3A_36 = arith.constant 0 : index
    %swap3A_37 = vector.load %arg6[%swap3A, %swap3A_36] : memref<10000x128xf32, #tpu.memory_space<vmem>>, vector<10000x128xf32>
    tpu.vector_store %arg6[%swap3A, %swap3A_36], %max3A_35 {strides = array<i32>} : memref<10000x128xf32, #tpu.memory_space<vmem>>, vector<10000x128xf32>,
    return
  }
}

module attributes {stable_mosaic.version = 14 : i64} {
  func.func @body(%arg0: i32, %arg1: memref<2000x128xf32, #tpu.memory_space<vmem>>, %arg2: memref<2000x128xf32, #tpu.memory_space<vmem>>, %arg3: memref<2x2000x128xf32, #tpu.memory_space<vmem>>, %arg4: memref<2000x128xi8, #tpu.memory_space<vmem>>, %arg5: memref<128x128xf32, #tpu.memory_space<vmem>>, %arg6: memref<128xf32, #tpu.memory_space<vmem>>, %arg7: memref<128x128xf32, #tpu.memory_space<vmem>>, %arg8: memref<128xf32, #tpu.memory_space<vmem>>, %arg9: memref<384x384xf32, #tpu.memory_space<vmem>>, %arg10: memref<384xf32, #tpu.memory_space<vmem>>, %arg11: memref<384x384xf32, #tpu.memory_space<vmem>>, %arg12: memref<384xf32, #tpu.memory_space<vmem>>, %arg13: memref<384x384xf32, #tpu.memory_space<vmem>>, %arg14: memref<384xf32, #tpu.memory_space<vmem>>, %arg15: memref<384x384xf32, #tpu.memory_space<vmem>>, %arg16: memref<384xf32, #tpu.memory_space<vmem>>, %arg17: memref<384x384xf32, #tpu.memory_space<vmem>>, %arg18: memref<384xf32, #tpu.memory_space<vmem>>, %arg19: memref<384x384xf32, #tpu.memory_space<vmem>>, %arg20: memref<384xf32, #tpu.memory_space<vmem>>, %arg21: memref<384x384xf32, #tpu.memory_space<vmem>>, %arg22: memref<384xf32, #tpu.memory_space<vmem>>, %arg23: memref<384x384xf32, #tpu.memory_space<vmem>>, %arg24: memref<384xf32, #tpu.memory_space<vmem>>, %arg25: memref<384x32xf32, #tpu.memory_space<vmem>>, %arg26: memref<32xf32, #tpu.memory_space<vmem>>, %arg27: memref<32x32xf32, #tpu.memory_space<vmem>>, %arg28: memref<2000x384xf32, #tpu.memory_space<vmem>>, %arg29: memref<128x384xf32, #tpu.memory_space<vmem>>, %arg30: memref<100x384xf32, #tpu.memory_space<vmem>>, %arg31: memref<100x32xf32, #tpu.memory_space<vmem>>, %arg32: memref<100x32xf32, #tpu.memory_space<vmem>>) attributes {dimension_semantics = [#tpu.dimension_semantics<arbitrary>], iteration_bounds = array<i64: 5>, scalar_prefetch = 0 : i64, scratch_operands = 0 : i64, tpu.core_type = #tpu.core_type<tc>, window_params = [{transform_indices = @transform_0, window_bounds = array<i64: 2000, 128>}, {transform_indices = @transform_1, window_bounds = array<i64: 2000, 128>}, {transform_indices = @transform_2, window_bounds = array<i64: 2, 2000, 128>}, {transform_indices = @transform_3, window_bounds = array<i64: 2000, 128>}, {pipeline_mode = #tpu.pipeline_mode<synchronous>, transform_indices = @transform_4, window_bounds = array<i64: 128, 128>}, {pipeline_mode = #tpu.pipeline_mode<synchronous>, transform_indices = @transform_5, window_bounds = array<i64: 128>}, {pipeline_mode = #tpu.pipeline_mode<synchronous>, transform_indices = @transform_6, window_bounds = array<i64: 128, 128>}, {pipeline_mode = #tpu.pipeline_mode<synchronous>, transform_indices = @transform_7, window_bounds = array<i64: 128>}, {pipeline_mode = #tpu.pipeline_mode<synchronous>, transform_indices = @transform_8, window_bounds = array<i64: 384, 384>}, {pipeline_mode = #tpu.pipeline_mode<synchronous>, transform_indices = @transform_9, window_bounds = array<i64: 384>}, {pipeline_mode = #tpu.pipeline_mode<synchronous>, transform_indices = @transform_10, window_bounds = array<i64: 384, 384>}, {pipeline_mode = #tpu.pipeline_mode<synchronous>, transform_indices = @transform_11, window_bounds = array<i64: 384>}, {pipeline_mode = #tpu.pipeline_mode<synchronous>, transform_indices = @transform_12, window_bounds = array<i64: 384, 384>}, {pipeline_mode = #tpu.pipeline_mode<synchronous>, transform_indices = @transform_13, window_bounds = array<i64: 384>}, {pipeline_mode = #tpu.pipeline_mode<synchronous>, transform_indices = @transform_14, window_bounds = array<i64: 384, 384>}, {pipeline_mode = #tpu.pipeline_mode<synchronous>, transform_indices = @transform_15, window_bounds = array<i64: 384>}, {pipeline_mode = #tpu.pipeline_mode<synchronous>, transform_indices = @transform_16, window_bounds = array<i64: 384, 384>}, {pipeline_mode = #tpu.pipeline_mode<synchronous>, transform_indices = @transform_17, window_bounds = array<i64: 384>}, {pipeline_mode = #tpu.pipeline_mode<synchronous>, transform_indices = @transform_18, window_bounds = array<i64: 384, 384>}, {pipeline_mode = #tpu.pipeline_mode<synchronous>, transform_indices = @transform_19, window_bounds = array<i64: 384>}, {pipeline_mode = #tpu.pipeline_mode<synchronous>, transform_indices = @transform_20, window_bounds = array<i64: 384, 384>}, {pipeline_mode = #tpu.pipeline_mode<synchronous>, transform_indices = @transform_21, window_bounds = array<i64: 384>}, {pipeline_mode = #tpu.pipeline_mode<synchronous>, transform_indices = @transform_22, window_bounds = array<i64: 384, 384>}, {pipeline_mode = #tpu.pipeline_mode<synchronous>, transform_indices = @transform_23, window_bounds = array<i64: 384>}, {pipeline_mode = #tpu.pipeline_mode<synchronous>, transform_indices = @transform_24, window_bounds = array<i64: 384, 32>}, {pipeline_mode = #tpu.pipeline_mode<synchronous>, transform_indices = @transform_25, window_bounds = array<i64: 32>}, {pipeline_mode = #tpu.pipeline_mode<synchronous>, transform_indices = @transform_26, window_bounds = array<i64: 32, 32>}, {transform_indices = @transform_27, window_bounds = array<i64: 2000, 384>}, {pipeline_mode = #tpu.pipeline_mode<synchronous>, transform_indices = @transform_28, window_bounds = array<i64: 128, 384>}, {pipeline_mode = #tpu.pipeline_mode<synchronous>, transform_indices = @transform_29, window_bounds = array<i64: 100, 384>}, {pipeline_mode = #tpu.pipeline_mode<synchronous>, transform_indices = @transform_30, window_bounds = array<i64: 100, 32>}, {pipeline_mode = #tpu.pipeline_mode<synchronous>, transform_indices = @transform_31, window_bounds = array<i64: 100, 32>}]} {
    %get3A = arith.constant 0 : index
    %get3A_0 = arith.constant 0 : index
    %get3A_1 = vector.load %arg2[%get3A, %get3A_0] : memref<2000x128xf32, #tpu.memory_space<vmem>>, vector<2000x128xf32>
    %get3A_2 = arith.constant 0 : index
    %get3A_3 = arith.constant 0 : index
    %get3A_4 = arith.constant 0 : index
    %get3A_5 = vector.load %arg3[%get3A_2, %get3A_3, %get3A_4] : memref<2x2000x128xf32, #tpu.memory_space<vmem>>, vector<1x2000x128xf32>
    %get3A_6 = vector.shape_cast %get3A_5 : vector<1x2000x128xf32> to vector<2000x128xf32>
    %add3A = arith.addf %get3A_1, %get3A_6 : vector<2000x128xf32>
    %get3A_7 = arith.constant 1 : index
    %get3A_8 = arith.constant 0 : index
    %get3A_9 = arith.constant 0 : index
    %get3A_10 = vector.load %arg3[%get3A_7, %get3A_8, %get3A_9] : memref<2x2000x128xf32, #tpu.memory_space<vmem>>, vector<1x2000x128xf32>
    %get3A_11 = vector.shape_cast %get3A_10 : vector<1x2000x128xf32> to vector<2000x128xf32>
    %add3A_12 = arith.addf %add3A, %get3A_11 : vector<2000x128xf32>
    %get3A_13 = arith.constant 0 : index
    %get3A_14 = arith.constant 0 : index
    %get3A_15 = vector.load %arg5[%get3A_13, %get3A_14] : memref<128x128xf32, #tpu.memory_space<vmem>>, vector<128x128xf32>
    %dot_general3A = arith.constant dense<0.000000e+00> : vector<2000x128xf32>
    %dot_general3A_16 = tpu.matmul %add3A_12, %get3A_15, %dot_general3A {dimension_numbers = #tpu.dot_dimension_numbers<[1], [0], [0], [1], [0, 0, 1, 1], [], []>, transpose_lhs_hint = false} : vector<2000x128xf32>, vector<128x128xf32>, vector<2000x128xf32> -> vector<2000x128xf32>
    %get3A_17 = arith.constant 0 : index
    %get3A_18 = vector.load %arg6[%get3A_17] : memref<128xf32, #tpu.memory_space<vmem>>, vector<128xf32>
    %broadcast_in_dim3A = vector.shape_cast %get3A_18 : vector<128xf32> to vector<1x128xf32>
    %add3A_19 = vector.broadcast %broadcast_in_dim3A : vector<1x128xf32> to vector<2000x128xf32>
    %add3A_20 = arith.addf %dot_general3A_16, %add3A_19 : vector<2000x128xf32>
    %max3A = arith.constant 0.000000e+00 : f32
    %max3A_21 = vector.broadcast %max3A : f32 to vector<2000x128xf32>
    %max3A_22 = arith.maximumf %add3A_20, %max3A_21 : vector<2000x128xf32>
    %get3A_23 = arith.constant 0 : index
    %get3A_24 = arith.constant 0 : index
    %get3A_25 = vector.load %arg7[%get3A_23, %get3A_24] : memref<128x128xf32, #tpu.memory_space<vmem>>, vector<128x128xf32>
    %dot_general3A_26 = arith.constant dense<0.000000e+00> : vector<2000x128xf32>
    %dot_general3A_27 = tpu.matmul %max3A_22, %get3A_25, %dot_general3A_26 {dimension_numbers = #tpu.dot_dimension_numbers<[1], [0], [0], [1], [0, 0, 1, 1], [], []>, transpose_lhs_hint = false} : vector<2000x128xf32>, vector<128x128xf32>, vector<2000x128xf32> -> vector<2000x128xf32>
    %get3A_28 = arith.constant 0 : index
    %get3A_29 = vector.load %arg8[%get3A_28] : memref<128xf32, #tpu.memory_space<vmem>>, vector<128xf32>
    %broadcast_in_dim3A_30 = vector.shape_cast %get3A_29 : vector<128xf32> to vector<1x128xf32>
    %add3A_31 = vector.broadcast %broadcast_in_dim3A_30 : vector<1x128xf32> to vector<2000x128xf32>
    %add3A_32 = arith.addf %dot_general3A_27, %add3A_31 : vector<2000x128xf32>
    %max3A_33 = arith.constant 0.000000e+00 : f32
    %max3A_34 = vector.broadcast %max3A_33 : f32 to vector<2000x128xf32>
    %max3A_35 = arith.maximumf %add3A_32, %max3A_34 : vector<2000x128xf32>
    %get3A_36 = arith.constant 0 : index
    %get3A_37 = arith.constant 0 : index
    %get3A_38 = vector.load %arg1[%get3A_36, %get3A_37] : memref<2000x128xf32, #tpu.memory_space<vmem>>, vector<2000x128xf32>
    %get3A_39 = arith.constant 0 : index
    %get3A_40 = arith.constant 0 : index
    %get3A_41 = vector.load %arg2[%get3A_39, %get3A_40] : memref<2000x128xf32, #tpu.memory_space<vmem>>, vector<2000x128xf32>
    %concatenate3A = tpu.concatenate %get3A_38, %get3A_41, %max3A_35 in 1 : vector<2000x128xf32>, vector<2000x128xf32>, vector<2000x128xf32> -> vector<2000x384xf32>
    %convert_element_type3A = arith.truncf %concatenate3A : vector<2000x384xf32> to vector<2000x384xbf16>
    %get3A_42 = arith.constant 0 : index
    %get3A_43 = arith.constant 0 : index
    %get3A_44 = vector.load %arg9[%get3A_42, %get3A_43] : memref<384x384xf32, #tpu.memory_space<vmem>>, vector<384x384xf32>
    %convert_element_type3A_45 = arith.truncf %get3A_44 : vector<384x384xf32> to vector<384x384xbf16>
    %dot_general3A_46 = arith.constant dense<0.000000e+00> : vector<2000x384xf32>
    %dot_general3A_47 = tpu.matmul %convert_element_type3A, %convert_element_type3A_45, %dot_general3A_46 {dimension_numbers = #tpu.dot_dimension_numbers<[1], [0], [0], [1], [0, 0, 1, 1], [], []>, transpose_lhs_hint = false} : vector<2000x384xbf16>, vector<384x384xbf16>, vector<2000x384xf32> -> vector<2000x384xf32>
    %get3A_48 = arith.constant 0 : index
    %get3A_49 = vector.load %arg10[%get3A_48] : memref<384xf32, #tpu.memory_space<vmem>>, vector<384xf32>
    %broadcast_in_dim3A_50 = vector.shape_cast %get3A_49 : vector<384xf32> to vector<1x384xf32>
    %add3A_51 = vector.broadcast %broadcast_in_dim3A_50 : vector<1x384xf32> to vector<2000x384xf32>
    %add3A_52 = arith.addf %dot_general3A_47, %add3A_51 : vector<2000x384xf32>
    %max3A_53 = arith.constant 0.000000e+00 : f32
    %max3A_54 = vector.broadcast %max3A_53 : f32 to vector<2000x384xf32>
    %max3A_55 = arith.maximumf %add3A_52, %max3A_54 : vector<2000x384xf32>
    %convert_element_type3A_56 = arith.truncf %max3A_55 : vector<2000x384xf32> to vector<2000x384xbf16>
    %get3A_57 = arith.constant 0 : index
    %get3A_58 = arith.constant 0 : index
    %get3A_59 = vector.load %arg11[%get3A_57, %get3A_58] : memref<384x384xf32, #tpu.memory_space<vmem>>, vector<384x384xf32>
    %convert_element_type3A_60 = arith.truncf %get3A_59 : vector<384x384xf32> to vector<384x384xbf16>
    %dot_general3A_61 = arith.constant dense<0.000000e+00> : vector<2000x384xf32>
    %dot_general3A_62 = tpu.matmul %convert_element_type3A_56, %convert_element_type3A_60, %dot_general3A_61 {dimension_numbers = #tpu.dot_dimension_numbers<[1], [0], [0], [1], [0, 0, 1, 1], [], []>, transpose_lhs_hint = false} : vector<2000x384xbf16>, vector<384x384xbf16>, vector<2000x384xf32> -> vector<2000x384xf32>
    %get3A_63 = arith.constant 0 : index
    %get3A_64 = vector.load %arg12[%get3A_63] : memref<384xf32, #tpu.memory_space<vmem>>, vector<384xf32>
    %broadcast_in_dim3A_65 = vector.shape_cast %get3A_64 : vector<384xf32> to vector<1x384xf32>
    %add3A_66 = vector.broadcast %broadcast_in_dim3A_65 : vector<1x384xf32> to vector<2000x384xf32>
    %add3A_67 = arith.addf %dot_general3A_62, %add3A_66 : vector<2000x384xf32>
    %max3A_68 = arith.constant 0.000000e+00 : f32
    %max3A_69 = vector.broadcast %max3A_68 : f32 to vector<2000x384xf32>
    %max3A_70 = arith.maximumf %add3A_67, %max3A_69 : vector<2000x384xf32>
    %convert_element_type3A_71 = arith.truncf %max3A_70 : vector<2000x384xf32> to vector<2000x384xbf16>
    %get3A_72 = arith.constant 0 : index
    %get3A_73 = arith.constant 0 : index
    %get3A_74 = vector.load %arg13[%get3A_72, %get3A_73] : memref<384x384xf32, #tpu.memory_space<vmem>>, vector<384x384xf32>
    %convert_element_type3A_75 = arith.truncf %get3A_74 : vector<384x384xf32> to vector<384x384xbf16>
    %dot_general3A_76 = arith.constant dense<0.000000e+00> : vector<2000x384xf32>
    %dot_general3A_77 = tpu.matmul %convert_element_type3A_71, %convert_element_type3A_75, %dot_general3A_76 {dimension_numbers = #tpu.dot_dimension_numbers<[1], [0], [0], [1], [0, 0, 1, 1], [], []>, transpose_lhs_hint = false} : vector<2000x384xbf16>, vector<384x384xbf16>, vector<2000x384xf32> -> vector<2000x384xf32>
    %get3A_78 = arith.constant 0 : index
    %get3A_79 = vector.load %arg14[%get3A_78] : memref<384xf32, #tpu.memory_space<vmem>>, vector<384xf32>
    %broadcast_in_dim3A_80 = vector.shape_cast %get3A_79 : vector<384xf32> to vector<1x384xf32>
    %add3A_81 = vector.broadcast %broadcast_in_dim3A_80 : vector<1x384xf32> to vector<2000x384xf32>
    %add3A_82 = arith.addf %dot_general3A_77, %add3A_81 : vector<2000x384xf32>
    %max3A_83 = arith.constant 0.000000e+00 : f32
    %max3A_84 = vector.broadcast %max3A_83 : f32 to vector<2000x384xf32>
    %max3A_85 = arith.maximumf %add3A_82, %max3A_84 : vector<2000x384xf32>
    %get3A_86 = arith.constant 0 : index
    %get3A_87 = arith.constant 0 : index
    %get3A_88 = vector.load %arg15[%get3A_86, %get3A_87] : memref<384x384xf32, #tpu.memory_space<vmem>>, vector<384x384xf32>
    %convert_element_type3A_89 = arith.truncf %get3A_88 : vector<384x384xf32> to vector<384x384xbf16>
    %dot_general3A_90 = arith.constant dense<0.000000e+00> : vector<2000x384xf32>
    %dot_general3A_91 = tpu.matmul %convert_element_type3A, %convert_element_type3A_89, %dot_general3A_90 {dimension_numbers = #tpu.dot_dimension_numbers<[1], [0], [0], [1], [0, 0, 1, 1], [], []>, transpose_lhs_hint = false} : vector<2000x384xbf16>, vector<384x384xbf16>, vector<2000x384xf32> -> vector<2000x384xf32>
    %get3A_92 = arith.constant 0 : index
    %get3A_93 = vector.load %arg16[%get3A_92] : memref<384xf32, #tpu.memory_space<vmem>>, vector<384xf32>
    %broadcast_in_dim3A_94 = vector.shape_cast %get3A_93 : vector<384xf32> to vector<1x384xf32>
    %add3A_95 = vector.broadcast %broadcast_in_dim3A_94 : vector<1x384xf32> to vector<2000x384xf32>
    %add3A_96 = arith.addf %dot_general3A_91, %add3A_95 : vector<2000x384xf32>
    %add3A_97 = arith.addf %max3A_85, %add3A_96 : vector<2000x384xf32>
    %swap3A = arith.constant 0 : index
    %swap3A_98 = arith.constant 0 : index
    %swap3A_99 = vector.load %arg28[%swap3A, %swap3A_98] : memref<2000x384xf32, #tpu.memory_space<vmem>>, vector<2000x384xf32>
    tpu.vector_store %arg28[%swap3A, %swap3A_98], %add3A_97 {strides = array<i32>} : memref<2000x384xf32, #tpu.memory_space<vmem>>, vector<2000x384xf32>,
    %get3A_100 = arith.constant 0 : index
    %get3A_101 = arith.constant 0 : index
    %get3A_102 = vector.load %arg4[%get3A_100, %get3A_101] : memref<2000x128xi8, #tpu.memory_space<vmem>>, vector<2000x128xi8>
    %convert_element_type3A_103 = arith.sitofp %get3A_102 : vector<2000x128xi8> to vector<2000x128xf32>
    %dot_general3A_104 = arith.constant dense<0.000000e+00> : vector<128x384xf32>
    %dot_general3A_105 = tpu.matmul %convert_element_type3A_103, %concatenate3A, %dot_general3A_104 {dimension_numbers = #tpu.dot_dimension_numbers<[0], [0], [1], [1], [0, 1, 1, 1], [], []>, transpose_lhs_hint = false} : vector<2000x128xf32>, vector<2000x384xf32>, vector<128x384xf32> -> vector<128x384xf32>
    %eq3A = arith.constant 0 : i32
    %eq3A_106 = arith.cmpi eq, %arg0, %eq3A : i32
    %convert_element_type3A_107 = arith.extui %eq3A_106 : i1 to i32
    %cond3A = arith.constant 0 : i32
    %cond3A_108 = arith.cmpi ne, %convert_element_type3A_107, %cond3A : i32
    scf.if %cond3A_108 {
      %swap3A_118 = arith.constant 0 : index
      %swap3A_119 = arith.constant 0 : index
      %swap3A_120 = vector.load %arg29[%swap3A_118, %swap3A_119] : memref<128x384xf32, #tpu.memory_space<vmem>>, vector<128x384xf32>
      tpu.vector_store %arg29[%swap3A_118, %swap3A_119], %dot_general3A_105 {strides = array<i32>} : memref<128x384xf32, #tpu.memory_space<vmem>>, vector<128x384xf32>,
    } else {
    }
    %ne3A = arith.constant 0 : i32
    %ne3A_109 = arith.cmpi ne, %arg0, %ne3A : i32
    %convert_element_type3A_110 = arith.extui %ne3A_109 : i1 to i32
    %cond3A_111 = arith.constant 0 : i32
    %cond3A_112 = arith.cmpi ne, %convert_element_type3A_110, %cond3A_111 : i32
    scf.if %cond3A_112 {
      %get3A_118 = arith.constant 0 : index
      %get3A_119 = arith.constant 0 : index
      %get3A_120 = vector.load %arg29[%get3A_118, %get3A_119] : memref<128x384xf32, #tpu.memory_space<vmem>>, vector<128x384xf32>
      %add3A_121 = arith.addf %get3A_120, %dot_general3A_105 : vector<128x384xf32>
      %swap3A_122 = arith.constant 0 : index
      %swap3A_123 = arith.constant 0 : index
      %swap3A_124 = vector.load %arg29[%swap3A_122, %swap3A_123] : memref<128x384xf32, #tpu.memory_space<vmem>>, vector<128x384xf32>
      tpu.vector_store %arg29[%swap3A_122, %swap3A_123], %add3A_121 {strides = array<i32>} : memref<128x384xf32, #tpu.memory_space<vmem>>, vector<128x384xf32>,
    } else {
    }
    %eq3A_113 = arith.constant 4 : i32
    %eq3A_114 = arith.cmpi eq, %arg0, %eq3A_113 : i32
    %convert_element_type3A_115 = arith.extui %eq3A_114 : i1 to i32
    %cond3A_116 = arith.constant 0 : i32
    %cond3A_117 = arith.cmpi ne, %convert_element_type3A_115, %cond3A_116 : i32
    scf.if %cond3A_117 {
      %get3A_118 = arith.constant 0 : index
      %get3A_119 = arith.constant 0 : index
      %get3A_120 = vector.load %arg29[%get3A_118, %get3A_119] : memref<128x384xf32, #tpu.memory_space<vmem>>, vector<128x384xf32>
      %get3A_121 = arith.constant 0 : index
      %get3A_122 = arith.constant 0 : index
      %get3A_123 = vector.load %arg17[%get3A_121, %get3A_122] : memref<384x384xf32, #tpu.memory_space<vmem>>, vector<384x384xf32>
      %dot_general3A_124 = arith.constant dense<0.000000e+00> : vector<128x384xf32>
      %dot_general3A_125 = tpu.matmul %get3A_120, %get3A_123, %dot_general3A_124 {dimension_numbers = #tpu.dot_dimension_numbers<[1], [0], [0], [1], [0, 0, 1, 1], [], []>, transpose_lhs_hint = false} : vector<128x384xf32>, vector<384x384xf32>, vector<128x384xf32> -> vector<128x384xf32>
      %get3A_126 = arith.constant 0 : index
      %get3A_127 = vector.load %arg18[%get3A_126] : memref<384xf32, #tpu.memory_space<vmem>>, vector<384xf32>
      %broadcast_in_dim3A_128 = vector.shape_cast %get3A_127 : vector<384xf32> to vector<1x384xf32>
      %add3A_129 = vector.broadcast %broadcast_in_dim3A_128 : vector<1x384xf32> to vector<128x384xf32>
      %add3A_130 = arith.addf %dot_general3A_125, %add3A_129 : vector<128x384xf32>
      %max3A_131 = arith.constant 0.000000e+00 : f32
      %max3A_132 = vector.broadcast %max3A_131 : f32 to vector<128x384xf32>
      %max3A_133 = arith.maximumf %add3A_130, %max3A_132 : vector<128x384xf32>
      %get3A_134 = arith.constant 0 : index
      %get3A_135 = arith.constant 0 : index
      %get3A_136 = vector.load %arg19[%get3A_134, %get3A_135] : memref<384x384xf32, #tpu.memory_space<vmem>>, vector<384x384xf32>
      %dot_general3A_137 = arith.constant dense<0.000000e+00> : vector<128x384xf32>
      %dot_general3A_138 = tpu.matmul %max3A_133, %get3A_136, %dot_general3A_137 {dimension_numbers = #tpu.dot_dimension_numbers<[1], [0], [0], [1], [0, 0, 1, 1], [], []>, transpose_lhs_hint = false} : vector<128x384xf32>, vector<384x384xf32>, vector<128x384xf32> -> vector<128x384xf32>
      %get3A_139 = arith.constant 0 : index
      %get3A_140 = vector.load %arg20[%get3A_139] : memref<384xf32, #tpu.memory_space<vmem>>, vector<384xf32>
      %broadcast_in_dim3A_141 = vector.shape_cast %get3A_140 : vector<384xf32> to vector<1x384xf32>
      %add3A_142 = vector.broadcast %broadcast_in_dim3A_141 : vector<1x384xf32> to vector<128x384xf32>
      %add3A_143 = arith.addf %dot_general3A_138, %add3A_142 : vector<128x384xf32>
      %max3A_144 = arith.constant 0.000000e+00 : f32
      %max3A_145 = vector.broadcast %max3A_144 : f32 to vector<128x384xf32>
      %max3A_146 = arith.maximumf %add3A_143, %max3A_145 : vector<128x384xf32>
      %get3A_147 = arith.constant 0 : index
      %get3A_148 = arith.constant 0 : index
      %get3A_149 = vector.load %arg21[%get3A_147, %get3A_148] : memref<384x384xf32, #tpu.memory_space<vmem>>, vector<384x384xf32>
      %dot_general3A_150 = arith.constant dense<0.000000e+00> : vector<128x384xf32>
      %dot_general3A_151 = tpu.matmul %max3A_146, %get3A_149, %dot_general3A_150 {dimension_numbers = #tpu.dot_dimension_numbers<[1], [0], [0], [1], [0, 0, 1, 1], [], []>, transpose_lhs_hint = false} : vector<128x384xf32>, vector<384x384xf32>, vector<128x384xf32> -> vector<128x384xf32>
      %get3A_152 = arith.constant 0 : index
      %get3A_153 = vector.load %arg22[%get3A_152] : memref<384xf32, #tpu.memory_space<vmem>>, vector<384xf32>
      %broadcast_in_dim3A_154 = vector.shape_cast %get3A_153 : vector<384xf32> to vector<1x384xf32>
      %add3A_155 = vector.broadcast %broadcast_in_dim3A_154 : vector<1x384xf32> to vector<128x384xf32>
      %add3A_156 = arith.addf %dot_general3A_151, %add3A_155 : vector<128x384xf32>
      %max3A_157 = arith.constant 0.000000e+00 : f32
      %max3A_158 = vector.broadcast %max3A_157 : f32 to vector<128x384xf32>
      %max3A_159 = arith.maximumf %add3A_156, %max3A_158 : vector<128x384xf32>
      %get3A_160 = arith.constant 0 : index
      %get3A_161 = arith.constant 0 : index
      %get3A_162 = vector.load %arg23[%get3A_160, %get3A_161] : memref<384x384xf32, #tpu.memory_space<vmem>>, vector<384x384xf32>
      %dot_general3A_163 = arith.constant dense<0.000000e+00> : vector<128x384xf32>
      %dot_general3A_164 = tpu.matmul %get3A_120, %get3A_162, %dot_general3A_163 {dimension_numbers = #tpu.dot_dimension_numbers<[1], [0], [0], [1], [0, 0, 1, 1], [], []>, transpose_lhs_hint = false} : vector<128x384xf32>, vector<384x384xf32>, vector<128x384xf32> -> vector<128x384xf32>
      %add3A_165 = arith.addf %max3A_159, %dot_general3A_164 : vector<128x384xf32>
      %get3A_166 = arith.constant 0 : index
      %get3A_167 = vector.load %arg24[%get3A_166] : memref<384xf32, #tpu.memory_space<vmem>>, vector<384xf32>
      %broadcast_in_dim3A_168 = vector.shape_cast %get3A_167 : vector<384xf32> to vector<1x384xf32>
      %add3A_169 = vector.broadcast %broadcast_in_dim3A_168 : vector<1x384xf32> to vector<128x384xf32>
      %add3A_170 = arith.addf %add3A_165, %add3A_169 : vector<128x384xf32>
      %slice3A = vector.extract_strided_slice %add3A_170 {offsets = [0, 0], sizes = [100, 384], strides = [1, 1]} : vector<128x384xf32> to vector<100x384xf32>
      %swap3A_171 = arith.constant 0 : index
      %swap3A_172 = arith.constant 0 : index
      %swap3A_173 = vector.load %arg30[%swap3A_171, %swap3A_172] : memref<100x384xf32, #tpu.memory_space<vmem>>, vector<100x384xf32>
      tpu.vector_store %arg30[%swap3A_171, %swap3A_172], %slice3A {strides = array<i32>} : memref<100x384xf32, #tpu.memory_space<vmem>>, vector<100x384xf32>,
      %get3A_174 = arith.constant 0 : index
      %get3A_175 = arith.constant 0 : index
      %get3A_176 = vector.load %arg25[%get3A_174, %get3A_175] : memref<384x32xf32, #tpu.memory_space<vmem>>, vector<384x32xf32>
      %dot_general3A_177 = arith.constant dense<0.000000e+00> : vector<128x32xf32>
      %dot_general3A_178 = tpu.matmul %get3A_120, %get3A_176, %dot_general3A_177 {dimension_numbers = #tpu.dot_dimension_numbers<[1], [0], [0], [1], [0, 0, 1, 1], [], []>, transpose_lhs_hint = false} : vector<128x384xf32>, vector<384x32xf32>, vector<128x32xf32> -> vector<128x32xf32>
      %get3A_179 = arith.constant 0 : index
      %get3A_180 = vector.load %arg26[%get3A_179] : memref<32xf32, #tpu.memory_space<vmem>>, vector<32xf32>
      %broadcast_in_dim3A_181 = vector.shape_cast %get3A_180 : vector<32xf32> to vector<1x32xf32>
      %add3A_182 = vector.broadcast %broadcast_in_dim3A_181 : vector<1x32xf32> to vector<128x32xf32>
      %add3A_183 = arith.addf %dot_general3A_178, %add3A_182 : vector<128x32xf32>
      %slice3A_184 = vector.extract_strided_slice %add3A_183 {offsets = [0, 0], sizes = [100, 32], strides = [1, 1]} : vector<128x32xf32> to vector<100x32xf32>
      %swap3A_185 = arith.constant 0 : index
      %swap3A_186 = arith.constant 0 : index
      %swap3A_187 = vector.load %arg31[%swap3A_185, %swap3A_186] : memref<100x32xf32, #tpu.memory_space<vmem>>, vector<100x32xf32>
      tpu.vector_store %arg31[%swap3A_185, %swap3A_186], %slice3A_184 {strides = array<i32>} : memref<100x32xf32, #tpu.memory_space<vmem>>, vector<100x32xf32>,
      %broadcast_in_dim3A_188 = vector.shape_cast %add3A_183 : vector<128x32xf32> to vector<128x1x32xf32>
      %get3A_189 = arith.constant 0 : index
      %get3A_190 = arith.constant 0 : index
      %get3A_191 = vector.load %arg27[%get3A_189, %get3A_190] : memref<32x32xf32, #tpu.memory_space<vmem>>, vector<32x32xf32>
      %broadcast_in_dim3A_192 = vector.shape_cast %get3A_191 : vector<32x32xf32> to vector<1x32x32xf32>
      %sub3A = vector.broadcast %broadcast_in_dim3A_188 : vector<128x1x32xf32> to vector<128x32x32xf32>
      %sub3A_193 = vector.broadcast %broadcast_in_dim3A_192 : vector<1x32x32xf32> to vector<128x32x32xf32>
      %sub3A_194 = arith.subf %sub3A, %sub3A_193 : vector<128x32x32xf32>
      %integer_pow3A = arith.mulf %sub3A_194, %sub3A_194 : vector<128x32x32xf32>
      %reduce_sum3A = arith.constant dense<0.000000e+00> : vector<128x32xf32>
      %reduce_sum3A_195 = vector.multi_reduction <add>, %integer_pow3A, %reduce_sum3A [2] : vector<128x32x32xf32> to vector<128x32xf32>
      %add3A_196 = arith.constant 1.000000e+00 : f32
      %add3A_197 = vector.broadcast %add3A_196 : f32 to vector<128x32xf32>
      %add3A_198 = arith.addf %add3A_197, %reduce_sum3A_195 : vector<128x32xf32>
      %div3A = arith.constant 1.000000e+00 : f32
      %div3A_199 = vector.broadcast %div3A : f32 to vector<128x32xf32>
      %div3A_200 = arith.divf %div3A_199, %add3A_198 : vector<128x32xf32>
      %reduce_sum3A_201 = arith.constant dense<0.000000e+00> : vector<128xf32>
      %reduce_sum3A_202 = vector.multi_reduction <add>, %div3A_200, %reduce_sum3A_201 [1] : vector<128x32xf32> to vector<128xf32>
      %broadcast_in_dim3A_203 = vector.shape_cast %reduce_sum3A_202 : vector<128xf32> to vector<128x1xf32>
      %div3A_204 = vector.broadcast %broadcast_in_dim3A_203 : vector<128x1xf32> to vector<128x32xf32>
      %div3A_205 = arith.divf %div3A_200, %div3A_204 : vector<128x32xf32>
      %slice3A_206 = vector.extract_strided_slice %div3A_205 {offsets = [0, 0], sizes = [100, 32], strides = [1, 1]} : vector<128x32xf32> to vector<100x32xf32>
      %swap3A_207 = arith.constant 0 : index
      %swap3A_208 = arith.constant 0 : index
      %swap3A_209 = vector.load %arg32[%swap3A_207, %swap3A_208] : memref<100x32xf32, #tpu.memory_space<vmem>>, vector<100x32xf32>
      tpu.vector_store %arg32[%swap3A_207, %swap3A_208], %slice3A_206 {strides = array<i32>} : memref<100x32xf32, #tpu.memory_space<vmem>>, vector<100x32xf32>,
    } else {
    }
    return
  }
  func.func @transform_0(%arg0: i32) -> (i32, i32) {
    %c0_i32 = arith.constant 0 : i32
    %c0_i32_0 = arith.constant 0 : i32
    return %arg0, %c0_i32 : i32, i32
  }
  func.func @transform_1(%arg0: i32) -> (i32, i32) {
    %c0_i32 = arith.constant 0 : i32
    %c0_i32_0 = arith.constant 0 : i32
    return %arg0, %c0_i32 : i32, i32
  }
  func.func @transform_2(%arg0: i32) -> (i32, i32, i32) {
    %c0_i32 = arith.constant 0 : i32
    %c0_i32_0 = arith.constant 0 : i32
    %c0_i32_1 = arith.constant 0 : i32
    return %c0_i32, %arg0, %c0_i32_0 : i32, i32, i32
  }
  func.func @transform_3(%arg0: i32) -> (i32, i32) {
    %c0_i32 = arith.constant 0 : i32
    %c0_i32_0 = arith.constant 0 : i32
    return %arg0, %c0_i32 : i32, i32
  }
  func.func @transform_4(%arg0: i32) -> (i32, i32) {
    %c0_i32 = arith.constant 0 : i32
    %c0_i32_0 = arith.constant 0 : i32
    %c0_i32_1 = arith.constant 0 : i32
    return %c0_i32, %c0_i32_0 : i32, i32
  }
  func.func @transform_5(%arg0: i32) -> i32 {
    %c0_i32 = arith.constant 0 : i32
    %c0_i32_0 = arith.constant 0 : i32
    return %c0_i32 : i32
  }
  func.func @transform_6(%arg0: i32) -> (i32, i32) {
    %c0_i32 = arith.constant 0 : i32
    %c0_i32_0 = arith.constant 0 : i32
    %c0_i32_1 = arith.constant 0 : i32
    return %c0_i32, %c0_i32_0 : i32, i32
  }
  func.func @transform_7(%arg0: i32) -> i32 {
    %c0_i32 = arith.constant 0 : i32
    %c0_i32_0 = arith.constant 0 : i32
    return %c0_i32 : i32
  }
  func.func @transform_8(%arg0: i32) -> (i32, i32) {
    %c0_i32 = arith.constant 0 : i32
    %c0_i32_0 = arith.constant 0 : i32
    %c0_i32_1 = arith.constant 0 : i32
    return %c0_i32, %c0_i32_0 : i32, i32
  }
  func.func @transform_9(%arg0: i32) -> i32 {
    %c0_i32 = arith.constant 0 : i32
    %c0_i32_0 = arith.constant 0 : i32
    return %c0_i32 : i32
  }
  func.func @transform_10(%arg0: i32) -> (i32, i32) {
    %c0_i32 = arith.constant 0 : i32
    %c0_i32_0 = arith.constant 0 : i32
    %c0_i32_1 = arith.constant 0 : i32
    return %c0_i32, %c0_i32_0 : i32, i32
  }
  func.func @transform_11(%arg0: i32) -> i32 {
    %c0_i32 = arith.constant 0 : i32
    %c0_i32_0 = arith.constant 0 : i32
    return %c0_i32 : i32
  }
  func.func @transform_12(%arg0: i32) -> (i32, i32) {
    %c0_i32 = arith.constant 0 : i32
    %c0_i32_0 = arith.constant 0 : i32
    %c0_i32_1 = arith.constant 0 : i32
    return %c0_i32, %c0_i32_0 : i32, i32
  }
  func.func @transform_13(%arg0: i32) -> i32 {
    %c0_i32 = arith.constant 0 : i32
    %c0_i32_0 = arith.constant 0 : i32
    return %c0_i32 : i32
  }
  func.func @transform_14(%arg0: i32) -> (i32, i32) {
    %c0_i32 = arith.constant 0 : i32
    %c0_i32_0 = arith.constant 0 : i32
    %c0_i32_1 = arith.constant 0 : i32
    return %c0_i32, %c0_i32_0 : i32, i32
  }
  func.func @transform_15(%arg0: i32) -> i32 {
    %c0_i32 = arith.constant 0 : i32
    %c0_i32_0 = arith.constant 0 : i32
    return %c0_i32 : i32
  }
  func.func @transform_16(%arg0: i32) -> (i32, i32) {
    %c0_i32 = arith.constant 0 : i32
    %c0_i32_0 = arith.constant 0 : i32
    %c0_i32_1 = arith.constant 0 : i32
    return %c0_i32, %c0_i32_0 : i32, i32
  }
  func.func @transform_17(%arg0: i32) -> i32 {
    %c0_i32 = arith.constant 0 : i32
    %c0_i32_0 = arith.constant 0 : i32
    return %c0_i32 : i32
  }
  func.func @transform_18(%arg0: i32) -> (i32, i32) {
    %c0_i32 = arith.constant 0 : i32
    %c0_i32_0 = arith.constant 0 : i32
    %c0_i32_1 = arith.constant 0 : i32
    return %c0_i32, %c0_i32_0 : i32, i32
  }
  func.func @transform_19(%arg0: i32) -> i32 {
    %c0_i32 = arith.constant 0 : i32
    %c0_i32_0 = arith.constant 0 : i32
    return %c0_i32 : i32
  }
  func.func @transform_20(%arg0: i32) -> (i32, i32) {
    %c0_i32 = arith.constant 0 : i32
    %c0_i32_0 = arith.constant 0 : i32
    %c0_i32_1 = arith.constant 0 : i32
    return %c0_i32, %c0_i32_0 : i32, i32
  }
  func.func @transform_21(%arg0: i32) -> i32 {
    %c0_i32 = arith.constant 0 : i32
    %c0_i32_0 = arith.constant 0 : i32
    return %c0_i32 : i32
  }
  func.func @transform_22(%arg0: i32) -> (i32, i32) {
    %c0_i32 = arith.constant 0 : i32
    %c0_i32_0 = arith.constant 0 : i32
    %c0_i32_1 = arith.constant 0 : i32
    return %c0_i32, %c0_i32_0 : i32, i32
  }
  func.func @transform_23(%arg0: i32) -> i32 {
    %c0_i32 = arith.constant 0 : i32
    %c0_i32_0 = arith.constant 0 : i32
    return %c0_i32 : i32
  }
  func.func @transform_24(%arg0: i32) -> (i32, i32) {
    %c0_i32 = arith.constant 0 : i32
    %c0_i32_0 = arith.constant 0 : i32
    %c0_i32_1 = arith.constant 0 : i32
    return %c0_i32, %c0_i32_0 : i32, i32
  }
  func.func @transform_25(%arg0: i32) -> i32 {
    %c0_i32 = arith.constant 0 : i32
    %c0_i32_0 = arith.constant 0 : i32
    return %c0_i32 : i32
  }
  func.func @transform_26(%arg0: i32) -> (i32, i32) {
    %c0_i32 = arith.constant 0 : i32
    %c0_i32_0 = arith.constant 0 : i32
    %c0_i32_1 = arith.constant 0 : i32
    return %c0_i32, %c0_i32_0 : i32, i32
  }
  func.func @transform_27(%arg0: i32) -> (i32, i32) {
    %c0_i32 = arith.constant 0 : i32
    %c0_i32_0 = arith.constant 0 : i32
    return %arg0, %c0_i32 : i32, i32
  }
  func.func @transform_28(%arg0: i32) -> (i32, i32) {
    %c0_i32 = arith.constant 0 : i32
    %c0_i32_0 = arith.constant 0 : i32
    %c0_i32_1 = arith.constant 0 : i32
    return %c0_i32, %c0_i32_0 : i32, i32
  }
  func.func @transform_29(%arg0: i32) -> (i32, i32) {
    %c0_i32 = arith.constant 0 : i32
    %c0_i32_0 = arith.constant 0 : i32
    %c0_i32_1 = arith.constant 0 : i32
    return %c0_i32, %c0_i32_0 : i32, i32
  }
  func.func @transform_30(%arg0: i32) -> (i32, i32) {
    %c0_i32 = arith.constant 0 : i32
    %c0_i32_0 = arith.constant 0 : i32
    %c0_i32_1 = arith.constant 0 : i32
    return %c0_i32, %c0_i32_0 : i32, i32
  }
  func.func @transform_31(%arg0: i32) -> (i32, i32) {
    %c0_i32 = arith.constant 0 : i32
    %c0_i32_0 = arith.constant 0 : i32
    %c0_i32_1 = arith.constant 0 : i32
    return %c0_i32, %c0_i32_0 : i32, i32
  }
}

</mosaic_0001>

<sc_bundles>
// kernel: kernel.11.cloned.1.call-start
scs
__scs_entry_jumppad:
0x0: {  	(pc) =	sbr.rel $0x88, $3  }
0x1: {  	(tag) =	ssettag $0x0;
	lr =	simm.s32 $0x1  }
0x2: {  	[smem:$0x3F7D] =	sst lr;
	_ =	strace $0xD0000000  }
0x3: {  	_ = 	snop  }
0x4: {  	_ = 	snop  }
0x5: {  	_ = 	snop  }
0x6: {  	_ = 	snop  }
0x7: {  	_ = 	snop  }
__scs_overlays_trampoline_lowered:
0x8: {  	[smem:$0x3F8C] =	sst s0  }
0x9: {  	[smem:$0x3F8D] =	sst s1  }
0xa: {  	[smem:$0x3F8E] =	sst s2  }
0xb: {  	[smem:$0x3F8F] =	sst s3  }
0xc: {  	[smem:$0x3F90] =	sst s4  }
0xd: {  	[smem:$0x3F91] =	sst s5  }
0xe: {  	[smem:$0x3F92] =	sst s6  }
0xf: {  	[smem:$0x3F93] =	sst s7  }
0x10: {  	[smem:$0x3F94] =	sst s8  }
0x11: {  	[smem:$0x3F95] =	sst s9;
	s0 =	simm.s32 @!p0 $0x0  }
0x12: {  	s1 =	sld [smem:$0x3F7B];
	s0 =	simm.s32 @p0 $0x1  }
0x13: {  	[smem:$0x3F96] =	sst s0;
	s0 =	simm.s32 @!p1 $0x0  }
0x14: {  	s2 =	sld [smem:$0x3F7A];
	s0 =	simm.s32 @p1 $0x1  }
0x15: {  	[smem:$0x3F97] =	sst s0;
	s0 =	simm.s32 @!p2 $0x0  }
0x16: {  	s3 =	sld [smem:$0x3FDB];
	s0 =	simm.s32 @p2 $0x1  }
0x17: {  	s4 =	simm.s32 $0x1BF5;
	[smem:$0x3F99] =	sst s0  }
0x18: {  	s0 =	sld [smem:$0x3F7C];
	_ =	swait.ge [sflag:s4], $0x0  }
0x19: {  	s7 =	sld [smem:$0x3F7D]  }
0x1a: {  	s8 =	sadd.s32 $0xFFFFE003, lr  }
0x1b: {  	s9 =	sadd.s32 $0xFFFFFEF7, lr;
	s5 =	simm.s32 $0xFFFFFFFF;
	p2 =	slt.u32 s8, $0xFFFFF086  }
0x1c: {  	p1 =	slt.u32 s9, $0xF7A;
	s5 =	simm.s32 @!p2 $0x0  }
0x1d: {  	s5 =	simm.s32 @p1 $0x1;
	p0 =	seq.s32 s7, s2  }
0x1e: {  	s7 =	smul.u32 @!p0 $0xF7A, s2;
	p2 =	seq.s32 @!p0 s5, $0x0  }
0x1f: {  	s9 =	smul.u32 $0xF7A, s1;
	s8 =	simm.s32 @!p0 $0x1BF5;
	p2 =	por !p2, p0  }
0x20: {  	[sflag:s8] =	ssyncset.s32 @!p0 $0xFFFFF086;
	s6 =	sadd.s32 @!p0 s3, s7;
	s7 =	simm.s32 @!p0 $0x108  }
0x21: {  	s3 =	sadd.s32 s3, s9;
	s6 =	sadd.s32 @!p0 $0x88, s6;
	s7 =	simm.s32 @p2 $0x1082  }
0x22: {  	[simem:s7], [sflag:s8] =	dma.local @!p0 [hbm:s6], $0xF7A  }
0x23: {  	s9 =	sor.u32 $0xD0000000, s2;
	s6 =	simm.s32 $0x108;
	_ =	swait.ge @!p0 [sflag:s8], $0x0  }
0x24: {  	s3 =	sadd.s32 $0x88, s3;
	s6 =	simm.s32 @!p1 $0x1082;
	[sflag:s4] =	ssyncset.s32 $0xFFFFF086  }
0x25: {  	[simem:s6], [sflag:s4] =	dma.local [hbm:s3], $0xF7A  }
0x26: {  	[smem:$0x3F7D] =	sst s1;
	(tag) =	ssettag s2;
	_ =	strace s9  }
0x27: {  	s1 =	sld [smem:$0x3F8D]  }
0x28: {  	s2 =	sld [smem:$0x3F8E]  }
0x29: {  	s4 =	sld [smem:$0x3F90]  }
0x2a: {  	p0 =	seq.s32 s5, $0x0;
	s5 =	sld [smem:$0x3F91]  }
0x2b: {  	s6 =	sld [smem:$0x3F92]  }
0x2c: {  	s7 =	sld [smem:$0x3F93]  }
0x2d: {  	s3 =	simm.s32 $0x108;
	s8 =	sld [smem:$0x3F94]  }
0x2e: {  	s3 =	simm.s32 @!p0 $0x1082;
	s9 =	sld [smem:$0x3F95]  }
0x2f: {  	lr =	sadd.s32 s0, s3;
	s0 =	sld [smem:$0x3F8C]  }
0x30: {  	s3 =	sld [smem:$0x3F8F]  }
0x31: {  	[smem:$0x3F98] =	sst s10  }
0x32: {  	s10 =	sld [smem:$0x3F96];
	_ =	sdelay $0x3  }
0x33: {  	p0 =	seq.s32 s10, $0x1;
	s10 =	sld [smem:$0x3F98];
	_ =	sdelay $0x3  }
0x34: {  	[smem:$0x3F98] =	sst s10  }
0x35: {  	s10 =	sld [smem:$0x3F97];
	_ =	sdelay $0x3  }
0x36: {  	p1 =	seq.s32 s10, $0x1;
	s10 =	sld [smem:$0x3F98];
	_ =	sdelay $0x3  }
0x37: {  	[smem:$0x3F98] =	sst s10  }
0x38: {  	s10 =	sld [smem:$0x3F99]  }
0x39: {  	_ = 	snop;
	(pc) =	sbr.ind lr, $3  }
0x3a: {  	_ = 	snop  }
0x3b: {  	_ = 	snop  }
0x3c: {  	p2 =	seq.s32 s10, $0x1;
	s10 =	sld [smem:$0x3F98]  }
0x3d: {  	_ =	shalt  }
0x3e: {  	_ =	shalt  }
0x3f: {  	_ =	shalt  }
0x40: {  	_ =	shalt  }
0x41: {  	_ =	shalt  }
0x42: {  	_ =	shalt  }
0x43: {  	_ =	shalt  }
0x44: {  	_ =	shalt  }
0x45: {  	_ =	shalt  }
0x46: {  	_ =	shalt  }
0x47: {  	_ =	shalt  }
0x48: {  	_ =	shalt  }
0x49: {  	_ =	shalt  }
0x4a: {  	_ =	shalt  }
0x4b: {  	_ =	shalt  }
0x4c: {  	_ =	shalt  }
0x4d: {  	_ =	shalt  }
0x4e: {  	_ =	shalt  }
0x4f: {  	_ =	shalt  }
0x50: {  	_ =	shalt  }
0x51: {  	_ =	shalt  }
0x52: {  	_ =	shalt  }
0x53: {  	_ =	shalt  }
0x54: {  	_ =	shalt  }
0x55: {  	_ =	shalt  }
0x56: {  	_ =	shalt  }
0x57: {  	_ =	shalt  }
0x58: {  	_ =	shalt  }
0x59: {  	_ =	shalt  }
0x5a: {  	_ =	shalt  }
0x5b: {  	_ =	shalt  }
0x5c: {  	_ =	shalt  }
0x5d: {  	_ =	shalt  }
0x5e: {  	_ =	shalt  }
0x5f: {  	_ =	shalt  }
0x60: {  	_ =	shalt  }
0x61: {  	_ =	shalt  }
0x62: {  	_ =	shalt  }
0x63: {  	_ =	shalt  }
0x64: {  	_ =	shalt  }
0x65: {  	_ =	shalt  }
0x66: {  	_ =	shalt  }
0x67: {  	_ =	shalt  }
0x68: {  	_ =	shalt  }
0x69: {  	_ =	shalt  }
0x6a: {  	_ =	shalt  }
0x6b: {  	_ =	shalt  }
0x6c: {  	_ =	shalt  }
0x6d: {  	_ =	shalt  }
0x6e: {  	_ =	shalt  }
0x6f: {  	_ =	shalt  }
0x70: {  	_ =	shalt  }
0x71: {  	_ =	shalt  }
0x72: {  	_ =	shalt  }
0x73: {  	_ =	shalt  }
0x74: {  	_ =	shalt  }
0x75: {  	_ =	shalt  }
0x76: {  	_ =	shalt  }
0x77: {  	_ =	shalt  }
0x78: {  	_ =	shalt  }
0x79: {  	_ =	shalt  }
0x7a: {  	_ =	shalt  }
0x7b: {  	_ =	shalt  }
0x7c: {  	_ =	shalt  }
0x7d: {  	_ =	shalt  }
0x7e: {  	_ =	shalt  }
0x7f: {  	_ =	shalt  }
0x80: {  	_ =	shalt  }
0x81: {  	_ =	shalt  }
0x82: {  	_ =	shalt  }
0x83: {  	_ =	shalt  }
0x84: {  	_ =	shalt  }
0x85: {  	_ =	shalt  }
0x86: {  	_ =	shalt  }
0x87: {  	_ =	shalt  }
.Lfunc_end0:
.L_simem_size_0:
called_computation.1_lowered:
.L_overlay_start_0:
0x88: {  	s2 =	sld [smem:$0x3FD9]  }
0x89: {  	s3 =	sld [smem:$0x3FFE];
	_ =	sdelay $0x1  }
0x8a: {  	s1 =	srdreg.scid  }
0x8b: {  	s0 =	sand.u32 $0x1, s1  }
0x8c: {  	s14 =	sshll.u32 s0, $0xA;
	s2 =	sadd.s32 s3, s2  }
0x8d: {  	s2 =	sadd.s32 s2, s14  }
0x8e: {  	[smem:$0x3FA4] =	sst s2  }
0x8f: {  	_ = 	snop  }
0x90: {  	s2 =	sld [smem:$0x3FD0];
	_ =	sdelay $0x2  }
0x91: {  	s15 =	simm.s32 $0xA;
	s4 =	simm.s32 $0x10  }
0x92: {  	[smem:s4], [sflag:s15] =	dma.local [hbm:s2], $0x1  }
0x93: {  	_ =	swait.eq [sflag:s15], $0x1  }
0x94: {  	[sflag:s15] =	ssyncset.done $0x0  }
0x95: {  	[sflag:s15] =	ssyncadd.s32 $0xFFFFFFFF  }
0x96: {  	s16 =	sld [smem:$0x13];
	(tm) =	ssettm $0x1  }
0x97: {  	s17 =	sld [smem:$0x3FFB];
	_ =	sdelay $0x3  }
0x98: {  	_ =	strace s17  }
0x99: {  	s3 =	sld [smem:$0x3FFC];
	_ =	sdelay $0x3  }
0x9a: {  	_ =	strace s3  }
0x9b: {  	s3 =	sld [smem:$0x3FFD];
	_ =	sdelay $0x3  }
0x9c: {  	_ =	strace s3  }
0x9d: {  	_ =	strace $0x8FFFFFFF  }
0x9e: {  	s18 =	sld [smem:$0x3FDB];
	_ =	sdelay $0x1  }
0x9f: {  	s19 =	simm.s32 $_scs_section_size  }
0xa0: {  	s5 =	simm.s32 $_size__tile_overlayer_lowered;
	s6 =	simm.s32 $_tile_overlayer_lowered  }
0xa1: {  	s22 =	simm.s32 $0x1BFF;
	s21 =	sshll.u32 s6, $0x1;
	s3 =	sadd.s32 s19, s18  }
0xa2: {  	s7 =	simm.s32 $0x0;
	s20 =	sshll.u32 s5, $0x1;
	s5 =	sadd.s32 s21, s3  }
0xa3: {  	[timem:s7], [sflag:s22] =	dma.local [hbm:s5], s20  }
0xa4: {  	_ =	swait.ge [sflag:s22], s20  }
0xa5: {  	s4 =	ssub.s32 $0x0, s20;
	[sflag:s22] =	ssyncset.done $0x0  }
0xa6: {  	[sflag:s22] =	ssyncadd.s32 s4;
	_ =	sdelay $0x1  }
0xa7: {  	s23 =	simm.s32 $0x1B8B  }
0xa8: {  	_ =	swait.ge [sflag:s23], $0x1  }
0xa9: {  	[sflag:s23] =	ssyncset.done $0x0  }
0xaa: {  	s25 =	simm.s32 $0x1B8E;
	s24 =	sld [smem:$0x3FFE];
	[sflag:s23] =	ssyncadd.s32 $0xFFFFFFFF  }
0xab: {  	s26 =	simm.s32 $execute0_lowered;
	[smem:$0x3FD2] =	sst s25  }
0xac: {  	s5 =	sshll.u32 s26, $0x1;
	_ =	strace $0x80000049;
	[dreg:$0x1] =	wrdreg $0xFFFFFFFF  }
0xad: {  	s28 =	simm.s32 $_size_execute0_lowered;
	s3 =	sadd.s32 s3, s5;
	[dreg:$0x0] =	wrdreg $0x0  }
0xae: {  	s5 =	sshll.u32 s28, $0x1;
	[dreg:$0x2] =	wrdreg s3  }
0xaf: {  	[dreg:$0x3] =	wrdreg s5  }
0xb0: {  	[dreg:$0x4] =	wrdreg $0xC0  }
0xb1: {  	_ =	task [dreg:s7], $0x5FFFF  }
0xb2: {  	[dreg:$0x1] =	wrdreg $0xFFFFFFFF  }
0xb3: {  	[dreg:$0x0] =	wrdreg $0x60  }
0xb4: {  	[dreg:$0x2] =	wrdreg s24  }
0xb5: {  	[dreg:$0x3] =	wrdreg s16  }
0xb6: {  	[dreg:$0x4] =	wrdreg $0x0  }
0xb7: {  	[dreg:$0x5] =	wrdreg $0x9  }
0xb8: {  	_ =	task.clear_ibuf [dreg:s7], $0x6FFFF;
	_ =	strace $0x90000049  }
0xb9: {  	s29 =	simm.s32 $0x9;
	_ =	strace $0x8000004B  }
0xba: {  	_ =	swait.ge [sflag:s29], $0x1  }
0xbb: {  	[sflag:s29] =	ssyncadd.s32 $0xFFFFFFFF  }
0xbc: {  	_ =	strace $0x9000004B  }
0xbd: {  	_ =	sfence  }
0xbe: {  	s30 =	sld [smem:$0x0];
	_ =	sdelay $0x2  }
0xbf: {  	s31 =	sshll.u32 s1, $0xD;
	s1 =	sshrl.u32 s1, $0x2  }
0xc0: {  	s3 =	sand.u32 $0x4000, s31;
	s1 =	sadd.s32 s1, s30  }
0xc1: {  	s0 =	sor.u32 s3, s0;
	s1 =	sshll.u32 s1, $0x11  }
0xc2: {  	s0 =	sor.u32 s1, s0  }
0xc3: {  	s0 =	sadd.s32 $0x8F2B, s0  }
0xc4: {  	[sflag:s0] =	ssyncadd.remote.s32 $0x1  }
0xc5: {  	_ =	sfence.sel $0xFFFF  }
0xc6: {  	[dreg:$0x0] =	wrdreg $0xFFFFFFFF;
	(pc) =	sbr.abs _section_cstart, $3  }
0xc7: {  	[dreg:$0x1] =	wrdreg $0xFFFFFFFF  }
0xc8: {  	_ =	task.clear_ibuf [dreg:s7], $0x2FFFF;
	_ =	strace $0x9FFFFFFF  }
0xc9: {  	(tm) =	ssettm $0x7FFFFFFF  }
tec
execute0_lowered:
.L_overlay_start_1:
0x0: {  	(tag) =	ssettag $0x1  }
0x1: {  	s0 =	rddreg [dreg:$0x0]  }
0x2: {  	s2 =	rddreg [dreg:$0x1]  }
0x3: {  	s1 =	rddreg [dreg:$0x2];
	s3 =	simm.s32 $0x0  }
0x4: {  	s13 =	stileid.u32;
	s6 =	srdreg.scid;
	s28 =	simm.s32 $0x9  }
0x5: {  	s29 =	simm.s32 $0x13C00;
	s30 =	simm.s32 $0x13E00;
	s31 =	simm.s32 $0x1  }
0x6: {  	[smem:$0x7FF] =	sst s3;
	s4 =	sadd.s32 $0x1A000, s0;
	s5 =	smul.u32 $0x13C00, s13  }
0x7: {  	s14 =	sadd.s32 $0x6600, s0;
	s6 =	sand.u32 $0x1, s6;
	s8 =	smul.u32 $0x4F000, s13  }
0x8: {  	s7 =	sshll.u32 s13, $0x1;
	s24 =	sshll.u32 s13, $0x6;
	s15 =	smul.u32 $0x4E00, s13  }
0x9: {  	p0 =	sgt.u32 s13, $0x1;
	s13 =	simm.s32 $0x18000;
	_ =	strace $0x8000004A  }
0xa: {  	s10 =	ssub.s32 $0x2, s6;
	s7 =	sor.u32 s6, s7;
	s26 =	smul.u32 $0x13C000, s6  }
0xb: {  	s6 =	smul.u32 $0x2700, s6;
	s9 =	sshrl.u32 s5, $0x3;
	s11 =	sshrl.u32 s10, $0x1  }
0xc: {  	s8 =	sshrl.u32 s8, $0x2;
	s12 =	smul.u32 $0x2700, s7;
	s7 =	sshll.u32 s7, $0x4  }
0xd: {  	s0 =	sadd.s32 s9, s0;
	s23 =	ssub.s32 s10, s11;
	s8 =	sadd.s32 s8, s1  }
0xe: {  	s7 =	sadd.s32 s7, s14;
	s19 =	sadd.s32 s6, s15;
	[dreg:$0x4] =	wrdreg s8  }
0xf: {  	s0 =	sadd.s32 $0x41200, s0;
	s25 =	sshrl.u32 s12, $0x3;
	s18 =	sadd.s32 $0x9C00, s7  }
0x10: {  	s21 =	sadd.s32 $0x13840, s7;
	s22 =	sadd.s32 $0x4E500, s19;
	[dreg:$0x5] =	wrdreg s0  }
0x11: {  	s23 =	smax.u32 s23, $0x1;
	s6 =	sadd.s32 $0x280, s19;
	[dreg:$0xc] =	wrdreg s18  }
0x12: {  	s11 =	sadd.s32 $0x4E380, s19;
	s15 =	sadd.s32 $0x180, s19;
	[dreg:$0xd] =	wrdreg s21  }
0x13: {  	s0 =	sor.u32 $0x1C09, s24;
	s10 =	sadd.s32 s14, s25;
	[dreg:$0xf] =	wrdreg s23  }
0x14: {  	s24 =	sadd.s32 $0x300, s19;
	s7 =	sshrl.u32 s6, $0x3;
	s6 =	simm.s32 $0x13C80  }
0x15: {  	s23 =	simm.s32 $0x6;
	s18 =	simm.s32 $0x0;
	[dreg:$0x6] =	wrdreg s0  }
0x16: {  	s8 =	sadd.s32 $0x9C40, s10;
	s12 =	sadd.s32 $0x10, s10;
	[dreg:$0x7] =	wrdreg s10  }
0x17: {  	s16 =	sadd.s32 $0x9C50, s10;
	s17 =	sadd.s32 $0x20, s10;
	[dreg:$0x14] =	wrdreg s18  }
0x18: {  	s0 =	sadd.s32 s5, s26;
	s25 =	sshrl.u32 s24, $0x3;
	[dreg:$0x8] =	wrdreg s8  }
0x19: {  	s26 =	sadd.s32 $0x4E480, s19;
	s21 =	sadd.s32 s7, s14;
	[dreg:$0x9] =	wrdreg s12  }
0x1a: {  	s5 =	sadd.s32 $0x200, s19;
	s7 =	simm.s32 $0x13E80;
	[dreg:$0xa] =	wrdreg s16  }
0x1b: {  	[dreg:$0xb] =	wrdreg s17;
	s0 =	sshrl.u32 s0, $0x3;
	s8 =	sadd.s32 $0x4E400, s19  }
0x1c: {  	s12 =	sshrl.u32 s11, $0x3;
	[dreg:$0x12] =	wrdreg s5;
	s16 =	sshrl.u32 s15, $0x3  }
0x1d: {  	s19 =	smov.u32 s14;
	s17 =	sadd.s32 $0x9C60, s10;
	s10 =	simm.s32 $0x13D00  }
0x1e: {  	s11 =	simm.s32 $0x13F00;
	s15 =	simm.s32 $0x13D80;
	s0 =	sadd.s32 s2, s0  }
0x1f: {  	s2 =	sshrl.u32 s26, $0x3;
	s9 =	sshrl.u32 s8, $0x3;
	s24 =	sadd.s32 s12, s14  }
0x20: {  	[dreg:$0x13] =	wrdreg s17;
	s12 =	simm.s32 $0x2;
	s17 =	simm.s32 $0x3  }
0x21: {  	s26 =	simm.s32 $0x4;
	s8 =	simm.s32 $0x8;
	[dreg:$0xe] =	wrdreg s0  }
.Ltmp0:
0x22: {  	s0 =	sshrl.u32 s22, $0x3;
	s20 =	sadd.s32 s2, s14;
	(pc) =	sbr.rel .LBB2_1-.Ltmp0, $4  }
0x23: {  	s22 =	sadd.s32 s9, s14;
	s0 =	sadd.s32 s0, s14;
	[dreg:$0x16] =	wrdreg s20  }
0x24: {  	s2 =	simm.s32 $0x14000;
	s9 =	simm.s32 $0x7;
	[dreg:$0x10] =	wrdreg s0  }
0x25: {  	s0 =	sadd.s32 s25, s14;
	s25 =	sadd.s32 s16, s14;
	s14 =	simm.s32 $0x5  }
0x26: {  	s16 =	simm.s32 $0x13F80;
	[dreg:$0x11] =	wrdreg s0;
	s0 =	simm.s32 $0x80  }
.LBB2_4:
0x27: {  	_ =	swait.ge [sflag:s12], $0x80  }
0x28: {  	[sflag:s12] =	ssyncset.done $0x0  }
0x29: {  	[sflag:s12] =	ssyncadd.s32 $0xFFFFFF80  }
0x2a: {  	_ =	swait.ge [sflag:s12], $0x80  }
0x2b: {  	[sflag:s12] =	ssyncset.done $0x0  }
0x2c: {  	[sflag:s12] =	ssyncadd.s32 $0xFFFFFF80  }
0x2d: {  	_ =	swait.ge [sflag:s8], $0x4000  }
0x2e: {  	[sflag:s8] =	ssyncset.done $0x0  }
0x2f: {  	[sflag:s8] =	ssyncadd.s32 $0xFFFFC000  }
0x30: {  	[tilespmem:s13], [sflag:$0x6] =	stream.indirect.gather [hbm4b:s4+s0], $0x80, s6, s0, $0xb8;
	[tilespmem:$0x1C000] =	vst v63  }
0x31: {  	_ =	swait.ge [sflag:s14], $0x4000  }
0x32: {  	[sflag:s14] =	ssyncset.done $0x0  }
0x33: {  	[sflag:s14] =	ssyncadd.s32 $0xFFFFC000  }
0x34: {  	[spmem:s1] =	stream.indirect.scatter.add.f32 [tilespmem:s2], [sflag:$0x7], $0x80, s30, s0, $0xb8;
	[tilespmem:$0x1C000] =	vst v63  }
0x35: {  	_ =	swait.ge [sflag:s23], $0x4000  }
0x36: {  	[sflag:s23] =	ssyncset.done $0x0  }
0x37: {  	[sflag:s23] =	ssyncadd.s32 $0xFFFFC000  }
0x38: {  	[spmem:s1] =	stream.indirect.scatter.add.f32 [tilespmem:s13], [sflag:$0x8], $0x80, s7, s0, $0xb8;
	[tilespmem:$0x1C000] =	vst v63  }
0x39: {  	_ =	swait.ge [sflag:s9], $0x4000  }
0x3a: {  	[sflag:s9] =	ssyncset.done $0x0  }
0x3b: {  	[sflag:s9] =	ssyncadd.s32 $0xFFFFC000  }
0x3c: {  	_ =	swait.ge [sflag:s8], $0x4000  }
0x3d: {  	s5 =	simm.s32 @!p0 $0x0;
	[sflag:s8] =	ssyncset.done $0x0  }
0x3e: {  	s28 =	simm.s32 @!p0 $0x13C00;
	s18 =	rddreg [dreg:$0xc];
	[sflag:s8] =	ssyncadd.s32 $0xFFFFC000  }
0x3f: {  	[tilespmem:s28], [sflag:$0x1] =	stream.linear.gather @!p0 [hbm4b:s18+s5], $0x80, $0x38;
	[tilespmem:$0x1C000] =	vst v63  }
0x40: {  	s18 =	rddreg [dreg:$0xd];
	s28 =	simm.s32 @!p0 $0x13E00  }
0x41: {  	[tilespmem:s28], [sflag:$0x1] =	stream.linear.gather @!p0 [hbm4b:s18+s5], $0x80, $0x38;
	[tilespmem:$0x1C000] =	vst v63  }
0x42: {  	s5 =	simm.s32 @!p0 $0x1  }
0x43: {  	_ =	swait.ge @!p0 [sflag:s5], $0x80  }
0x44: {  	[sflag:s5] =	ssyncset.done @!p0 $0x0  }
0x45: {  	[sflag:s5] =	ssyncadd.s32 @!p0 $0xFFFFFF80  }
0x46: {  	_ =	swait.ge @!p0 [sflag:s5], $0x80  }
0x47: {  	s18 =	simm.s32 @!p0 $0x80;
	[sflag:s5] =	ssyncset.done @!p0 $0x0  }
0x48: {  	s28 =	simm.s32 @!p0 $0x13C00;
	[sflag:s5] =	ssyncadd.s32 @!p0 $0xFFFFFF80;
	s5 =	simm.s32 @!p0 $0x14000  }
0x49: {  	[tilespmem:s5], [sflag:$0x5] =	stream.indirect.gather @!p0 [hbm4b:s4+s18], $0x80, s28, s18, $0xb8;
	[tilespmem:$0x1C000] =	vst v63  }
0x4a: {  	s28 =	simm.s32 @!p0 $0x5  }
0x4b: {  	_ =	swait.ge @!p0 [sflag:s28], $0x4000  }
0x4c: {  	[sflag:s28] =	ssyncset.done @!p0 $0x0  }
0x4d: {  	[sflag:s28] =	ssyncadd.s32 @!p0 $0xFFFFC000;
	s28 =	simm.s32 @!p0 $0x13E00  }
0x4e: {  	[spmem:s1] =	stream.indirect.scatter.add.f32 @!p0 [tilespmem:s5], [sflag:$0x7], $0x80, s28, s18, $0xb8;
	[tilespmem:$0x1C000] =	vst v63  }
0x4f: {  	s5 =	simm.s32 @!p0 $0x7  }
0x50: {  	_ =	swait.ge @!p0 [sflag:s5], $0x4000  }
0x51: {  	[sflag:s5] =	ssyncset.done @!p0 $0x0  }
0x52: {  	[sflag:s5] =	ssyncadd.s32 @!p0 $0xFFFFC000  }
0x53: {  	[bflag:$0x0] =	sbarrier.arrive $0xFFFF  }
0x54: {  	s28 =	rddreg [dreg:$0x6]  }
0x55: {  	s18 =	rddreg [dreg:$0xe]  }
0x56: {  	s20 =	rddreg [dreg:$0x15]  }
0x57: {  	[hbm:s18], [sflag:s28] =	dma.local [spmem:s20], $0x2780  }
0x58: {  	s28 =	simm.s32 $0x9  }
0x59: {  	_ =	swait.ge [sflag:s28], $0x2780  }
0x5a: {  	s5 =	rddreg [dreg:$0x14]  }
0x5b: {  	s20 =	rddreg [dreg:$0xf];
	s18 =	sadd.s32 $0x1, s5  }
0x5c: {  	p1 =	sne.s32 s18, s20  }
.Ltmp1:
0x5d: {  	_ = 	snop;
	(pc) =	sbr.rel @!p1 .LBB2_5-.Ltmp1, $3  }
0x5e: {  	_ =	sdelay $0x1  }
0x5f: {  	[sflag:s28] =	ssyncset.done $0x0  }
0x60: {  	[sflag:s28] =	ssyncadd.s32 $0xFFFFD880;
	[dreg:$0x14] =	wrdreg s18  }
.LBB2_1:
0x61: {  	s5 =	rddreg [dreg:$0x4]  }
0x62: {  	s20 =	rddreg [dreg:$0x6];
	s5 =	sshrl.u32 s5, $0x3  }
0x63: {  	[dreg:$0x15] =	wrdreg s5  }
0x64: {  	s5 =	rddreg [dreg:$0x5]  }
0x65: {  	s18 =	rddreg [dreg:$0x15]  }
0x66: {  	[spmem:s18], [sflag:s20] =	dma.local [hbm:s5], $0x2780  }
0x67: {  	s20 =	rddreg [dreg:$0x16];
	_ =	swait.ge [sflag:s28], $0x2780  }
0x68: {  	[sflag:s28] =	ssyncset.done $0x0  }
0x69: {  	s18 =	rddreg [dreg:$0x7];
	[sflag:s28] =	ssyncadd.s32 $0xFFFFD880  }
0x6a: {  	[tilespmem:s29], [sflag:$0x1] =	stream.linear.gather [hbm4b:s18+s3], $0x80, $0x38;
	[tilespmem:$0x1C000] =	vst v63  }
0x6b: {  	s18 =	rddreg [dreg:$0x8]  }
0x6c: {  	[tilespmem:s30], [sflag:$0x1] =	stream.linear.gather [hbm4b:s18+s3], $0x80, $0x38;
	[tilespmem:$0x1C000] =	vst v63  }
0x6d: {  	[bflag:$0x0] =	sbarrier.arrive $0xFFFF  }
0x6e: {  	_ =	swait.ge [sflag:s31], $0x80  }
0x6f: {  	[sflag:s31] =	ssyncset.done $0x0  }
0x70: {  	[sflag:s31] =	ssyncadd.s32 $0xFFFFFF80  }
0x71: {  	_ =	swait.ge [sflag:s31], $0x80  }
0x72: {  	[sflag:s31] =	ssyncset.done $0x0  }
0x73: {  	s18 =	rddreg [dreg:$0x9];
	[sflag:s31] =	ssyncadd.s32 $0xFFFFFF80  }
0x74: {  	[tilespmem:s2], [sflag:$0x5] =	stream.indirect.gather [hbm4b:s4+s0], $0x80, s29, s0, $0xb8;
	[tilespmem:$0x1C000] =	vst v63  }
0x75: {  	s28 =	rddreg [dreg:$0x12]  }
0x76: {  	[tilespmem:s6], [sflag:$0x2] =	stream.linear.gather [hbm4b:s18+s3], $0x80, $0x38;
	[tilespmem:$0x1C000] =	vst v63  }
0x77: {  	s18 =	rddreg [dreg:$0xa]  }
0x78: {  	[tilespmem:s7], [sflag:$0x2] =	stream.linear.gather [hbm4b:s18+s3], $0x80, $0x38;
	[tilespmem:$0x1C000] =	vst v63  }
0x79: {  	s18 =	rddreg [dreg:$0xb]  }
0x7a: {  	[tilespmem:s10], [sflag:$0x3] =	stream.linear.gather [hbm4b:s18+s3], $0x80, $0x38;
	[tilespmem:$0x1C000] =	vst v63  }
0x7b: {  	s5 =	simm.s32 $0x0;
	s18 =	rddreg [dreg:$0x13]  }
0x7c: {  	[tilespmem:s11], [sflag:$0x3] =	stream.linear.gather [hbm4b:s18+s3], $0x80, $0x38;
	[tilespmem:$0x1C000] =	vst v63  }
.LBB2_2:
0x7d: {  	_ =	swait.ge [sflag:s12], $0x80  }
0x7e: {  	[sflag:s12] =	ssyncset.done $0x0  }
0x7f: {  	[sflag:s12] =	ssyncadd.s32 $0xFFFFFF80  }
0x80: {  	_ =	swait.ge [sflag:s12], $0x80  }
0x81: {  	p1 =	seq.s32 s5, $0x0;
	[sflag:s12] =	ssyncset.done $0x0  }
0x82: {  	s18 =	simm.s32 @!p1 $0x8;
	[sflag:s12] =	ssyncadd.s32 $0xFFFFFF80  }
0x83: {  	_ =	swait.ge @!p1 [sflag:s18], $0x4000  }
0x84: {  	[sflag:s18] =	ssyncset.done @!p1 $0x0  }
0x85: {  	[sflag:s18] =	ssyncadd.s32 @!p1 $0xFFFFC000  }
0x86: {  	[tilespmem:s13], [sflag:$0x6] =	stream.indirect.gather [hbm4b:s4+s0], $0x80, s6, s0, $0xb8;
	[tilespmem:$0x1C000] =	vst v63  }
0x87: {  	_ =	swait.ge [sflag:s14], $0x4000  }
0x88: {  	[sflag:s14] =	ssyncset.done $0x0  }
0x89: {  	[sflag:s14] =	ssyncadd.s32 $0xFFFFC000  }
0x8a: {  	[spmem:s1] =	stream.indirect.scatter.add.f32 [tilespmem:s2], [sflag:$0x7], $0x80, s30, s0, $0xb8;
	[tilespmem:$0x1C000] =	vst v63  }
0x8b: {  	s18 =	sadd.s32 s5, s25  }
0x8c: {  	[tilespmem:s15], [sflag:$0x4] =	stream.linear.gather [hbm4b:s18+s3], $0x80, $0x38;
	[tilespmem:$0x1C000] =	vst v63  }
0x8d: {  	s18 =	sadd.s32 s5, s24  }
0x8e: {  	[tilespmem:s16], [sflag:$0x4] =	stream.linear.gather [hbm4b:s18+s3], $0x80, $0x38;
	[tilespmem:$0x1C000] =	vst v63  }
0x8f: {  	_ =	swait.ge [sflag:s17], $0x80  }
0x90: {  	[sflag:s17] =	ssyncset.done $0x0  }
0x91: {  	[sflag:s17] =	ssyncadd.s32 $0xFFFFFF80  }
0x92: {  	_ =	swait.ge [sflag:s17], $0x80  }
0x93: {  	[sflag:s17] =	ssyncset.done $0x0  }
0x94: {  	[sflag:s17] =	ssyncadd.s32 $0xFFFFFF80  }
0x95: {  	_ =	swait.ge [sflag:s9], $0x4000  }
0x96: {  	[sflag:s9] =	ssyncset.done $0x0  }
0x97: {  	[sflag:s9] =	ssyncadd.s32 $0xFFFFC000  }
0x98: {  	[tilespmem:s2], [sflag:$0x5] =	stream.indirect.gather [hbm4b:s4+s0], $0x80, s10, s0, $0xb8;
	[tilespmem:$0x1C000] =	vst v63  }
0x99: {  	_ =	swait.ge [sflag:s23], $0x4000  }
0x9a: {  	[sflag:s23] =	ssyncset.done $0x0  }
0x9b: {  	s18 =	sshrl.u32 s28, $0x3;
	[sflag:s23] =	ssyncadd.s32 $0xFFFFC000  }
0x9c: {  	[spmem:s1] =	stream.indirect.scatter.add.f32 [tilespmem:s13], [sflag:$0x8], $0x80, s7, s0, $0xb8;
	[tilespmem:$0x1C000] =	vst v63  }
0x9d: {  	s18 =	sadd.s32 s19, s18  }
0x9e: {  	[tilespmem:s29], [sflag:$0x1] =	stream.linear.gather [hbm4b:s18+s3], $0x80, $0x38;
	[tilespmem:$0x1C000] =	vst v63  }
0x9f: {  	s18 =	sadd.s32 s5, s22  }
0xa0: {  	[tilespmem:s30], [sflag:$0x1] =	stream.linear.gather [hbm4b:s18+s3], $0x80, $0x38;
	[tilespmem:$0x1C000] =	vst v63  }
0xa1: {  	_ =	swait.ge [sflag:s26], $0x80  }
0xa2: {  	[sflag:s26] =	ssyncset.done $0x0  }
0xa3: {  	[sflag:s26] =	ssyncadd.s32 $0xFFFFFF80  }
0xa4: {  	_ =	swait.ge [sflag:s26], $0x80  }
0xa5: {  	[sflag:s26] =	ssyncset.done $0x0  }
0xa6: {  	[sflag:s26] =	ssyncadd.s32 $0xFFFFFF80  }
0xa7: {  	_ =	swait.ge [sflag:s8], $0x4000  }
0xa8: {  	[sflag:s8] =	ssyncset.done $0x0  }
0xa9: {  	[sflag:s8] =	ssyncadd.s32 $0xFFFFC000  }
0xaa: {  	[tilespmem:s13], [sflag:$0x6] =	stream.indirect.gather [hbm4b:s4+s0], $0x80, s15, s0, $0xb8;
	[tilespmem:$0x1C000] =	vst v63  }
0xab: {  	_ =	swait.ge [sflag:s14], $0x4000  }
0xac: {  	[sflag:s14] =	ssyncset.done $0x0  }
0xad: {  	[sflag:s14] =	ssyncadd.s32 $0xFFFFC000  }
0xae: {  	[spmem:s1] =	stream.indirect.scatter.add.f32 [tilespmem:s2], [sflag:$0x7], $0x80, s11, s0, $0xb8;
	[tilespmem:$0x1C000] =	vst v63  }
0xaf: {  	s18 =	sadd.s32 s5, s21  }
0xb0: {  	[tilespmem:s6], [sflag:$0x2] =	stream.linear.gather [hbm4b:s18+s3], $0x80, $0x38;
	[tilespmem:$0x1C000] =	vst v63  }
0xb1: {  	s18 =	sadd.s32 s5, s20  }
0xb2: {  	[tilespmem:s7], [sflag:$0x2] =	stream.linear.gather [hbm4b:s18+s3], $0x80, $0x38;
	[tilespmem:$0x1C000] =	vst v63  }
0xb3: {  	_ =	swait.ge [sflag:s31], $0x80  }
0xb4: {  	[sflag:s31] =	ssyncset.done $0x0  }
0xb5: {  	[sflag:s31] =	ssyncadd.s32 $0xFFFFFF80  }
0xb6: {  	_ =	swait.ge [sflag:s31], $0x80  }
0xb7: {  	[sflag:s31] =	ssyncset.done $0x0  }
0xb8: {  	[sflag:s31] =	ssyncadd.s32 $0xFFFFFF80  }
0xb9: {  	_ =	swait.ge [sflag:s9], $0x4000  }
0xba: {  	[sflag:s9] =	ssyncset.done $0x0  }
0xbb: {  	p1 =	seq.s32 s5, $0x480;
	[sflag:s9] =	ssyncadd.s32 $0xFFFFC000  }
0xbc: {  	[tilespmem:s2], [sflag:$0x5] =	stream.indirect.gather [hbm4b:s4+s0], $0x80, s29, s0, $0xb8;
	[tilespmem:$0x1C000] =	vst v63  }
.Ltmp2:
0xbd: {  	_ = 	snop;
	(pc) =	sbr.rel @p1 .LBB2_4-.Ltmp2, $4  }
0xbe: {  	_ =	swait.ge [sflag:s23], $0x4000  }
0xbf: {  	[sflag:s23] =	ssyncset.done $0x0  }
0xc0: {  	[sflag:s23] =	ssyncadd.s32 $0xFFFFC000  }
0xc1: {  	[spmem:s1] =	stream.indirect.scatter.add.f32 [tilespmem:s13], [sflag:$0x8], $0x80, s16, s0, $0xb8;
	[tilespmem:$0x1C000] =	vst v63  }
0xc2: {  	s18 =	rddreg [dreg:$0x11]  }
.Ltmp3:
0xc3: {  	s18 =	sadd.s32 s5, s18;
	(pc) =	sbr.rel .LBB2_2-.Ltmp3, $4  }
0xc4: {  	[tilespmem:s10], [sflag:$0x3] =	stream.linear.gather [hbm4b:s18+s3], $0x80, $0x38;
	[tilespmem:$0x1C000] =	vst v63  }
0xc5: {  	s18 =	rddreg [dreg:$0x10]  }
0xc6: {  	s28 =	sadd.s32 $0x200, s28;
	s18 =	sadd.s32 s5, s18;
	s5 =	sadd.s32 $0x40, s5  }
0xc7: {  	[tilespmem:s11], [sflag:$0x3] =	stream.linear.gather [hbm4b:s18+s3], $0x80, $0x38;
	[tilespmem:$0x1C000] =	vst v63  }
.LBB2_5:
0xc8: {  	_ =	sfence.sel $0x180000  }
0xc9: {  	[bflag:$0x0] =	sbarrier.arrive $0xFFFF  }
0xca: {  	_ =	strace $0x9000004A  }
0xcb: {  	s0 =	stileid.u32;
	[bflag:$0x2] =	sbarrier.arrive $0xFFFF  }
0xcc: {  	p0 =	sne.s32 s0, $0x0;
	s0 =	rddreg [dreg:$0x3]  }
0xcd: {  	s0 =	sadd.s32 @!p0 $0x100000, s0  }
0xce: {  	[sflag:s0] =	ssyncadd.tile.s32 @!p0 $0x1;
	_ =	shalt  }
.Lfunc_end2:
_tile_overlayer_lowered:
.L_overlay_start_2:
0xcf: {  	(tag) =	ssettag $0x2  }
0xd0: {  	s0 =	rddreg [dreg:$0x0];
	s2 =	stileid.u32  }
0xd1: {  	s1 =	rddreg [dreg:$0x1];
	p0 =	sne.s32 s2, $0x0  }
0xd2: {  	s3 =	rddreg [dreg:$0x2];
	[bflag:$0x3] =	sbarrier.arrive $0xFFFF;
	s2 =	simm.s32 @!p0 $0x1C09  }
0xd3: {  	[timem:s3], [sflag:s2] =	dma.local @!p0 [hbm:s0], s1  }
0xd4: {  	s0 =	simm.s32 @!p0 $0x9  }
0xd5: {  	_ =	swait.ge @!p0 [sflag:s0], s1  }
0xd6: {  	s1 =	ssub.s32 @!p0 $0x0, s1;
	[sflag:s0] =	ssyncset.done @!p0 $0x0  }
0xd7: {  	[sflag:s0] =	ssyncadd.s32 @!p0 s1  }
0xd8: {  	[bflag:$0x3] =	sbarrier.arrive $0xFFFF  }
0xd9: {  	_ =	shalt  }

// kernel: kernel.14.cloned.1.call-start
scs
__scs_entry_jumppad:
0x0: {  	(pc) =	sbr.rel $0x88, $3  }
0x1: {  	(tag) =	ssettag $0x0;
	lr =	simm.s32 $0x1  }
0x2: {  	[smem:$0x3F7D] =	sst lr;
	_ =	strace $0xD0000000  }
0x3: {  	_ = 	snop  }
0x4: {  	_ = 	snop  }
0x5: {  	_ = 	snop  }
0x6: {  	_ = 	snop  }
0x7: {  	_ = 	snop  }
__scs_overlays_trampoline_lowered:
0x8: {  	[smem:$0x3F8C] =	sst s0  }
0x9: {  	[smem:$0x3F8D] =	sst s1  }
0xa: {  	[smem:$0x3F8E] =	sst s2  }
0xb: {  	[smem:$0x3F8F] =	sst s3  }
0xc: {  	[smem:$0x3F90] =	sst s4  }
0xd: {  	[smem:$0x3F91] =	sst s5  }
0xe: {  	[smem:$0x3F92] =	sst s6  }
0xf: {  	[smem:$0x3F93] =	sst s7  }
0x10: {  	[smem:$0x3F94] =	sst s8  }
0x11: {  	[smem:$0x3F95] =	sst s9;
	s0 =	simm.s32 @!p0 $0x0  }
0x12: {  	s1 =	sld [smem:$0x3F7B];
	s0 =	simm.s32 @p0 $0x1  }
0x13: {  	[smem:$0x3F96] =	sst s0;
	s0 =	simm.s32 @!p1 $0x0  }
0x14: {  	s2 =	sld [smem:$0x3F7A];
	s0 =	simm.s32 @p1 $0x1  }
0x15: {  	[smem:$0x3F97] =	sst s0;
	s0 =	simm.s32 @!p2 $0x0  }
0x16: {  	s3 =	sld [smem:$0x3FDB];
	s0 =	simm.s32 @p2 $0x1  }
0x17: {  	s4 =	simm.s32 $0x1BF5;
	[smem:$0x3F99] =	sst s0  }
0x18: {  	s0 =	sld [smem:$0x3F7C];
	_ =	swait.ge [sflag:s4], $0x0  }
0x19: {  	s7 =	sld [smem:$0x3F7D]  }
0x1a: {  	s8 =	sadd.s32 $0xFFFFE003, lr  }
0x1b: {  	s9 =	sadd.s32 $0xFFFFFEF7, lr;
	s5 =	simm.s32 $0xFFFFFFFF;
	p2 =	slt.u32 s8, $0xFFFFF086  }
0x1c: {  	p1 =	slt.u32 s9, $0xF7A;
	s5 =	simm.s32 @!p2 $0x0  }
0x1d: {  	s5 =	simm.s32 @p1 $0x1;
	p0 =	seq.s32 s7, s2  }
0x1e: {  	s7 =	smul.u32 @!p0 $0xF7A, s2;
	p2 =	seq.s32 @!p0 s5, $0x0  }
0x1f: {  	s9 =	smul.u32 $0xF7A, s1;
	s8 =	simm.s32 @!p0 $0x1BF5;
	p2 =	por !p2, p0  }
0x20: {  	[sflag:s8] =	ssyncset.s32 @!p0 $0xFFFFF086;
	s6 =	sadd.s32 @!p0 s3, s7;
	s7 =	simm.s32 @!p0 $0x108  }
0x21: {  	s3 =	sadd.s32 s3, s9;
	s6 =	sadd.s32 @!p0 $0x88, s6;
	s7 =	simm.s32 @p2 $0x1082  }
0x22: {  	[simem:s7], [sflag:s8] =	dma.local @!p0 [hbm:s6], $0xF7A  }
0x23: {  	s9 =	sor.u32 $0xD0000000, s2;
	s6 =	simm.s32 $0x108;
	_ =	swait.ge @!p0 [sflag:s8], $0x0  }
0x24: {  	s3 =	sadd.s32 $0x88, s3;
	s6 =	simm.s32 @!p1 $0x1082;
	[sflag:s4] =	ssyncset.s32 $0xFFFFF086  }
0x25: {  	[simem:s6], [sflag:s4] =	dma.local [hbm:s3], $0xF7A  }
0x26: {  	[smem:$0x3F7D] =	sst s1;
	(tag) =	ssettag s2;
	_ =	strace s9  }
0x27: {  	s1 =	sld [smem:$0x3F8D]  }
0x28: {  	s2 =	sld [smem:$0x3F8E]  }
0x29: {  	s4 =	sld [smem:$0x3F90]  }
0x2a: {  	p0 =	seq.s32 s5, $0x0;
	s5 =	sld [smem:$0x3F91]  }
0x2b: {  	s6 =	sld [smem:$0x3F92]  }
0x2c: {  	s7 =	sld [smem:$0x3F93]  }
0x2d: {  	s3 =	simm.s32 $0x108;
	s8 =	sld [smem:$0x3F94]  }
0x2e: {  	s3 =	simm.s32 @!p0 $0x1082;
	s9 =	sld [smem:$0x3F95]  }
0x2f: {  	lr =	sadd.s32 s0, s3;
	s0 =	sld [smem:$0x3F8C]  }
0x30: {  	s3 =	sld [smem:$0x3F8F]  }
0x31: {  	[smem:$0x3F98] =	sst s10  }
0x32: {  	s10 =	sld [smem:$0x3F96];
	_ =	sdelay $0x3  }
0x33: {  	p0 =	seq.s32 s10, $0x1;
	s10 =	sld [smem:$0x3F98];
	_ =	sdelay $0x3  }
0x34: {  	[smem:$0x3F98] =	sst s10  }
0x35: {  	s10 =	sld [smem:$0x3F97];
	_ =	sdelay $0x3  }
0x36: {  	p1 =	seq.s32 s10, $0x1;
	s10 =	sld [smem:$0x3F98];
	_ =	sdelay $0x3  }
0x37: {  	[smem:$0x3F98] =	sst s10  }
0x38: {  	s10 =	sld [smem:$0x3F99]  }
0x39: {  	_ = 	snop;
	(pc) =	sbr.ind lr, $3  }
0x3a: {  	_ = 	snop  }
0x3b: {  	_ = 	snop  }
0x3c: {  	p2 =	seq.s32 s10, $0x1;
	s10 =	sld [smem:$0x3F98]  }
0x3d: {  	_ =	shalt  }
0x3e: {  	_ =	shalt  }
0x3f: {  	_ =	shalt  }
0x40: {  	_ =	shalt  }
0x41: {  	_ =	shalt  }
0x42: {  	_ =	shalt  }
0x43: {  	_ =	shalt  }
0x44: {  	_ =	shalt  }
0x45: {  	_ =	shalt  }
0x46: {  	_ =	shalt  }
0x47: {  	_ =	shalt  }
0x48: {  	_ =	shalt  }
0x49: {  	_ =	shalt  }
0x4a: {  	_ =	shalt  }
0x4b: {  	_ =	shalt  }
0x4c: {  	_ =	shalt  }
0x4d: {  	_ =	shalt  }
0x4e: {  	_ =	shalt  }
0x4f: {  	_ =	shalt  }
0x50: {  	_ =	shalt  }
0x51: {  	_ =	shalt  }
0x52: {  	_ =	shalt  }
0x53: {  	_ =	shalt  }
0x54: {  	_ =	shalt  }
0x55: {  	_ =	shalt  }
0x56: {  	_ =	shalt  }
0x57: {  	_ =	shalt  }
0x58: {  	_ =	shalt  }
0x59: {  	_ =	shalt  }
0x5a: {  	_ =	shalt  }
0x5b: {  	_ =	shalt  }
0x5c: {  	_ =	shalt  }
0x5d: {  	_ =	shalt  }
0x5e: {  	_ =	shalt  }
0x5f: {  	_ =	shalt  }
0x60: {  	_ =	shalt  }
0x61: {  	_ =	shalt  }
0x62: {  	_ =	shalt  }
0x63: {  	_ =	shalt  }
0x64: {  	_ =	shalt  }
0x65: {  	_ =	shalt  }
0x66: {  	_ =	shalt  }
0x67: {  	_ =	shalt  }
0x68: {  	_ =	shalt  }
0x69: {  	_ =	shalt  }
0x6a: {  	_ =	shalt  }
0x6b: {  	_ =	shalt  }
0x6c: {  	_ =	shalt  }
0x6d: {  	_ =	shalt  }
0x6e: {  	_ =	shalt  }
0x6f: {  	_ =	shalt  }
0x70: {  	_ =	shalt  }
0x71: {  	_ =	shalt  }
0x72: {  	_ =	shalt  }
0x73: {  	_ =	shalt  }
0x74: {  	_ =	shalt  }
0x75: {  	_ =	shalt  }
0x76: {  	_ =	shalt  }
0x77: {  	_ =	shalt  }
0x78: {  	_ =	shalt  }
0x79: {  	_ =	shalt  }
0x7a: {  	_ =	shalt  }
0x7b: {  	_ =	shalt  }
0x7c: {  	_ =	shalt  }
0x7d: {  	_ =	shalt  }
0x7e: {  	_ =	shalt  }
0x7f: {  	_ =	shalt  }
0x80: {  	_ =	shalt  }
0x81: {  	_ =	shalt  }
0x82: {  	_ =	shalt  }
0x83: {  	_ =	shalt  }
0x84: {  	_ =	shalt  }
0x85: {  	_ =	shalt  }
0x86: {  	_ =	shalt  }
0x87: {  	_ =	shalt  }
.Lfunc_end0:
.L_simem_size_0:
called_computation.2_lowered:
.L_overlay_start_0:
0x88: {  	s2 =	sld [smem:$0x3FD9]  }
0x89: {  	s3 =	sld [smem:$0x3FFE];
	_ =	sdelay $0x1  }
0x8a: {  	s1 =	srdreg.scid  }
0x8b: {  	s0 =	sand.u32 $0x1, s1  }
0x8c: {  	s14 =	sshll.u32 s0, $0xA;
	s2 =	sadd.s32 s3, s2  }
0x8d: {  	s2 =	sadd.s32 s2, s14  }
0x8e: {  	[smem:$0x3FA4] =	sst s2  }
0x8f: {  	_ = 	snop  }
0x90: {  	s2 =	sld [smem:$0x3FD0];
	_ =	sdelay $0x2  }
0x91: {  	s15 =	simm.s32 $0xA;
	s4 =	simm.s32 $0x10  }
0x92: {  	[smem:s4], [sflag:s15] =	dma.local [hbm:s2], $0x1  }
0x93: {  	_ =	swait.eq [sflag:s15], $0x1  }
0x94: {  	[sflag:s15] =	ssyncset.done $0x0  }
0x95: {  	[sflag:s15] =	ssyncadd.s32 $0xFFFFFFFF  }
0x96: {  	s16 =	sld [smem:$0x13];
	(tm) =	ssettm $0x1  }
0x97: {  	s17 =	sld [smem:$0x3FFB];
	_ =	sdelay $0x3  }
0x98: {  	_ =	strace s17  }
0x99: {  	s3 =	sld [smem:$0x3FFC];
	_ =	sdelay $0x3  }
0x9a: {  	_ =	strace s3  }
0x9b: {  	s3 =	sld [smem:$0x3FFD];
	_ =	sdelay $0x3  }
0x9c: {  	_ =	strace s3  }
0x9d: {  	_ =	strace $0x8FFFFFFF  }
0x9e: {  	s18 =	sld [smem:$0x3FDB];
	_ =	sdelay $0x1  }
0x9f: {  	s19 =	simm.s32 $_scs_section_size  }
0xa0: {  	s5 =	simm.s32 $_size__tile_overlayer_lowered;
	s6 =	simm.s32 $_tile_overlayer_lowered  }
0xa1: {  	s22 =	simm.s32 $0x1BFF;
	s21 =	sshll.u32 s6, $0x1;
	s3 =	sadd.s32 s19, s18  }
0xa2: {  	s7 =	simm.s32 $0x0;
	s20 =	sshll.u32 s5, $0x1;
	s5 =	sadd.s32 s21, s3  }
0xa3: {  	[timem:s7], [sflag:s22] =	dma.local [hbm:s5], s20  }
0xa4: {  	_ =	swait.ge [sflag:s22], s20  }
0xa5: {  	s4 =	ssub.s32 $0x0, s20;
	[sflag:s22] =	ssyncset.done $0x0  }
0xa6: {  	[sflag:s22] =	ssyncadd.s32 s4;
	_ =	sdelay $0x1  }
0xa7: {  	s23 =	simm.s32 $0x1B8B  }
0xa8: {  	_ =	swait.ge [sflag:s23], $0x1  }
0xa9: {  	[sflag:s23] =	ssyncset.done $0x0  }
0xaa: {  	s25 =	simm.s32 $0x1B8E;
	s24 =	sld [smem:$0x3FFE];
	[sflag:s23] =	ssyncadd.s32 $0xFFFFFFFF  }
0xab: {  	s26 =	simm.s32 $execute0_lowered;
	[smem:$0x3FD2] =	sst s25  }
0xac: {  	s5 =	sshll.u32 s26, $0x1;
	_ =	strace $0x8000004C;
	[dreg:$0x1] =	wrdreg $0xFFFFFFFF  }
0xad: {  	s28 =	simm.s32 $_size_execute0_lowered;
	s3 =	sadd.s32 s3, s5;
	[dreg:$0x0] =	wrdreg $0x0  }
0xae: {  	s5 =	sshll.u32 s28, $0x1;
	[dreg:$0x2] =	wrdreg s3  }
0xaf: {  	[dreg:$0x3] =	wrdreg s5  }
0xb0: {  	[dreg:$0x4] =	wrdreg $0xC0  }
0xb1: {  	_ =	task [dreg:s7], $0x5FFFF  }
0xb2: {  	[dreg:$0x1] =	wrdreg $0xFFFFFFFF  }
0xb3: {  	[dreg:$0x0] =	wrdreg $0x60  }
0xb4: {  	[dreg:$0x2] =	wrdreg s16  }
0xb5: {  	[dreg:$0x3] =	wrdreg s24  }
0xb6: {  	[dreg:$0x4] =	wrdreg $0x0  }
0xb7: {  	[dreg:$0x5] =	wrdreg $0x9  }
0xb8: {  	_ =	task.clear_ibuf [dreg:s7], $0x6FFFF;
	_ =	strace $0x9000004C  }
0xb9: {  	s29 =	simm.s32 $0x9;
	_ =	strace $0x8000004E  }
0xba: {  	_ =	swait.ge [sflag:s29], $0x1  }
0xbb: {  	[sflag:s29] =	ssyncadd.s32 $0xFFFFFFFF  }
0xbc: {  	_ =	strace $0x9000004E  }
0xbd: {  	_ =	sfence  }
0xbe: {  	s30 =	sld [smem:$0x0];
	_ =	sdelay $0x2  }
0xbf: {  	s31 =	sshll.u32 s1, $0xD;
	s1 =	sshrl.u32 s1, $0x2  }
0xc0: {  	s3 =	sand.u32 $0x4000, s31;
	s1 =	sadd.s32 s1, s30  }
0xc1: {  	s0 =	sor.u32 s3, s0;
	s1 =	sshll.u32 s1, $0x11  }
0xc2: {  	s0 =	sor.u32 s1, s0  }
0xc3: {  	s0 =	sadd.s32 $0x8F2B, s0  }
0xc4: {  	[sflag:s0] =	ssyncadd.remote.s32 $0x1  }
0xc5: {  	_ =	sfence.sel $0xFFFF  }
0xc6: {  	[dreg:$0x0] =	wrdreg $0xFFFFFFFF;
	(pc) =	sbr.abs _section_cstart, $3  }
0xc7: {  	[dreg:$0x1] =	wrdreg $0xFFFFFFFF  }
0xc8: {  	_ =	task.clear_ibuf [dreg:s7], $0x2FFFF;
	_ =	strace $0x9FFFFFFF  }
0xc9: {  	(tm) =	ssettm $0x7FFFFFFF  }
tec
execute0_lowered:
.L_overlay_start_1:
0x0: {  	(tag) =	ssettag $0x1  }
0x1: {  	s2 =	rddreg [dreg:$0x0]  }
0x2: {  	s0 =	rddreg [dreg:$0x1]  }
0x3: {  	s3 =	rddreg [dreg:$0x2];
	s12 =	stileid.u32  }
0x4: {  	s5 =	srdreg.scid;
	s4 =	simm.s32 $0x0;
	s28 =	simm.s32 $0x9  }
0x5: {  	s29 =	simm.s32 $0x13C00;
	s30 =	simm.s32 $0x13E00;
	s31 =	simm.s32 $0x1  }
0x6: {  	s1 =	smul.u32 $0x13C00, s12;
	s5 =	sand.u32 $0x1, s5;
	[smem:$0x7FF] =	sst s4  }
0x7: {  	s13 =	sadd.s32 $0x6600, s0;
	s26 =	sshll.u32 s12, $0x1;
	s8 =	smul.u32 $0x4F000, s12  }
0x8: {  	s14 =	sshll.u32 s12, $0x6;
	s16 =	smul.u32 $0x4E00, s12;
	p0 =	sgt.u32 s12, $0x1  }
0x9: {  	s12 =	simm.s32 $0x2;
	s7 =	smul.u32 $0x13C000, s5;
	s9 =	ssub.s32 $0x2, s5  }
0xa: {  	_ =	strace $0x8000004D;
	s6 =	sshrl.u32 s1, $0x3;
	s10 =	sshrl.u32 s9, $0x1  }
0xb: {  	s8 =	sshrl.u32 s8, $0x2;
	s6 =	sadd.s32 s6, s0;
	s1 =	sadd.s32 s1, s7  }
0xc: {  	s7 =	sor.u32 s5, s26;
	s10 =	ssub.s32 s9, s10;
	s5 =	smul.u32 $0x2700, s5  }
0xd: {  	s8 =	sadd.s32 s8, s3;
	s1 =	sshrl.u32 s1, $0x3;
	s11 =	smul.u32 $0x2700, s7  }
0xe: {  	[dreg:$0x4] =	wrdreg s8;
	s6 =	sadd.s32 $0x41200, s6;
	s7 =	sshll.u32 s7, $0x4  }
0xf: {  	s0 =	sadd.s32 s1, s0;
	[dreg:$0x5] =	wrdreg s6;
	s6 =	sor.u32 $0x1C09, s14  }
0x10: {  	s7 =	sadd.s32 s7, s13;
	s5 =	sadd.s32 s5, s16;
	s1 =	smax.u32 s10, $0x1  }
0x11: {  	s15 =	sshrl.u32 s11, $0x3;
	[dreg:$0x6] =	wrdreg s6;
	s21 =	sadd.s32 $0x9C00, s7  }
0x12: {  	s22 =	sadd.s32 $0x13840, s7;
	s0 =	sadd.s32 $0x68A00, s0;
	s23 =	sadd.s32 $0x4E500, s5  }
0x13: {  	[dreg:$0xf] =	wrdreg s1;
	s24 =	sadd.s32 $0x300, s5;
	s26 =	sadd.s32 $0x4E480, s5  }
0x14: {  	s6 =	sadd.s32 $0x280, s5;
	s9 =	sadd.s32 $0x4E400, s5;
	[dreg:$0xc] =	wrdreg s21  }
0x15: {  	s11 =	sadd.s32 $0x4E380, s5;
	s8 =	sadd.s32 s13, s15;
	[dreg:$0xd] =	wrdreg s22  }
0x16: {  	[dreg:$0xe] =	wrdreg s0;
	s0 =	sshrl.u32 s23, $0x3;
	s25 =	sshrl.u32 s24, $0x3  }
0x17: {  	s1 =	sshrl.u32 s26, $0x3;
	s7 =	sshrl.u32 s6, $0x3;
	s10 =	sshrl.u32 s9, $0x3  }
0x18: {  	s14 =	sshrl.u32 s11, $0x3;
	s15 =	sadd.s32 $0x180, s5;
	s5 =	sadd.s32 $0x200, s5  }
0x19: {  	s6 =	simm.s32 $0x13C80;
	s11 =	simm.s32 $0x13F00;
	s9 =	simm.s32 $0x7  }
0x1a: {  	s23 =	simm.s32 $0x6;
	s26 =	simm.s32 $0x4;
	s17 =	sadd.s32 $0x9C40, s8  }
0x1b: {  	s18 =	sadd.s32 $0x10, s8;
	s19 =	sadd.s32 $0x9C50, s8;
	[dreg:$0x12] =	wrdreg s5  }
0x1c: {  	s20 =	sadd.s32 $0x20, s8;
	s0 =	sadd.s32 s0, s13;
	[dreg:$0x7] =	wrdreg s8  }
0x1d: {  	s21 =	sadd.s32 s7, s13;
	s22 =	sadd.s32 s10, s13;
	[dreg:$0x8] =	wrdreg s17  }
0x1e: {  	s24 =	sadd.s32 s14, s13;
	s16 =	sshrl.u32 s15, $0x3;
	[dreg:$0x9] =	wrdreg s18  }
0x1f: {  	s7 =	simm.s32 $0x13E80;
	s10 =	simm.s32 $0x13D00;
	[dreg:$0xa] =	wrdreg s19  }
0x20: {  	s14 =	simm.s32 $0x5;
	s15 =	simm.s32 $0x13D80;
	[dreg:$0xb] =	wrdreg s20  }
0x21: {  	[dreg:$0x10] =	wrdreg s0;
	s0 =	sadd.s32 s25, s13;
	s20 =	sadd.s32 s1, s13  }
.Ltmp0:
0x22: {  	s19 =	smov.u32 s13;
	s25 =	sadd.s32 s16, s13;
	(pc) =	sbr.rel .LBB2_1-.Ltmp0, $4  }
0x23: {  	s17 =	sadd.s32 $0x9C60, s8;
	s1 =	simm.s32 $0x80;
	[dreg:$0x11] =	wrdreg s0  }
0x24: {  	s13 =	simm.s32 $0x18000;
	s18 =	simm.s32 $0x0;
	[dreg:$0x13] =	wrdreg s17  }
0x25: {  	s16 =	simm.s32 $0x13F80;
	s8 =	simm.s32 $0x8;
	[dreg:$0x14] =	wrdreg s18  }
0x26: {  	s0 =	simm.s32 $0x14000;
	s17 =	simm.s32 $0x3;
	[dreg:$0x16] =	wrdreg s20  }
.LBB2_4:
0x27: {  	_ =	swait.ge [sflag:s12], $0x80  }
0x28: {  	[sflag:s12] =	ssyncset.done $0x0  }
0x29: {  	[sflag:s12] =	ssyncadd.s32 $0xFFFFFF80  }
0x2a: {  	_ =	swait.ge [sflag:s12], $0x80  }
0x2b: {  	[sflag:s12] =	ssyncset.done $0x0  }
0x2c: {  	[sflag:s12] =	ssyncadd.s32 $0xFFFFFF80  }
0x2d: {  	_ =	swait.ge [sflag:s8], $0x4000  }
0x2e: {  	[sflag:s8] =	ssyncset.done $0x0  }
0x2f: {  	[sflag:s8] =	ssyncadd.s32 $0xFFFFC000  }
0x30: {  	[tilespmem:s13], [sflag:$0x6] =	stream.indirect.gather [hbm4b:s2+s1], $0x80, s6, s1, $0xb8;
	[tilespmem:$0x1C000] =	vst v63  }
0x31: {  	_ =	swait.ge [sflag:s14], $0x4000  }
0x32: {  	[sflag:s14] =	ssyncset.done $0x0  }
0x33: {  	[sflag:s14] =	ssyncadd.s32 $0xFFFFC000  }
0x34: {  	[spmem:s3] =	stream.indirect.scatter.add.f32 [tilespmem:s0], [sflag:$0x7], $0x80, s30, s1, $0xb8;
	[tilespmem:$0x1C000] =	vst v63  }
0x35: {  	_ =	swait.ge [sflag:s23], $0x4000  }
0x36: {  	[sflag:s23] =	ssyncset.done $0x0  }
0x37: {  	[sflag:s23] =	ssyncadd.s32 $0xFFFFC000  }
0x38: {  	[spmem:s3] =	stream.indirect.scatter.add.f32 [tilespmem:s13], [sflag:$0x8], $0x80, s7, s1, $0xb8;
	[tilespmem:$0x1C000] =	vst v63  }
0x39: {  	_ =	swait.ge [sflag:s9], $0x4000  }
0x3a: {  	[sflag:s9] =	ssyncset.done $0x0  }
0x3b: {  	[sflag:s9] =	ssyncadd.s32 $0xFFFFC000  }
0x3c: {  	_ =	swait.ge [sflag:s8], $0x4000  }
0x3d: {  	s5 =	simm.s32 @!p0 $0x0;
	[sflag:s8] =	ssyncset.done $0x0  }
0x3e: {  	s28 =	simm.s32 @!p0 $0x13C00;
	s18 =	rddreg [dreg:$0xc];
	[sflag:s8] =	ssyncadd.s32 $0xFFFFC000  }
0x3f: {  	[tilespmem:s28], [sflag:$0x1] =	stream.linear.gather @!p0 [hbm4b:s18+s5], $0x80, $0x38;
	[tilespmem:$0x1C000] =	vst v63  }
0x40: {  	s18 =	rddreg [dreg:$0xd];
	s28 =	simm.s32 @!p0 $0x13E00  }
0x41: {  	[tilespmem:s28], [sflag:$0x1] =	stream.linear.gather @!p0 [hbm4b:s18+s5], $0x80, $0x38;
	[tilespmem:$0x1C000] =	vst v63  }
0x42: {  	s5 =	simm.s32 @!p0 $0x1  }
0x43: {  	_ =	swait.ge @!p0 [sflag:s5], $0x80  }
0x44: {  	[sflag:s5] =	ssyncset.done @!p0 $0x0  }
0x45: {  	[sflag:s5] =	ssyncadd.s32 @!p0 $0xFFFFFF80  }
0x46: {  	_ =	swait.ge @!p0 [sflag:s5], $0x80  }
0x47: {  	s18 =	simm.s32 @!p0 $0x80;
	[sflag:s5] =	ssyncset.done @!p0 $0x0  }
0x48: {  	s28 =	simm.s32 @!p0 $0x13C00;
	[sflag:s5] =	ssyncadd.s32 @!p0 $0xFFFFFF80;
	s5 =	simm.s32 @!p0 $0x14000  }
0x49: {  	[tilespmem:s5], [sflag:$0x5] =	stream.indirect.gather @!p0 [hbm4b:s2+s18], $0x80, s28, s18, $0xb8;
	[tilespmem:$0x1C000] =	vst v63  }
0x4a: {  	s28 =	simm.s32 @!p0 $0x5  }
0x4b: {  	_ =	swait.ge @!p0 [sflag:s28], $0x4000  }
0x4c: {  	[sflag:s28] =	ssyncset.done @!p0 $0x0  }
0x4d: {  	[sflag:s28] =	ssyncadd.s32 @!p0 $0xFFFFC000;
	s28 =	simm.s32 @!p0 $0x13E00  }
0x4e: {  	[spmem:s3] =	stream.indirect.scatter.add.f32 @!p0 [tilespmem:s5], [sflag:$0x7], $0x80, s28, s18, $0xb8;
	[tilespmem:$0x1C000] =	vst v63  }
0x4f: {  	s5 =	simm.s32 @!p0 $0x7  }
0x50: {  	_ =	swait.ge @!p0 [sflag:s5], $0x4000  }
0x51: {  	[sflag:s5] =	ssyncset.done @!p0 $0x0  }
0x52: {  	[sflag:s5] =	ssyncadd.s32 @!p0 $0xFFFFC000  }
0x53: {  	[bflag:$0x0] =	sbarrier.arrive $0xFFFF  }
0x54: {  	s28 =	rddreg [dreg:$0x6]  }
0x55: {  	s18 =	rddreg [dreg:$0xe]  }
0x56: {  	s20 =	rddreg [dreg:$0x15]  }
0x57: {  	[hbm:s18], [sflag:s28] =	dma.local [spmem:s20], $0x2780  }
0x58: {  	s28 =	simm.s32 $0x9  }
0x59: {  	_ =	swait.ge [sflag:s28], $0x2780  }
0x5a: {  	s5 =	rddreg [dreg:$0x14]  }
0x5b: {  	s20 =	rddreg [dreg:$0xf];
	s18 =	sadd.s32 $0x1, s5  }
0x5c: {  	p1 =	sne.s32 s18, s20  }
.Ltmp1:
0x5d: {  	_ = 	snop;
	(pc) =	sbr.rel @!p1 .LBB2_5-.Ltmp1, $3  }
0x5e: {  	_ =	sdelay $0x1  }
0x5f: {  	[sflag:s28] =	ssyncset.done $0x0  }
0x60: {  	[sflag:s28] =	ssyncadd.s32 $0xFFFFD880;
	[dreg:$0x14] =	wrdreg s18  }
.LBB2_1:
0x61: {  	s5 =	rddreg [dreg:$0x4]  }
0x62: {  	s20 =	rddreg [dreg:$0x6];
	s5 =	sshrl.u32 s5, $0x3  }
0x63: {  	[dreg:$0x15] =	wrdreg s5  }
0x64: {  	s5 =	rddreg [dreg:$0x5]  }
0x65: {  	s18 =	rddreg [dreg:$0x15]  }
0x66: {  	[spmem:s18], [sflag:s20] =	dma.local [hbm:s5], $0x2780  }
0x67: {  	s20 =	rddreg [dreg:$0x16];
	_ =	swait.ge [sflag:s28], $0x2780  }
0x68: {  	[sflag:s28] =	ssyncset.done $0x0  }
0x69: {  	s18 =	rddreg [dreg:$0x7];
	[sflag:s28] =	ssyncadd.s32 $0xFFFFD880  }
0x6a: {  	[tilespmem:s29], [sflag:$0x1] =	stream.linear.gather [hbm4b:s18+s4], $0x80, $0x38;
	[tilespmem:$0x1C000] =	vst v63  }
0x6b: {  	s18 =	rddreg [dreg:$0x8]  }
0x6c: {  	[tilespmem:s30], [sflag:$0x1] =	stream.linear.gather [hbm4b:s18+s4], $0x80, $0x38;
	[tilespmem:$0x1C000] =	vst v63  }
0x6d: {  	[bflag:$0x0] =	sbarrier.arrive $0xFFFF  }
0x6e: {  	_ =	swait.ge [sflag:s31], $0x80  }
0x6f: {  	[sflag:s31] =	ssyncset.done $0x0  }
0x70: {  	[sflag:s31] =	ssyncadd.s32 $0xFFFFFF80  }
0x71: {  	_ =	swait.ge [sflag:s31], $0x80  }
0x72: {  	[sflag:s31] =	ssyncset.done $0x0  }
0x73: {  	s18 =	rddreg [dreg:$0x9];
	[sflag:s31] =	ssyncadd.s32 $0xFFFFFF80  }
0x74: {  	[tilespmem:s0], [sflag:$0x5] =	stream.indirect.gather [hbm4b:s2+s1], $0x80, s29, s1, $0xb8;
	[tilespmem:$0x1C000] =	vst v63  }
0x75: {  	s28 =	rddreg [dreg:$0x12]  }
0x76: {  	[tilespmem:s6], [sflag:$0x2] =	stream.linear.gather [hbm4b:s18+s4], $0x80, $0x38;
	[tilespmem:$0x1C000] =	vst v63  }
0x77: {  	s18 =	rddreg [dreg:$0xa]  }
0x78: {  	[tilespmem:s7], [sflag:$0x2] =	stream.linear.gather [hbm4b:s18+s4], $0x80, $0x38;
	[tilespmem:$0x1C000] =	vst v63  }
0x79: {  	s18 =	rddreg [dreg:$0xb]  }
0x7a: {  	[tilespmem:s10], [sflag:$0x3] =	stream.linear.gather [hbm4b:s18+s4], $0x80, $0x38;
	[tilespmem:$0x1C000] =	vst v63  }
0x7b: {  	s5 =	simm.s32 $0x0;
	s18 =	rddreg [dreg:$0x13]  }
0x7c: {  	[tilespmem:s11], [sflag:$0x3] =	stream.linear.gather [hbm4b:s18+s4], $0x80, $0x38;
	[tilespmem:$0x1C000] =	vst v63  }
.LBB2_2:
0x7d: {  	_ =	swait.ge [sflag:s12], $0x80  }
0x7e: {  	[sflag:s12] =	ssyncset.done $0x0  }
0x7f: {  	[sflag:s12] =	ssyncadd.s32 $0xFFFFFF80  }
0x80: {  	_ =	swait.ge [sflag:s12], $0x80  }
0x81: {  	p1 =	seq.s32 s5, $0x0;
	[sflag:s12] =	ssyncset.done $0x0  }
0x82: {  	s18 =	simm.s32 @!p1 $0x8;
	[sflag:s12] =	ssyncadd.s32 $0xFFFFFF80  }
0x83: {  	_ =	swait.ge @!p1 [sflag:s18], $0x4000  }
0x84: {  	[sflag:s18] =	ssyncset.done @!p1 $0x0  }
0x85: {  	[sflag:s18] =	ssyncadd.s32 @!p1 $0xFFFFC000  }
0x86: {  	[tilespmem:s13], [sflag:$0x6] =	stream.indirect.gather [hbm4b:s2+s1], $0x80, s6, s1, $0xb8;
	[tilespmem:$0x1C000] =	vst v63  }
0x87: {  	_ =	swait.ge [sflag:s14], $0x4000  }
0x88: {  	[sflag:s14] =	ssyncset.done $0x0  }
0x89: {  	[sflag:s14] =	ssyncadd.s32 $0xFFFFC000  }
0x8a: {  	[spmem:s3] =	stream.indirect.scatter.add.f32 [tilespmem:s0], [sflag:$0x7], $0x80, s30, s1, $0xb8;
	[tilespmem:$0x1C000] =	vst v63  }
0x8b: {  	s18 =	sadd.s32 s5, s25  }
0x8c: {  	[tilespmem:s15], [sflag:$0x4] =	stream.linear.gather [hbm4b:s18+s4], $0x80, $0x38;
	[tilespmem:$0x1C000] =	vst v63  }
0x8d: {  	s18 =	sadd.s32 s5, s24  }
0x8e: {  	[tilespmem:s16], [sflag:$0x4] =	stream.linear.gather [hbm4b:s18+s4], $0x80, $0x38;
	[tilespmem:$0x1C000] =	vst v63  }
0x8f: {  	_ =	swait.ge [sflag:s17], $0x80  }
0x90: {  	[sflag:s17] =	ssyncset.done $0x0  }
0x91: {  	[sflag:s17] =	ssyncadd.s32 $0xFFFFFF80  }
0x92: {  	_ =	swait.ge [sflag:s17], $0x80  }
0x93: {  	[sflag:s17] =	ssyncset.done $0x0  }
0x94: {  	[sflag:s17] =	ssyncadd.s32 $0xFFFFFF80  }
0x95: {  	_ =	swait.ge [sflag:s9], $0x4000  }
0x96: {  	[sflag:s9] =	ssyncset.done $0x0  }
0x97: {  	[sflag:s9] =	ssyncadd.s32 $0xFFFFC000  }
0x98: {  	[tilespmem:s0], [sflag:$0x5] =	stream.indirect.gather [hbm4b:s2+s1], $0x80, s10, s1, $0xb8;
	[tilespmem:$0x1C000] =	vst v63  }
0x99: {  	_ =	swait.ge [sflag:s23], $0x4000  }
0x9a: {  	[sflag:s23] =	ssyncset.done $0x0  }
0x9b: {  	s18 =	sshrl.u32 s28, $0x3;
	[sflag:s23] =	ssyncadd.s32 $0xFFFFC000  }
0x9c: {  	[spmem:s3] =	stream.indirect.scatter.add.f32 [tilespmem:s13], [sflag:$0x8], $0x80, s7, s1, $0xb8;
	[tilespmem:$0x1C000] =	vst v63  }
0x9d: {  	s18 =	sadd.s32 s19, s18  }
0x9e: {  	[tilespmem:s29], [sflag:$0x1] =	stream.linear.gather [hbm4b:s18+s4], $0x80, $0x38;
	[tilespmem:$0x1C000] =	vst v63  }
0x9f: {  	s18 =	sadd.s32 s5, s22  }
0xa0: {  	[tilespmem:s30], [sflag:$0x1] =	stream.linear.gather [hbm4b:s18+s4], $0x80, $0x38;
	[tilespmem:$0x1C000] =	vst v63  }
0xa1: {  	_ =	swait.ge [sflag:s26], $0x80  }
0xa2: {  	[sflag:s26] =	ssyncset.done $0x0  }
0xa3: {  	[sflag:s26] =	ssyncadd.s32 $0xFFFFFF80  }
0xa4: {  	_ =	swait.ge [sflag:s26], $0x80  }
0xa5: {  	[sflag:s26] =	ssyncset.done $0x0  }
0xa6: {  	[sflag:s26] =	ssyncadd.s32 $0xFFFFFF80  }
0xa7: {  	_ =	swait.ge [sflag:s8], $0x4000  }
0xa8: {  	[sflag:s8] =	ssyncset.done $0x0  }
0xa9: {  	[sflag:s8] =	ssyncadd.s32 $0xFFFFC000  }
0xaa: {  	[tilespmem:s13], [sflag:$0x6] =	stream.indirect.gather [hbm4b:s2+s1], $0x80, s15, s1, $0xb8;
	[tilespmem:$0x1C000] =	vst v63  }
0xab: {  	_ =	swait.ge [sflag:s14], $0x4000  }
0xac: {  	[sflag:s14] =	ssyncset.done $0x0  }
0xad: {  	[sflag:s14] =	ssyncadd.s32 $0xFFFFC000  }
0xae: {  	[spmem:s3] =	stream.indirect.scatter.add.f32 [tilespmem:s0], [sflag:$0x7], $0x80, s11, s1, $0xb8;
	[tilespmem:$0x1C000] =	vst v63  }
0xaf: {  	s18 =	sadd.s32 s5, s21  }
0xb0: {  	[tilespmem:s6], [sflag:$0x2] =	stream.linear.gather [hbm4b:s18+s4], $0x80, $0x38;
	[tilespmem:$0x1C000] =	vst v63  }
0xb1: {  	s18 =	sadd.s32 s5, s20  }
0xb2: {  	[tilespmem:s7], [sflag:$0x2] =	stream.linear.gather [hbm4b:s18+s4], $0x80, $0x38;
	[tilespmem:$0x1C000] =	vst v63  }
0xb3: {  	_ =	swait.ge [sflag:s31], $0x80  }
0xb4: {  	[sflag:s31] =	ssyncset.done $0x0  }
0xb5: {  	[sflag:s31] =	ssyncadd.s32 $0xFFFFFF80  }
0xb6: {  	_ =	swait.ge [sflag:s31], $0x80  }
0xb7: {  	[sflag:s31] =	ssyncset.done $0x0  }
0xb8: {  	[sflag:s31] =	ssyncadd.s32 $0xFFFFFF80  }
0xb9: {  	_ =	swait.ge [sflag:s9], $0x4000  }
0xba: {  	[sflag:s9] =	ssyncset.done $0x0  }
0xbb: {  	p1 =	seq.s32 s5, $0x480;
	[sflag:s9] =	ssyncadd.s32 $0xFFFFC000  }
0xbc: {  	[tilespmem:s0], [sflag:$0x5] =	stream.indirect.gather [hbm4b:s2+s1], $0x80, s29, s1, $0xb8;
	[tilespmem:$0x1C000] =	vst v63  }
.Ltmp2:
0xbd: {  	_ = 	snop;
	(pc) =	sbr.rel @p1 .LBB2_4-.Ltmp2, $4  }
0xbe: {  	_ =	swait.ge [sflag:s23], $0x4000  }
0xbf: {  	[sflag:s23] =	ssyncset.done $0x0  }
0xc0: {  	[sflag:s23] =	ssyncadd.s32 $0xFFFFC000  }
0xc1: {  	[spmem:s3] =	stream.indirect.scatter.add.f32 [tilespmem:s13], [sflag:$0x8], $0x80, s16, s1, $0xb8;
	[tilespmem:$0x1C000] =	vst v63  }
0xc2: {  	s18 =	rddreg [dreg:$0x11]  }
.Ltmp3:
0xc3: {  	s18 =	sadd.s32 s5, s18;
	(pc) =	sbr.rel .LBB2_2-.Ltmp3, $4  }
0xc4: {  	[tilespmem:s10], [sflag:$0x3] =	stream.linear.gather [hbm4b:s18+s4], $0x80, $0x38;
	[tilespmem:$0x1C000] =	vst v63  }
0xc5: {  	s18 =	rddreg [dreg:$0x10]  }
0xc6: {  	s28 =	sadd.s32 $0x200, s28;
	s18 =	sadd.s32 s5, s18;
	s5 =	sadd.s32 $0x40, s5  }
0xc7: {  	[tilespmem:s11], [sflag:$0x3] =	stream.linear.gather [hbm4b:s18+s4], $0x80, $0x38;
	[tilespmem:$0x1C000] =	vst v63  }
.LBB2_5:
0xc8: {  	_ =	sfence.sel $0x180000  }
0xc9: {  	[bflag:$0x0] =	sbarrier.arrive $0xFFFF  }
0xca: {  	_ =	strace $0x9000004D  }
0xcb: {  	s0 =	stileid.u32;
	[bflag:$0x2] =	sbarrier.arrive $0xFFFF  }
0xcc: {  	p0 =	sne.s32 s0, $0x0;
	s0 =	rddreg [dreg:$0x3]  }
0xcd: {  	s0 =	sadd.s32 @!p0 $0x100000, s0  }
0xce: {  	[sflag:s0] =	ssyncadd.tile.s32 @!p0 $0x1;
	_ =	shalt  }
.Lfunc_end2:
_tile_overlayer_lowered:
.L_overlay_start_2:
0xcf: {  	(tag) =	ssettag $0x2  }
0xd0: {  	s0 =	rddreg [dreg:$0x0];
	s2 =	stileid.u32  }
0xd1: {  	s1 =	rddreg [dreg:$0x1];
	p0 =	sne.s32 s2, $0x0  }
0xd2: {  	s3 =	rddreg [dreg:$0x2];
	[bflag:$0x3] =	sbarrier.arrive $0xFFFF;
	s2 =	simm.s32 @!p0 $0x1C09  }
0xd3: {  	[timem:s3], [sflag:s2] =	dma.local @!p0 [hbm:s0], s1  }
0xd4: {  	s0 =	simm.s32 @!p0 $0x9  }
0xd5: {  	_ =	swait.ge @!p0 [sflag:s0], s1  }
0xd6: {  	s1 =	ssub.s32 @!p0 $0x0, s1;
	[sflag:s0] =	ssyncset.done @!p0 $0x0  }
0xd7: {  	[sflag:s0] =	ssyncadd.s32 @!p0 s1  }
0xd8: {  	[bflag:$0x3] =	sbarrier.arrive $0xFFFF  }
0xd9: {  	_ =	shalt  }

// kernel: kernel.8.cloned.1.call-start
scs
__scs_entry_jumppad:
0x0: {  	(pc) =	sbr.rel $0x88, $3  }
0x1: {  	(tag) =	ssettag $0x0;
	lr =	simm.s32 $0x1  }
0x2: {  	[smem:$0x3F7D] =	sst lr;
	_ =	strace $0xD0000000  }
0x3: {  	_ = 	snop  }
0x4: {  	_ = 	snop  }
0x5: {  	_ = 	snop  }
0x6: {  	_ = 	snop  }
0x7: {  	_ = 	snop  }
__scs_overlays_trampoline_lowered:
0x8: {  	[smem:$0x3F8C] =	sst s0  }
0x9: {  	[smem:$0x3F8D] =	sst s1  }
0xa: {  	[smem:$0x3F8E] =	sst s2  }
0xb: {  	[smem:$0x3F8F] =	sst s3  }
0xc: {  	[smem:$0x3F90] =	sst s4  }
0xd: {  	[smem:$0x3F91] =	sst s5  }
0xe: {  	[smem:$0x3F92] =	sst s6  }
0xf: {  	[smem:$0x3F93] =	sst s7  }
0x10: {  	[smem:$0x3F94] =	sst s8  }
0x11: {  	[smem:$0x3F95] =	sst s9;
	s0 =	simm.s32 @!p0 $0x0  }
0x12: {  	s1 =	sld [smem:$0x3F7B];
	s0 =	simm.s32 @p0 $0x1  }
0x13: {  	[smem:$0x3F96] =	sst s0;
	s0 =	simm.s32 @!p1 $0x0  }
0x14: {  	s2 =	sld [smem:$0x3F7A];
	s0 =	simm.s32 @p1 $0x1  }
0x15: {  	[smem:$0x3F97] =	sst s0;
	s0 =	simm.s32 @!p2 $0x0  }
0x16: {  	s3 =	sld [smem:$0x3FDB];
	s0 =	simm.s32 @p2 $0x1  }
0x17: {  	s4 =	simm.s32 $0x1BF5;
	[smem:$0x3F99] =	sst s0  }
0x18: {  	s0 =	sld [smem:$0x3F7C];
	_ =	swait.ge [sflag:s4], $0x0  }
0x19: {  	s7 =	sld [smem:$0x3F7D]  }
0x1a: {  	s8 =	sadd.s32 $0xFFFFE003, lr  }
0x1b: {  	s9 =	sadd.s32 $0xFFFFFEF7, lr;
	s5 =	simm.s32 $0xFFFFFFFF;
	p2 =	slt.u32 s8, $0xFFFFF086  }
0x1c: {  	p1 =	slt.u32 s9, $0xF7A;
	s5 =	simm.s32 @!p2 $0x0  }
0x1d: {  	s5 =	simm.s32 @p1 $0x1;
	p0 =	seq.s32 s7, s2  }
0x1e: {  	s7 =	smul.u32 @!p0 $0xF7A, s2;
	p2 =	seq.s32 @!p0 s5, $0x0  }
0x1f: {  	s9 =	smul.u32 $0xF7A, s1;
	s8 =	simm.s32 @!p0 $0x1BF5;
	p2 =	por !p2, p0  }
0x20: {  	[sflag:s8] =	ssyncset.s32 @!p0 $0xFFFFF086;
	s6 =	sadd.s32 @!p0 s3, s7;
	s7 =	simm.s32 @!p0 $0x108  }
0x21: {  	s3 =	sadd.s32 s3, s9;
	s6 =	sadd.s32 @!p0 $0x88, s6;
	s7 =	simm.s32 @p2 $0x1082  }
0x22: {  	[simem:s7], [sflag:s8] =	dma.local @!p0 [hbm:s6], $0xF7A  }
0x23: {  	s9 =	sor.u32 $0xD0000000, s2;
	s6 =	simm.s32 $0x108;
	_ =	swait.ge @!p0 [sflag:s8], $0x0  }
0x24: {  	s3 =	sadd.s32 $0x88, s3;
	s6 =	simm.s32 @!p1 $0x1082;
	[sflag:s4] =	ssyncset.s32 $0xFFFFF086  }
0x25: {  	[simem:s6], [sflag:s4] =	dma.local [hbm:s3], $0xF7A  }
0x26: {  	[smem:$0x3F7D] =	sst s1;
	(tag) =	ssettag s2;
	_ =	strace s9  }
0x27: {  	s1 =	sld [smem:$0x3F8D]  }
0x28: {  	s2 =	sld [smem:$0x3F8E]  }
0x29: {  	s4 =	sld [smem:$0x3F90]  }
0x2a: {  	p0 =	seq.s32 s5, $0x0;
	s5 =	sld [smem:$0x3F91]  }
0x2b: {  	s6 =	sld [smem:$0x3F92]  }
0x2c: {  	s7 =	sld [smem:$0x3F93]  }
0x2d: {  	s3 =	simm.s32 $0x108;
	s8 =	sld [smem:$0x3F94]  }
0x2e: {  	s3 =	simm.s32 @!p0 $0x1082;
	s9 =	sld [smem:$0x3F95]  }
0x2f: {  	lr =	sadd.s32 s0, s3;
	s0 =	sld [smem:$0x3F8C]  }
0x30: {  	s3 =	sld [smem:$0x3F8F]  }
0x31: {  	[smem:$0x3F98] =	sst s10  }
0x32: {  	s10 =	sld [smem:$0x3F96];
	_ =	sdelay $0x3  }
0x33: {  	p0 =	seq.s32 s10, $0x1;
	s10 =	sld [smem:$0x3F98];
	_ =	sdelay $0x3  }
0x34: {  	[smem:$0x3F98] =	sst s10  }
0x35: {  	s10 =	sld [smem:$0x3F97];
	_ =	sdelay $0x3  }
0x36: {  	p1 =	seq.s32 s10, $0x1;
	s10 =	sld [smem:$0x3F98];
	_ =	sdelay $0x3  }
0x37: {  	[smem:$0x3F98] =	sst s10  }
0x38: {  	s10 =	sld [smem:$0x3F99]  }
0x39: {  	_ = 	snop;
	(pc) =	sbr.ind lr, $3  }
0x3a: {  	_ = 	snop  }
0x3b: {  	_ = 	snop  }
0x3c: {  	p2 =	seq.s32 s10, $0x1;
	s10 =	sld [smem:$0x3F98]  }
0x3d: {  	_ =	shalt  }
0x3e: {  	_ =	shalt  }
0x3f: {  	_ =	shalt  }
0x40: {  	_ =	shalt  }
0x41: {  	_ =	shalt  }
0x42: {  	_ =	shalt  }
0x43: {  	_ =	shalt  }
0x44: {  	_ =	shalt  }
0x45: {  	_ =	shalt  }
0x46: {  	_ =	shalt  }
0x47: {  	_ =	shalt  }
0x48: {  	_ =	shalt  }
0x49: {  	_ =	shalt  }
0x4a: {  	_ =	shalt  }
0x4b: {  	_ =	shalt  }
0x4c: {  	_ =	shalt  }
0x4d: {  	_ =	shalt  }
0x4e: {  	_ =	shalt  }
0x4f: {  	_ =	shalt  }
0x50: {  	_ =	shalt  }
0x51: {  	_ =	shalt  }
0x52: {  	_ =	shalt  }
0x53: {  	_ =	shalt  }
0x54: {  	_ =	shalt  }
0x55: {  	_ =	shalt  }
0x56: {  	_ =	shalt  }
0x57: {  	_ =	shalt  }
0x58: {  	_ =	shalt  }
0x59: {  	_ =	shalt  }
0x5a: {  	_ =	shalt  }
0x5b: {  	_ =	shalt  }
0x5c: {  	_ =	shalt  }
0x5d: {  	_ =	shalt  }
0x5e: {  	_ =	shalt  }
0x5f: {  	_ =	shalt  }
0x60: {  	_ =	shalt  }
0x61: {  	_ =	shalt  }
0x62: {  	_ =	shalt  }
0x63: {  	_ =	shalt  }
0x64: {  	_ =	shalt  }
0x65: {  	_ =	shalt  }
0x66: {  	_ =	shalt  }
0x67: {  	_ =	shalt  }
0x68: {  	_ =	shalt  }
0x69: {  	_ =	shalt  }
0x6a: {  	_ =	shalt  }
0x6b: {  	_ =	shalt  }
0x6c: {  	_ =	shalt  }
0x6d: {  	_ =	shalt  }
0x6e: {  	_ =	shalt  }
0x6f: {  	_ =	shalt  }
0x70: {  	_ =	shalt  }
0x71: {  	_ =	shalt  }
0x72: {  	_ =	shalt  }
0x73: {  	_ =	shalt  }
0x74: {  	_ =	shalt  }
0x75: {  	_ =	shalt  }
0x76: {  	_ =	shalt  }
0x77: {  	_ =	shalt  }
0x78: {  	_ =	shalt  }
0x79: {  	_ =	shalt  }
0x7a: {  	_ =	shalt  }
0x7b: {  	_ =	shalt  }
0x7c: {  	_ =	shalt  }
0x7d: {  	_ =	shalt  }
0x7e: {  	_ =	shalt  }
0x7f: {  	_ =	shalt  }
0x80: {  	_ =	shalt  }
0x81: {  	_ =	shalt  }
0x82: {  	_ =	shalt  }
0x83: {  	_ =	shalt  }
0x84: {  	_ =	shalt  }
0x85: {  	_ =	shalt  }
0x86: {  	_ =	shalt  }
0x87: {  	_ =	shalt  }
.Lfunc_end0:
.L_simem_size_0:
called_computation_lowered:
.L_overlay_start_0:
0x88: {  	s2 =	sld [smem:$0x3FD9]  }
0x89: {  	s3 =	sld [smem:$0x3FFE];
	_ =	sdelay $0x1  }
0x8a: {  	s1 =	srdreg.scid  }
0x8b: {  	s0 =	sand.u32 $0x1, s1  }
0x8c: {  	s14 =	sshll.u32 s0, $0xA;
	s2 =	sadd.s32 s3, s2  }
0x8d: {  	s2 =	sadd.s32 s2, s14  }
0x8e: {  	[smem:$0x3FA4] =	sst s2  }
0x8f: {  	_ = 	snop  }
0x90: {  	s2 =	sld [smem:$0x3FD0];
	_ =	sdelay $0x2  }
0x91: {  	s15 =	simm.s32 $0xA;
	s4 =	simm.s32 $0x10  }
0x92: {  	[smem:s4], [sflag:s15] =	dma.local [hbm:s2], $0x1  }
0x93: {  	_ =	swait.eq [sflag:s15], $0x1  }
0x94: {  	[sflag:s15] =	ssyncset.done $0x0  }
0x95: {  	[sflag:s15] =	ssyncadd.s32 $0xFFFFFFFF  }
0x96: {  	s16 =	sld [smem:$0x13];
	(tm) =	ssettm $0x1  }
0x97: {  	s17 =	sld [smem:$0x3FFB];
	_ =	sdelay $0x3  }
0x98: {  	_ =	strace s17  }
0x99: {  	s3 =	sld [smem:$0x3FFC];
	_ =	sdelay $0x3  }
0x9a: {  	_ =	strace s3  }
0x9b: {  	s3 =	sld [smem:$0x3FFD];
	_ =	sdelay $0x3  }
0x9c: {  	_ =	strace s3  }
0x9d: {  	_ =	strace $0x8FFFFFFF  }
0x9e: {  	s18 =	sld [smem:$0x3FDB];
	_ =	sdelay $0x1  }
0x9f: {  	s19 =	simm.s32 $_scs_section_size  }
0xa0: {  	s5 =	simm.s32 $_size__tile_overlayer_lowered;
	s6 =	simm.s32 $_tile_overlayer_lowered  }
0xa1: {  	s22 =	simm.s32 $0x1BFF;
	s21 =	sshll.u32 s6, $0x1;
	s3 =	sadd.s32 s19, s18  }
0xa2: {  	s7 =	simm.s32 $0x0;
	s20 =	sshll.u32 s5, $0x1;
	s5 =	sadd.s32 s21, s3  }
0xa3: {  	[timem:s7], [sflag:s22] =	dma.local [hbm:s5], s20  }
0xa4: {  	_ =	swait.ge [sflag:s22], s20  }
0xa5: {  	s4 =	ssub.s32 $0x0, s20;
	[sflag:s22] =	ssyncset.done $0x0  }
0xa6: {  	[sflag:s22] =	ssyncadd.s32 s4;
	_ =	sdelay $0x1  }
0xa7: {  	s23 =	simm.s32 $0x1B8B  }
0xa8: {  	_ =	swait.ge [sflag:s23], $0x1  }
0xa9: {  	[sflag:s23] =	ssyncset.done $0x0  }
0xaa: {  	s25 =	simm.s32 $0x1B8E;
	s24 =	sld [smem:$0x3FFE];
	[sflag:s23] =	ssyncadd.s32 $0xFFFFFFFF  }
0xab: {  	s26 =	simm.s32 $execute0_lowered;
	[smem:$0x3FD2] =	sst s25  }
0xac: {  	s5 =	sshll.u32 s26, $0x1;
	_ =	strace $0x80000046;
	[dreg:$0x1] =	wrdreg $0xFFFFFFFF  }
0xad: {  	s28 =	simm.s32 $_size_execute0_lowered;
	s3 =	sadd.s32 s3, s5;
	[dreg:$0x0] =	wrdreg $0x0  }
0xae: {  	s5 =	sshll.u32 s28, $0x1;
	[dreg:$0x2] =	wrdreg s3  }
0xaf: {  	[dreg:$0x3] =	wrdreg s5  }
0xb0: {  	[dreg:$0x4] =	wrdreg $0xC0  }
0xb1: {  	_ =	task [dreg:s7], $0x5FFFF  }
0xb2: {  	[dreg:$0x1] =	wrdreg $0xFFFFFFFF  }
0xb3: {  	[dreg:$0x0] =	wrdreg $0x60  }
0xb4: {  	[dreg:$0x2] =	wrdreg s24  }
0xb5: {  	[dreg:$0x3] =	wrdreg s16  }
0xb6: {  	[dreg:$0x4] =	wrdreg $0x0  }
0xb7: {  	[dreg:$0x5] =	wrdreg $0x9  }
0xb8: {  	_ =	task.clear_ibuf [dreg:s7], $0x6FFFF;
	_ =	strace $0x90000046  }
0xb9: {  	s29 =	simm.s32 $0x9;
	_ =	strace $0x80000048  }
0xba: {  	_ =	swait.ge [sflag:s29], $0x1  }
0xbb: {  	[sflag:s29] =	ssyncadd.s32 $0xFFFFFFFF  }
0xbc: {  	_ =	strace $0x90000048  }
0xbd: {  	_ =	sfence  }
0xbe: {  	s30 =	sld [smem:$0x0];
	_ =	sdelay $0x2  }
0xbf: {  	s31 =	sshll.u32 s1, $0xD;
	s1 =	sshrl.u32 s1, $0x2  }
0xc0: {  	s3 =	sand.u32 $0x4000, s31;
	s1 =	sadd.s32 s1, s30  }
0xc1: {  	s0 =	sor.u32 s3, s0;
	s1 =	sshll.u32 s1, $0x11  }
0xc2: {  	s0 =	sor.u32 s1, s0  }
0xc3: {  	s0 =	sadd.s32 $0x8F2B, s0  }
0xc4: {  	[sflag:s0] =	ssyncadd.remote.s32 $0x1  }
0xc5: {  	_ =	sfence.sel $0xFFFF  }
0xc6: {  	[dreg:$0x0] =	wrdreg $0xFFFFFFFF;
	(pc) =	sbr.abs _section_cstart, $3  }
0xc7: {  	[dreg:$0x1] =	wrdreg $0xFFFFFFFF  }
0xc8: {  	_ =	task.clear_ibuf [dreg:s7], $0x2FFFF;
	_ =	strace $0x9FFFFFFF  }
0xc9: {  	(tm) =	ssettm $0x7FFFFFFF  }
tec
execute0_lowered:
.L_overlay_start_1:
0x0: {  	(tag) =	ssettag $0x1  }
0x1: {  	s0 =	rddreg [dreg:$0x0]  }
0x2: {  	s2 =	rddreg [dreg:$0x1]  }
0x3: {  	s1 =	rddreg [dreg:$0x2];
	s3 =	simm.s32 $0x0  }
0x4: {  	s13 =	stileid.u32;
	s6 =	srdreg.scid;
	s28 =	simm.s32 $0x9  }
0x5: {  	s29 =	simm.s32 $0x13C00;
	s30 =	simm.s32 $0x13E00;
	s31 =	simm.s32 $0x1  }
0x6: {  	[smem:$0x7FF] =	sst s3;
	s4 =	sadd.s32 $0x1A000, s0;
	s5 =	smul.u32 $0x13C00, s13  }
0x7: {  	s14 =	sadd.s32 $0x6600, s0;
	s6 =	sand.u32 $0x1, s6;
	s8 =	smul.u32 $0x4F000, s13  }
0x8: {  	s7 =	sshll.u32 s13, $0x1;
	s24 =	sshll.u32 s13, $0x6;
	s15 =	smul.u32 $0x4E00, s13  }
0x9: {  	p0 =	sgt.u32 s13, $0x1;
	s13 =	simm.s32 $0x18000;
	_ =	strace $0x80000047  }
0xa: {  	s10 =	ssub.s32 $0x2, s6;
	s7 =	sor.u32 s6, s7;
	s26 =	smul.u32 $0x13C000, s6  }
0xb: {  	s6 =	smul.u32 $0x2700, s6;
	s9 =	sshrl.u32 s5, $0x3;
	s11 =	sshrl.u32 s10, $0x1  }
0xc: {  	s8 =	sshrl.u32 s8, $0x2;
	s12 =	smul.u32 $0x2700, s7;
	s7 =	sshll.u32 s7, $0x4  }
0xd: {  	s0 =	sadd.s32 s9, s0;
	s23 =	ssub.s32 s10, s11;
	s8 =	sadd.s32 s8, s1  }
0xe: {  	s7 =	sadd.s32 s7, s14;
	s19 =	sadd.s32 s6, s15;
	[dreg:$0x4] =	wrdreg s8  }
0xf: {  	s0 =	sadd.s32 $0x41200, s0;
	s25 =	sshrl.u32 s12, $0x3;
	s18 =	sadd.s32 $0x9C00, s7  }
0x10: {  	s21 =	sadd.s32 $0x13840, s7;
	s22 =	sadd.s32 $0x4E500, s19;
	[dreg:$0x5] =	wrdreg s0  }
0x11: {  	s23 =	smax.u32 s23, $0x1;
	s6 =	sadd.s32 $0x280, s19;
	[dreg:$0xc] =	wrdreg s18  }
0x12: {  	s11 =	sadd.s32 $0x4E380, s19;
	s15 =	sadd.s32 $0x180, s19;
	[dreg:$0xd] =	wrdreg s21  }
0x13: {  	s0 =	sor.u32 $0x1C09, s24;
	s10 =	sadd.s32 s14, s25;
	[dreg:$0xf] =	wrdreg s23  }
0x14: {  	s24 =	sadd.s32 $0x300, s19;
	s7 =	sshrl.u32 s6, $0x3;
	s6 =	simm.s32 $0x13C80  }
0x15: {  	s23 =	simm.s32 $0x6;
	s18 =	simm.s32 $0x0;
	[dreg:$0x6] =	wrdreg s0  }
0x16: {  	s8 =	sadd.s32 $0x9C40, s10;
	s12 =	sadd.s32 $0x10, s10;
	[dreg:$0x7] =	wrdreg s10  }
0x17: {  	s16 =	sadd.s32 $0x9C50, s10;
	s17 =	sadd.s32 $0x20, s10;
	[dreg:$0x14] =	wrdreg s18  }
0x18: {  	s0 =	sadd.s32 s5, s26;
	s25 =	sshrl.u32 s24, $0x3;
	[dreg:$0x8] =	wrdreg s8  }
0x19: {  	s26 =	sadd.s32 $0x4E480, s19;
	s21 =	sadd.s32 s7, s14;
	[dreg:$0x9] =	wrdreg s12  }
0x1a: {  	s5 =	sadd.s32 $0x200, s19;
	s7 =	simm.s32 $0x13E80;
	[dreg:$0xa] =	wrdreg s16  }
0x1b: {  	[dreg:$0xb] =	wrdreg s17;
	s0 =	sshrl.u32 s0, $0x3;
	s8 =	sadd.s32 $0x4E400, s19  }
0x1c: {  	s12 =	sshrl.u32 s11, $0x3;
	[dreg:$0x12] =	wrdreg s5;
	s16 =	sshrl.u32 s15, $0x3  }
0x1d: {  	s19 =	smov.u32 s14;
	s17 =	sadd.s32 $0x9C60, s10;
	s10 =	simm.s32 $0x13D00  }
0x1e: {  	s11 =	simm.s32 $0x13F00;
	s15 =	simm.s32 $0x13D80;
	s0 =	sadd.s32 s2, s0  }
0x1f: {  	s2 =	sshrl.u32 s26, $0x3;
	s9 =	sshrl.u32 s8, $0x3;
	s24 =	sadd.s32 s12, s14  }
0x20: {  	[dreg:$0x13] =	wrdreg s17;
	s12 =	simm.s32 $0x2;
	s17 =	simm.s32 $0x3  }
0x21: {  	s26 =	simm.s32 $0x4;
	s8 =	simm.s32 $0x8;
	[dreg:$0xe] =	wrdreg s0  }
.Ltmp0:
0x22: {  	s0 =	sshrl.u32 s22, $0x3;
	s20 =	sadd.s32 s2, s14;
	(pc) =	sbr.rel .LBB2_1-.Ltmp0, $4  }
0x23: {  	s22 =	sadd.s32 s9, s14;
	s0 =	sadd.s32 s0, s14;
	[dreg:$0x16] =	wrdreg s20  }
0x24: {  	s2 =	simm.s32 $0x14000;
	s9 =	simm.s32 $0x7;
	[dreg:$0x10] =	wrdreg s0  }
0x25: {  	s0 =	sadd.s32 s25, s14;
	s25 =	sadd.s32 s16, s14;
	s14 =	simm.s32 $0x5  }
0x26: {  	s16 =	simm.s32 $0x13F80;
	[dreg:$0x11] =	wrdreg s0;
	s0 =	simm.s32 $0x80  }
.LBB2_4:
0x27: {  	_ =	swait.ge [sflag:s12], $0x80  }
0x28: {  	[sflag:s12] =	ssyncset.done $0x0  }
0x29: {  	[sflag:s12] =	ssyncadd.s32 $0xFFFFFF80  }
0x2a: {  	_ =	swait.ge [sflag:s12], $0x80  }
0x2b: {  	[sflag:s12] =	ssyncset.done $0x0  }
0x2c: {  	[sflag:s12] =	ssyncadd.s32 $0xFFFFFF80  }
0x2d: {  	_ =	swait.ge [sflag:s8], $0x4000  }
0x2e: {  	[sflag:s8] =	ssyncset.done $0x0  }
0x2f: {  	[sflag:s8] =	ssyncadd.s32 $0xFFFFC000  }
0x30: {  	[tilespmem:s13], [sflag:$0x6] =	stream.indirect.gather [hbm4b:s4+s0], $0x80, s6, s0, $0xb8;
	[tilespmem:$0x1C000] =	vst v63  }
0x31: {  	_ =	swait.ge [sflag:s14], $0x4000  }
0x32: {  	[sflag:s14] =	ssyncset.done $0x0  }
0x33: {  	[sflag:s14] =	ssyncadd.s32 $0xFFFFC000  }
0x34: {  	[spmem:s1] =	stream.indirect.scatter.add.f32 [tilespmem:s2], [sflag:$0x7], $0x80, s30, s0, $0xb8;
	[tilespmem:$0x1C000] =	vst v63  }
0x35: {  	_ =	swait.ge [sflag:s23], $0x4000  }
0x36: {  	[sflag:s23] =	ssyncset.done $0x0  }
0x37: {  	[sflag:s23] =	ssyncadd.s32 $0xFFFFC000  }
0x38: {  	[spmem:s1] =	stream.indirect.scatter.add.f32 [tilespmem:s13], [sflag:$0x8], $0x80, s7, s0, $0xb8;
	[tilespmem:$0x1C000] =	vst v63  }
0x39: {  	_ =	swait.ge [sflag:s9], $0x4000  }
0x3a: {  	[sflag:s9] =	ssyncset.done $0x0  }
0x3b: {  	[sflag:s9] =	ssyncadd.s32 $0xFFFFC000  }
0x3c: {  	_ =	swait.ge [sflag:s8], $0x4000  }
0x3d: {  	s5 =	simm.s32 @!p0 $0x0;
	[sflag:s8] =	ssyncset.done $0x0  }
0x3e: {  	s28 =	simm.s32 @!p0 $0x13C00;
	s18 =	rddreg [dreg:$0xc];
	[sflag:s8] =	ssyncadd.s32 $0xFFFFC000  }
0x3f: {  	[tilespmem:s28], [sflag:$0x1] =	stream.linear.gather @!p0 [hbm4b:s18+s5], $0x80, $0x38;
	[tilespmem:$0x1C000] =	vst v63  }
0x40: {  	s18 =	rddreg [dreg:$0xd];
	s28 =	simm.s32 @!p0 $0x13E00  }
0x41: {  	[tilespmem:s28], [sflag:$0x1] =	stream.linear.gather @!p0 [hbm4b:s18+s5], $0x80, $0x38;
	[tilespmem:$0x1C000] =	vst v63  }
0x42: {  	s5 =	simm.s32 @!p0 $0x1  }
0x43: {  	_ =	swait.ge @!p0 [sflag:s5], $0x80  }
0x44: {  	[sflag:s5] =	ssyncset.done @!p0 $0x0  }
0x45: {  	[sflag:s5] =	ssyncadd.s32 @!p0 $0xFFFFFF80  }
0x46: {  	_ =	swait.ge @!p0 [sflag:s5], $0x80  }
0x47: {  	s18 =	simm.s32 @!p0 $0x80;
	[sflag:s5] =	ssyncset.done @!p0 $0x0  }
0x48: {  	s28 =	simm.s32 @!p0 $0x13C00;
	[sflag:s5] =	ssyncadd.s32 @!p0 $0xFFFFFF80;
	s5 =	simm.s32 @!p0 $0x14000  }
0x49: {  	[tilespmem:s5], [sflag:$0x5] =	stream.indirect.gather @!p0 [hbm4b:s4+s18], $0x80, s28, s18, $0xb8;
	[tilespmem:$0x1C000] =	vst v63  }
0x4a: {  	s28 =	simm.s32 @!p0 $0x5  }
0x4b: {  	_ =	swait.ge @!p0 [sflag:s28], $0x4000  }
0x4c: {  	[sflag:s28] =	ssyncset.done @!p0 $0x0  }
0x4d: {  	[sflag:s28] =	ssyncadd.s32 @!p0 $0xFFFFC000;
	s28 =	simm.s32 @!p0 $0x13E00  }
0x4e: {  	[spmem:s1] =	stream.indirect.scatter.add.f32 @!p0 [tilespmem:s5], [sflag:$0x7], $0x80, s28, s18, $0xb8;
	[tilespmem:$0x1C000] =	vst v63  }
0x4f: {  	s5 =	simm.s32 @!p0 $0x7  }
0x50: {  	_ =	swait.ge @!p0 [sflag:s5], $0x4000  }
0x51: {  	[sflag:s5] =	ssyncset.done @!p0 $0x0  }
0x52: {  	[sflag:s5] =	ssyncadd.s32 @!p0 $0xFFFFC000  }
0x53: {  	[bflag:$0x0] =	sbarrier.arrive $0xFFFF  }
0x54: {  	s28 =	rddreg [dreg:$0x6]  }
0x55: {  	s18 =	rddreg [dreg:$0xe]  }
0x56: {  	s20 =	rddreg [dreg:$0x15]  }
0x57: {  	[hbm:s18], [sflag:s28] =	dma.local [spmem:s20], $0x2780  }
0x58: {  	s28 =	simm.s32 $0x9  }
0x59: {  	_ =	swait.ge [sflag:s28], $0x2780  }
0x5a: {  	s5 =	rddreg [dreg:$0x14]  }
0x5b: {  	s20 =	rddreg [dreg:$0xf];
	s18 =	sadd.s32 $0x1, s5  }
0x5c: {  	p1 =	sne.s32 s18, s20  }
.Ltmp1:
0x5d: {  	_ = 	snop;
	(pc) =	sbr.rel @!p1 .LBB2_5-.Ltmp1, $3  }
0x5e: {  	_ =	sdelay $0x1  }
0x5f: {  	[sflag:s28] =	ssyncset.done $0x0  }
0x60: {  	[sflag:s28] =	ssyncadd.s32 $0xFFFFD880;
	[dreg:$0x14] =	wrdreg s18  }
.LBB2_1:
0x61: {  	s5 =	rddreg [dreg:$0x4]  }
0x62: {  	s20 =	rddreg [dreg:$0x6];
	s5 =	sshrl.u32 s5, $0x3  }
0x63: {  	[dreg:$0x15] =	wrdreg s5  }
0x64: {  	s5 =	rddreg [dreg:$0x5]  }
0x65: {  	s18 =	rddreg [dreg:$0x15]  }
0x66: {  	[spmem:s18], [sflag:s20] =	dma.local [hbm:s5], $0x2780  }
0x67: {  	s20 =	rddreg [dreg:$0x16];
	_ =	swait.ge [sflag:s28], $0x2780  }
0x68: {  	[sflag:s28] =	ssyncset.done $0x0  }
0x69: {  	s18 =	rddreg [dreg:$0x7];
	[sflag:s28] =	ssyncadd.s32 $0xFFFFD880  }
0x6a: {  	[tilespmem:s29], [sflag:$0x1] =	stream.linear.gather [hbm4b:s18+s3], $0x80, $0x38;
	[tilespmem:$0x1C000] =	vst v63  }
0x6b: {  	s18 =	rddreg [dreg:$0x8]  }
0x6c: {  	[tilespmem:s30], [sflag:$0x1] =	stream.linear.gather [hbm4b:s18+s3], $0x80, $0x38;
	[tilespmem:$0x1C000] =	vst v63  }
0x6d: {  	[bflag:$0x0] =	sbarrier.arrive $0xFFFF  }
0x6e: {  	_ =	swait.ge [sflag:s31], $0x80  }
0x6f: {  	[sflag:s31] =	ssyncset.done $0x0  }
0x70: {  	[sflag:s31] =	ssyncadd.s32 $0xFFFFFF80  }
0x71: {  	_ =	swait.ge [sflag:s31], $0x80  }
0x72: {  	[sflag:s31] =	ssyncset.done $0x0  }
0x73: {  	s18 =	rddreg [dreg:$0x9];
	[sflag:s31] =	ssyncadd.s32 $0xFFFFFF80  }
0x74: {  	[tilespmem:s2], [sflag:$0x5] =	stream.indirect.gather [hbm4b:s4+s0], $0x80, s29, s0, $0xb8;
	[tilespmem:$0x1C000] =	vst v63  }
0x75: {  	s28 =	rddreg [dreg:$0x12]  }
0x76: {  	[tilespmem:s6], [sflag:$0x2] =	stream.linear.gather [hbm4b:s18+s3], $0x80, $0x38;
	[tilespmem:$0x1C000] =	vst v63  }
0x77: {  	s18 =	rddreg [dreg:$0xa]  }
0x78: {  	[tilespmem:s7], [sflag:$0x2] =	stream.linear.gather [hbm4b:s18+s3], $0x80, $0x38;
	[tilespmem:$0x1C000] =	vst v63  }
0x79: {  	s18 =	rddreg [dreg:$0xb]  }
0x7a: {  	[tilespmem:s10], [sflag:$0x3] =	stream.linear.gather [hbm4b:s18+s3], $0x80, $0x38;
	[tilespmem:$0x1C000] =	vst v63  }
0x7b: {  	s5 =	simm.s32 $0x0;
	s18 =	rddreg [dreg:$0x13]  }
0x7c: {  	[tilespmem:s11], [sflag:$0x3] =	stream.linear.gather [hbm4b:s18+s3], $0x80, $0x38;
	[tilespmem:$0x1C000] =	vst v63  }
.LBB2_2:
0x7d: {  	_ =	swait.ge [sflag:s12], $0x80  }
0x7e: {  	[sflag:s12] =	ssyncset.done $0x0  }
0x7f: {  	[sflag:s12] =	ssyncadd.s32 $0xFFFFFF80  }
0x80: {  	_ =	swait.ge [sflag:s12], $0x80  }
0x81: {  	p1 =	seq.s32 s5, $0x0;
	[sflag:s12] =	ssyncset.done $0x0  }
0x82: {  	s18 =	simm.s32 @!p1 $0x8;
	[sflag:s12] =	ssyncadd.s32 $0xFFFFFF80  }
0x83: {  	_ =	swait.ge @!p1 [sflag:s18], $0x4000  }
0x84: {  	[sflag:s18] =	ssyncset.done @!p1 $0x0  }
0x85: {  	[sflag:s18] =	ssyncadd.s32 @!p1 $0xFFFFC000  }
0x86: {  	[tilespmem:s13], [sflag:$0x6] =	stream.indirect.gather [hbm4b:s4+s0], $0x80, s6, s0, $0xb8;
	[tilespmem:$0x1C000] =	vst v63  }
0x87: {  	_ =	swait.ge [sflag:s14], $0x4000  }
0x88: {  	[sflag:s14] =	ssyncset.done $0x0  }
0x89: {  	[sflag:s14] =	ssyncadd.s32 $0xFFFFC000  }
0x8a: {  	[spmem:s1] =	stream.indirect.scatter.add.f32 [tilespmem:s2], [sflag:$0x7], $0x80, s30, s0, $0xb8;
	[tilespmem:$0x1C000] =	vst v63  }
0x8b: {  	s18 =	sadd.s32 s5, s25  }
0x8c: {  	[tilespmem:s15], [sflag:$0x4] =	stream.linear.gather [hbm4b:s18+s3], $0x80, $0x38;
	[tilespmem:$0x1C000] =	vst v63  }
0x8d: {  	s18 =	sadd.s32 s5, s24  }
0x8e: {  	[tilespmem:s16], [sflag:$0x4] =	stream.linear.gather [hbm4b:s18+s3], $0x80, $0x38;
	[tilespmem:$0x1C000] =	vst v63  }
0x8f: {  	_ =	swait.ge [sflag:s17], $0x80  }
0x90: {  	[sflag:s17] =	ssyncset.done $0x0  }
0x91: {  	[sflag:s17] =	ssyncadd.s32 $0xFFFFFF80  }
0x92: {  	_ =	swait.ge [sflag:s17], $0x80  }
0x93: {  	[sflag:s17] =	ssyncset.done $0x0  }
0x94: {  	[sflag:s17] =	ssyncadd.s32 $0xFFFFFF80  }
0x95: {  	_ =	swait.ge [sflag:s9], $0x4000  }
0x96: {  	[sflag:s9] =	ssyncset.done $0x0  }
0x97: {  	[sflag:s9] =	ssyncadd.s32 $0xFFFFC000  }
0x98: {  	[tilespmem:s2], [sflag:$0x5] =	stream.indirect.gather [hbm4b:s4+s0], $0x80, s10, s0, $0xb8;
	[tilespmem:$0x1C000] =	vst v63  }
0x99: {  	_ =	swait.ge [sflag:s23], $0x4000  }
0x9a: {  	[sflag:s23] =	ssyncset.done $0x0  }
0x9b: {  	s18 =	sshrl.u32 s28, $0x3;
	[sflag:s23] =	ssyncadd.s32 $0xFFFFC000  }
0x9c: {  	[spmem:s1] =	stream.indirect.scatter.add.f32 [tilespmem:s13], [sflag:$0x8], $0x80, s7, s0, $0xb8;
	[tilespmem:$0x1C000] =	vst v63  }
0x9d: {  	s18 =	sadd.s32 s19, s18  }
0x9e: {  	[tilespmem:s29], [sflag:$0x1] =	stream.linear.gather [hbm4b:s18+s3], $0x80, $0x38;
	[tilespmem:$0x1C000] =	vst v63  }
0x9f: {  	s18 =	sadd.s32 s5, s22  }
0xa0: {  	[tilespmem:s30], [sflag:$0x1] =	stream.linear.gather [hbm4b:s18+s3], $0x80, $0x38;
	[tilespmem:$0x1C000] =	vst v63  }
0xa1: {  	_ =	swait.ge [sflag:s26], $0x80  }
0xa2: {  	[sflag:s26] =	ssyncset.done $0x0  }
0xa3: {  	[sflag:s26] =	ssyncadd.s32 $0xFFFFFF80  }
0xa4: {  	_ =	swait.ge [sflag:s26], $0x80  }
0xa5: {  	[sflag:s26] =	ssyncset.done $0x0  }
0xa6: {  	[sflag:s26] =	ssyncadd.s32 $0xFFFFFF80  }
0xa7: {  	_ =	swait.ge [sflag:s8], $0x4000  }
0xa8: {  	[sflag:s8] =	ssyncset.done $0x0  }
0xa9: {  	[sflag:s8] =	ssyncadd.s32 $0xFFFFC000  }
0xaa: {  	[tilespmem:s13], [sflag:$0x6] =	stream.indirect.gather [hbm4b:s4+s0], $0x80, s15, s0, $0xb8;
	[tilespmem:$0x1C000] =	vst v63  }
0xab: {  	_ =	swait.ge [sflag:s14], $0x4000  }
0xac: {  	[sflag:s14] =	ssyncset.done $0x0  }
0xad: {  	[sflag:s14] =	ssyncadd.s32 $0xFFFFC000  }
0xae: {  	[spmem:s1] =	stream.indirect.scatter.add.f32 [tilespmem:s2], [sflag:$0x7], $0x80, s11, s0, $0xb8;
	[tilespmem:$0x1C000] =	vst v63  }
0xaf: {  	s18 =	sadd.s32 s5, s21  }
0xb0: {  	[tilespmem:s6], [sflag:$0x2] =	stream.linear.gather [hbm4b:s18+s3], $0x80, $0x38;
	[tilespmem:$0x1C000] =	vst v63  }
0xb1: {  	s18 =	sadd.s32 s5, s20  }
0xb2: {  	[tilespmem:s7], [sflag:$0x2] =	stream.linear.gather [hbm4b:s18+s3], $0x80, $0x38;
	[tilespmem:$0x1C000] =	vst v63  }
0xb3: {  	_ =	swait.ge [sflag:s31], $0x80  }
0xb4: {  	[sflag:s31] =	ssyncset.done $0x0  }
0xb5: {  	[sflag:s31] =	ssyncadd.s32 $0xFFFFFF80  }
0xb6: {  	_ =	swait.ge [sflag:s31], $0x80  }
0xb7: {  	[sflag:s31] =	ssyncset.done $0x0  }
0xb8: {  	[sflag:s31] =	ssyncadd.s32 $0xFFFFFF80  }
0xb9: {  	_ =	swait.ge [sflag:s9], $0x4000  }
0xba: {  	[sflag:s9] =	ssyncset.done $0x0  }
0xbb: {  	p1 =	seq.s32 s5, $0x480;
	[sflag:s9] =	ssyncadd.s32 $0xFFFFC000  }
0xbc: {  	[tilespmem:s2], [sflag:$0x5] =	stream.indirect.gather [hbm4b:s4+s0], $0x80, s29, s0, $0xb8;
	[tilespmem:$0x1C000] =	vst v63  }
.Ltmp2:
0xbd: {  	_ = 	snop;
	(pc) =	sbr.rel @p1 .LBB2_4-.Ltmp2, $4  }
0xbe: {  	_ =	swait.ge [sflag:s23], $0x4000  }
0xbf: {  	[sflag:s23] =	ssyncset.done $0x0  }
0xc0: {  	[sflag:s23] =	ssyncadd.s32 $0xFFFFC000  }
0xc1: {  	[spmem:s1] =	stream.indirect.scatter.add.f32 [tilespmem:s13], [sflag:$0x8], $0x80, s16, s0, $0xb8;
	[tilespmem:$0x1C000] =	vst v63  }
0xc2: {  	s18 =	rddreg [dreg:$0x11]  }
.Ltmp3:
0xc3: {  	s18 =	sadd.s32 s5, s18;
	(pc) =	sbr.rel .LBB2_2-.Ltmp3, $4  }
0xc4: {  	[tilespmem:s10], [sflag:$0x3] =	stream.linear.gather [hbm4b:s18+s3], $0x80, $0x38;
	[tilespmem:$0x1C000] =	vst v63  }
0xc5: {  	s18 =	rddreg [dreg:$0x10]  }
0xc6: {  	s28 =	sadd.s32 $0x200, s28;
	s18 =	sadd.s32 s5, s18;
	s5 =	sadd.s32 $0x40, s5  }
0xc7: {  	[tilespmem:s11], [sflag:$0x3] =	stream.linear.gather [hbm4b:s18+s3], $0x80, $0x38;
	[tilespmem:$0x1C000] =	vst v63  }
.LBB2_5:
0xc8: {  	_ =	sfence.sel $0x180000  }
0xc9: {  	[bflag:$0x0] =	sbarrier.arrive $0xFFFF  }
0xca: {  	_ =	strace $0x90000047  }
0xcb: {  	s0 =	stileid.u32;
	[bflag:$0x2] =	sbarrier.arrive $0xFFFF  }
0xcc: {  	p0 =	sne.s32 s0, $0x0;
	s0 =	rddreg [dreg:$0x3]  }
0xcd: {  	s0 =	sadd.s32 @!p0 $0x100000, s0  }
0xce: {  	[sflag:s0] =	ssyncadd.tile.s32 @!p0 $0x1;
	_ =	shalt  }
.Lfunc_end2:
_tile_overlayer_lowered:
.L_overlay_start_2:
0xcf: {  	(tag) =	ssettag $0x2  }
0xd0: {  	s0 =	rddreg [dreg:$0x0];
	s2 =	stileid.u32  }
0xd1: {  	s1 =	rddreg [dreg:$0x1];
	p0 =	sne.s32 s2, $0x0  }
0xd2: {  	s3 =	rddreg [dreg:$0x2];
	[bflag:$0x3] =	sbarrier.arrive $0xFFFF;
	s2 =	simm.s32 @!p0 $0x1C09  }
0xd3: {  	[timem:s3], [sflag:s2] =	dma.local @!p0 [hbm:s0], s1  }
0xd4: {  	s0 =	simm.s32 @!p0 $0x9  }
0xd5: {  	_ =	swait.ge @!p0 [sflag:s0], s1  }
0xd6: {  	s1 =	ssub.s32 @!p0 $0x0, s1;
	[sflag:s0] =	ssyncset.done @!p0 $0x0  }
0xd7: {  	[sflag:s0] =	ssyncadd.s32 @!p0 s1  }
0xd8: {  	[bflag:$0x3] =	sbarrier.arrive $0xFFFF  }
0xd9: {  	_ =	shalt  }

</sc_bundles>
